<compile_context>
chip_gen: v7x
topology: tpu7x:2x2x1
jax: 0.10.2.dev20260603
libtpu: 0.0.44.dev20260713+nightly
codegen_flags: <defaults>
</compile_context>

<pallas_src>
import functools

import jax
import jax.numpy as jnp
from jax import lax
from jax.experimental import pallas as pl
from jax.experimental.pallas import tpu as pltpu
from jax.experimental.pallas import tpu_sc as plsc

N_NODES = 10000
N_EDGES = 320000
D = 128
DH = D // 2

NC = 2
NS = 16
NW = NC * NS
CHUNK = 128
K0 = 96
K1 = 64
HK1 = K0 // 2
NROWS = NS * (K0 + K1) + (K0 - K1) // 2
EP = NROWS * CHUNK
ACC_ROWS = 10112
RPW = ACC_ROWS // NS
LAST = N_NODES - (NS - 1) * RPW

_sc_mesh = plsc.VectorSubcoreMesh(core_axis_name="c", subcore_axis_name="s")


@functools.partial(
    pl.kernel,
    out_type=jax.ShapeDtypeStruct((NC, N_NODES, D), jnp.float32),
    mesh=_sc_mesh,
    compiler_params=pltpu.CompilerParams(use_tc_tiling_on_sc=False),
    scratch_types=[
        pltpu.MemorySpace.VMEM_SHARED((ACC_ROWS, D), jnp.float32),
        pltpu.VMEM((HK1, CHUNK), jnp.int32),
        pltpu.VMEM((HK1, CHUNK), jnp.int32),
        pltpu.VMEM((2, CHUNK, DH), jnp.int32),
        pltpu.VMEM((2, CHUNK // 2, D), jnp.float32),
        pltpu.SemaphoreType.DMA,
        pltpu.SemaphoreType.DMA,
    ],
)
def _sc_aggregate(packed_hbm, src_hbm, dst_hbm, zero_hbm, out_hbm,
                  acc, src_v, dst_v, pkd, rf32, gsem, ssem):
    c = lax.axis_index("c")
    s = lax.axis_index("s")
    row0 = jnp.where(c == 0, s * K0, NS * K0 + s * K1)
    hkc = jnp.where(c == 0, K0 // 2, K1 // 2)
    npairs = jnp.where(c == 0, K0 // 4, K1 // 4)

    pltpu.sync_copy(zero_hbm, acc.at[pl.ds(s * RPW, RPW)])
    plsc.subcore_barrier()

    hi_mask = jnp.full((16,), -65536, jnp.int32)
    HC = CHUNK // 2

    def unpack_half(b, h):
        def row_body(r, carry):
            for c4 in range(DH // 16):
                x = pkd[b, HC * h + r, pl.ds(16 * c4, 16)]
                lo = lax.bitcast_convert_type(lax.shift_left(x, 16), jnp.float32)
                hi = lax.bitcast_convert_type(lax.bitwise_and(x, hi_mask),
                                              jnp.float32)
                rf32[h, r, pl.ds(16 * c4, 16)] = lo
                rf32[h, r, pl.ds(16 * c4 + 64, 16)] = hi
            return carry

        lax.fori_loop(0, HC, row_body, 0)

    def wait_scatter(h):
        pltpu.make_async_copy(rf32.at[h], acc.at[dst_v.at[0, pl.ds(0, HC)]],
                              ssem).wait()

    for phase in range(2):
        base = row0 + phase * hkc
        pltpu.sync_copy(src_hbm.at[pl.ds(base, HK1)], src_v)
        pltpu.sync_copy(dst_hbm.at[pl.ds(base, HK1)], dst_v)
        pltpu.async_copy(packed_hbm.at[src_v.at[0]], pkd.at[0], gsem)

        def pair_body(j2, carry):
            for b in range(2):
                j = 2 * j2 + b
                pltpu.make_async_copy(packed_hbm.at[src_v.at[j]],
                                      pkd.at[b], gsem).wait()

                @pl.when(j + 1 < hkc)
                def _():
                    pltpu.async_copy(packed_hbm.at[src_v.at[j + 1]],
                                     pkd.at[1 - b], gsem)

                for h in range(2):
                    if phase == 0:
                        @pl.when(j > 0)
                        def _():
                            wait_scatter(h)
                    else:
                        wait_scatter(h)
                    unpack_half(b, h)
                    pltpu.async_copy(rf32.at[h],
                                     acc.at[dst_v.at[j, pl.ds(HC * h, HC)]],
                                     ssem, add=True)
            return carry

        lax.fori_loop(0, npairs, pair_body, 0)

    wait_scatter(0)
    wait_scatter(1)
    plsc.subcore_barrier()

    @pl.when(s < NS - 1)
    def _():
        pltpu.sync_copy(acc.at[pl.ds(s * RPW, RPW)],
                        out_hbm.at[c, pl.ds(s * RPW, RPW)])

    @pl.when(s == NS - 1)
    def _():
        pltpu.sync_copy(acc.at[pl.ds((NS - 1) * RPW, LAST)],
                        out_hbm.at[c, pl.ds((NS - 1) * RPW, LAST)])


def _tc_linear_body(p_ref, w_ref, b_ref, o_ref):
    x = p_ref[0] + p_ref[1]
    y = lax.dot_general(x, w_ref[...], (((1,), (1,)), ((), ())),
                        preferred_element_type=jnp.float32)
    o_ref[...] = y + b_ref[0:1, :]


def _tc_linear(parts, W, b8):
    M = 1000
    return pl.pallas_call(
        _tc_linear_body,
        grid=(N_NODES // M,),
        in_specs=[
            pl.BlockSpec((NC, M, D), lambda i: (0, i, 0)),
            pl.BlockSpec((D, D), lambda i: (0, 0)),
            pl.BlockSpec((8, D), lambda i: (0, 0)),
        ],
        out_specs=pl.BlockSpec((M, D), lambda i: (i, 0)),
        out_shape=jax.ShapeDtypeStruct((N_NODES, D), jnp.float32),
    )(parts, W, b8)


def kernel(feature, edge_index, W, b):
    src = edge_index[0].astype(jnp.int32)
    dst = edge_index[1].astype(jnp.int32)
    pad = EP - N_EDGES
    src_p = jnp.concatenate([src, jnp.zeros((pad,), jnp.int32)]).reshape(NROWS, CHUNK)
    dst_p = jnp.concatenate([dst, jnp.full((pad,), N_NODES, jnp.int32)]).reshape(NROWS, CHUNK)
    zeros = jnp.zeros((RPW, D), jnp.float32)
    fb = feature.astype(jnp.bfloat16)
    lo = lax.bitcast_convert_type(fb[:, :DH], jnp.uint16).astype(jnp.uint32)
    hi = lax.bitcast_convert_type(fb[:, DH:], jnp.uint16).astype(jnp.uint32)
    packed = lax.bitcast_convert_type(lo | (hi << 16), jnp.int32)
    parts = _sc_aggregate(packed, src_p, dst_p, zeros)
    return _tc_linear(parts, W, jnp.broadcast_to(b, (8, D)))

# --- scband reference (transcript-rebuilt; emitter-appended) ---
"""Pipeline reference for scband-gcnlayer-56341380989305 (READ-ONLY COPY).

The authoritative reference and input builder live on the scoring server;
editing this copy changes nothing except your own understanding.
"""

import jax, jax.numpy as jnp
import numpy as np

N_NODES = 10000
N_EDGES = 320000
D_IN = 128
D_OUT = 128


def setup_inputs(seed: int = 0) -> dict:
    key = jax.random.key(seed)
    k1, k2, k3, k4 = jax.random.split(key, 4)
    feature = jax.random.normal(k1, (N_NODES, D_IN), dtype=jnp.float32)
    edge_index = jax.random.randint(k2, (2, N_EDGES), 0, N_NODES, dtype=jnp.int64)
    # Linear layer params (torch nn.Linear: W [out, in], b [out])
    bound = 1.0 / np.sqrt(D_IN)
    W = jax.random.uniform(k3, (D_OUT, D_IN), dtype=jnp.float32, minval=-bound, maxval=bound)
    b = jax.random.uniform(k4, (D_OUT,), dtype=jnp.float32, minval=-bound, maxval=bound)
    return {"feature": feature, "edge_index": edge_index, "W": W, "b": b}


def reference(feature, edge_index, W, b):
    # DGL update_all(copy_u('h','m'), sum('m','h_neigh')):
    # gather source-node features along edges, scatter-add into destination nodes.
    src = edge_index[0]
    dst = edge_index[1]
    msgs = jnp.take(feature, src, axis=0)  # gather [E, D_IN]
    h_neigh = jax.ops.segment_sum(msgs, dst, num_segments=feature.shape[0])  # scatter-add [N, D_IN]
    # nn.Linear
    h = h_neigh @ W.T + b
    return h

if __name__ == "__main__":
    import jax
    _d = setup_inputs()
    print(jax.jit(kernel)(*tuple(_d.values())))

</pallas_src>

<mosaic_0001>
#map = affine_map<(d0, d1) -> (0, 0)>
#map1 = affine_map<(d0, d1) -> (0, 0, 0)>
module attributes {stable_mosaic.version = 14 : i64} {
  func.func @_sc_aggregate(%arg0: i32, %arg1: i32, %arg2: memref<10000x64xi32, #tpu.memory_space<hbm>>, %arg3: memref<2576x128xi32, #tpu.memory_space<hbm>>, %arg4: memref<2576x128xi32, #tpu.memory_space<hbm>>, %arg5: memref<632x128xf32, #tpu.memory_space<hbm>>, %arg6: memref<2x10000x128xf32, #tpu.memory_space<hbm>>, %arg7: memref<10112x128xf32, #tpu.memory_space<vmem_shared>>, %arg8: memref<48x128xi32, #tpu.memory_space<vmem>>, %arg9: memref<48x128xi32, #tpu.memory_space<vmem>>, %arg10: memref<2x128x64xi32, #tpu.memory_space<vmem>>, %arg11: memref<2x64x128xf32, #tpu.memory_space<vmem>>, %arg12: memref<!tpu.dma_semaphore, #tpu.memory_space<semaphore_mem>>, %arg13: memref<!tpu.dma_semaphore, #tpu.memory_space<semaphore_mem>>) attributes {dimension_semantics = [#tpu.dimension_semantics<core_parallel>, #tpu.dimension_semantics<subcore_parallel>], iteration_bounds = array<i64: 2, 16>, scalar_prefetch = 0 : i64, scratch_operands = 7 : i64, tpu.core_type = #tpu.core_type<sc_vector_subcore>, window_params = [{transform_indices = #map}, {transform_indices = #map}, {transform_indices = #map}, {transform_indices = #map}, {transform_indices = #map1}]} {
    %eq3A = arith.constant 0 : i32
    %eq3A_0 = arith.cmpi eq, %arg0, %eq3A : i32
    %mul3A = arith.constant 96 : i32
    %mul3A_1 = arith.muli %arg1, %mul3A : i32
    %mul3A_2 = arith.constant 64 : i32
    %mul3A_3 = arith.muli %arg1, %mul3A_2 : i32
    %add3A = arith.constant 1536 : i32
    %add3A_4 = arith.addi %add3A, %mul3A_3 : i32
    %select_n3A = arith.select %eq3A_0, %mul3A_1, %add3A_4 : i32
    %eq3A_5 = arith.constant 0 : i32
    %eq3A_6 = arith.cmpi eq, %arg0, %eq3A_5 : i32
    %jit3A = arith.constant 48 : i32
    %jit3A_7 = arith.constant 32 : i32
    %select_n3A_8 = arith.select %eq3A_6, %jit3A, %jit3A_7 : i32
    %eq3A_9 = arith.constant 0 : i32
    %eq3A_10 = arith.cmpi eq, %arg0, %eq3A_9 : i32
    %jit3A_11 = arith.constant 24 : i32
    %jit3A_12 = arith.constant 16 : i32
    %select_n3A_13 = arith.select %eq3A_10, %jit3A_11, %jit3A_12 : i32
    %mul3A_14 = arith.constant 632 : i32
    %mul3A_15 = arith.muli %arg1, %mul3A_14 : i32
    "tpu.region"() ({
      %run_scoped3A = tpu.sem_alloc : memref<!tpu.dma_semaphore, #tpu.memory_space<semaphore_mem>>
      %dma_start3A_96 = arith.constant 0 : i32
      %dma_start3A_97 = tpu.memref_slice %arg7[%mul3A_15, %dma_start3A_96] : memref<10112x128xf32, #tpu.memory_space<vmem_shared>> -> memref<632x128xf32, #tpu.memory_space<vmem_shared>>
      tpu.enqueue_dma source(%arg5 : memref<632x128xf32, #tpu.memory_space<hbm>>) target(%dma_start3A_97 : memref<632x128xf32, #tpu.memory_space<vmem_shared>>) target_semaphore(%run_scoped3A : memref<!tpu.dma_semaphore, #tpu.memory_space<semaphore_mem>>)
      %dma_wait3A_98 = arith.constant 0 : i32
      %dma_wait3A_99 = tpu.memref_slice %arg7[%mul3A_15, %dma_wait3A_98] : memref<10112x128xf32, #tpu.memory_space<vmem_shared>> -> memref<632x128xf32, #tpu.memory_space<vmem_shared>>
      tpu.wait_dma2 semaphore(%run_scoped3A : memref<!tpu.dma_semaphore, #tpu.memory_space<semaphore_mem>>) src(%arg5 : memref<632x128xf32, #tpu.memory_space<hbm>>) dst(%dma_wait3A_99 : memref<632x128xf32, #tpu.memory_space<vmem_shared>>)
      tpu.yield
    }) : () -> ()
    %barrier3A = arith.constant 0 : index
    tpu.barrier barrier_id(%barrier3A)
    %broadcast_in_dim3A = arith.constant -65536 : i32
    %broadcast_in_dim3A_16 = vector.broadcast %broadcast_in_dim3A : i32 to vector<16xi32>
    %mul3A_17 = arith.constant 0 : i32
    %mul3A_18 = arith.muli %mul3A_17, %select_n3A_8 : i32
    %add3A_19 = arith.addi %select_n3A, %mul3A_18 : i32
    "tpu.region"() ({
      %run_scoped3A = tpu.sem_alloc : memref<!tpu.dma_semaphore, #tpu.memory_space<semaphore_mem>>
      %dma_start3A_96 = arith.constant 0 : i32
      %dma_start3A_97 = tpu.memref_slice %arg3[%add3A_19, %dma_start3A_96] : memref<2576x128xi32, #tpu.memory_space<hbm>> -> memref<48x128xi32, #tpu.memory_space<hbm>>
      %dma_start3A_98 = arith.constant 0 : i32
      %dma_start3A_99 = tpu.memref_slice %arg3[%add3A_19, %dma_start3A_98] : memref<2576x128xi32, #tpu.memory_space<hbm>> -> memref<48x128xi32, #tpu.memory_space<hbm>>
      tpu.enqueue_dma source(%dma_start3A_99 : memref<48x128xi32, #tpu.memory_space<hbm>>) target(%arg8 : memref<48x128xi32, #tpu.memory_space<vmem>>) target_semaphore(%run_scoped3A : memref<!tpu.dma_semaphore, #tpu.memory_space<semaphore_mem>>)
      %dma_wait3A_100 = arith.constant 0 : i32
      %dma_wait3A_101 = tpu.memref_slice %arg3[%add3A_19, %dma_wait3A_100] : memref<2576x128xi32, #tpu.memory_space<hbm>> -> memref<48x128xi32, #tpu.memory_space<hbm>>
      %dma_wait3A_102 = arith.constant 0 : i32
      %dma_wait3A_103 = tpu.memref_slice %arg3[%add3A_19, %dma_wait3A_102] : memref<2576x128xi32, #tpu.memory_space<hbm>> -> memref<48x128xi32, #tpu.memory_space<hbm>>
      tpu.wait_dma2 semaphore(%run_scoped3A : memref<!tpu.dma_semaphore, #tpu.memory_space<semaphore_mem>>) src(%dma_wait3A_103 : memref<48x128xi32, #tpu.memory_space<hbm>>) dst(%arg8 : memref<48x128xi32, #tpu.memory_space<vmem>>)
      tpu.yield
    }) : () -> ()
    "tpu.region"() ({
      %run_scoped3A = tpu.sem_alloc : memref<!tpu.dma_semaphore, #tpu.memory_space<semaphore_mem>>
      %dma_start3A_96 = arith.constant 0 : i32
      %dma_start3A_97 = tpu.memref_slice %arg4[%add3A_19, %dma_start3A_96] : memref<2576x128xi32, #tpu.memory_space<hbm>> -> memref<48x128xi32, #tpu.memory_space<hbm>>
      %dma_start3A_98 = arith.constant 0 : i32
      %dma_start3A_99 = tpu.memref_slice %arg4[%add3A_19, %dma_start3A_98] : memref<2576x128xi32, #tpu.memory_space<hbm>> -> memref<48x128xi32, #tpu.memory_space<hbm>>
      tpu.enqueue_dma source(%dma_start3A_99 : memref<48x128xi32, #tpu.memory_space<hbm>>) target(%arg9 : memref<48x128xi32, #tpu.memory_space<vmem>>) target_semaphore(%run_scoped3A : memref<!tpu.dma_semaphore, #tpu.memory_space<semaphore_mem>>)
      %dma_wait3A_100 = arith.constant 0 : i32
      %dma_wait3A_101 = tpu.memref_slice %arg4[%add3A_19, %dma_wait3A_100] : memref<2576x128xi32, #tpu.memory_space<hbm>> -> memref<48x128xi32, #tpu.memory_space<hbm>>
      %dma_wait3A_102 = arith.constant 0 : i32
      %dma_wait3A_103 = tpu.memref_slice %arg4[%add3A_19, %dma_wait3A_102] : memref<2576x128xi32, #tpu.memory_space<hbm>> -> memref<48x128xi32, #tpu.memory_space<hbm>>
      tpu.wait_dma2 semaphore(%run_scoped3A : memref<!tpu.dma_semaphore, #tpu.memory_space<semaphore_mem>>) src(%dma_wait3A_103 : memref<48x128xi32, #tpu.memory_space<hbm>>) dst(%arg9 : memref<48x128xi32, #tpu.memory_space<vmem>>)
      tpu.yield
    }) : () -> ()
    %dma_start3A = arith.constant 0 : i32
    %dma_start3A_20 = arith.constant 0 : i32
    %dma_start3A_21 = arith.constant 0 : i32
    %dma_start3A_22 = arith.constant 0 : i32
    %dma_start3A_23 = tpu.memref_slice %arg10[%dma_start3A_20, %dma_start3A_21, %dma_start3A_22] : memref<2x128x64xi32, #tpu.memory_space<vmem>> -> memref<1x128x64xi32, #tpu.memory_space<vmem>>
    %dma_start3A_24 = tpu.memref_squeeze %dma_start3A_23 : memref<1x128x64xi32, #tpu.memory_space<vmem>> -> memref<128x64xi32, #tpu.memory_space<vmem>>
    %dma_start3A_25 = arith.constant 0 : i32
    %dma_start3A_26 = tpu.memref_slice %arg8[%dma_start3A, %dma_start3A_25] : memref<48x128xi32, #tpu.memory_space<vmem>> -> memref<1x128xi32, #tpu.memory_space<vmem>>
    %dma_start3A_27 = tpu.memref_squeeze %dma_start3A_26 : memref<1x128xi32, #tpu.memory_space<vmem>> -> memref<128xi32, #tpu.memory_space<vmem>>
    %dma_start3A_28 = arith.constant 0 : i32
    %dma_start3A_29 = arith.constant 0 : i32
    %dma_start3A_30 = tpu.memref_slice %arg2[%dma_start3A_28, %dma_start3A_29] : memref<10000x64xi32, #tpu.memory_space<hbm>> -> memref<10000x64xi32, #tpu.memory_space<hbm>>
    tpu.enqueue_indirect_dma source(%dma_start3A_30 : memref<10000x64xi32, #tpu.memory_space<hbm>>) target(%dma_start3A_24 : memref<128x64xi32, #tpu.memory_space<vmem>>) offsets(%dma_start3A_27 : memref<128xi32, #tpu.memory_space<vmem>>) semaphore(%arg12 : memref<!tpu.dma_semaphore, #tpu.memory_space<semaphore_mem>>)
    %while3A = arith.constant 0 : i32
    %while3A_31 = arith.constant 0 : i32
    %while3A_32 = arith.subi %select_n3A_13, %while3A_31 : i32
    %while3A_33 = arith.addi %while3A_31, %while3A_32 : i32
    %while3A_34 = arith.constant 1 : i32
    %while3A_35 = arith.divsi %while3A_32, %while3A_34 : i32
    %while3A_36 = arith.muli %while3A_35, %while3A_34 : i32
    %while3A_37 = arith.addi %while3A_31, %while3A_36 : i32
    %while3A_38 = arith.constant 1 : i32
    scf.for %while3A_96 = %while3A_31 to %while3A_37 step %while3A_38  : i32 {
      %mul3A_97 = arith.constant 2 : i32
      %mul3A_98 = arith.muli %mul3A_97, %while3A_96 : i32
      %add3A_99 = arith.constant 0 : i32
      %add3A_100 = arith.addi %mul3A_98, %add3A_99 : i32
      %dma_wait3A_101 = arith.constant 0 : i32
      %dma_wait3A_102 = arith.constant 0 : i32
      %dma_wait3A_103 = arith.constant 0 : i32
      %dma_wait3A_104 = tpu.memref_slice %arg10[%dma_wait3A_101, %dma_wait3A_102, %dma_wait3A_103] : memref<2x128x64xi32, #tpu.memory_space<vmem>> -> memref<1x128x64xi32, #tpu.memory_space<vmem>>
      %dma_wait3A_105 = tpu.memref_squeeze %dma_wait3A_104 : memref<1x128x64xi32, #tpu.memory_space<vmem>> -> memref<128x64xi32, #tpu.memory_space<vmem>>
      %dma_wait3A_106 = arith.constant 0 : i32
      %dma_wait3A_107 = tpu.memref_slice %arg8[%add3A_100, %dma_wait3A_106] : memref<48x128xi32, #tpu.memory_space<vmem>> -> memref<1x128xi32, #tpu.memory_space<vmem>>
      %dma_wait3A_108 = tpu.memref_squeeze %dma_wait3A_107 : memref<1x128xi32, #tpu.memory_space<vmem>> -> memref<128xi32, #tpu.memory_space<vmem>>
      %dma_wait3A_109 = arith.constant 0 : i32
      %dma_wait3A_110 = arith.constant 0 : i32
      %dma_wait3A_111 = tpu.memref_slice %arg2[%dma_wait3A_109, %dma_wait3A_110] : memref<10000x64xi32, #tpu.memory_space<hbm>> -> memref<10000x64xi32, #tpu.memory_space<hbm>>
      tpu.wait_indirect_dma semaphore(%arg12 : memref<!tpu.dma_semaphore, #tpu.memory_space<semaphore_mem>>) src(%dma_wait3A_111 : memref<10000x64xi32, #tpu.memory_space<hbm>>) dst(%dma_wait3A_105 : memref<128x64xi32, #tpu.memory_space<vmem>>)
      %add3A_112 = arith.constant 1 : i32
      %add3A_113 = arith.addi %add3A_100, %add3A_112 : i32
      %lt3A_114 = arith.cmpi slt, %add3A_113, %select_n3A_8 : i32
      %convert_element_type3A_115 = arith.extui %lt3A_114 : i1 to i32
      %cond3A_116 = arith.constant 0 : i32
      %cond3A_117 = arith.cmpi ne, %convert_element_type3A_115, %cond3A_116 : i32
      scf.if %cond3A_117 {
        %add3A_225 = arith.constant 1 : i32
        %add3A_226 = arith.addi %add3A_100, %add3A_225 : i32
        %dma_start3A_227 = arith.constant 1 : i32
        %dma_start3A_228 = arith.constant 0 : i32
        %dma_start3A_229 = arith.constant 0 : i32
        %dma_start3A_230 = tpu.memref_slice %arg10[%dma_start3A_227, %dma_start3A_228, %dma_start3A_229] : memref<2x128x64xi32, #tpu.memory_space<vmem>> -> memref<1x128x64xi32, #tpu.memory_space<vmem>>
        %dma_start3A_231 = tpu.memref_squeeze %dma_start3A_230 : memref<1x128x64xi32, #tpu.memory_space<vmem>> -> memref<128x64xi32, #tpu.memory_space<vmem>>
        %dma_start3A_232 = arith.constant 0 : i32
        %dma_start3A_233 = tpu.memref_slice %arg8[%add3A_226, %dma_start3A_232] : memref<48x128xi32, #tpu.memory_space<vmem>> -> memref<1x128xi32, #tpu.memory_space<vmem>>
        %dma_start3A_234 = tpu.memref_squeeze %dma_start3A_233 : memref<1x128xi32, #tpu.memory_space<vmem>> -> memref<128xi32, #tpu.memory_space<vmem>>
        %dma_start3A_235 = arith.constant 0 : i32
        %dma_start3A_236 = arith.constant 0 : i32
        %dma_start3A_237 = tpu.memref_slice %arg2[%dma_start3A_235, %dma_start3A_236] : memref<10000x64xi32, #tpu.memory_space<hbm>> -> memref<10000x64xi32, #tpu.memory_space<hbm>>
        tpu.enqueue_indirect_dma source(%dma_start3A_237 : memref<10000x64xi32, #tpu.memory_space<hbm>>) target(%dma_start3A_231 : memref<128x64xi32, #tpu.memory_space<vmem>>) offsets(%dma_start3A_234 : memref<128xi32, #tpu.memory_space<vmem>>) semaphore(%arg12 : memref<!tpu.dma_semaphore, #tpu.memory_space<semaphore_mem>>)
      } else {
      }
      %gt3A = arith.constant 0 : i32
      %gt3A_118 = arith.cmpi sgt, %add3A_100, %gt3A : i32
      %convert_element_type3A_119 = arith.extui %gt3A_118 : i1 to i32
      %cond3A_120 = arith.constant 0 : i32
      %cond3A_121 = arith.cmpi ne, %convert_element_type3A_119, %cond3A_120 : i32
      scf.if %cond3A_121 {
        %dma_wait3A_225 = arith.constant 0 : i32
        %dma_wait3A_226 = arith.constant 0 : i32
        %dma_wait3A_227 = arith.constant 0 : i32
        %dma_wait3A_228 = arith.constant 0 : i32
        %dma_wait3A_229 = tpu.memref_slice %arg11[%dma_wait3A_225, %dma_wait3A_227, %dma_wait3A_228] : memref<2x64x128xf32, #tpu.memory_space<vmem>> -> memref<1x64x128xf32, #tpu.memory_space<vmem>>
        %dma_wait3A_230 = tpu.memref_squeeze %dma_wait3A_229 : memref<1x64x128xf32, #tpu.memory_space<vmem>> -> memref<64x128xf32, #tpu.memory_space<vmem>>
        %dma_wait3A_231 = arith.constant 0 : i32
        %dma_wait3A_232 = tpu.memref_slice %arg9[%dma_wait3A_226, %dma_wait3A_231] : memref<48x128xi32, #tpu.memory_space<vmem>> -> memref<1x64xi32, #tpu.memory_space<vmem>>
        %dma_wait3A_233 = tpu.memref_squeeze %dma_wait3A_232 : memref<1x64xi32, #tpu.memory_space<vmem>> -> memref<64xi32, #tpu.memory_space<vmem>>
        %dma_wait3A_234 = arith.constant 0 : i32
        %dma_wait3A_235 = arith.constant 0 : i32
        %dma_wait3A_236 = tpu.memref_slice %arg7[%dma_wait3A_234, %dma_wait3A_235] : memref<10112x128xf32, #tpu.memory_space<vmem_shared>> -> memref<10112x128xf32, #tpu.memory_space<vmem_shared>>
        tpu.wait_indirect_dma semaphore(%arg13 : memref<!tpu.dma_semaphore, #tpu.memory_space<semaphore_mem>>) src(%dma_wait3A_230 : memref<64x128xf32, #tpu.memory_space<vmem>>) dst(%dma_wait3A_236 : memref<10112x128xf32, #tpu.memory_space<vmem_shared>>)
      } else {
      }
      %scan3A = arith.constant 0 : i32
      %scan3A_122 = arith.constant 0 : i32
      %scan3A_123 = arith.constant 64 : i32
      %scan3A_124 = arith.addi %scan3A_122, %scan3A_123 : i32
      %scan3A_125 = arith.constant 1 : i32
      scf.for %scan3A_225 = %scan3A_122 to %scan3A_124 step %scan3A_125  : i32 {
        %add3A_226 = arith.constant 0 : i32
        %add3A_227 = arith.addi %add3A_226, %scan3A_225 : i32
        %get3A = arith.constant 0 : i32
        %get3A_228 = arith.index_cast %get3A : i32 to index
        %get3A_229 = arith.index_cast %add3A_227 : i32 to index
        %get3A_230 = arith.constant 0 : index
        %get3A_231 = tpu.vector_load %arg10[%get3A_228, %get3A_229, %get3A_230] {strides = array<i32>} : memref<2x128x64xi32, #tpu.memory_space<vmem>>, vector<1x1x16xi32>,
        %get3A_232 = vector.shape_cast %get3A_231 : vector<1x1x16xi32> to vector<16xi32>
        %shift_left3A = arith.constant 16 : i32
        %shift_left3A_233 = vector.broadcast %shift_left3A : i32 to vector<16xi32>
        %shift_left3A_234 = arith.shli %get3A_232, %shift_left3A_233 : vector<16xi32>
        %bitcast_convert_type3A = tpu.bitcast %shift_left3A_234 : vector<16xi32> -> vector<16xf32>
        %and3A = arith.andi %get3A_232, %broadcast_in_dim3A_16 : vector<16xi32>
        %bitcast_convert_type3A_235 = tpu.bitcast %and3A : vector<16xi32> -> vector<16xf32>
        %swap3A = arith.constant 0 : i32
        %swap3A_236 = arith.index_cast %swap3A : i32 to index
        %swap3A_237 = arith.index_cast %scan3A_225 : i32 to index
        %swap3A_238 = arith.constant 0 : index
        %swap3A_239 = tpu.vector_load %arg11[%swap3A_236, %swap3A_237, %swap3A_238] {strides = array<i32>} : memref<2x64x128xf32, #tpu.memory_space<vmem>>, vector<1x1x16xf32>,
        %swap3A_240 = vector.shape_cast %swap3A_239 : vector<1x1x16xf32> to vector<16xf32>
        %swap3A_241 = vector.shape_cast %bitcast_convert_type3A : vector<16xf32> to vector<1x1x16xf32>
        tpu.vector_store %arg11[%swap3A_236, %swap3A_237, %swap3A_238], %swap3A_241 {strides = array<i32>} : memref<2x64x128xf32, #tpu.memory_space<vmem>>, vector<1x1x16xf32>,
        %swap3A_242 = arith.constant 0 : i32
        %swap3A_243 = arith.index_cast %swap3A_242 : i32 to index
        %swap3A_244 = arith.index_cast %scan3A_225 : i32 to index
        %swap3A_245 = arith.constant 64 : index
        %swap3A_246 = tpu.vector_load %arg11[%swap3A_243, %swap3A_244, %swap3A_245] {strides = array<i32>} : memref<2x64x128xf32, #tpu.memory_space<vmem>>, vector<1x1x16xf32>,
        %swap3A_247 = vector.shape_cast %swap3A_246 : vector<1x1x16xf32> to vector<16xf32>
        %swap3A_248 = vector.shape_cast %bitcast_convert_type3A_235 : vector<16xf32> to vector<1x1x16xf32>
        tpu.vector_store %arg11[%swap3A_243, %swap3A_244, %swap3A_245], %swap3A_248 {strides = array<i32>} : memref<2x64x128xf32, #tpu.memory_space<vmem>>, vector<1x1x16xf32>,
        %add3A_249 = arith.constant 0 : i32
        %add3A_250 = arith.addi %add3A_249, %scan3A_225 : i32
        %get3A_251 = arith.constant 0 : i32
        %get3A_252 = arith.index_cast %get3A_251 : i32 to index
        %get3A_253 = arith.index_cast %add3A_250 : i32 to index
        %get3A_254 = arith.constant 16 : index
        %get3A_255 = tpu.vector_load %arg10[%get3A_252, %get3A_253, %get3A_254] {strides = array<i32>} : memref<2x128x64xi32, #tpu.memory_space<vmem>>, vector<1x1x16xi32>,
        %get3A_256 = vector.shape_cast %get3A_255 : vector<1x1x16xi32> to vector<16xi32>
        %shift_left3A_257 = arith.constant 16 : i32
        %shift_left3A_258 = vector.broadcast %shift_left3A_257 : i32 to vector<16xi32>
        %shift_left3A_259 = arith.shli %get3A_256, %shift_left3A_258 : vector<16xi32>
        %bitcast_convert_type3A_260 = tpu.bitcast %shift_left3A_259 : vector<16xi32> -> vector<16xf32>
        %and3A_261 = arith.andi %get3A_256, %broadcast_in_dim3A_16 : vector<16xi32>
        %bitcast_convert_type3A_262 = tpu.bitcast %and3A_261 : vector<16xi32> -> vector<16xf32>
        %swap3A_263 = arith.constant 0 : i32
        %swap3A_264 = arith.index_cast %swap3A_263 : i32 to index
        %swap3A_265 = arith.index_cast %scan3A_225 : i32 to index
        %swap3A_266 = arith.constant 16 : index
        %swap3A_267 = tpu.vector_load %arg11[%swap3A_264, %swap3A_265, %swap3A_266] {strides = array<i32>} : memref<2x64x128xf32, #tpu.memory_space<vmem>>, vector<1x1x16xf32>,
        %swap3A_268 = vector.shape_cast %swap3A_267 : vector<1x1x16xf32> to vector<16xf32>
        %swap3A_269 = vector.shape_cast %bitcast_convert_type3A_260 : vector<16xf32> to vector<1x1x16xf32>
        tpu.vector_store %arg11[%swap3A_264, %swap3A_265, %swap3A_266], %swap3A_269 {strides = array<i32>} : memref<2x64x128xf32, #tpu.memory_space<vmem>>, vector<1x1x16xf32>,
        %swap3A_270 = arith.constant 0 : i32
        %swap3A_271 = arith.index_cast %swap3A_270 : i32 to index
        %swap3A_272 = arith.index_cast %scan3A_225 : i32 to index
        %swap3A_273 = arith.constant 80 : index
        %swap3A_274 = tpu.vector_load %arg11[%swap3A_271, %swap3A_272, %swap3A_273] {strides = array<i32>} : memref<2x64x128xf32, #tpu.memory_space<vmem>>, vector<1x1x16xf32>,
        %swap3A_275 = vector.shape_cast %swap3A_274 : vector<1x1x16xf32> to vector<16xf32>
        %swap3A_276 = vector.shape_cast %bitcast_convert_type3A_262 : vector<16xf32> to vector<1x1x16xf32>
        tpu.vector_store %arg11[%swap3A_271, %swap3A_272, %swap3A_273], %swap3A_276 {strides = array<i32>} : memref<2x64x128xf32, #tpu.memory_space<vmem>>, vector<1x1x16xf32>,
        %add3A_277 = arith.constant 0 : i32
        %add3A_278 = arith.addi %add3A_277, %scan3A_225 : i32
        %get3A_279 = arith.constant 0 : i32
        %get3A_280 = arith.index_cast %get3A_279 : i32 to index
        %get3A_281 = arith.index_cast %add3A_278 : i32 to index
        %get3A_282 = arith.constant 32 : index
        %get3A_283 = tpu.vector_load %arg10[%get3A_280, %get3A_281, %get3A_282] {strides = array<i32>} : memref<2x128x64xi32, #tpu.memory_space<vmem>>, vector<1x1x16xi32>,
        %get3A_284 = vector.shape_cast %get3A_283 : vector<1x1x16xi32> to vector<16xi32>
        %shift_left3A_285 = arith.constant 16 : i32
        %shift_left3A_286 = vector.broadcast %shift_left3A_285 : i32 to vector<16xi32>
        %shift_left3A_287 = arith.shli %get3A_284, %shift_left3A_286 : vector<16xi32>
        %bitcast_convert_type3A_288 = tpu.bitcast %shift_left3A_287 : vector<16xi32> -> vector<16xf32>
        %and3A_289 = arith.andi %get3A_284, %broadcast_in_dim3A_16 : vector<16xi32>
        %bitcast_convert_type3A_290 = tpu.bitcast %and3A_289 : vector<16xi32> -> vector<16xf32>
        %swap3A_291 = arith.constant 0 : i32
        %swap3A_292 = arith.index_cast %swap3A_291 : i32 to index
        %swap3A_293 = arith.index_cast %scan3A_225 : i32 to index
        %swap3A_294 = arith.constant 32 : index
        %swap3A_295 = tpu.vector_load %arg11[%swap3A_292, %swap3A_293, %swap3A_294] {strides = array<i32>} : memref<2x64x128xf32, #tpu.memory_space<vmem>>, vector<1x1x16xf32>,
        %swap3A_296 = vector.shape_cast %swap3A_295 : vector<1x1x16xf32> to vector<16xf32>
        %swap3A_297 = vector.shape_cast %bitcast_convert_type3A_288 : vector<16xf32> to vector<1x1x16xf32>
        tpu.vector_store %arg11[%swap3A_292, %swap3A_293, %swap3A_294], %swap3A_297 {strides = array<i32>} : memref<2x64x128xf32, #tpu.memory_space<vmem>>, vector<1x1x16xf32>,
        %swap3A_298 = arith.constant 0 : i32
        %swap3A_299 = arith.index_cast %swap3A_298 : i32 to index
        %swap3A_300 = arith.index_cast %scan3A_225 : i32 to index
        %swap3A_301 = arith.constant 96 : index
        %swap3A_302 = tpu.vector_load %arg11[%swap3A_299, %swap3A_300, %swap3A_301] {strides = array<i32>} : memref<2x64x128xf32, #tpu.memory_space<vmem>>, vector<1x1x16xf32>,
        %swap3A_303 = vector.shape_cast %swap3A_302 : vector<1x1x16xf32> to vector<16xf32>
        %swap3A_304 = vector.shape_cast %bitcast_convert_type3A_290 : vector<16xf32> to vector<1x1x16xf32>
        tpu.vector_store %arg11[%swap3A_299, %swap3A_300, %swap3A_301], %swap3A_304 {strides = array<i32>} : memref<2x64x128xf32, #tpu.memory_space<vmem>>, vector<1x1x16xf32>,
        %add3A_305 = arith.constant 0 : i32
        %add3A_306 = arith.addi %add3A_305, %scan3A_225 : i32
        %get3A_307 = arith.constant 0 : i32
        %get3A_308 = arith.index_cast %get3A_307 : i32 to index
        %get3A_309 = arith.index_cast %add3A_306 : i32 to index
        %get3A_310 = arith.constant 48 : index
        %get3A_311 = tpu.vector_load %arg10[%get3A_308, %get3A_309, %get3A_310] {strides = array<i32>} : memref<2x128x64xi32, #tpu.memory_space<vmem>>, vector<1x1x16xi32>,
        %get3A_312 = vector.shape_cast %get3A_311 : vector<1x1x16xi32> to vector<16xi32>
        %shift_left3A_313 = arith.constant 16 : i32
        %shift_left3A_314 = vector.broadcast %shift_left3A_313 : i32 to vector<16xi32>
        %shift_left3A_315 = arith.shli %get3A_312, %shift_left3A_314 : vector<16xi32>
        %bitcast_convert_type3A_316 = tpu.bitcast %shift_left3A_315 : vector<16xi32> -> vector<16xf32>
        %and3A_317 = arith.andi %get3A_312, %broadcast_in_dim3A_16 : vector<16xi32>
        %bitcast_convert_type3A_318 = tpu.bitcast %and3A_317 : vector<16xi32> -> vector<16xf32>
        %swap3A_319 = arith.constant 0 : i32
        %swap3A_320 = arith.index_cast %swap3A_319 : i32 to index
        %swap3A_321 = arith.index_cast %scan3A_225 : i32 to index
        %swap3A_322 = arith.constant 48 : index
        %swap3A_323 = tpu.vector_load %arg11[%swap3A_320, %swap3A_321, %swap3A_322] {strides = array<i32>} : memref<2x64x128xf32, #tpu.memory_space<vmem>>, vector<1x1x16xf32>,
        %swap3A_324 = vector.shape_cast %swap3A_323 : vector<1x1x16xf32> to vector<16xf32>
        %swap3A_325 = vector.shape_cast %bitcast_convert_type3A_316 : vector<16xf32> to vector<1x1x16xf32>
        tpu.vector_store %arg11[%swap3A_320, %swap3A_321, %swap3A_322], %swap3A_325 {strides = array<i32>} : memref<2x64x128xf32, #tpu.memory_space<vmem>>, vector<1x1x16xf32>,
        %swap3A_326 = arith.constant 0 : i32
        %swap3A_327 = arith.index_cast %swap3A_326 : i32 to index
        %swap3A_328 = arith.index_cast %scan3A_225 : i32 to index
        %swap3A_329 = arith.constant 112 : index
        %swap3A_330 = tpu.vector_load %arg11[%swap3A_327, %swap3A_328, %swap3A_329] {strides = array<i32>} : memref<2x64x128xf32, #tpu.memory_space<vmem>>, vector<1x1x16xf32>,
        %swap3A_331 = vector.shape_cast %swap3A_330 : vector<1x1x16xf32> to vector<16xf32>
        %swap3A_332 = vector.shape_cast %bitcast_convert_type3A_318 : vector<16xf32> to vector<1x1x16xf32>
        tpu.vector_store %arg11[%swap3A_327, %swap3A_328, %swap3A_329], %swap3A_332 {strides = array<i32>} : memref<2x64x128xf32, #tpu.memory_space<vmem>>, vector<1x1x16xf32>,
      }
      %scan3A_126 = arith.constant 64 : i32
      %dma_start3A_127 = arith.constant 0 : i32
      %dma_start3A_128 = arith.constant 0 : i32
      %dma_start3A_129 = arith.constant 0 : i32
      %dma_start3A_130 = tpu.memref_slice %arg11[%dma_start3A_127, %dma_start3A_128, %dma_start3A_129] : memref<2x64x128xf32, #tpu.memory_space<vmem>> -> memref<1x64x128xf32, #tpu.memory_space<vmem>>
      %dma_start3A_131 = tpu.memref_squeeze %dma_start3A_130 : memref<1x64x128xf32, #tpu.memory_space<vmem>> -> memref<64x128xf32, #tpu.memory_space<vmem>>
      %dma_start3A_132 = arith.constant 0 : i32
      %dma_start3A_133 = tpu.memref_slice %arg9[%add3A_100, %dma_start3A_132] : memref<48x128xi32, #tpu.memory_space<vmem>> -> memref<1x64xi32, #tpu.memory_space<vmem>>
      %dma_start3A_134 = tpu.memref_squeeze %dma_start3A_133 : memref<1x64xi32, #tpu.memory_space<vmem>> -> memref<64xi32, #tpu.memory_space<vmem>>
      %dma_start3A_135 = arith.constant 0 : i32
      %dma_start3A_136 = arith.constant 0 : i32
      %dma_start3A_137 = tpu.memref_slice %arg7[%dma_start3A_135, %dma_start3A_136] : memref<10112x128xf32, #tpu.memory_space<vmem_shared>> -> memref<10112x128xf32, #tpu.memory_space<vmem_shared>>
      tpu.enqueue_indirect_dma source(%dma_start3A_131 : memref<64x128xf32, #tpu.memory_space<vmem>>) target(%dma_start3A_137 : memref<10112x128xf32, #tpu.memory_space<vmem_shared>>) offsets(%dma_start3A_134 : memref<64xi32, #tpu.memory_space<vmem>>) semaphore(%arg13 : memref<!tpu.dma_semaphore, #tpu.memory_space<semaphore_mem>>) {add = true}
      %gt3A_138 = arith.constant 0 : i32
      %gt3A_139 = arith.cmpi sgt, %add3A_100, %gt3A_138 : i32
      %convert_element_type3A_140 = arith.extui %gt3A_139 : i1 to i32
      %cond3A_141 = arith.constant 0 : i32
      %cond3A_142 = arith.cmpi ne, %convert_element_type3A_140, %cond3A_141 : i32
      scf.if %cond3A_142 {
        %dma_wait3A_225 = arith.constant 1 : i32
        %dma_wait3A_226 = arith.constant 0 : i32
        %dma_wait3A_227 = arith.constant 0 : i32
        %dma_wait3A_228 = arith.constant 0 : i32
        %dma_wait3A_229 = tpu.memref_slice %arg11[%dma_wait3A_225, %dma_wait3A_227, %dma_wait3A_228] : memref<2x64x128xf32, #tpu.memory_space<vmem>> -> memref<1x64x128xf32, #tpu.memory_space<vmem>>
        %dma_wait3A_230 = tpu.memref_squeeze %dma_wait3A_229 : memref<1x64x128xf32, #tpu.memory_space<vmem>> -> memref<64x128xf32, #tpu.memory_space<vmem>>
        %dma_wait3A_231 = arith.constant 0 : i32
        %dma_wait3A_232 = tpu.memref_slice %arg9[%dma_wait3A_226, %dma_wait3A_231] : memref<48x128xi32, #tpu.memory_space<vmem>> -> memref<1x64xi32, #tpu.memory_space<vmem>>
        %dma_wait3A_233 = tpu.memref_squeeze %dma_wait3A_232 : memref<1x64xi32, #tpu.memory_space<vmem>> -> memref<64xi32, #tpu.memory_space<vmem>>
        %dma_wait3A_234 = arith.constant 0 : i32
        %dma_wait3A_235 = arith.constant 0 : i32
        %dma_wait3A_236 = tpu.memref_slice %arg7[%dma_wait3A_234, %dma_wait3A_235] : memref<10112x128xf32, #tpu.memory_space<vmem_shared>> -> memref<10112x128xf32, #tpu.memory_space<vmem_shared>>
        tpu.wait_indirect_dma semaphore(%arg13 : memref<!tpu.dma_semaphore, #tpu.memory_space<semaphore_mem>>) src(%dma_wait3A_230 : memref<64x128xf32, #tpu.memory_space<vmem>>) dst(%dma_wait3A_236 : memref<10112x128xf32, #tpu.memory_space<vmem_shared>>)
      } else {
      }
      %scan3A_143 = arith.constant 0 : i32
      %scan3A_144 = arith.constant 0 : i32
      %scan3A_145 = arith.constant 64 : i32
      %scan3A_146 = arith.addi %scan3A_144, %scan3A_145 : i32
      %scan3A_147 = arith.constant 1 : i32
      scf.for %scan3A_225 = %scan3A_144 to %scan3A_146 step %scan3A_147  : i32 {
        %add3A_226 = arith.constant 64 : i32
        %add3A_227 = arith.addi %add3A_226, %scan3A_225 : i32
        %get3A = arith.constant 0 : i32
        %get3A_228 = arith.index_cast %get3A : i32 to index
        %get3A_229 = arith.index_cast %add3A_227 : i32 to index
        %get3A_230 = arith.constant 0 : index
        %get3A_231 = tpu.vector_load %arg10[%get3A_228, %get3A_229, %get3A_230] {strides = array<i32>} : memref<2x128x64xi32, #tpu.memory_space<vmem>>, vector<1x1x16xi32>,
        %get3A_232 = vector.shape_cast %get3A_231 : vector<1x1x16xi32> to vector<16xi32>
        %shift_left3A = arith.constant 16 : i32
        %shift_left3A_233 = vector.broadcast %shift_left3A : i32 to vector<16xi32>
        %shift_left3A_234 = arith.shli %get3A_232, %shift_left3A_233 : vector<16xi32>
        %bitcast_convert_type3A = tpu.bitcast %shift_left3A_234 : vector<16xi32> -> vector<16xf32>
        %and3A = arith.andi %get3A_232, %broadcast_in_dim3A_16 : vector<16xi32>
        %bitcast_convert_type3A_235 = tpu.bitcast %and3A : vector<16xi32> -> vector<16xf32>
        %swap3A = arith.constant 1 : i32
        %swap3A_236 = arith.index_cast %swap3A : i32 to index
        %swap3A_237 = arith.index_cast %scan3A_225 : i32 to index
        %swap3A_238 = arith.constant 0 : index
        %swap3A_239 = tpu.vector_load %arg11[%swap3A_236, %swap3A_237, %swap3A_238] {strides = array<i32>} : memref<2x64x128xf32, #tpu.memory_space<vmem>>, vector<1x1x16xf32>,
        %swap3A_240 = vector.shape_cast %swap3A_239 : vector<1x1x16xf32> to vector<16xf32>
        %swap3A_241 = vector.shape_cast %bitcast_convert_type3A : vector<16xf32> to vector<1x1x16xf32>
        tpu.vector_store %arg11[%swap3A_236, %swap3A_237, %swap3A_238], %swap3A_241 {strides = array<i32>} : memref<2x64x128xf32, #tpu.memory_space<vmem>>, vector<1x1x16xf32>,
        %swap3A_242 = arith.constant 1 : i32
        %swap3A_243 = arith.index_cast %swap3A_242 : i32 to index
        %swap3A_244 = arith.index_cast %scan3A_225 : i32 to index
        %swap3A_245 = arith.constant 64 : index
        %swap3A_246 = tpu.vector_load %arg11[%swap3A_243, %swap3A_244, %swap3A_245] {strides = array<i32>} : memref<2x64x128xf32, #tpu.memory_space<vmem>>, vector<1x1x16xf32>,
        %swap3A_247 = vector.shape_cast %swap3A_246 : vector<1x1x16xf32> to vector<16xf32>
        %swap3A_248 = vector.shape_cast %bitcast_convert_type3A_235 : vector<16xf32> to vector<1x1x16xf32>
        tpu.vector_store %arg11[%swap3A_243, %swap3A_244, %swap3A_245], %swap3A_248 {strides = array<i32>} : memref<2x64x128xf32, #tpu.memory_space<vmem>>, vector<1x1x16xf32>,
        %add3A_249 = arith.constant 64 : i32
        %add3A_250 = arith.addi %add3A_249, %scan3A_225 : i32
        %get3A_251 = arith.constant 0 : i32
        %get3A_252 = arith.index_cast %get3A_251 : i32 to index
        %get3A_253 = arith.index_cast %add3A_250 : i32 to index
        %get3A_254 = arith.constant 16 : index
        %get3A_255 = tpu.vector_load %arg10[%get3A_252, %get3A_253, %get3A_254] {strides = array<i32>} : memref<2x128x64xi32, #tpu.memory_space<vmem>>, vector<1x1x16xi32>,
        %get3A_256 = vector.shape_cast %get3A_255 : vector<1x1x16xi32> to vector<16xi32>
        %shift_left3A_257 = arith.constant 16 : i32
        %shift_left3A_258 = vector.broadcast %shift_left3A_257 : i32 to vector<16xi32>
        %shift_left3A_259 = arith.shli %get3A_256, %shift_left3A_258 : vector<16xi32>
        %bitcast_convert_type3A_260 = tpu.bitcast %shift_left3A_259 : vector<16xi32> -> vector<16xf32>
        %and3A_261 = arith.andi %get3A_256, %broadcast_in_dim3A_16 : vector<16xi32>
        %bitcast_convert_type3A_262 = tpu.bitcast %and3A_261 : vector<16xi32> -> vector<16xf32>
        %swap3A_263 = arith.constant 1 : i32
        %swap3A_264 = arith.index_cast %swap3A_263 : i32 to index
        %swap3A_265 = arith.index_cast %scan3A_225 : i32 to index
        %swap3A_266 = arith.constant 16 : index
        %swap3A_267 = tpu.vector_load %arg11[%swap3A_264, %swap3A_265, %swap3A_266] {strides = array<i32>} : memref<2x64x128xf32, #tpu.memory_space<vmem>>, vector<1x1x16xf32>,
        %swap3A_268 = vector.shape_cast %swap3A_267 : vector<1x1x16xf32> to vector<16xf32>
        %swap3A_269 = vector.shape_cast %bitcast_convert_type3A_260 : vector<16xf32> to vector<1x1x16xf32>
        tpu.vector_store %arg11[%swap3A_264, %swap3A_265, %swap3A_266], %swap3A_269 {strides = array<i32>} : memref<2x64x128xf32, #tpu.memory_space<vmem>>, vector<1x1x16xf32>,
        %swap3A_270 = arith.constant 1 : i32
        %swap3A_271 = arith.index_cast %swap3A_270 : i32 to index
        %swap3A_272 = arith.index_cast %scan3A_225 : i32 to index
        %swap3A_273 = arith.constant 80 : index
        %swap3A_274 = tpu.vector_load %arg11[%swap3A_271, %swap3A_272, %swap3A_273] {strides = array<i32>} : memref<2x64x128xf32, #tpu.memory_space<vmem>>, vector<1x1x16xf32>,
        %swap3A_275 = vector.shape_cast %swap3A_274 : vector<1x1x16xf32> to vector<16xf32>
        %swap3A_276 = vector.shape_cast %bitcast_convert_type3A_262 : vector<16xf32> to vector<1x1x16xf32>
        tpu.vector_store %arg11[%swap3A_271, %swap3A_272, %swap3A_273], %swap3A_276 {strides = array<i32>} : memref<2x64x128xf32, #tpu.memory_space<vmem>>, vector<1x1x16xf32>,
        %add3A_277 = arith.constant 64 : i32
        %add3A_278 = arith.addi %add3A_277, %scan3A_225 : i32
        %get3A_279 = arith.constant 0 : i32
        %get3A_280 = arith.index_cast %get3A_279 : i32 to index
        %get3A_281 = arith.index_cast %add3A_278 : i32 to index
        %get3A_282 = arith.constant 32 : index
        %get3A_283 = tpu.vector_load %arg10[%get3A_280, %get3A_281, %get3A_282] {strides = array<i32>} : memref<2x128x64xi32, #tpu.memory_space<vmem>>, vector<1x1x16xi32>,
        %get3A_284 = vector.shape_cast %get3A_283 : vector<1x1x16xi32> to vector<16xi32>
        %shift_left3A_285 = arith.constant 16 : i32
        %shift_left3A_286 = vector.broadcast %shift_left3A_285 : i32 to vector<16xi32>
        %shift_left3A_287 = arith.shli %get3A_284, %shift_left3A_286 : vector<16xi32>
        %bitcast_convert_type3A_288 = tpu.bitcast %shift_left3A_287 : vector<16xi32> -> vector<16xf32>
        %and3A_289 = arith.andi %get3A_284, %broadcast_in_dim3A_16 : vector<16xi32>
        %bitcast_convert_type3A_290 = tpu.bitcast %and3A_289 : vector<16xi32> -> vector<16xf32>
        %swap3A_291 = arith.constant 1 : i32
        %swap3A_292 = arith.index_cast %swap3A_291 : i32 to index
        %swap3A_293 = arith.index_cast %scan3A_225 : i32 to index
        %swap3A_294 = arith.constant 32 : index
        %swap3A_295 = tpu.vector_load %arg11[%swap3A_292, %swap3A_293, %swap3A_294] {strides = array<i32>} : memref<2x64x128xf32, #tpu.memory_space<vmem>>, vector<1x1x16xf32>,
        %swap3A_296 = vector.shape_cast %swap3A_295 : vector<1x1x16xf32> to vector<16xf32>
        %swap3A_297 = vector.shape_cast %bitcast_convert_type3A_288 : vector<16xf32> to vector<1x1x16xf32>
        tpu.vector_store %arg11[%swap3A_292, %swap3A_293, %swap3A_294], %swap3A_297 {strides = array<i32>} : memref<2x64x128xf32, #tpu.memory_space<vmem>>, vector<1x1x16xf32>,
        %swap3A_298 = arith.constant 1 : i32
        %swap3A_299 = arith.index_cast %swap3A_298 : i32 to index
        %swap3A_300 = arith.index_cast %scan3A_225 : i32 to index
        %swap3A_301 = arith.constant 96 : index
        %swap3A_302 = tpu.vector_load %arg11[%swap3A_299, %swap3A_300, %swap3A_301] {strides = array<i32>} : memref<2x64x128xf32, #tpu.memory_space<vmem>>, vector<1x1x16xf32>,
        %swap3A_303 = vector.shape_cast %swap3A_302 : vector<1x1x16xf32> to vector<16xf32>
        %swap3A_304 = vector.shape_cast %bitcast_convert_type3A_290 : vector<16xf32> to vector<1x1x16xf32>
        tpu.vector_store %arg11[%swap3A_299, %swap3A_300, %swap3A_301], %swap3A_304 {strides = array<i32>} : memref<2x64x128xf32, #tpu.memory_space<vmem>>, vector<1x1x16xf32>,
        %add3A_305 = arith.constant 64 : i32
        %add3A_306 = arith.addi %add3A_305, %scan3A_225 : i32
        %get3A_307 = arith.constant 0 : i32
        %get3A_308 = arith.index_cast %get3A_307 : i32 to index
        %get3A_309 = arith.index_cast %add3A_306 : i32 to index
        %get3A_310 = arith.constant 48 : index
        %get3A_311 = tpu.vector_load %arg10[%get3A_308, %get3A_309, %get3A_310] {strides = array<i32>} : memref<2x128x64xi32, #tpu.memory_space<vmem>>, vector<1x1x16xi32>,
        %get3A_312 = vector.shape_cast %get3A_311 : vector<1x1x16xi32> to vector<16xi32>
        %shift_left3A_313 = arith.constant 16 : i32
        %shift_left3A_314 = vector.broadcast %shift_left3A_313 : i32 to vector<16xi32>
        %shift_left3A_315 = arith.shli %get3A_312, %shift_left3A_314 : vector<16xi32>
        %bitcast_convert_type3A_316 = tpu.bitcast %shift_left3A_315 : vector<16xi32> -> vector<16xf32>
        %and3A_317 = arith.andi %get3A_312, %broadcast_in_dim3A_16 : vector<16xi32>
        %bitcast_convert_type3A_318 = tpu.bitcast %and3A_317 : vector<16xi32> -> vector<16xf32>
        %swap3A_319 = arith.constant 1 : i32
        %swap3A_320 = arith.index_cast %swap3A_319 : i32 to index
        %swap3A_321 = arith.index_cast %scan3A_225 : i32 to index
        %swap3A_322 = arith.constant 48 : index
        %swap3A_323 = tpu.vector_load %arg11[%swap3A_320, %swap3A_321, %swap3A_322] {strides = array<i32>} : memref<2x64x128xf32, #tpu.memory_space<vmem>>, vector<1x1x16xf32>,
        %swap3A_324 = vector.shape_cast %swap3A_323 : vector<1x1x16xf32> to vector<16xf32>
        %swap3A_325 = vector.shape_cast %bitcast_convert_type3A_316 : vector<16xf32> to vector<1x1x16xf32>
        tpu.vector_store %arg11[%swap3A_320, %swap3A_321, %swap3A_322], %swap3A_325 {strides = array<i32>} : memref<2x64x128xf32, #tpu.memory_space<vmem>>, vector<1x1x16xf32>,
        %swap3A_326 = arith.constant 1 : i32
        %swap3A_327 = arith.index_cast %swap3A_326 : i32 to index
        %swap3A_328 = arith.index_cast %scan3A_225 : i32 to index
        %swap3A_329 = arith.constant 112 : index
        %swap3A_330 = tpu.vector_load %arg11[%swap3A_327, %swap3A_328, %swap3A_329] {strides = array<i32>} : memref<2x64x128xf32, #tpu.memory_space<vmem>>, vector<1x1x16xf32>,
        %swap3A_331 = vector.shape_cast %swap3A_330 : vector<1x1x16xf32> to vector<16xf32>
        %swap3A_332 = vector.shape_cast %bitcast_convert_type3A_318 : vector<16xf32> to vector<1x1x16xf32>
        tpu.vector_store %arg11[%swap3A_327, %swap3A_328, %swap3A_329], %swap3A_332 {strides = array<i32>} : memref<2x64x128xf32, #tpu.memory_space<vmem>>, vector<1x1x16xf32>,
      }
      %scan3A_148 = arith.constant 64 : i32
      %dma_start3A_149 = arith.constant 1 : i32
      %dma_start3A_150 = arith.constant 0 : i32
      %dma_start3A_151 = arith.constant 0 : i32
      %dma_start3A_152 = tpu.memref_slice %arg11[%dma_start3A_149, %dma_start3A_150, %dma_start3A_151] : memref<2x64x128xf32, #tpu.memory_space<vmem>> -> memref<1x64x128xf32, #tpu.memory_space<vmem>>
      %dma_start3A_153 = tpu.memref_squeeze %dma_start3A_152 : memref<1x64x128xf32, #tpu.memory_space<vmem>> -> memref<64x128xf32, #tpu.memory_space<vmem>>
      %dma_start3A_154 = arith.constant 64 : i32
      %dma_start3A_155 = tpu.memref_slice %arg9[%add3A_100, %dma_start3A_154] : memref<48x128xi32, #tpu.memory_space<vmem>> -> memref<1x64xi32, #tpu.memory_space<vmem>>
      %dma_start3A_156 = tpu.memref_squeeze %dma_start3A_155 : memref<1x64xi32, #tpu.memory_space<vmem>> -> memref<64xi32, #tpu.memory_space<vmem>>
      %dma_start3A_157 = arith.constant 0 : i32
      %dma_start3A_158 = arith.constant 0 : i32
      %dma_start3A_159 = tpu.memref_slice %arg7[%dma_start3A_157, %dma_start3A_158] : memref<10112x128xf32, #tpu.memory_space<vmem_shared>> -> memref<10112x128xf32, #tpu.memory_space<vmem_shared>>
      tpu.enqueue_indirect_dma source(%dma_start3A_153 : memref<64x128xf32, #tpu.memory_space<vmem>>) target(%dma_start3A_159 : memref<10112x128xf32, #tpu.memory_space<vmem_shared>>) offsets(%dma_start3A_156 : memref<64xi32, #tpu.memory_space<vmem>>) semaphore(%arg13 : memref<!tpu.dma_semaphore, #tpu.memory_space<semaphore_mem>>) {add = true}
      %mul3A_160 = arith.constant 2 : i32
      %mul3A_161 = arith.muli %mul3A_160, %while3A_96 : i32
      %add3A_162 = arith.constant 1 : i32
      %add3A_163 = arith.addi %mul3A_161, %add3A_162 : i32
      %dma_wait3A_164 = arith.constant 1 : i32
      %dma_wait3A_165 = arith.constant 0 : i32
      %dma_wait3A_166 = arith.constant 0 : i32
      %dma_wait3A_167 = tpu.memref_slice %arg10[%dma_wait3A_164, %dma_wait3A_165, %dma_wait3A_166] : memref<2x128x64xi32, #tpu.memory_space<vmem>> -> memref<1x128x64xi32, #tpu.memory_space<vmem>>
      %dma_wait3A_168 = tpu.memref_squeeze %dma_wait3A_167 : memref<1x128x64xi32, #tpu.memory_space<vmem>> -> memref<128x64xi32, #tpu.memory_space<vmem>>
      %dma_wait3A_169 = arith.constant 0 : i32
      %dma_wait3A_170 = tpu.memref_slice %arg8[%add3A_163, %dma_wait3A_169] : memref<48x128xi32, #tpu.memory_space<vmem>> -> memref<1x128xi32, #tpu.memory_space<vmem>>
      %dma_wait3A_171 = tpu.memref_squeeze %dma_wait3A_170 : memref<1x128xi32, #tpu.memory_space<vmem>> -> memref<128xi32, #tpu.memory_space<vmem>>
      %dma_wait3A_172 = arith.constant 0 : i32
      %dma_wait3A_173 = arith.constant 0 : i32
      %dma_wait3A_174 = tpu.memref_slice %arg2[%dma_wait3A_172, %dma_wait3A_173] : memref<10000x64xi32, #tpu.memory_space<hbm>> -> memref<10000x64xi32, #tpu.memory_space<hbm>>
      tpu.wait_indirect_dma semaphore(%arg12 : memref<!tpu.dma_semaphore, #tpu.memory_space<semaphore_mem>>) src(%dma_wait3A_174 : memref<10000x64xi32, #tpu.memory_space<hbm>>) dst(%dma_wait3A_168 : memref<128x64xi32, #tpu.memory_space<vmem>>)
      %add3A_175 = arith.constant 1 : i32
      %add3A_176 = arith.addi %add3A_163, %add3A_175 : i32
      %lt3A_177 = arith.cmpi slt, %add3A_176, %select_n3A_8 : i32
      %convert_element_type3A_178 = arith.extui %lt3A_177 : i1 to i32
      %cond3A_179 = arith.constant 0 : i32
      %cond3A_180 = arith.cmpi ne, %convert_element_type3A_178, %cond3A_179 : i32
      scf.if %cond3A_180 {
        %add3A_225 = arith.constant 1 : i32
        %add3A_226 = arith.addi %add3A_163, %add3A_225 : i32
        %dma_start3A_227 = arith.constant 0 : i32
        %dma_start3A_228 = arith.constant 0 : i32
        %dma_start3A_229 = arith.constant 0 : i32
        %dma_start3A_230 = tpu.memref_slice %arg10[%dma_start3A_227, %dma_start3A_228, %dma_start3A_229] : memref<2x128x64xi32, #tpu.memory_space<vmem>> -> memref<1x128x64xi32, #tpu.memory_space<vmem>>
        %dma_start3A_231 = tpu.memref_squeeze %dma_start3A_230 : memref<1x128x64xi32, #tpu.memory_space<vmem>> -> memref<128x64xi32, #tpu.memory_space<vmem>>
        %dma_start3A_232 = arith.constant 0 : i32
        %dma_start3A_233 = tpu.memref_slice %arg8[%add3A_226, %dma_start3A_232] : memref<48x128xi32, #tpu.memory_space<vmem>> -> memref<1x128xi32, #tpu.memory_space<vmem>>
        %dma_start3A_234 = tpu.memref_squeeze %dma_start3A_233 : memref<1x128xi32, #tpu.memory_space<vmem>> -> memref<128xi32, #tpu.memory_space<vmem>>
        %dma_start3A_235 = arith.constant 0 : i32
        %dma_start3A_236 = arith.constant 0 : i32
        %dma_start3A_237 = tpu.memref_slice %arg2[%dma_start3A_235, %dma_start3A_236] : memref<10000x64xi32, #tpu.memory_space<hbm>> -> memref<10000x64xi32, #tpu.memory_space<hbm>>
        tpu.enqueue_indirect_dma source(%dma_start3A_237 : memref<10000x64xi32, #tpu.memory_space<hbm>>) target(%dma_start3A_231 : memref<128x64xi32, #tpu.memory_space<vmem>>) offsets(%dma_start3A_234 : memref<128xi32, #tpu.memory_space<vmem>>) semaphore(%arg12 : memref<!tpu.dma_semaphore, #tpu.memory_space<semaphore_mem>>)
      } else {
      }
      %gt3A_181 = arith.constant 0 : i32
      %gt3A_182 = arith.cmpi sgt, %add3A_163, %gt3A_181 : i32
      %convert_element_type3A_183 = arith.extui %gt3A_182 : i1 to i32
      %cond3A_184 = arith.constant 0 : i32
      %cond3A_185 = arith.cmpi ne, %convert_element_type3A_183, %cond3A_184 : i32
      scf.if %cond3A_185 {
        %dma_wait3A_225 = arith.constant 0 : i32
        %dma_wait3A_226 = arith.constant 0 : i32
        %dma_wait3A_227 = arith.constant 0 : i32
        %dma_wait3A_228 = arith.constant 0 : i32
        %dma_wait3A_229 = tpu.memref_slice %arg11[%dma_wait3A_225, %dma_wait3A_227, %dma_wait3A_228] : memref<2x64x128xf32, #tpu.memory_space<vmem>> -> memref<1x64x128xf32, #tpu.memory_space<vmem>>
        %dma_wait3A_230 = tpu.memref_squeeze %dma_wait3A_229 : memref<1x64x128xf32, #tpu.memory_space<vmem>> -> memref<64x128xf32, #tpu.memory_space<vmem>>
        %dma_wait3A_231 = arith.constant 0 : i32
        %dma_wait3A_232 = tpu.memref_slice %arg9[%dma_wait3A_226, %dma_wait3A_231] : memref<48x128xi32, #tpu.memory_space<vmem>> -> memref<1x64xi32, #tpu.memory_space<vmem>>
        %dma_wait3A_233 = tpu.memref_squeeze %dma_wait3A_232 : memref<1x64xi32, #tpu.memory_space<vmem>> -> memref<64xi32, #tpu.memory_space<vmem>>
        %dma_wait3A_234 = arith.constant 0 : i32
        %dma_wait3A_235 = arith.constant 0 : i32
        %dma_wait3A_236 = tpu.memref_slice %arg7[%dma_wait3A_234, %dma_wait3A_235] : memref<10112x128xf32, #tpu.memory_space<vmem_shared>> -> memref<10112x128xf32, #tpu.memory_space<vmem_shared>>
        tpu.wait_indirect_dma semaphore(%arg13 : memref<!tpu.dma_semaphore, #tpu.memory_space<semaphore_mem>>) src(%dma_wait3A_230 : memref<64x128xf32, #tpu.memory_space<vmem>>) dst(%dma_wait3A_236 : memref<10112x128xf32, #tpu.memory_space<vmem_shared>>)
      } else {
      }
      %scan3A_186 = arith.constant 0 : i32
      %scan3A_187 = arith.constant 0 : i32
      %scan3A_188 = arith.constant 64 : i32
      %scan3A_189 = arith.addi %scan3A_187, %scan3A_188 : i32
      %scan3A_190 = arith.constant 1 : i32
      scf.for %scan3A_225 = %scan3A_187 to %scan3A_189 step %scan3A_190  : i32 {
        %add3A_226 = arith.constant 0 : i32
        %add3A_227 = arith.addi %add3A_226, %scan3A_225 : i32
        %get3A = arith.constant 1 : i32
        %get3A_228 = arith.index_cast %get3A : i32 to index
        %get3A_229 = arith.index_cast %add3A_227 : i32 to index
        %get3A_230 = arith.constant 0 : index
        %get3A_231 = tpu.vector_load %arg10[%get3A_228, %get3A_229, %get3A_230] {strides = array<i32>} : memref<2x128x64xi32, #tpu.memory_space<vmem>>, vector<1x1x16xi32>,
        %get3A_232 = vector.shape_cast %get3A_231 : vector<1x1x16xi32> to vector<16xi32>
        %shift_left3A = arith.constant 16 : i32
        %shift_left3A_233 = vector.broadcast %shift_left3A : i32 to vector<16xi32>
        %shift_left3A_234 = arith.shli %get3A_232, %shift_left3A_233 : vector<16xi32>
        %bitcast_convert_type3A = tpu.bitcast %shift_left3A_234 : vector<16xi32> -> vector<16xf32>
        %and3A = arith.andi %get3A_232, %broadcast_in_dim3A_16 : vector<16xi32>
        %bitcast_convert_type3A_235 = tpu.bitcast %and3A : vector<16xi32> -> vector<16xf32>
        %swap3A = arith.constant 0 : i32
        %swap3A_236 = arith.index_cast %swap3A : i32 to index
        %swap3A_237 = arith.index_cast %scan3A_225 : i32 to index
        %swap3A_238 = arith.constant 0 : index
        %swap3A_239 = tpu.vector_load %arg11[%swap3A_236, %swap3A_237, %swap3A_238] {strides = array<i32>} : memref<2x64x128xf32, #tpu.memory_space<vmem>>, vector<1x1x16xf32>,
        %swap3A_240 = vector.shape_cast %swap3A_239 : vector<1x1x16xf32> to vector<16xf32>
        %swap3A_241 = vector.shape_cast %bitcast_convert_type3A : vector<16xf32> to vector<1x1x16xf32>
        tpu.vector_store %arg11[%swap3A_236, %swap3A_237, %swap3A_238], %swap3A_241 {strides = array<i32>} : memref<2x64x128xf32, #tpu.memory_space<vmem>>, vector<1x1x16xf32>,
        %swap3A_242 = arith.constant 0 : i32
        %swap3A_243 = arith.index_cast %swap3A_242 : i32 to index
        %swap3A_244 = arith.index_cast %scan3A_225 : i32 to index
        %swap3A_245 = arith.constant 64 : index
        %swap3A_246 = tpu.vector_load %arg11[%swap3A_243, %swap3A_244, %swap3A_245] {strides = array<i32>} : memref<2x64x128xf32, #tpu.memory_space<vmem>>, vector<1x1x16xf32>,
        %swap3A_247 = vector.shape_cast %swap3A_246 : vector<1x1x16xf32> to vector<16xf32>
        %swap3A_248 = vector.shape_cast %bitcast_convert_type3A_235 : vector<16xf32> to vector<1x1x16xf32>
        tpu.vector_store %arg11[%swap3A_243, %swap3A_244, %swap3A_245], %swap3A_248 {strides = array<i32>} : memref<2x64x128xf32, #tpu.memory_space<vmem>>, vector<1x1x16xf32>,
        %add3A_249 = arith.constant 0 : i32
        %add3A_250 = arith.addi %add3A_249, %scan3A_225 : i32
        %get3A_251 = arith.constant 1 : i32
        %get3A_252 = arith.index_cast %get3A_251 : i32 to index
        %get3A_253 = arith.index_cast %add3A_250 : i32 to index
        %get3A_254 = arith.constant 16 : index
        %get3A_255 = tpu.vector_load %arg10[%get3A_252, %get3A_253, %get3A_254] {strides = array<i32>} : memref<2x128x64xi32, #tpu.memory_space<vmem>>, vector<1x1x16xi32>,
        %get3A_256 = vector.shape_cast %get3A_255 : vector<1x1x16xi32> to vector<16xi32>
        %shift_left3A_257 = arith.constant 16 : i32
        %shift_left3A_258 = vector.broadcast %shift_left3A_257 : i32 to vector<16xi32>
        %shift_left3A_259 = arith.shli %get3A_256, %shift_left3A_258 : vector<16xi32>
        %bitcast_convert_type3A_260 = tpu.bitcast %shift_left3A_259 : vector<16xi32> -> vector<16xf32>
        %and3A_261 = arith.andi %get3A_256, %broadcast_in_dim3A_16 : vector<16xi32>
        %bitcast_convert_type3A_262 = tpu.bitcast %and3A_261 : vector<16xi32> -> vector<16xf32>
        %swap3A_263 = arith.constant 0 : i32
        %swap3A_264 = arith.index_cast %swap3A_263 : i32 to index
        %swap3A_265 = arith.index_cast %scan3A_225 : i32 to index
        %swap3A_266 = arith.constant 16 : index
        %swap3A_267 = tpu.vector_load %arg11[%swap3A_264, %swap3A_265, %swap3A_266] {strides = array<i32>} : memref<2x64x128xf32, #tpu.memory_space<vmem>>, vector<1x1x16xf32>,
        %swap3A_268 = vector.shape_cast %swap3A_267 : vector<1x1x16xf32> to vector<16xf32>
        %swap3A_269 = vector.shape_cast %bitcast_convert_type3A_260 : vector<16xf32> to vector<1x1x16xf32>
        tpu.vector_store %arg11[%swap3A_264, %swap3A_265, %swap3A_266], %swap3A_269 {strides = array<i32>} : memref<2x64x128xf32, #tpu.memory_space<vmem>>, vector<1x1x16xf32>,
        %swap3A_270 = arith.constant 0 : i32
        %swap3A_271 = arith.index_cast %swap3A_270 : i32 to index
        %swap3A_272 = arith.index_cast %scan3A_225 : i32 to index
        %swap3A_273 = arith.constant 80 : index
        %swap3A_274 = tpu.vector_load %arg11[%swap3A_271, %swap3A_272, %swap3A_273] {strides = array<i32>} : memref<2x64x128xf32, #tpu.memory_space<vmem>>, vector<1x1x16xf32>,
        %swap3A_275 = vector.shape_cast %swap3A_274 : vector<1x1x16xf32> to vector<16xf32>
        %swap3A_276 = vector.shape_cast %bitcast_convert_type3A_262 : vector<16xf32> to vector<1x1x16xf32>
        tpu.vector_store %arg11[%swap3A_271, %swap3A_272, %swap3A_273], %swap3A_276 {strides = array<i32>} : memref<2x64x128xf32, #tpu.memory_space<vmem>>, vector<1x1x16xf32>,
        %add3A_277 = arith.constant 0 : i32
        %add3A_278 = arith.addi %add3A_277, %scan3A_225 : i32
        %get3A_279 = arith.constant 1 : i32
        %get3A_280 = arith.index_cast %get3A_279 : i32 to index
        %get3A_281 = arith.index_cast %add3A_278 : i32 to index
        %get3A_282 = arith.constant 32 : index
        %get3A_283 = tpu.vector_load %arg10[%get3A_280, %get3A_281, %get3A_282] {strides = array<i32>} : memref<2x128x64xi32, #tpu.memory_space<vmem>>, vector<1x1x16xi32>,
        %get3A_284 = vector.shape_cast %get3A_283 : vector<1x1x16xi32> to vector<16xi32>
        %shift_left3A_285 = arith.constant 16 : i32
        %shift_left3A_286 = vector.broadcast %shift_left3A_285 : i32 to vector<16xi32>
        %shift_left3A_287 = arith.shli %get3A_284, %shift_left3A_286 : vector<16xi32>
        %bitcast_convert_type3A_288 = tpu.bitcast %shift_left3A_287 : vector<16xi32> -> vector<16xf32>
        %and3A_289 = arith.andi %get3A_284, %broadcast_in_dim3A_16 : vector<16xi32>
        %bitcast_convert_type3A_290 = tpu.bitcast %and3A_289 : vector<16xi32> -> vector<16xf32>
        %swap3A_291 = arith.constant 0 : i32
        %swap3A_292 = arith.index_cast %swap3A_291 : i32 to index
        %swap3A_293 = arith.index_cast %scan3A_225 : i32 to index
        %swap3A_294 = arith.constant 32 : index
        %swap3A_295 = tpu.vector_load %arg11[%swap3A_292, %swap3A_293, %swap3A_294] {strides = array<i32>} : memref<2x64x128xf32, #tpu.memory_space<vmem>>, vector<1x1x16xf32>,
        %swap3A_296 = vector.shape_cast %swap3A_295 : vector<1x1x16xf32> to vector<16xf32>
        %swap3A_297 = vector.shape_cast %bitcast_convert_type3A_288 : vector<16xf32> to vector<1x1x16xf32>
        tpu.vector_store %arg11[%swap3A_292, %swap3A_293, %swap3A_294], %swap3A_297 {strides = array<i32>} : memref<2x64x128xf32, #tpu.memory_space<vmem>>, vector<1x1x16xf32>,
        %swap3A_298 = arith.constant 0 : i32
        %swap3A_299 = arith.index_cast %swap3A_298 : i32 to index
        %swap3A_300 = arith.index_cast %scan3A_225 : i32 to index
        %swap3A_301 = arith.constant 96 : index
        %swap3A_302 = tpu.vector_load %arg11[%swap3A_299, %swap3A_300, %swap3A_301] {strides = array<i32>} : memref<2x64x128xf32, #tpu.memory_space<vmem>>, vector<1x1x16xf32>,
        %swap3A_303 = vector.shape_cast %swap3A_302 : vector<1x1x16xf32> to vector<16xf32>
        %swap3A_304 = vector.shape_cast %bitcast_convert_type3A_290 : vector<16xf32> to vector<1x1x16xf32>
        tpu.vector_store %arg11[%swap3A_299, %swap3A_300, %swap3A_301], %swap3A_304 {strides = array<i32>} : memref<2x64x128xf32, #tpu.memory_space<vmem>>, vector<1x1x16xf32>,
        %add3A_305 = arith.constant 0 : i32
        %add3A_306 = arith.addi %add3A_305, %scan3A_225 : i32
        %get3A_307 = arith.constant 1 : i32
        %get3A_308 = arith.index_cast %get3A_307 : i32 to index
        %get3A_309 = arith.index_cast %add3A_306 : i32 to index
        %get3A_310 = arith.constant 48 : index
        %get3A_311 = tpu.vector_load %arg10[%get3A_308, %get3A_309, %get3A_310] {strides = array<i32>} : memref<2x128x64xi32, #tpu.memory_space<vmem>>, vector<1x1x16xi32>,
        %get3A_312 = vector.shape_cast %get3A_311 : vector<1x1x16xi32> to vector<16xi32>
        %shift_left3A_313 = arith.constant 16 : i32
        %shift_left3A_314 = vector.broadcast %shift_left3A_313 : i32 to vector<16xi32>
        %shift_left3A_315 = arith.shli %get3A_312, %shift_left3A_314 : vector<16xi32>
        %bitcast_convert_type3A_316 = tpu.bitcast %shift_left3A_315 : vector<16xi32> -> vector<16xf32>
        %and3A_317 = arith.andi %get3A_312, %broadcast_in_dim3A_16 : vector<16xi32>
        %bitcast_convert_type3A_318 = tpu.bitcast %and3A_317 : vector<16xi32> -> vector<16xf32>
        %swap3A_319 = arith.constant 0 : i32
        %swap3A_320 = arith.index_cast %swap3A_319 : i32 to index
        %swap3A_321 = arith.index_cast %scan3A_225 : i32 to index
        %swap3A_322 = arith.constant 48 : index
        %swap3A_323 = tpu.vector_load %arg11[%swap3A_320, %swap3A_321, %swap3A_322] {strides = array<i32>} : memref<2x64x128xf32, #tpu.memory_space<vmem>>, vector<1x1x16xf32>,
        %swap3A_324 = vector.shape_cast %swap3A_323 : vector<1x1x16xf32> to vector<16xf32>
        %swap3A_325 = vector.shape_cast %bitcast_convert_type3A_316 : vector<16xf32> to vector<1x1x16xf32>
        tpu.vector_store %arg11[%swap3A_320, %swap3A_321, %swap3A_322], %swap3A_325 {strides = array<i32>} : memref<2x64x128xf32, #tpu.memory_space<vmem>>, vector<1x1x16xf32>,
        %swap3A_326 = arith.constant 0 : i32
        %swap3A_327 = arith.index_cast %swap3A_326 : i32 to index
        %swap3A_328 = arith.index_cast %scan3A_225 : i32 to index
        %swap3A_329 = arith.constant 112 : index
        %swap3A_330 = tpu.vector_load %arg11[%swap3A_327, %swap3A_328, %swap3A_329] {strides = array<i32>} : memref<2x64x128xf32, #tpu.memory_space<vmem>>, vector<1x1x16xf32>,
        %swap3A_331 = vector.shape_cast %swap3A_330 : vector<1x1x16xf32> to vector<16xf32>
        %swap3A_332 = vector.shape_cast %bitcast_convert_type3A_318 : vector<16xf32> to vector<1x1x16xf32>
        tpu.vector_store %arg11[%swap3A_327, %swap3A_328, %swap3A_329], %swap3A_332 {strides = array<i32>} : memref<2x64x128xf32, #tpu.memory_space<vmem>>, vector<1x1x16xf32>,
      }
      %scan3A_191 = arith.constant 64 : i32
      %dma_start3A_192 = arith.constant 0 : i32
      %dma_start3A_193 = arith.constant 0 : i32
      %dma_start3A_194 = arith.constant 0 : i32
      %dma_start3A_195 = tpu.memref_slice %arg11[%dma_start3A_192, %dma_start3A_193, %dma_start3A_194] : memref<2x64x128xf32, #tpu.memory_space<vmem>> -> memref<1x64x128xf32, #tpu.memory_space<vmem>>
      %dma_start3A_196 = tpu.memref_squeeze %dma_start3A_195 : memref<1x64x128xf32, #tpu.memory_space<vmem>> -> memref<64x128xf32, #tpu.memory_space<vmem>>
      %dma_start3A_197 = arith.constant 0 : i32
      %dma_start3A_198 = tpu.memref_slice %arg9[%add3A_163, %dma_start3A_197] : memref<48x128xi32, #tpu.memory_space<vmem>> -> memref<1x64xi32, #tpu.memory_space<vmem>>
      %dma_start3A_199 = tpu.memref_squeeze %dma_start3A_198 : memref<1x64xi32, #tpu.memory_space<vmem>> -> memref<64xi32, #tpu.memory_space<vmem>>
      %dma_start3A_200 = arith.constant 0 : i32
      %dma_start3A_201 = arith.constant 0 : i32
      %dma_start3A_202 = tpu.memref_slice %arg7[%dma_start3A_200, %dma_start3A_201] : memref<10112x128xf32, #tpu.memory_space<vmem_shared>> -> memref<10112x128xf32, #tpu.memory_space<vmem_shared>>
      tpu.enqueue_indirect_dma source(%dma_start3A_196 : memref<64x128xf32, #tpu.memory_space<vmem>>) target(%dma_start3A_202 : memref<10112x128xf32, #tpu.memory_space<vmem_shared>>) offsets(%dma_start3A_199 : memref<64xi32, #tpu.memory_space<vmem>>) semaphore(%arg13 : memref<!tpu.dma_semaphore, #tpu.memory_space<semaphore_mem>>) {add = true}
      %gt3A_203 = arith.constant 0 : i32
      %gt3A_204 = arith.cmpi sgt, %add3A_163, %gt3A_203 : i32
      %convert_element_type3A_205 = arith.extui %gt3A_204 : i1 to i32
      %cond3A_206 = arith.constant 0 : i32
      %cond3A_207 = arith.cmpi ne, %convert_element_type3A_205, %cond3A_206 : i32
      scf.if %cond3A_207 {
        %dma_wait3A_225 = arith.constant 1 : i32
        %dma_wait3A_226 = arith.constant 0 : i32
        %dma_wait3A_227 = arith.constant 0 : i32
        %dma_wait3A_228 = arith.constant 0 : i32
        %dma_wait3A_229 = tpu.memref_slice %arg11[%dma_wait3A_225, %dma_wait3A_227, %dma_wait3A_228] : memref<2x64x128xf32, #tpu.memory_space<vmem>> -> memref<1x64x128xf32, #tpu.memory_space<vmem>>
        %dma_wait3A_230 = tpu.memref_squeeze %dma_wait3A_229 : memref<1x64x128xf32, #tpu.memory_space<vmem>> -> memref<64x128xf32, #tpu.memory_space<vmem>>
        %dma_wait3A_231 = arith.constant 0 : i32
        %dma_wait3A_232 = tpu.memref_slice %arg9[%dma_wait3A_226, %dma_wait3A_231] : memref<48x128xi32, #tpu.memory_space<vmem>> -> memref<1x64xi32, #tpu.memory_space<vmem>>
        %dma_wait3A_233 = tpu.memref_squeeze %dma_wait3A_232 : memref<1x64xi32, #tpu.memory_space<vmem>> -> memref<64xi32, #tpu.memory_space<vmem>>
        %dma_wait3A_234 = arith.constant 0 : i32
        %dma_wait3A_235 = arith.constant 0 : i32
        %dma_wait3A_236 = tpu.memref_slice %arg7[%dma_wait3A_234, %dma_wait3A_235] : memref<10112x128xf32, #tpu.memory_space<vmem_shared>> -> memref<10112x128xf32, #tpu.memory_space<vmem_shared>>
        tpu.wait_indirect_dma semaphore(%arg13 : memref<!tpu.dma_semaphore, #tpu.memory_space<semaphore_mem>>) src(%dma_wait3A_230 : memref<64x128xf32, #tpu.memory_space<vmem>>) dst(%dma_wait3A_236 : memref<10112x128xf32, #tpu.memory_space<vmem_shared>>)
      } else {
      }
      %scan3A_208 = arith.constant 0 : i32
      %scan3A_209 = arith.constant 0 : i32
      %scan3A_210 = arith.constant 64 : i32
      %scan3A_211 = arith.addi %scan3A_209, %scan3A_210 : i32
      %scan3A_212 = arith.constant 1 : i32
      scf.for %scan3A_225 = %scan3A_209 to %scan3A_211 step %scan3A_212  : i32 {
        %add3A_226 = arith.constant 64 : i32
        %add3A_227 = arith.addi %add3A_226, %scan3A_225 : i32
        %get3A = arith.constant 1 : i32
        %get3A_228 = arith.index_cast %get3A : i32 to index
        %get3A_229 = arith.index_cast %add3A_227 : i32 to index
        %get3A_230 = arith.constant 0 : index
        %get3A_231 = tpu.vector_load %arg10[%get3A_228, %get3A_229, %get3A_230] {strides = array<i32>} : memref<2x128x64xi32, #tpu.memory_space<vmem>>, vector<1x1x16xi32>,
        %get3A_232 = vector.shape_cast %get3A_231 : vector<1x1x16xi32> to vector<16xi32>
        %shift_left3A = arith.constant 16 : i32
        %shift_left3A_233 = vector.broadcast %shift_left3A : i32 to vector<16xi32>
        %shift_left3A_234 = arith.shli %get3A_232, %shift_left3A_233 : vector<16xi32>
        %bitcast_convert_type3A = tpu.bitcast %shift_left3A_234 : vector<16xi32> -> vector<16xf32>
        %and3A = arith.andi %get3A_232, %broadcast_in_dim3A_16 : vector<16xi32>
        %bitcast_convert_type3A_235 = tpu.bitcast %and3A : vector<16xi32> -> vector<16xf32>
        %swap3A = arith.constant 1 : i32
        %swap3A_236 = arith.index_cast %swap3A : i32 to index
        %swap3A_237 = arith.index_cast %scan3A_225 : i32 to index
        %swap3A_238 = arith.constant 0 : index
        %swap3A_239 = tpu.vector_load %arg11[%swap3A_236, %swap3A_237, %swap3A_238] {strides = array<i32>} : memref<2x64x128xf32, #tpu.memory_space<vmem>>, vector<1x1x16xf32>,
        %swap3A_240 = vector.shape_cast %swap3A_239 : vector<1x1x16xf32> to vector<16xf32>
        %swap3A_241 = vector.shape_cast %bitcast_convert_type3A : vector<16xf32> to vector<1x1x16xf32>
        tpu.vector_store %arg11[%swap3A_236, %swap3A_237, %swap3A_238], %swap3A_241 {strides = array<i32>} : memref<2x64x128xf32, #tpu.memory_space<vmem>>, vector<1x1x16xf32>,
        %swap3A_242 = arith.constant 1 : i32
        %swap3A_243 = arith.index_cast %swap3A_242 : i32 to index
        %swap3A_244 = arith.index_cast %scan3A_225 : i32 to index
        %swap3A_245 = arith.constant 64 : index
        %swap3A_246 = tpu.vector_load %arg11[%swap3A_243, %swap3A_244, %swap3A_245] {strides = array<i32>} : memref<2x64x128xf32, #tpu.memory_space<vmem>>, vector<1x1x16xf32>,
        %swap3A_247 = vector.shape_cast %swap3A_246 : vector<1x1x16xf32> to vector<16xf32>
        %swap3A_248 = vector.shape_cast %bitcast_convert_type3A_235 : vector<16xf32> to vector<1x1x16xf32>
        tpu.vector_store %arg11[%swap3A_243, %swap3A_244, %swap3A_245], %swap3A_248 {strides = array<i32>} : memref<2x64x128xf32, #tpu.memory_space<vmem>>, vector<1x1x16xf32>,
        %add3A_249 = arith.constant 64 : i32
        %add3A_250 = arith.addi %add3A_249, %scan3A_225 : i32
        %get3A_251 = arith.constant 1 : i32
        %get3A_252 = arith.index_cast %get3A_251 : i32 to index
        %get3A_253 = arith.index_cast %add3A_250 : i32 to index
        %get3A_254 = arith.constant 16 : index
        %get3A_255 = tpu.vector_load %arg10[%get3A_252, %get3A_253, %get3A_254] {strides = array<i32>} : memref<2x128x64xi32, #tpu.memory_space<vmem>>, vector<1x1x16xi32>,
        %get3A_256 = vector.shape_cast %get3A_255 : vector<1x1x16xi32> to vector<16xi32>
        %shift_left3A_257 = arith.constant 16 : i32
        %shift_left3A_258 = vector.broadcast %shift_left3A_257 : i32 to vector<16xi32>
        %shift_left3A_259 = arith.shli %get3A_256, %shift_left3A_258 : vector<16xi32>
        %bitcast_convert_type3A_260 = tpu.bitcast %shift_left3A_259 : vector<16xi32> -> vector<16xf32>
        %and3A_261 = arith.andi %get3A_256, %broadcast_in_dim3A_16 : vector<16xi32>
        %bitcast_convert_type3A_262 = tpu.bitcast %and3A_261 : vector<16xi32> -> vector<16xf32>
        %swap3A_263 = arith.constant 1 : i32
        %swap3A_264 = arith.index_cast %swap3A_263 : i32 to index
        %swap3A_265 = arith.index_cast %scan3A_225 : i32 to index
        %swap3A_266 = arith.constant 16 : index
        %swap3A_267 = tpu.vector_load %arg11[%swap3A_264, %swap3A_265, %swap3A_266] {strides = array<i32>} : memref<2x64x128xf32, #tpu.memory_space<vmem>>, vector<1x1x16xf32>,
        %swap3A_268 = vector.shape_cast %swap3A_267 : vector<1x1x16xf32> to vector<16xf32>
        %swap3A_269 = vector.shape_cast %bitcast_convert_type3A_260 : vector<16xf32> to vector<1x1x16xf32>
        tpu.vector_store %arg11[%swap3A_264, %swap3A_265, %swap3A_266], %swap3A_269 {strides = array<i32>} : memref<2x64x128xf32, #tpu.memory_space<vmem>>, vector<1x1x16xf32>,
        %swap3A_270 = arith.constant 1 : i32
        %swap3A_271 = arith.index_cast %swap3A_270 : i32 to index
        %swap3A_272 = arith.index_cast %scan3A_225 : i32 to index
        %swap3A_273 = arith.constant 80 : index
        %swap3A_274 = tpu.vector_load %arg11[%swap3A_271, %swap3A_272, %swap3A_273] {strides = array<i32>} : memref<2x64x128xf32, #tpu.memory_space<vmem>>, vector<1x1x16xf32>,
        %swap3A_275 = vector.shape_cast %swap3A_274 : vector<1x1x16xf32> to vector<16xf32>
        %swap3A_276 = vector.shape_cast %bitcast_convert_type3A_262 : vector<16xf32> to vector<1x1x16xf32>
        tpu.vector_store %arg11[%swap3A_271, %swap3A_272, %swap3A_273], %swap3A_276 {strides = array<i32>} : memref<2x64x128xf32, #tpu.memory_space<vmem>>, vector<1x1x16xf32>,
        %add3A_277 = arith.constant 64 : i32
        %add3A_278 = arith.addi %add3A_277, %scan3A_225 : i32
        %get3A_279 = arith.constant 1 : i32
        %get3A_280 = arith.index_cast %get3A_279 : i32 to index
        %get3A_281 = arith.index_cast %add3A_278 : i32 to index
        %get3A_282 = arith.constant 32 : index
        %get3A_283 = tpu.vector_load %arg10[%get3A_280, %get3A_281, %get3A_282] {strides = array<i32>} : memref<2x128x64xi32, #tpu.memory_space<vmem>>, vector<1x1x16xi32>,
        %get3A_284 = vector.shape_cast %get3A_283 : vector<1x1x16xi32> to vector<16xi32>
        %shift_left3A_285 = arith.constant 16 : i32
        %shift_left3A_286 = vector.broadcast %shift_left3A_285 : i32 to vector<16xi32>
        %shift_left3A_287 = arith.shli %get3A_284, %shift_left3A_286 : vector<16xi32>
        %bitcast_convert_type3A_288 = tpu.bitcast %shift_left3A_287 : vector<16xi32> -> vector<16xf32>
        %and3A_289 = arith.andi %get3A_284, %broadcast_in_dim3A_16 : vector<16xi32>
        %bitcast_convert_type3A_290 = tpu.bitcast %and3A_289 : vector<16xi32> -> vector<16xf32>
        %swap3A_291 = arith.constant 1 : i32
        %swap3A_292 = arith.index_cast %swap3A_291 : i32 to index
        %swap3A_293 = arith.index_cast %scan3A_225 : i32 to index
        %swap3A_294 = arith.constant 32 : index
        %swap3A_295 = tpu.vector_load %arg11[%swap3A_292, %swap3A_293, %swap3A_294] {strides = array<i32>} : memref<2x64x128xf32, #tpu.memory_space<vmem>>, vector<1x1x16xf32>,
        %swap3A_296 = vector.shape_cast %swap3A_295 : vector<1x1x16xf32> to vector<16xf32>
        %swap3A_297 = vector.shape_cast %bitcast_convert_type3A_288 : vector<16xf32> to vector<1x1x16xf32>
        tpu.vector_store %arg11[%swap3A_292, %swap3A_293, %swap3A_294], %swap3A_297 {strides = array<i32>} : memref<2x64x128xf32, #tpu.memory_space<vmem>>, vector<1x1x16xf32>,
        %swap3A_298 = arith.constant 1 : i32
        %swap3A_299 = arith.index_cast %swap3A_298 : i32 to index
        %swap3A_300 = arith.index_cast %scan3A_225 : i32 to index
        %swap3A_301 = arith.constant 96 : index
        %swap3A_302 = tpu.vector_load %arg11[%swap3A_299, %swap3A_300, %swap3A_301] {strides = array<i32>} : memref<2x64x128xf32, #tpu.memory_space<vmem>>, vector<1x1x16xf32>,
        %swap3A_303 = vector.shape_cast %swap3A_302 : vector<1x1x16xf32> to vector<16xf32>
        %swap3A_304 = vector.shape_cast %bitcast_convert_type3A_290 : vector<16xf32> to vector<1x1x16xf32>
        tpu.vector_store %arg11[%swap3A_299, %swap3A_300, %swap3A_301], %swap3A_304 {strides = array<i32>} : memref<2x64x128xf32, #tpu.memory_space<vmem>>, vector<1x1x16xf32>,
        %add3A_305 = arith.constant 64 : i32
        %add3A_306 = arith.addi %add3A_305, %scan3A_225 : i32
        %get3A_307 = arith.constant 1 : i32
        %get3A_308 = arith.index_cast %get3A_307 : i32 to index
        %get3A_309 = arith.index_cast %add3A_306 : i32 to index
        %get3A_310 = arith.constant 48 : index
        %get3A_311 = tpu.vector_load %arg10[%get3A_308, %get3A_309, %get3A_310] {strides = array<i32>} : memref<2x128x64xi32, #tpu.memory_space<vmem>>, vector<1x1x16xi32>,
        %get3A_312 = vector.shape_cast %get3A_311 : vector<1x1x16xi32> to vector<16xi32>
        %shift_left3A_313 = arith.constant 16 : i32
        %shift_left3A_314 = vector.broadcast %shift_left3A_313 : i32 to vector<16xi32>
        %shift_left3A_315 = arith.shli %get3A_312, %shift_left3A_314 : vector<16xi32>
        %bitcast_convert_type3A_316 = tpu.bitcast %shift_left3A_315 : vector<16xi32> -> vector<16xf32>
        %and3A_317 = arith.andi %get3A_312, %broadcast_in_dim3A_16 : vector<16xi32>
        %bitcast_convert_type3A_318 = tpu.bitcast %and3A_317 : vector<16xi32> -> vector<16xf32>
        %swap3A_319 = arith.constant 1 : i32
        %swap3A_320 = arith.index_cast %swap3A_319 : i32 to index
        %swap3A_321 = arith.index_cast %scan3A_225 : i32 to index
        %swap3A_322 = arith.constant 48 : index
        %swap3A_323 = tpu.vector_load %arg11[%swap3A_320, %swap3A_321, %swap3A_322] {strides = array<i32>} : memref<2x64x128xf32, #tpu.memory_space<vmem>>, vector<1x1x16xf32>,
        %swap3A_324 = vector.shape_cast %swap3A_323 : vector<1x1x16xf32> to vector<16xf32>
        %swap3A_325 = vector.shape_cast %bitcast_convert_type3A_316 : vector<16xf32> to vector<1x1x16xf32>
        tpu.vector_store %arg11[%swap3A_320, %swap3A_321, %swap3A_322], %swap3A_325 {strides = array<i32>} : memref<2x64x128xf32, #tpu.memory_space<vmem>>, vector<1x1x16xf32>,
        %swap3A_326 = arith.constant 1 : i32
        %swap3A_327 = arith.index_cast %swap3A_326 : i32 to index
        %swap3A_328 = arith.index_cast %scan3A_225 : i32 to index
        %swap3A_329 = arith.constant 112 : index
        %swap3A_330 = tpu.vector_load %arg11[%swap3A_327, %swap3A_328, %swap3A_329] {strides = array<i32>} : memref<2x64x128xf32, #tpu.memory_space<vmem>>, vector<1x1x16xf32>,
        %swap3A_331 = vector.shape_cast %swap3A_330 : vector<1x1x16xf32> to vector<16xf32>
        %swap3A_332 = vector.shape_cast %bitcast_convert_type3A_318 : vector<16xf32> to vector<1x1x16xf32>
        tpu.vector_store %arg11[%swap3A_327, %swap3A_328, %swap3A_329], %swap3A_332 {strides = array<i32>} : memref<2x64x128xf32, #tpu.memory_space<vmem>>, vector<1x1x16xf32>,
      }
      %scan3A_213 = arith.constant 64 : i32
      %dma_start3A_214 = arith.constant 1 : i32
      %dma_start3A_215 = arith.constant 0 : i32
      %dma_start3A_216 = arith.constant 0 : i32
      %dma_start3A_217 = tpu.memref_slice %arg11[%dma_start3A_214, %dma_start3A_215, %dma_start3A_216] : memref<2x64x128xf32, #tpu.memory_space<vmem>> -> memref<1x64x128xf32, #tpu.memory_space<vmem>>
      %dma_start3A_218 = tpu.memref_squeeze %dma_start3A_217 : memref<1x64x128xf32, #tpu.memory_space<vmem>> -> memref<64x128xf32, #tpu.memory_space<vmem>>
      %dma_start3A_219 = arith.constant 64 : i32
      %dma_start3A_220 = tpu.memref_slice %arg9[%add3A_163, %dma_start3A_219] : memref<48x128xi32, #tpu.memory_space<vmem>> -> memref<1x64xi32, #tpu.memory_space<vmem>>
      %dma_start3A_221 = tpu.memref_squeeze %dma_start3A_220 : memref<1x64xi32, #tpu.memory_space<vmem>> -> memref<64xi32, #tpu.memory_space<vmem>>
      %dma_start3A_222 = arith.constant 0 : i32
      %dma_start3A_223 = arith.constant 0 : i32
      %dma_start3A_224 = tpu.memref_slice %arg7[%dma_start3A_222, %dma_start3A_223] : memref<10112x128xf32, #tpu.memory_space<vmem_shared>> -> memref<10112x128xf32, #tpu.memory_space<vmem_shared>>
      tpu.enqueue_indirect_dma source(%dma_start3A_218 : memref<64x128xf32, #tpu.memory_space<vmem>>) target(%dma_start3A_224 : memref<10112x128xf32, #tpu.memory_space<vmem_shared>>) offsets(%dma_start3A_221 : memref<64xi32, #tpu.memory_space<vmem>>) semaphore(%arg13 : memref<!tpu.dma_semaphore, #tpu.memory_space<semaphore_mem>>) {add = true}
    }
    %while3A_39 = arith.constant 1 : i32
    scf.for %while3A_96 = %while3A_37 to %while3A_33 step %while3A_39  : i32 {
      %mul3A_97 = arith.constant 2 : i32
      %mul3A_98 = arith.muli %mul3A_97, %while3A_96 : i32
      %add3A_99 = arith.constant 0 : i32
      %add3A_100 = arith.addi %mul3A_98, %add3A_99 : i32
      %dma_wait3A_101 = arith.constant 0 : i32
      %dma_wait3A_102 = arith.constant 0 : i32
      %dma_wait3A_103 = arith.constant 0 : i32
      %dma_wait3A_104 = tpu.memref_slice %arg10[%dma_wait3A_101, %dma_wait3A_102, %dma_wait3A_103] : memref<2x128x64xi32, #tpu.memory_space<vmem>> -> memref<1x128x64xi32, #tpu.memory_space<vmem>>
      %dma_wait3A_105 = tpu.memref_squeeze %dma_wait3A_104 : memref<1x128x64xi32, #tpu.memory_space<vmem>> -> memref<128x64xi32, #tpu.memory_space<vmem>>
      %dma_wait3A_106 = arith.constant 0 : i32
      %dma_wait3A_107 = tpu.memref_slice %arg8[%add3A_100, %dma_wait3A_106] : memref<48x128xi32, #tpu.memory_space<vmem>> -> memref<1x128xi32, #tpu.memory_space<vmem>>
      %dma_wait3A_108 = tpu.memref_squeeze %dma_wait3A_107 : memref<1x128xi32, #tpu.memory_space<vmem>> -> memref<128xi32, #tpu.memory_space<vmem>>
      %dma_wait3A_109 = arith.constant 0 : i32
      %dma_wait3A_110 = arith.constant 0 : i32
      %dma_wait3A_111 = tpu.memref_slice %arg2[%dma_wait3A_109, %dma_wait3A_110] : memref<10000x64xi32, #tpu.memory_space<hbm>> -> memref<10000x64xi32, #tpu.memory_space<hbm>>
      tpu.wait_indirect_dma semaphore(%arg12 : memref<!tpu.dma_semaphore, #tpu.memory_space<semaphore_mem>>) src(%dma_wait3A_111 : memref<10000x64xi32, #tpu.memory_space<hbm>>) dst(%dma_wait3A_105 : memref<128x64xi32, #tpu.memory_space<vmem>>)
      %add3A_112 = arith.constant 1 : i32
      %add3A_113 = arith.addi %add3A_100, %add3A_112 : i32
      %lt3A_114 = arith.cmpi slt, %add3A_113, %select_n3A_8 : i32
      %convert_element_type3A_115 = arith.extui %lt3A_114 : i1 to i32
      %cond3A_116 = arith.constant 0 : i32
      %cond3A_117 = arith.cmpi ne, %convert_element_type3A_115, %cond3A_116 : i32
      scf.if %cond3A_117 {
        %add3A_225 = arith.constant 1 : i32
        %add3A_226 = arith.addi %add3A_100, %add3A_225 : i32
        %dma_start3A_227 = arith.constant 1 : i32
        %dma_start3A_228 = arith.constant 0 : i32
        %dma_start3A_229 = arith.constant 0 : i32
        %dma_start3A_230 = tpu.memref_slice %arg10[%dma_start3A_227, %dma_start3A_228, %dma_start3A_229] : memref<2x128x64xi32, #tpu.memory_space<vmem>> -> memref<1x128x64xi32, #tpu.memory_space<vmem>>
        %dma_start3A_231 = tpu.memref_squeeze %dma_start3A_230 : memref<1x128x64xi32, #tpu.memory_space<vmem>> -> memref<128x64xi32, #tpu.memory_space<vmem>>
        %dma_start3A_232 = arith.constant 0 : i32
        %dma_start3A_233 = tpu.memref_slice %arg8[%add3A_226, %dma_start3A_232] : memref<48x128xi32, #tpu.memory_space<vmem>> -> memref<1x128xi32, #tpu.memory_space<vmem>>
        %dma_start3A_234 = tpu.memref_squeeze %dma_start3A_233 : memref<1x128xi32, #tpu.memory_space<vmem>> -> memref<128xi32, #tpu.memory_space<vmem>>
        %dma_start3A_235 = arith.constant 0 : i32
        %dma_start3A_236 = arith.constant 0 : i32
        %dma_start3A_237 = tpu.memref_slice %arg2[%dma_start3A_235, %dma_start3A_236] : memref<10000x64xi32, #tpu.memory_space<hbm>> -> memref<10000x64xi32, #tpu.memory_space<hbm>>
        tpu.enqueue_indirect_dma source(%dma_start3A_237 : memref<10000x64xi32, #tpu.memory_space<hbm>>) target(%dma_start3A_231 : memref<128x64xi32, #tpu.memory_space<vmem>>) offsets(%dma_start3A_234 : memref<128xi32, #tpu.memory_space<vmem>>) semaphore(%arg12 : memref<!tpu.dma_semaphore, #tpu.memory_space<semaphore_mem>>)
      } else {
      }
      %gt3A = arith.constant 0 : i32
      %gt3A_118 = arith.cmpi sgt, %add3A_100, %gt3A : i32
      %convert_element_type3A_119 = arith.extui %gt3A_118 : i1 to i32
      %cond3A_120 = arith.constant 0 : i32
      %cond3A_121 = arith.cmpi ne, %convert_element_type3A_119, %cond3A_120 : i32
      scf.if %cond3A_121 {
        %dma_wait3A_225 = arith.constant 0 : i32
        %dma_wait3A_226 = arith.constant 0 : i32
        %dma_wait3A_227 = arith.constant 0 : i32
        %dma_wait3A_228 = arith.constant 0 : i32
        %dma_wait3A_229 = tpu.memref_slice %arg11[%dma_wait3A_225, %dma_wait3A_227, %dma_wait3A_228] : memref<2x64x128xf32, #tpu.memory_space<vmem>> -> memref<1x64x128xf32, #tpu.memory_space<vmem>>
        %dma_wait3A_230 = tpu.memref_squeeze %dma_wait3A_229 : memref<1x64x128xf32, #tpu.memory_space<vmem>> -> memref<64x128xf32, #tpu.memory_space<vmem>>
        %dma_wait3A_231 = arith.constant 0 : i32
        %dma_wait3A_232 = tpu.memref_slice %arg9[%dma_wait3A_226, %dma_wait3A_231] : memref<48x128xi32, #tpu.memory_space<vmem>> -> memref<1x64xi32, #tpu.memory_space<vmem>>
        %dma_wait3A_233 = tpu.memref_squeeze %dma_wait3A_232 : memref<1x64xi32, #tpu.memory_space<vmem>> -> memref<64xi32, #tpu.memory_space<vmem>>
        %dma_wait3A_234 = arith.constant 0 : i32
        %dma_wait3A_235 = arith.constant 0 : i32
        %dma_wait3A_236 = tpu.memref_slice %arg7[%dma_wait3A_234, %dma_wait3A_235] : memref<10112x128xf32, #tpu.memory_space<vmem_shared>> -> memref<10112x128xf32, #tpu.memory_space<vmem_shared>>
        tpu.wait_indirect_dma semaphore(%arg13 : memref<!tpu.dma_semaphore, #tpu.memory_space<semaphore_mem>>) src(%dma_wait3A_230 : memref<64x128xf32, #tpu.memory_space<vmem>>) dst(%dma_wait3A_236 : memref<10112x128xf32, #tpu.memory_space<vmem_shared>>)
      } else {
      }
      %scan3A = arith.constant 0 : i32
      %scan3A_122 = arith.constant 0 : i32
      %scan3A_123 = arith.constant 64 : i32
      %scan3A_124 = arith.addi %scan3A_122, %scan3A_123 : i32
      %scan3A_125 = arith.constant 1 : i32
      scf.for %scan3A_225 = %scan3A_122 to %scan3A_124 step %scan3A_125  : i32 {
        %add3A_226 = arith.constant 0 : i32
        %add3A_227 = arith.addi %add3A_226, %scan3A_225 : i32
        %get3A = arith.constant 0 : i32
        %get3A_228 = arith.index_cast %get3A : i32 to index
        %get3A_229 = arith.index_cast %add3A_227 : i32 to index
        %get3A_230 = arith.constant 0 : index
        %get3A_231 = tpu.vector_load %arg10[%get3A_228, %get3A_229, %get3A_230] {strides = array<i32>} : memref<2x128x64xi32, #tpu.memory_space<vmem>>, vector<1x1x16xi32>,
        %get3A_232 = vector.shape_cast %get3A_231 : vector<1x1x16xi32> to vector<16xi32>
        %shift_left3A = arith.constant 16 : i32
        %shift_left3A_233 = vector.broadcast %shift_left3A : i32 to vector<16xi32>
        %shift_left3A_234 = arith.shli %get3A_232, %shift_left3A_233 : vector<16xi32>
        %bitcast_convert_type3A = tpu.bitcast %shift_left3A_234 : vector<16xi32> -> vector<16xf32>
        %and3A = arith.andi %get3A_232, %broadcast_in_dim3A_16 : vector<16xi32>
        %bitcast_convert_type3A_235 = tpu.bitcast %and3A : vector<16xi32> -> vector<16xf32>
        %swap3A = arith.constant 0 : i32
        %swap3A_236 = arith.index_cast %swap3A : i32 to index
        %swap3A_237 = arith.index_cast %scan3A_225 : i32 to index
        %swap3A_238 = arith.constant 0 : index
        %swap3A_239 = tpu.vector_load %arg11[%swap3A_236, %swap3A_237, %swap3A_238] {strides = array<i32>} : memref<2x64x128xf32, #tpu.memory_space<vmem>>, vector<1x1x16xf32>,
        %swap3A_240 = vector.shape_cast %swap3A_239 : vector<1x1x16xf32> to vector<16xf32>
        %swap3A_241 = vector.shape_cast %bitcast_convert_type3A : vector<16xf32> to vector<1x1x16xf32>
        tpu.vector_store %arg11[%swap3A_236, %swap3A_237, %swap3A_238], %swap3A_241 {strides = array<i32>} : memref<2x64x128xf32, #tpu.memory_space<vmem>>, vector<1x1x16xf32>,
        %swap3A_242 = arith.constant 0 : i32
        %swap3A_243 = arith.index_cast %swap3A_242 : i32 to index
        %swap3A_244 = arith.index_cast %scan3A_225 : i32 to index
        %swap3A_245 = arith.constant 64 : index
        %swap3A_246 = tpu.vector_load %arg11[%swap3A_243, %swap3A_244, %swap3A_245] {strides = array<i32>} : memref<2x64x128xf32, #tpu.memory_space<vmem>>, vector<1x1x16xf32>,
        %swap3A_247 = vector.shape_cast %swap3A_246 : vector<1x1x16xf32> to vector<16xf32>
        %swap3A_248 = vector.shape_cast %bitcast_convert_type3A_235 : vector<16xf32> to vector<1x1x16xf32>
        tpu.vector_store %arg11[%swap3A_243, %swap3A_244, %swap3A_245], %swap3A_248 {strides = array<i32>} : memref<2x64x128xf32, #tpu.memory_space<vmem>>, vector<1x1x16xf32>,
        %add3A_249 = arith.constant 0 : i32
        %add3A_250 = arith.addi %add3A_249, %scan3A_225 : i32
        %get3A_251 = arith.constant 0 : i32
        %get3A_252 = arith.index_cast %get3A_251 : i32 to index
        %get3A_253 = arith.index_cast %add3A_250 : i32 to index
        %get3A_254 = arith.constant 16 : index
        %get3A_255 = tpu.vector_load %arg10[%get3A_252, %get3A_253, %get3A_254] {strides = array<i32>} : memref<2x128x64xi32, #tpu.memory_space<vmem>>, vector<1x1x16xi32>,
        %get3A_256 = vector.shape_cast %get3A_255 : vector<1x1x16xi32> to vector<16xi32>
        %shift_left3A_257 = arith.constant 16 : i32
        %shift_left3A_258 = vector.broadcast %shift_left3A_257 : i32 to vector<16xi32>
        %shift_left3A_259 = arith.shli %get3A_256, %shift_left3A_258 : vector<16xi32>
        %bitcast_convert_type3A_260 = tpu.bitcast %shift_left3A_259 : vector<16xi32> -> vector<16xf32>
        %and3A_261 = arith.andi %get3A_256, %broadcast_in_dim3A_16 : vector<16xi32>
        %bitcast_convert_type3A_262 = tpu.bitcast %and3A_261 : vector<16xi32> -> vector<16xf32>
        %swap3A_263 = arith.constant 0 : i32
        %swap3A_264 = arith.index_cast %swap3A_263 : i32 to index
        %swap3A_265 = arith.index_cast %scan3A_225 : i32 to index
        %swap3A_266 = arith.constant 16 : index
        %swap3A_267 = tpu.vector_load %arg11[%swap3A_264, %swap3A_265, %swap3A_266] {strides = array<i32>} : memref<2x64x128xf32, #tpu.memory_space<vmem>>, vector<1x1x16xf32>,
        %swap3A_268 = vector.shape_cast %swap3A_267 : vector<1x1x16xf32> to vector<16xf32>
        %swap3A_269 = vector.shape_cast %bitcast_convert_type3A_260 : vector<16xf32> to vector<1x1x16xf32>
        tpu.vector_store %arg11[%swap3A_264, %swap3A_265, %swap3A_266], %swap3A_269 {strides = array<i32>} : memref<2x64x128xf32, #tpu.memory_space<vmem>>, vector<1x1x16xf32>,
        %swap3A_270 = arith.constant 0 : i32
        %swap3A_271 = arith.index_cast %swap3A_270 : i32 to index
        %swap3A_272 = arith.index_cast %scan3A_225 : i32 to index
        %swap3A_273 = arith.constant 80 : index
        %swap3A_274 = tpu.vector_load %arg11[%swap3A_271, %swap3A_272, %swap3A_273] {strides = array<i32>} : memref<2x64x128xf32, #tpu.memory_space<vmem>>, vector<1x1x16xf32>,
        %swap3A_275 = vector.shape_cast %swap3A_274 : vector<1x1x16xf32> to vector<16xf32>
        %swap3A_276 = vector.shape_cast %bitcast_convert_type3A_262 : vector<16xf32> to vector<1x1x16xf32>
        tpu.vector_store %arg11[%swap3A_271, %swap3A_272, %swap3A_273], %swap3A_276 {strides = array<i32>} : memref<2x64x128xf32, #tpu.memory_space<vmem>>, vector<1x1x16xf32>,
        %add3A_277 = arith.constant 0 : i32
        %add3A_278 = arith.addi %add3A_277, %scan3A_225 : i32
        %get3A_279 = arith.constant 0 : i32
        %get3A_280 = arith.index_cast %get3A_279 : i32 to index
        %get3A_281 = arith.index_cast %add3A_278 : i32 to index
        %get3A_282 = arith.constant 32 : index
        %get3A_283 = tpu.vector_load %arg10[%get3A_280, %get3A_281, %get3A_282] {strides = array<i32>} : memref<2x128x64xi32, #tpu.memory_space<vmem>>, vector<1x1x16xi32>,
        %get3A_284 = vector.shape_cast %get3A_283 : vector<1x1x16xi32> to vector<16xi32>
        %shift_left3A_285 = arith.constant 16 : i32
        %shift_left3A_286 = vector.broadcast %shift_left3A_285 : i32 to vector<16xi32>
        %shift_left3A_287 = arith.shli %get3A_284, %shift_left3A_286 : vector<16xi32>
        %bitcast_convert_type3A_288 = tpu.bitcast %shift_left3A_287 : vector<16xi32> -> vector<16xf32>
        %and3A_289 = arith.andi %get3A_284, %broadcast_in_dim3A_16 : vector<16xi32>
        %bitcast_convert_type3A_290 = tpu.bitcast %and3A_289 : vector<16xi32> -> vector<16xf32>
        %swap3A_291 = arith.constant 0 : i32
        %swap3A_292 = arith.index_cast %swap3A_291 : i32 to index
        %swap3A_293 = arith.index_cast %scan3A_225 : i32 to index
        %swap3A_294 = arith.constant 32 : index
        %swap3A_295 = tpu.vector_load %arg11[%swap3A_292, %swap3A_293, %swap3A_294] {strides = array<i32>} : memref<2x64x128xf32, #tpu.memory_space<vmem>>, vector<1x1x16xf32>,
        %swap3A_296 = vector.shape_cast %swap3A_295 : vector<1x1x16xf32> to vector<16xf32>
        %swap3A_297 = vector.shape_cast %bitcast_convert_type3A_288 : vector<16xf32> to vector<1x1x16xf32>
        tpu.vector_store %arg11[%swap3A_292, %swap3A_293, %swap3A_294], %swap3A_297 {strides = array<i32>} : memref<2x64x128xf32, #tpu.memory_space<vmem>>, vector<1x1x16xf32>,
        %swap3A_298 = arith.constant 0 : i32
        %swap3A_299 = arith.index_cast %swap3A_298 : i32 to index
        %swap3A_300 = arith.index_cast %scan3A_225 : i32 to index
        %swap3A_301 = arith.constant 96 : index
        %swap3A_302 = tpu.vector_load %arg11[%swap3A_299, %swap3A_300, %swap3A_301] {strides = array<i32>} : memref<2x64x128xf32, #tpu.memory_space<vmem>>, vector<1x1x16xf32>,
        %swap3A_303 = vector.shape_cast %swap3A_302 : vector<1x1x16xf32> to vector<16xf32>
        %swap3A_304 = vector.shape_cast %bitcast_convert_type3A_290 : vector<16xf32> to vector<1x1x16xf32>
        tpu.vector_store %arg11[%swap3A_299, %swap3A_300, %swap3A_301], %swap3A_304 {strides = array<i32>} : memref<2x64x128xf32, #tpu.memory_space<vmem>>, vector<1x1x16xf32>,
        %add3A_305 = arith.constant 0 : i32
        %add3A_306 = arith.addi %add3A_305, %scan3A_225 : i32
        %get3A_307 = arith.constant 0 : i32
        %get3A_308 = arith.index_cast %get3A_307 : i32 to index
        %get3A_309 = arith.index_cast %add3A_306 : i32 to index
        %get3A_310 = arith.constant 48 : index
        %get3A_311 = tpu.vector_load %arg10[%get3A_308, %get3A_309, %get3A_310] {strides = array<i32>} : memref<2x128x64xi32, #tpu.memory_space<vmem>>, vector<1x1x16xi32>,
        %get3A_312 = vector.shape_cast %get3A_311 : vector<1x1x16xi32> to vector<16xi32>
        %shift_left3A_313 = arith.constant 16 : i32
        %shift_left3A_314 = vector.broadcast %shift_left3A_313 : i32 to vector<16xi32>
        %shift_left3A_315 = arith.shli %get3A_312, %shift_left3A_314 : vector<16xi32>
        %bitcast_convert_type3A_316 = tpu.bitcast %shift_left3A_315 : vector<16xi32> -> vector<16xf32>
        %and3A_317 = arith.andi %get3A_312, %broadcast_in_dim3A_16 : vector<16xi32>
        %bitcast_convert_type3A_318 = tpu.bitcast %and3A_317 : vector<16xi32> -> vector<16xf32>
        %swap3A_319 = arith.constant 0 : i32
        %swap3A_320 = arith.index_cast %swap3A_319 : i32 to index
        %swap3A_321 = arith.index_cast %scan3A_225 : i32 to index
        %swap3A_322 = arith.constant 48 : index
        %swap3A_323 = tpu.vector_load %arg11[%swap3A_320, %swap3A_321, %swap3A_322] {strides = array<i32>} : memref<2x64x128xf32, #tpu.memory_space<vmem>>, vector<1x1x16xf32>,
        %swap3A_324 = vector.shape_cast %swap3A_323 : vector<1x1x16xf32> to vector<16xf32>
        %swap3A_325 = vector.shape_cast %bitcast_convert_type3A_316 : vector<16xf32> to vector<1x1x16xf32>
        tpu.vector_store %arg11[%swap3A_320, %swap3A_321, %swap3A_322], %swap3A_325 {strides = array<i32>} : memref<2x64x128xf32, #tpu.memory_space<vmem>>, vector<1x1x16xf32>,
        %swap3A_326 = arith.constant 0 : i32
        %swap3A_327 = arith.index_cast %swap3A_326 : i32 to index
        %swap3A_328 = arith.index_cast %scan3A_225 : i32 to index
        %swap3A_329 = arith.constant 112 : index
        %swap3A_330 = tpu.vector_load %arg11[%swap3A_327, %swap3A_328, %swap3A_329] {strides = array<i32>} : memref<2x64x128xf32, #tpu.memory_space<vmem>>, vector<1x1x16xf32>,
        %swap3A_331 = vector.shape_cast %swap3A_330 : vector<1x1x16xf32> to vector<16xf32>
        %swap3A_332 = vector.shape_cast %bitcast_convert_type3A_318 : vector<16xf32> to vector<1x1x16xf32>
        tpu.vector_store %arg11[%swap3A_327, %swap3A_328, %swap3A_329], %swap3A_332 {strides = array<i32>} : memref<2x64x128xf32, #tpu.memory_space<vmem>>, vector<1x1x16xf32>,
      }
      %scan3A_126 = arith.constant 64 : i32
      %dma_start3A_127 = arith.constant 0 : i32
      %dma_start3A_128 = arith.constant 0 : i32
      %dma_start3A_129 = arith.constant 0 : i32
      %dma_start3A_130 = tpu.memref_slice %arg11[%dma_start3A_127, %dma_start3A_128, %dma_start3A_129] : memref<2x64x128xf32, #tpu.memory_space<vmem>> -> memref<1x64x128xf32, #tpu.memory_space<vmem>>
      %dma_start3A_131 = tpu.memref_squeeze %dma_start3A_130 : memref<1x64x128xf32, #tpu.memory_space<vmem>> -> memref<64x128xf32, #tpu.memory_space<vmem>>
      %dma_start3A_132 = arith.constant 0 : i32
      %dma_start3A_133 = tpu.memref_slice %arg9[%add3A_100, %dma_start3A_132] : memref<48x128xi32, #tpu.memory_space<vmem>> -> memref<1x64xi32, #tpu.memory_space<vmem>>
      %dma_start3A_134 = tpu.memref_squeeze %dma_start3A_133 : memref<1x64xi32, #tpu.memory_space<vmem>> -> memref<64xi32, #tpu.memory_space<vmem>>
      %dma_start3A_135 = arith.constant 0 : i32
      %dma_start3A_136 = arith.constant 0 : i32
      %dma_start3A_137 = tpu.memref_slice %arg7[%dma_start3A_135, %dma_start3A_136] : memref<10112x128xf32, #tpu.memory_space<vmem_shared>> -> memref<10112x128xf32, #tpu.memory_space<vmem_shared>>
      tpu.enqueue_indirect_dma source(%dma_start3A_131 : memref<64x128xf32, #tpu.memory_space<vmem>>) target(%dma_start3A_137 : memref<10112x128xf32, #tpu.memory_space<vmem_shared>>) offsets(%dma_start3A_134 : memref<64xi32, #tpu.memory_space<vmem>>) semaphore(%arg13 : memref<!tpu.dma_semaphore, #tpu.memory_space<semaphore_mem>>) {add = true}
      %gt3A_138 = arith.constant 0 : i32
      %gt3A_139 = arith.cmpi sgt, %add3A_100, %gt3A_138 : i32
      %convert_element_type3A_140 = arith.extui %gt3A_139 : i1 to i32
      %cond3A_141 = arith.constant 0 : i32
      %cond3A_142 = arith.cmpi ne, %convert_element_type3A_140, %cond3A_141 : i32
      scf.if %cond3A_142 {
        %dma_wait3A_225 = arith.constant 1 : i32
        %dma_wait3A_226 = arith.constant 0 : i32
        %dma_wait3A_227 = arith.constant 0 : i32
        %dma_wait3A_228 = arith.constant 0 : i32
        %dma_wait3A_229 = tpu.memref_slice %arg11[%dma_wait3A_225, %dma_wait3A_227, %dma_wait3A_228] : memref<2x64x128xf32, #tpu.memory_space<vmem>> -> memref<1x64x128xf32, #tpu.memory_space<vmem>>
        %dma_wait3A_230 = tpu.memref_squeeze %dma_wait3A_229 : memref<1x64x128xf32, #tpu.memory_space<vmem>> -> memref<64x128xf32, #tpu.memory_space<vmem>>
        %dma_wait3A_231 = arith.constant 0 : i32
        %dma_wait3A_232 = tpu.memref_slice %arg9[%dma_wait3A_226, %dma_wait3A_231] : memref<48x128xi32, #tpu.memory_space<vmem>> -> memref<1x64xi32, #tpu.memory_space<vmem>>
        %dma_wait3A_233 = tpu.memref_squeeze %dma_wait3A_232 : memref<1x64xi32, #tpu.memory_space<vmem>> -> memref<64xi32, #tpu.memory_space<vmem>>
        %dma_wait3A_234 = arith.constant 0 : i32
        %dma_wait3A_235 = arith.constant 0 : i32
        %dma_wait3A_236 = tpu.memref_slice %arg7[%dma_wait3A_234, %dma_wait3A_235] : memref<10112x128xf32, #tpu.memory_space<vmem_shared>> -> memref<10112x128xf32, #tpu.memory_space<vmem_shared>>
        tpu.wait_indirect_dma semaphore(%arg13 : memref<!tpu.dma_semaphore, #tpu.memory_space<semaphore_mem>>) src(%dma_wait3A_230 : memref<64x128xf32, #tpu.memory_space<vmem>>) dst(%dma_wait3A_236 : memref<10112x128xf32, #tpu.memory_space<vmem_shared>>)
      } else {
      }
      %scan3A_143 = arith.constant 0 : i32
      %scan3A_144 = arith.constant 0 : i32
      %scan3A_145 = arith.constant 64 : i32
      %scan3A_146 = arith.addi %scan3A_144, %scan3A_145 : i32
      %scan3A_147 = arith.constant 1 : i32
      scf.for %scan3A_225 = %scan3A_144 to %scan3A_146 step %scan3A_147  : i32 {
        %add3A_226 = arith.constant 64 : i32
        %add3A_227 = arith.addi %add3A_226, %scan3A_225 : i32
        %get3A = arith.constant 0 : i32
        %get3A_228 = arith.index_cast %get3A : i32 to index
        %get3A_229 = arith.index_cast %add3A_227 : i32 to index
        %get3A_230 = arith.constant 0 : index
        %get3A_231 = tpu.vector_load %arg10[%get3A_228, %get3A_229, %get3A_230] {strides = array<i32>} : memref<2x128x64xi32, #tpu.memory_space<vmem>>, vector<1x1x16xi32>,
        %get3A_232 = vector.shape_cast %get3A_231 : vector<1x1x16xi32> to vector<16xi32>
        %shift_left3A = arith.constant 16 : i32
        %shift_left3A_233 = vector.broadcast %shift_left3A : i32 to vector<16xi32>
        %shift_left3A_234 = arith.shli %get3A_232, %shift_left3A_233 : vector<16xi32>
        %bitcast_convert_type3A = tpu.bitcast %shift_left3A_234 : vector<16xi32> -> vector<16xf32>
        %and3A = arith.andi %get3A_232, %broadcast_in_dim3A_16 : vector<16xi32>
        %bitcast_convert_type3A_235 = tpu.bitcast %and3A : vector<16xi32> -> vector<16xf32>
        %swap3A = arith.constant 1 : i32
        %swap3A_236 = arith.index_cast %swap3A : i32 to index
        %swap3A_237 = arith.index_cast %scan3A_225 : i32 to index
        %swap3A_238 = arith.constant 0 : index
        %swap3A_239 = tpu.vector_load %arg11[%swap3A_236, %swap3A_237, %swap3A_238] {strides = array<i32>} : memref<2x64x128xf32, #tpu.memory_space<vmem>>, vector<1x1x16xf32>,
        %swap3A_240 = vector.shape_cast %swap3A_239 : vector<1x1x16xf32> to vector<16xf32>
        %swap3A_241 = vector.shape_cast %bitcast_convert_type3A : vector<16xf32> to vector<1x1x16xf32>
        tpu.vector_store %arg11[%swap3A_236, %swap3A_237, %swap3A_238], %swap3A_241 {strides = array<i32>} : memref<2x64x128xf32, #tpu.memory_space<vmem>>, vector<1x1x16xf32>,
        %swap3A_242 = arith.constant 1 : i32
        %swap3A_243 = arith.index_cast %swap3A_242 : i32 to index
        %swap3A_244 = arith.index_cast %scan3A_225 : i32 to index
        %swap3A_245 = arith.constant 64 : index
        %swap3A_246 = tpu.vector_load %arg11[%swap3A_243, %swap3A_244, %swap3A_245] {strides = array<i32>} : memref<2x64x128xf32, #tpu.memory_space<vmem>>, vector<1x1x16xf32>,
        %swap3A_247 = vector.shape_cast %swap3A_246 : vector<1x1x16xf32> to vector<16xf32>
        %swap3A_248 = vector.shape_cast %bitcast_convert_type3A_235 : vector<16xf32> to vector<1x1x16xf32>
        tpu.vector_store %arg11[%swap3A_243, %swap3A_244, %swap3A_245], %swap3A_248 {strides = array<i32>} : memref<2x64x128xf32, #tpu.memory_space<vmem>>, vector<1x1x16xf32>,
        %add3A_249 = arith.constant 64 : i32
        %add3A_250 = arith.addi %add3A_249, %scan3A_225 : i32
        %get3A_251 = arith.constant 0 : i32
        %get3A_252 = arith.index_cast %get3A_251 : i32 to index
        %get3A_253 = arith.index_cast %add3A_250 : i32 to index
        %get3A_254 = arith.constant 16 : index
        %get3A_255 = tpu.vector_load %arg10[%get3A_252, %get3A_253, %get3A_254] {strides = array<i32>} : memref<2x128x64xi32, #tpu.memory_space<vmem>>, vector<1x1x16xi32>,
        %get3A_256 = vector.shape_cast %get3A_255 : vector<1x1x16xi32> to vector<16xi32>
        %shift_left3A_257 = arith.constant 16 : i32
        %shift_left3A_258 = vector.broadcast %shift_left3A_257 : i32 to vector<16xi32>
        %shift_left3A_259 = arith.shli %get3A_256, %shift_left3A_258 : vector<16xi32>
        %bitcast_convert_type3A_260 = tpu.bitcast %shift_left3A_259 : vector<16xi32> -> vector<16xf32>
        %and3A_261 = arith.andi %get3A_256, %broadcast_in_dim3A_16 : vector<16xi32>
        %bitcast_convert_type3A_262 = tpu.bitcast %and3A_261 : vector<16xi32> -> vector<16xf32>
        %swap3A_263 = arith.constant 1 : i32
        %swap3A_264 = arith.index_cast %swap3A_263 : i32 to index
        %swap3A_265 = arith.index_cast %scan3A_225 : i32 to index
        %swap3A_266 = arith.constant 16 : index
        %swap3A_267 = tpu.vector_load %arg11[%swap3A_264, %swap3A_265, %swap3A_266] {strides = array<i32>} : memref<2x64x128xf32, #tpu.memory_space<vmem>>, vector<1x1x16xf32>,
        %swap3A_268 = vector.shape_cast %swap3A_267 : vector<1x1x16xf32> to vector<16xf32>
        %swap3A_269 = vector.shape_cast %bitcast_convert_type3A_260 : vector<16xf32> to vector<1x1x16xf32>
        tpu.vector_store %arg11[%swap3A_264, %swap3A_265, %swap3A_266], %swap3A_269 {strides = array<i32>} : memref<2x64x128xf32, #tpu.memory_space<vmem>>, vector<1x1x16xf32>,
        %swap3A_270 = arith.constant 1 : i32
        %swap3A_271 = arith.index_cast %swap3A_270 : i32 to index
        %swap3A_272 = arith.index_cast %scan3A_225 : i32 to index
        %swap3A_273 = arith.constant 80 : index
        %swap3A_274 = tpu.vector_load %arg11[%swap3A_271, %swap3A_272, %swap3A_273] {strides = array<i32>} : memref<2x64x128xf32, #tpu.memory_space<vmem>>, vector<1x1x16xf32>,
        %swap3A_275 = vector.shape_cast %swap3A_274 : vector<1x1x16xf32> to vector<16xf32>
        %swap3A_276 = vector.shape_cast %bitcast_convert_type3A_262 : vector<16xf32> to vector<1x1x16xf32>
        tpu.vector_store %arg11[%swap3A_271, %swap3A_272, %swap3A_273], %swap3A_276 {strides = array<i32>} : memref<2x64x128xf32, #tpu.memory_space<vmem>>, vector<1x1x16xf32>,
        %add3A_277 = arith.constant 64 : i32
        %add3A_278 = arith.addi %add3A_277, %scan3A_225 : i32
        %get3A_279 = arith.constant 0 : i32
        %get3A_280 = arith.index_cast %get3A_279 : i32 to index
        %get3A_281 = arith.index_cast %add3A_278 : i32 to index
        %get3A_282 = arith.constant 32 : index
        %get3A_283 = tpu.vector_load %arg10[%get3A_280, %get3A_281, %get3A_282] {strides = array<i32>} : memref<2x128x64xi32, #tpu.memory_space<vmem>>, vector<1x1x16xi32>,
        %get3A_284 = vector.shape_cast %get3A_283 : vector<1x1x16xi32> to vector<16xi32>
        %shift_left3A_285 = arith.constant 16 : i32
        %shift_left3A_286 = vector.broadcast %shift_left3A_285 : i32 to vector<16xi32>
        %shift_left3A_287 = arith.shli %get3A_284, %shift_left3A_286 : vector<16xi32>
        %bitcast_convert_type3A_288 = tpu.bitcast %shift_left3A_287 : vector<16xi32> -> vector<16xf32>
        %and3A_289 = arith.andi %get3A_284, %broadcast_in_dim3A_16 : vector<16xi32>
        %bitcast_convert_type3A_290 = tpu.bitcast %and3A_289 : vector<16xi32> -> vector<16xf32>
        %swap3A_291 = arith.constant 1 : i32
        %swap3A_292 = arith.index_cast %swap3A_291 : i32 to index
        %swap3A_293 = arith.index_cast %scan3A_225 : i32 to index
        %swap3A_294 = arith.constant 32 : index
        %swap3A_295 = tpu.vector_load %arg11[%swap3A_292, %swap3A_293, %swap3A_294] {strides = array<i32>} : memref<2x64x128xf32, #tpu.memory_space<vmem>>, vector<1x1x16xf32>,
        %swap3A_296 = vector.shape_cast %swap3A_295 : vector<1x1x16xf32> to vector<16xf32>
        %swap3A_297 = vector.shape_cast %bitcast_convert_type3A_288 : vector<16xf32> to vector<1x1x16xf32>
        tpu.vector_store %arg11[%swap3A_292, %swap3A_293, %swap3A_294], %swap3A_297 {strides = array<i32>} : memref<2x64x128xf32, #tpu.memory_space<vmem>>, vector<1x1x16xf32>,
        %swap3A_298 = arith.constant 1 : i32
        %swap3A_299 = arith.index_cast %swap3A_298 : i32 to index
        %swap3A_300 = arith.index_cast %scan3A_225 : i32 to index
        %swap3A_301 = arith.constant 96 : index
        %swap3A_302 = tpu.vector_load %arg11[%swap3A_299, %swap3A_300, %swap3A_301] {strides = array<i32>} : memref<2x64x128xf32, #tpu.memory_space<vmem>>, vector<1x1x16xf32>,
        %swap3A_303 = vector.shape_cast %swap3A_302 : vector<1x1x16xf32> to vector<16xf32>
        %swap3A_304 = vector.shape_cast %bitcast_convert_type3A_290 : vector<16xf32> to vector<1x1x16xf32>
        tpu.vector_store %arg11[%swap3A_299, %swap3A_300, %swap3A_301], %swap3A_304 {strides = array<i32>} : memref<2x64x128xf32, #tpu.memory_space<vmem>>, vector<1x1x16xf32>,
        %add3A_305 = arith.constant 64 : i32
        %add3A_306 = arith.addi %add3A_305, %scan3A_225 : i32
        %get3A_307 = arith.constant 0 : i32
        %get3A_308 = arith.index_cast %get3A_307 : i32 to index
        %get3A_309 = arith.index_cast %add3A_306 : i32 to index
        %get3A_310 = arith.constant 48 : index
        %get3A_311 = tpu.vector_load %arg10[%get3A_308, %get3A_309, %get3A_310] {strides = array<i32>} : memref<2x128x64xi32, #tpu.memory_space<vmem>>, vector<1x1x16xi32>,
        %get3A_312 = vector.shape_cast %get3A_311 : vector<1x1x16xi32> to vector<16xi32>
        %shift_left3A_313 = arith.constant 16 : i32
        %shift_left3A_314 = vector.broadcast %shift_left3A_313 : i32 to vector<16xi32>
        %shift_left3A_315 = arith.shli %get3A_312, %shift_left3A_314 : vector<16xi32>
        %bitcast_convert_type3A_316 = tpu.bitcast %shift_left3A_315 : vector<16xi32> -> vector<16xf32>
        %and3A_317 = arith.andi %get3A_312, %broadcast_in_dim3A_16 : vector<16xi32>
        %bitcast_convert_type3A_318 = tpu.bitcast %and3A_317 : vector<16xi32> -> vector<16xf32>
        %swap3A_319 = arith.constant 1 : i32
        %swap3A_320 = arith.index_cast %swap3A_319 : i32 to index
        %swap3A_321 = arith.index_cast %scan3A_225 : i32 to index
        %swap3A_322 = arith.constant 48 : index
        %swap3A_323 = tpu.vector_load %arg11[%swap3A_320, %swap3A_321, %swap3A_322] {strides = array<i32>} : memref<2x64x128xf32, #tpu.memory_space<vmem>>, vector<1x1x16xf32>,
        %swap3A_324 = vector.shape_cast %swap3A_323 : vector<1x1x16xf32> to vector<16xf32>
        %swap3A_325 = vector.shape_cast %bitcast_convert_type3A_316 : vector<16xf32> to vector<1x1x16xf32>
        tpu.vector_store %arg11[%swap3A_320, %swap3A_321, %swap3A_322], %swap3A_325 {strides = array<i32>} : memref<2x64x128xf32, #tpu.memory_space<vmem>>, vector<1x1x16xf32>,
        %swap3A_326 = arith.constant 1 : i32
        %swap3A_327 = arith.index_cast %swap3A_326 : i32 to index
        %swap3A_328 = arith.index_cast %scan3A_225 : i32 to index
        %swap3A_329 = arith.constant 112 : index
        %swap3A_330 = tpu.vector_load %arg11[%swap3A_327, %swap3A_328, %swap3A_329] {strides = array<i32>} : memref<2x64x128xf32, #tpu.memory_space<vmem>>, vector<1x1x16xf32>,
        %swap3A_331 = vector.shape_cast %swap3A_330 : vector<1x1x16xf32> to vector<16xf32>
        %swap3A_332 = vector.shape_cast %bitcast_convert_type3A_318 : vector<16xf32> to vector<1x1x16xf32>
        tpu.vector_store %arg11[%swap3A_327, %swap3A_328, %swap3A_329], %swap3A_332 {strides = array<i32>} : memref<2x64x128xf32, #tpu.memory_space<vmem>>, vector<1x1x16xf32>,
      }
      %scan3A_148 = arith.constant 64 : i32
      %dma_start3A_149 = arith.constant 1 : i32
      %dma_start3A_150 = arith.constant 0 : i32
      %dma_start3A_151 = arith.constant 0 : i32
      %dma_start3A_152 = tpu.memref_slice %arg11[%dma_start3A_149, %dma_start3A_150, %dma_start3A_151] : memref<2x64x128xf32, #tpu.memory_space<vmem>> -> memref<1x64x128xf32, #tpu.memory_space<vmem>>
      %dma_start3A_153 = tpu.memref_squeeze %dma_start3A_152 : memref<1x64x128xf32, #tpu.memory_space<vmem>> -> memref<64x128xf32, #tpu.memory_space<vmem>>
      %dma_start3A_154 = arith.constant 64 : i32
      %dma_start3A_155 = tpu.memref_slice %arg9[%add3A_100, %dma_start3A_154] : memref<48x128xi32, #tpu.memory_space<vmem>> -> memref<1x64xi32, #tpu.memory_space<vmem>>
      %dma_start3A_156 = tpu.memref_squeeze %dma_start3A_155 : memref<1x64xi32, #tpu.memory_space<vmem>> -> memref<64xi32, #tpu.memory_space<vmem>>
      %dma_start3A_157 = arith.constant 0 : i32
      %dma_start3A_158 = arith.constant 0 : i32
      %dma_start3A_159 = tpu.memref_slice %arg7[%dma_start3A_157, %dma_start3A_158] : memref<10112x128xf32, #tpu.memory_space<vmem_shared>> -> memref<10112x128xf32, #tpu.memory_space<vmem_shared>>
      tpu.enqueue_indirect_dma source(%dma_start3A_153 : memref<64x128xf32, #tpu.memory_space<vmem>>) target(%dma_start3A_159 : memref<10112x128xf32, #tpu.memory_space<vmem_shared>>) offsets(%dma_start3A_156 : memref<64xi32, #tpu.memory_space<vmem>>) semaphore(%arg13 : memref<!tpu.dma_semaphore, #tpu.memory_space<semaphore_mem>>) {add = true}
      %mul3A_160 = arith.constant 2 : i32
      %mul3A_161 = arith.muli %mul3A_160, %while3A_96 : i32
      %add3A_162 = arith.constant 1 : i32
      %add3A_163 = arith.addi %mul3A_161, %add3A_162 : i32
      %dma_wait3A_164 = arith.constant 1 : i32
      %dma_wait3A_165 = arith.constant 0 : i32
      %dma_wait3A_166 = arith.constant 0 : i32
      %dma_wait3A_167 = tpu.memref_slice %arg10[%dma_wait3A_164, %dma_wait3A_165, %dma_wait3A_166] : memref<2x128x64xi32, #tpu.memory_space<vmem>> -> memref<1x128x64xi32, #tpu.memory_space<vmem>>
      %dma_wait3A_168 = tpu.memref_squeeze %dma_wait3A_167 : memref<1x128x64xi32, #tpu.memory_space<vmem>> -> memref<128x64xi32, #tpu.memory_space<vmem>>
      %dma_wait3A_169 = arith.constant 0 : i32
      %dma_wait3A_170 = tpu.memref_slice %arg8[%add3A_163, %dma_wait3A_169] : memref<48x128xi32, #tpu.memory_space<vmem>> -> memref<1x128xi32, #tpu.memory_space<vmem>>
      %dma_wait3A_171 = tpu.memref_squeeze %dma_wait3A_170 : memref<1x128xi32, #tpu.memory_space<vmem>> -> memref<128xi32, #tpu.memory_space<vmem>>
      %dma_wait3A_172 = arith.constant 0 : i32
      %dma_wait3A_173 = arith.constant 0 : i32
      %dma_wait3A_174 = tpu.memref_slice %arg2[%dma_wait3A_172, %dma_wait3A_173] : memref<10000x64xi32, #tpu.memory_space<hbm>> -> memref<10000x64xi32, #tpu.memory_space<hbm>>
      tpu.wait_indirect_dma semaphore(%arg12 : memref<!tpu.dma_semaphore, #tpu.memory_space<semaphore_mem>>) src(%dma_wait3A_174 : memref<10000x64xi32, #tpu.memory_space<hbm>>) dst(%dma_wait3A_168 : memref<128x64xi32, #tpu.memory_space<vmem>>)
      %add3A_175 = arith.constant 1 : i32
      %add3A_176 = arith.addi %add3A_163, %add3A_175 : i32
      %lt3A_177 = arith.cmpi slt, %add3A_176, %select_n3A_8 : i32
      %convert_element_type3A_178 = arith.extui %lt3A_177 : i1 to i32
      %cond3A_179 = arith.constant 0 : i32
      %cond3A_180 = arith.cmpi ne, %convert_element_type3A_178, %cond3A_179 : i32
      scf.if %cond3A_180 {
        %add3A_225 = arith.constant 1 : i32
        %add3A_226 = arith.addi %add3A_163, %add3A_225 : i32
        %dma_start3A_227 = arith.constant 0 : i32
        %dma_start3A_228 = arith.constant 0 : i32
        %dma_start3A_229 = arith.constant 0 : i32
        %dma_start3A_230 = tpu.memref_slice %arg10[%dma_start3A_227, %dma_start3A_228, %dma_start3A_229] : memref<2x128x64xi32, #tpu.memory_space<vmem>> -> memref<1x128x64xi32, #tpu.memory_space<vmem>>
        %dma_start3A_231 = tpu.memref_squeeze %dma_start3A_230 : memref<1x128x64xi32, #tpu.memory_space<vmem>> -> memref<128x64xi32, #tpu.memory_space<vmem>>
        %dma_start3A_232 = arith.constant 0 : i32
        %dma_start3A_233 = tpu.memref_slice %arg8[%add3A_226, %dma_start3A_232] : memref<48x128xi32, #tpu.memory_space<vmem>> -> memref<1x128xi32, #tpu.memory_space<vmem>>
        %dma_start3A_234 = tpu.memref_squeeze %dma_start3A_233 : memref<1x128xi32, #tpu.memory_space<vmem>> -> memref<128xi32, #tpu.memory_space<vmem>>
        %dma_start3A_235 = arith.constant 0 : i32
        %dma_start3A_236 = arith.constant 0 : i32
        %dma_start3A_237 = tpu.memref_slice %arg2[%dma_start3A_235, %dma_start3A_236] : memref<10000x64xi32, #tpu.memory_space<hbm>> -> memref<10000x64xi32, #tpu.memory_space<hbm>>
        tpu.enqueue_indirect_dma source(%dma_start3A_237 : memref<10000x64xi32, #tpu.memory_space<hbm>>) target(%dma_start3A_231 : memref<128x64xi32, #tpu.memory_space<vmem>>) offsets(%dma_start3A_234 : memref<128xi32, #tpu.memory_space<vmem>>) semaphore(%arg12 : memref<!tpu.dma_semaphore, #tpu.memory_space<semaphore_mem>>)
      } else {
      }
      %gt3A_181 = arith.constant 0 : i32
      %gt3A_182 = arith.cmpi sgt, %add3A_163, %gt3A_181 : i32
      %convert_element_type3A_183 = arith.extui %gt3A_182 : i1 to i32
      %cond3A_184 = arith.constant 0 : i32
      %cond3A_185 = arith.cmpi ne, %convert_element_type3A_183, %cond3A_184 : i32
      scf.if %cond3A_185 {
        %dma_wait3A_225 = arith.constant 0 : i32
        %dma_wait3A_226 = arith.constant 0 : i32
        %dma_wait3A_227 = arith.constant 0 : i32
        %dma_wait3A_228 = arith.constant 0 : i32
        %dma_wait3A_229 = tpu.memref_slice %arg11[%dma_wait3A_225, %dma_wait3A_227, %dma_wait3A_228] : memref<2x64x128xf32, #tpu.memory_space<vmem>> -> memref<1x64x128xf32, #tpu.memory_space<vmem>>
        %dma_wait3A_230 = tpu.memref_squeeze %dma_wait3A_229 : memref<1x64x128xf32, #tpu.memory_space<vmem>> -> memref<64x128xf32, #tpu.memory_space<vmem>>
        %dma_wait3A_231 = arith.constant 0 : i32
        %dma_wait3A_232 = tpu.memref_slice %arg9[%dma_wait3A_226, %dma_wait3A_231] : memref<48x128xi32, #tpu.memory_space<vmem>> -> memref<1x64xi32, #tpu.memory_space<vmem>>
        %dma_wait3A_233 = tpu.memref_squeeze %dma_wait3A_232 : memref<1x64xi32, #tpu.memory_space<vmem>> -> memref<64xi32, #tpu.memory_space<vmem>>
        %dma_wait3A_234 = arith.constant 0 : i32
        %dma_wait3A_235 = arith.constant 0 : i32
        %dma_wait3A_236 = tpu.memref_slice %arg7[%dma_wait3A_234, %dma_wait3A_235] : memref<10112x128xf32, #tpu.memory_space<vmem_shared>> -> memref<10112x128xf32, #tpu.memory_space<vmem_shared>>
        tpu.wait_indirect_dma semaphore(%arg13 : memref<!tpu.dma_semaphore, #tpu.memory_space<semaphore_mem>>) src(%dma_wait3A_230 : memref<64x128xf32, #tpu.memory_space<vmem>>) dst(%dma_wait3A_236 : memref<10112x128xf32, #tpu.memory_space<vmem_shared>>)
      } else {
      }
      %scan3A_186 = arith.constant 0 : i32
      %scan3A_187 = arith.constant 0 : i32
      %scan3A_188 = arith.constant 64 : i32
      %scan3A_189 = arith.addi %scan3A_187, %scan3A_188 : i32
      %scan3A_190 = arith.constant 1 : i32
      scf.for %scan3A_225 = %scan3A_187 to %scan3A_189 step %scan3A_190  : i32 {
        %add3A_226 = arith.constant 0 : i32
        %add3A_227 = arith.addi %add3A_226, %scan3A_225 : i32
        %get3A = arith.constant 1 : i32
        %get3A_228 = arith.index_cast %get3A : i32 to index
        %get3A_229 = arith.index_cast %add3A_227 : i32 to index
        %get3A_230 = arith.constant 0 : index
        %get3A_231 = tpu.vector_load %arg10[%get3A_228, %get3A_229, %get3A_230] {strides = array<i32>} : memref<2x128x64xi32, #tpu.memory_space<vmem>>, vector<1x1x16xi32>,
        %get3A_232 = vector.shape_cast %get3A_231 : vector<1x1x16xi32> to vector<16xi32>
        %shift_left3A = arith.constant 16 : i32
        %shift_left3A_233 = vector.broadcast %shift_left3A : i32 to vector<16xi32>
        %shift_left3A_234 = arith.shli %get3A_232, %shift_left3A_233 : vector<16xi32>
        %bitcast_convert_type3A = tpu.bitcast %shift_left3A_234 : vector<16xi32> -> vector<16xf32>
        %and3A = arith.andi %get3A_232, %broadcast_in_dim3A_16 : vector<16xi32>
        %bitcast_convert_type3A_235 = tpu.bitcast %and3A : vector<16xi32> -> vector<16xf32>
        %swap3A = arith.constant 0 : i32
        %swap3A_236 = arith.index_cast %swap3A : i32 to index
        %swap3A_237 = arith.index_cast %scan3A_225 : i32 to index
        %swap3A_238 = arith.constant 0 : index
        %swap3A_239 = tpu.vector_load %arg11[%swap3A_236, %swap3A_237, %swap3A_238] {strides = array<i32>} : memref<2x64x128xf32, #tpu.memory_space<vmem>>, vector<1x1x16xf32>,
        %swap3A_240 = vector.shape_cast %swap3A_239 : vector<1x1x16xf32> to vector<16xf32>
        %swap3A_241 = vector.shape_cast %bitcast_convert_type3A : vector<16xf32> to vector<1x1x16xf32>
        tpu.vector_store %arg11[%swap3A_236, %swap3A_237, %swap3A_238], %swap3A_241 {strides = array<i32>} : memref<2x64x128xf32, #tpu.memory_space<vmem>>, vector<1x1x16xf32>,
        %swap3A_242 = arith.constant 0 : i32
        %swap3A_243 = arith.index_cast %swap3A_242 : i32 to index
        %swap3A_244 = arith.index_cast %scan3A_225 : i32 to index
        %swap3A_245 = arith.constant 64 : index
        %swap3A_246 = tpu.vector_load %arg11[%swap3A_243, %swap3A_244, %swap3A_245] {strides = array<i32>} : memref<2x64x128xf32, #tpu.memory_space<vmem>>, vector<1x1x16xf32>,
        %swap3A_247 = vector.shape_cast %swap3A_246 : vector<1x1x16xf32> to vector<16xf32>
        %swap3A_248 = vector.shape_cast %bitcast_convert_type3A_235 : vector<16xf32> to vector<1x1x16xf32>
        tpu.vector_store %arg11[%swap3A_243, %swap3A_244, %swap3A_245], %swap3A_248 {strides = array<i32>} : memref<2x64x128xf32, #tpu.memory_space<vmem>>, vector<1x1x16xf32>,
        %add3A_249 = arith.constant 0 : i32
        %add3A_250 = arith.addi %add3A_249, %scan3A_225 : i32
        %get3A_251 = arith.constant 1 : i32
        %get3A_252 = arith.index_cast %get3A_251 : i32 to index
        %get3A_253 = arith.index_cast %add3A_250 : i32 to index
        %get3A_254 = arith.constant 16 : index
        %get3A_255 = tpu.vector_load %arg10[%get3A_252, %get3A_253, %get3A_254] {strides = array<i32>} : memref<2x128x64xi32, #tpu.memory_space<vmem>>, vector<1x1x16xi32>,
        %get3A_256 = vector.shape_cast %get3A_255 : vector<1x1x16xi32> to vector<16xi32>
        %shift_left3A_257 = arith.constant 16 : i32
        %shift_left3A_258 = vector.broadcast %shift_left3A_257 : i32 to vector<16xi32>
        %shift_left3A_259 = arith.shli %get3A_256, %shift_left3A_258 : vector<16xi32>
        %bitcast_convert_type3A_260 = tpu.bitcast %shift_left3A_259 : vector<16xi32> -> vector<16xf32>
        %and3A_261 = arith.andi %get3A_256, %broadcast_in_dim3A_16 : vector<16xi32>
        %bitcast_convert_type3A_262 = tpu.bitcast %and3A_261 : vector<16xi32> -> vector<16xf32>
        %swap3A_263 = arith.constant 0 : i32
        %swap3A_264 = arith.index_cast %swap3A_263 : i32 to index
        %swap3A_265 = arith.index_cast %scan3A_225 : i32 to index
        %swap3A_266 = arith.constant 16 : index
        %swap3A_267 = tpu.vector_load %arg11[%swap3A_264, %swap3A_265, %swap3A_266] {strides = array<i32>} : memref<2x64x128xf32, #tpu.memory_space<vmem>>, vector<1x1x16xf32>,
        %swap3A_268 = vector.shape_cast %swap3A_267 : vector<1x1x16xf32> to vector<16xf32>
        %swap3A_269 = vector.shape_cast %bitcast_convert_type3A_260 : vector<16xf32> to vector<1x1x16xf32>
        tpu.vector_store %arg11[%swap3A_264, %swap3A_265, %swap3A_266], %swap3A_269 {strides = array<i32>} : memref<2x64x128xf32, #tpu.memory_space<vmem>>, vector<1x1x16xf32>,
        %swap3A_270 = arith.constant 0 : i32
        %swap3A_271 = arith.index_cast %swap3A_270 : i32 to index
        %swap3A_272 = arith.index_cast %scan3A_225 : i32 to index
        %swap3A_273 = arith.constant 80 : index
        %swap3A_274 = tpu.vector_load %arg11[%swap3A_271, %swap3A_272, %swap3A_273] {strides = array<i32>} : memref<2x64x128xf32, #tpu.memory_space<vmem>>, vector<1x1x16xf32>,
        %swap3A_275 = vector.shape_cast %swap3A_274 : vector<1x1x16xf32> to vector<16xf32>
        %swap3A_276 = vector.shape_cast %bitcast_convert_type3A_262 : vector<16xf32> to vector<1x1x16xf32>
        tpu.vector_store %arg11[%swap3A_271, %swap3A_272, %swap3A_273], %swap3A_276 {strides = array<i32>} : memref<2x64x128xf32, #tpu.memory_space<vmem>>, vector<1x1x16xf32>,
        %add3A_277 = arith.constant 0 : i32
        %add3A_278 = arith.addi %add3A_277, %scan3A_225 : i32
        %get3A_279 = arith.constant 1 : i32
        %get3A_280 = arith.index_cast %get3A_279 : i32 to index
        %get3A_281 = arith.index_cast %add3A_278 : i32 to index
        %get3A_282 = arith.constant 32 : index
        %get3A_283 = tpu.vector_load %arg10[%get3A_280, %get3A_281, %get3A_282] {strides = array<i32>} : memref<2x128x64xi32, #tpu.memory_space<vmem>>, vector<1x1x16xi32>,
        %get3A_284 = vector.shape_cast %get3A_283 : vector<1x1x16xi32> to vector<16xi32>
        %shift_left3A_285 = arith.constant 16 : i32
        %shift_left3A_286 = vector.broadcast %shift_left3A_285 : i32 to vector<16xi32>
        %shift_left3A_287 = arith.shli %get3A_284, %shift_left3A_286 : vector<16xi32>
        %bitcast_convert_type3A_288 = tpu.bitcast %shift_left3A_287 : vector<16xi32> -> vector<16xf32>
        %and3A_289 = arith.andi %get3A_284, %broadcast_in_dim3A_16 : vector<16xi32>
        %bitcast_convert_type3A_290 = tpu.bitcast %and3A_289 : vector<16xi32> -> vector<16xf32>
        %swap3A_291 = arith.constant 0 : i32
        %swap3A_292 = arith.index_cast %swap3A_291 : i32 to index
        %swap3A_293 = arith.index_cast %scan3A_225 : i32 to index
        %swap3A_294 = arith.constant 32 : index
        %swap3A_295 = tpu.vector_load %arg11[%swap3A_292, %swap3A_293, %swap3A_294] {strides = array<i32>} : memref<2x64x128xf32, #tpu.memory_space<vmem>>, vector<1x1x16xf32>,
        %swap3A_296 = vector.shape_cast %swap3A_295 : vector<1x1x16xf32> to vector<16xf32>
        %swap3A_297 = vector.shape_cast %bitcast_convert_type3A_288 : vector<16xf32> to vector<1x1x16xf32>
        tpu.vector_store %arg11[%swap3A_292, %swap3A_293, %swap3A_294], %swap3A_297 {strides = array<i32>} : memref<2x64x128xf32, #tpu.memory_space<vmem>>, vector<1x1x16xf32>,
        %swap3A_298 = arith.constant 0 : i32
        %swap3A_299 = arith.index_cast %swap3A_298 : i32 to index
        %swap3A_300 = arith.index_cast %scan3A_225 : i32 to index
        %swap3A_301 = arith.constant 96 : index
        %swap3A_302 = tpu.vector_load %arg11[%swap3A_299, %swap3A_300, %swap3A_301] {strides = array<i32>} : memref<2x64x128xf32, #tpu.memory_space<vmem>>, vector<1x1x16xf32>,
        %swap3A_303 = vector.shape_cast %swap3A_302 : vector<1x1x16xf32> to vector<16xf32>
        %swap3A_304 = vector.shape_cast %bitcast_convert_type3A_290 : vector<16xf32> to vector<1x1x16xf32>
        tpu.vector_store %arg11[%swap3A_299, %swap3A_300, %swap3A_301], %swap3A_304 {strides = array<i32>} : memref<2x64x128xf32, #tpu.memory_space<vmem>>, vector<1x1x16xf32>,
        %add3A_305 = arith.constant 0 : i32
        %add3A_306 = arith.addi %add3A_305, %scan3A_225 : i32
        %get3A_307 = arith.constant 1 : i32
        %get3A_308 = arith.index_cast %get3A_307 : i32 to index
        %get3A_309 = arith.index_cast %add3A_306 : i32 to index
        %get3A_310 = arith.constant 48 : index
        %get3A_311 = tpu.vector_load %arg10[%get3A_308, %get3A_309, %get3A_310] {strides = array<i32>} : memref<2x128x64xi32, #tpu.memory_space<vmem>>, vector<1x1x16xi32>,
        %get3A_312 = vector.shape_cast %get3A_311 : vector<1x1x16xi32> to vector<16xi32>
        %shift_left3A_313 = arith.constant 16 : i32
        %shift_left3A_314 = vector.broadcast %shift_left3A_313 : i32 to vector<16xi32>
        %shift_left3A_315 = arith.shli %get3A_312, %shift_left3A_314 : vector<16xi32>
        %bitcast_convert_type3A_316 = tpu.bitcast %shift_left3A_315 : vector<16xi32> -> vector<16xf32>
        %and3A_317 = arith.andi %get3A_312, %broadcast_in_dim3A_16 : vector<16xi32>
        %bitcast_convert_type3A_318 = tpu.bitcast %and3A_317 : vector<16xi32> -> vector<16xf32>
        %swap3A_319 = arith.constant 0 : i32
        %swap3A_320 = arith.index_cast %swap3A_319 : i32 to index
        %swap3A_321 = arith.index_cast %scan3A_225 : i32 to index
        %swap3A_322 = arith.constant 48 : index
        %swap3A_323 = tpu.vector_load %arg11[%swap3A_320, %swap3A_321, %swap3A_322] {strides = array<i32>} : memref<2x64x128xf32, #tpu.memory_space<vmem>>, vector<1x1x16xf32>,
        %swap3A_324 = vector.shape_cast %swap3A_323 : vector<1x1x16xf32> to vector<16xf32>
        %swap3A_325 = vector.shape_cast %bitcast_convert_type3A_316 : vector<16xf32> to vector<1x1x16xf32>
        tpu.vector_store %arg11[%swap3A_320, %swap3A_321, %swap3A_322], %swap3A_325 {strides = array<i32>} : memref<2x64x128xf32, #tpu.memory_space<vmem>>, vector<1x1x16xf32>,
        %swap3A_326 = arith.constant 0 : i32
        %swap3A_327 = arith.index_cast %swap3A_326 : i32 to index
        %swap3A_328 = arith.index_cast %scan3A_225 : i32 to index
        %swap3A_329 = arith.constant 112 : index
        %swap3A_330 = tpu.vector_load %arg11[%swap3A_327, %swap3A_328, %swap3A_329] {strides = array<i32>} : memref<2x64x128xf32, #tpu.memory_space<vmem>>, vector<1x1x16xf32>,
        %swap3A_331 = vector.shape_cast %swap3A_330 : vector<1x1x16xf32> to vector<16xf32>
        %swap3A_332 = vector.shape_cast %bitcast_convert_type3A_318 : vector<16xf32> to vector<1x1x16xf32>
        tpu.vector_store %arg11[%swap3A_327, %swap3A_328, %swap3A_329], %swap3A_332 {strides = array<i32>} : memref<2x64x128xf32, #tpu.memory_space<vmem>>, vector<1x1x16xf32>,
      }
      %scan3A_191 = arith.constant 64 : i32
      %dma_start3A_192 = arith.constant 0 : i32
      %dma_start3A_193 = arith.constant 0 : i32
      %dma_start3A_194 = arith.constant 0 : i32
      %dma_start3A_195 = tpu.memref_slice %arg11[%dma_start3A_192, %dma_start3A_193, %dma_start3A_194] : memref<2x64x128xf32, #tpu.memory_space<vmem>> -> memref<1x64x128xf32, #tpu.memory_space<vmem>>
      %dma_start3A_196 = tpu.memref_squeeze %dma_start3A_195 : memref<1x64x128xf32, #tpu.memory_space<vmem>> -> memref<64x128xf32, #tpu.memory_space<vmem>>
      %dma_start3A_197 = arith.constant 0 : i32
      %dma_start3A_198 = tpu.memref_slice %arg9[%add3A_163, %dma_start3A_197] : memref<48x128xi32, #tpu.memory_space<vmem>> -> memref<1x64xi32, #tpu.memory_space<vmem>>
      %dma_start3A_199 = tpu.memref_squeeze %dma_start3A_198 : memref<1x64xi32, #tpu.memory_space<vmem>> -> memref<64xi32, #tpu.memory_space<vmem>>
      %dma_start3A_200 = arith.constant 0 : i32
      %dma_start3A_201 = arith.constant 0 : i32
      %dma_start3A_202 = tpu.memref_slice %arg7[%dma_start3A_200, %dma_start3A_201] : memref<10112x128xf32, #tpu.memory_space<vmem_shared>> -> memref<10112x128xf32, #tpu.memory_space<vmem_shared>>
      tpu.enqueue_indirect_dma source(%dma_start3A_196 : memref<64x128xf32, #tpu.memory_space<vmem>>) target(%dma_start3A_202 : memref<10112x128xf32, #tpu.memory_space<vmem_shared>>) offsets(%dma_start3A_199 : memref<64xi32, #tpu.memory_space<vmem>>) semaphore(%arg13 : memref<!tpu.dma_semaphore, #tpu.memory_space<semaphore_mem>>) {add = true}
      %gt3A_203 = arith.constant 0 : i32
      %gt3A_204 = arith.cmpi sgt, %add3A_163, %gt3A_203 : i32
      %convert_element_type3A_205 = arith.extui %gt3A_204 : i1 to i32
      %cond3A_206 = arith.constant 0 : i32
      %cond3A_207 = arith.cmpi ne, %convert_element_type3A_205, %cond3A_206 : i32
      scf.if %cond3A_207 {
        %dma_wait3A_225 = arith.constant 1 : i32
        %dma_wait3A_226 = arith.constant 0 : i32
        %dma_wait3A_227 = arith.constant 0 : i32
        %dma_wait3A_228 = arith.constant 0 : i32
        %dma_wait3A_229 = tpu.memref_slice %arg11[%dma_wait3A_225, %dma_wait3A_227, %dma_wait3A_228] : memref<2x64x128xf32, #tpu.memory_space<vmem>> -> memref<1x64x128xf32, #tpu.memory_space<vmem>>
        %dma_wait3A_230 = tpu.memref_squeeze %dma_wait3A_229 : memref<1x64x128xf32, #tpu.memory_space<vmem>> -> memref<64x128xf32, #tpu.memory_space<vmem>>
        %dma_wait3A_231 = arith.constant 0 : i32
        %dma_wait3A_232 = tpu.memref_slice %arg9[%dma_wait3A_226, %dma_wait3A_231] : memref<48x128xi32, #tpu.memory_space<vmem>> -> memref<1x64xi32, #tpu.memory_space<vmem>>
        %dma_wait3A_233 = tpu.memref_squeeze %dma_wait3A_232 : memref<1x64xi32, #tpu.memory_space<vmem>> -> memref<64xi32, #tpu.memory_space<vmem>>
        %dma_wait3A_234 = arith.constant 0 : i32
        %dma_wait3A_235 = arith.constant 0 : i32
        %dma_wait3A_236 = tpu.memref_slice %arg7[%dma_wait3A_234, %dma_wait3A_235] : memref<10112x128xf32, #tpu.memory_space<vmem_shared>> -> memref<10112x128xf32, #tpu.memory_space<vmem_shared>>
        tpu.wait_indirect_dma semaphore(%arg13 : memref<!tpu.dma_semaphore, #tpu.memory_space<semaphore_mem>>) src(%dma_wait3A_230 : memref<64x128xf32, #tpu.memory_space<vmem>>) dst(%dma_wait3A_236 : memref<10112x128xf32, #tpu.memory_space<vmem_shared>>)
      } else {
      }
      %scan3A_208 = arith.constant 0 : i32
      %scan3A_209 = arith.constant 0 : i32
      %scan3A_210 = arith.constant 64 : i32
      %scan3A_211 = arith.addi %scan3A_209, %scan3A_210 : i32
      %scan3A_212 = arith.constant 1 : i32
      scf.for %scan3A_225 = %scan3A_209 to %scan3A_211 step %scan3A_212  : i32 {
        %add3A_226 = arith.constant 64 : i32
        %add3A_227 = arith.addi %add3A_226, %scan3A_225 : i32
        %get3A = arith.constant 1 : i32
        %get3A_228 = arith.index_cast %get3A : i32 to index
        %get3A_229 = arith.index_cast %add3A_227 : i32 to index
        %get3A_230 = arith.constant 0 : index
        %get3A_231 = tpu.vector_load %arg10[%get3A_228, %get3A_229, %get3A_230] {strides = array<i32>} : memref<2x128x64xi32, #tpu.memory_space<vmem>>, vector<1x1x16xi32>,
        %get3A_232 = vector.shape_cast %get3A_231 : vector<1x1x16xi32> to vector<16xi32>
        %shift_left3A = arith.constant 16 : i32
        %shift_left3A_233 = vector.broadcast %shift_left3A : i32 to vector<16xi32>
        %shift_left3A_234 = arith.shli %get3A_232, %shift_left3A_233 : vector<16xi32>
        %bitcast_convert_type3A = tpu.bitcast %shift_left3A_234 : vector<16xi32> -> vector<16xf32>
        %and3A = arith.andi %get3A_232, %broadcast_in_dim3A_16 : vector<16xi32>
        %bitcast_convert_type3A_235 = tpu.bitcast %and3A : vector<16xi32> -> vector<16xf32>
        %swap3A = arith.constant 1 : i32
        %swap3A_236 = arith.index_cast %swap3A : i32 to index
        %swap3A_237 = arith.index_cast %scan3A_225 : i32 to index
        %swap3A_238 = arith.constant 0 : index
        %swap3A_239 = tpu.vector_load %arg11[%swap3A_236, %swap3A_237, %swap3A_238] {strides = array<i32>} : memref<2x64x128xf32, #tpu.memory_space<vmem>>, vector<1x1x16xf32>,
        %swap3A_240 = vector.shape_cast %swap3A_239 : vector<1x1x16xf32> to vector<16xf32>
        %swap3A_241 = vector.shape_cast %bitcast_convert_type3A : vector<16xf32> to vector<1x1x16xf32>
        tpu.vector_store %arg11[%swap3A_236, %swap3A_237, %swap3A_238], %swap3A_241 {strides = array<i32>} : memref<2x64x128xf32, #tpu.memory_space<vmem>>, vector<1x1x16xf32>,
        %swap3A_242 = arith.constant 1 : i32
        %swap3A_243 = arith.index_cast %swap3A_242 : i32 to index
        %swap3A_244 = arith.index_cast %scan3A_225 : i32 to index
        %swap3A_245 = arith.constant 64 : index
        %swap3A_246 = tpu.vector_load %arg11[%swap3A_243, %swap3A_244, %swap3A_245] {strides = array<i32>} : memref<2x64x128xf32, #tpu.memory_space<vmem>>, vector<1x1x16xf32>,
        %swap3A_247 = vector.shape_cast %swap3A_246 : vector<1x1x16xf32> to vector<16xf32>
        %swap3A_248 = vector.shape_cast %bitcast_convert_type3A_235 : vector<16xf32> to vector<1x1x16xf32>
        tpu.vector_store %arg11[%swap3A_243, %swap3A_244, %swap3A_245], %swap3A_248 {strides = array<i32>} : memref<2x64x128xf32, #tpu.memory_space<vmem>>, vector<1x1x16xf32>,
        %add3A_249 = arith.constant 64 : i32
        %add3A_250 = arith.addi %add3A_249, %scan3A_225 : i32
        %get3A_251 = arith.constant 1 : i32
        %get3A_252 = arith.index_cast %get3A_251 : i32 to index
        %get3A_253 = arith.index_cast %add3A_250 : i32 to index
        %get3A_254 = arith.constant 16 : index
        %get3A_255 = tpu.vector_load %arg10[%get3A_252, %get3A_253, %get3A_254] {strides = array<i32>} : memref<2x128x64xi32, #tpu.memory_space<vmem>>, vector<1x1x16xi32>,
        %get3A_256 = vector.shape_cast %get3A_255 : vector<1x1x16xi32> to vector<16xi32>
        %shift_left3A_257 = arith.constant 16 : i32
        %shift_left3A_258 = vector.broadcast %shift_left3A_257 : i32 to vector<16xi32>
        %shift_left3A_259 = arith.shli %get3A_256, %shift_left3A_258 : vector<16xi32>
        %bitcast_convert_type3A_260 = tpu.bitcast %shift_left3A_259 : vector<16xi32> -> vector<16xf32>
        %and3A_261 = arith.andi %get3A_256, %broadcast_in_dim3A_16 : vector<16xi32>
        %bitcast_convert_type3A_262 = tpu.bitcast %and3A_261 : vector<16xi32> -> vector<16xf32>
        %swap3A_263 = arith.constant 1 : i32
        %swap3A_264 = arith.index_cast %swap3A_263 : i32 to index
        %swap3A_265 = arith.index_cast %scan3A_225 : i32 to index
        %swap3A_266 = arith.constant 16 : index
        %swap3A_267 = tpu.vector_load %arg11[%swap3A_264, %swap3A_265, %swap3A_266] {strides = array<i32>} : memref<2x64x128xf32, #tpu.memory_space<vmem>>, vector<1x1x16xf32>,
        %swap3A_268 = vector.shape_cast %swap3A_267 : vector<1x1x16xf32> to vector<16xf32>
        %swap3A_269 = vector.shape_cast %bitcast_convert_type3A_260 : vector<16xf32> to vector<1x1x16xf32>
        tpu.vector_store %arg11[%swap3A_264, %swap3A_265, %swap3A_266], %swap3A_269 {strides = array<i32>} : memref<2x64x128xf32, #tpu.memory_space<vmem>>, vector<1x1x16xf32>,
        %swap3A_270 = arith.constant 1 : i32
        %swap3A_271 = arith.index_cast %swap3A_270 : i32 to index
        %swap3A_272 = arith.index_cast %scan3A_225 : i32 to index
        %swap3A_273 = arith.constant 80 : index
        %swap3A_274 = tpu.vector_load %arg11[%swap3A_271, %swap3A_272, %swap3A_273] {strides = array<i32>} : memref<2x64x128xf32, #tpu.memory_space<vmem>>, vector<1x1x16xf32>,
        %swap3A_275 = vector.shape_cast %swap3A_274 : vector<1x1x16xf32> to vector<16xf32>
        %swap3A_276 = vector.shape_cast %bitcast_convert_type3A_262 : vector<16xf32> to vector<1x1x16xf32>
        tpu.vector_store %arg11[%swap3A_271, %swap3A_272, %swap3A_273], %swap3A_276 {strides = array<i32>} : memref<2x64x128xf32, #tpu.memory_space<vmem>>, vector<1x1x16xf32>,
        %add3A_277 = arith.constant 64 : i32
        %add3A_278 = arith.addi %add3A_277, %scan3A_225 : i32
        %get3A_279 = arith.constant 1 : i32
        %get3A_280 = arith.index_cast %get3A_279 : i32 to index
        %get3A_281 = arith.index_cast %add3A_278 : i32 to index
        %get3A_282 = arith.constant 32 : index
        %get3A_283 = tpu.vector_load %arg10[%get3A_280, %get3A_281, %get3A_282] {strides = array<i32>} : memref<2x128x64xi32, #tpu.memory_space<vmem>>, vector<1x1x16xi32>,
        %get3A_284 = vector.shape_cast %get3A_283 : vector<1x1x16xi32> to vector<16xi32>
        %shift_left3A_285 = arith.constant 16 : i32
        %shift_left3A_286 = vector.broadcast %shift_left3A_285 : i32 to vector<16xi32>
        %shift_left3A_287 = arith.shli %get3A_284, %shift_left3A_286 : vector<16xi32>
        %bitcast_convert_type3A_288 = tpu.bitcast %shift_left3A_287 : vector<16xi32> -> vector<16xf32>
        %and3A_289 = arith.andi %get3A_284, %broadcast_in_dim3A_16 : vector<16xi32>
        %bitcast_convert_type3A_290 = tpu.bitcast %and3A_289 : vector<16xi32> -> vector<16xf32>
        %swap3A_291 = arith.constant 1 : i32
        %swap3A_292 = arith.index_cast %swap3A_291 : i32 to index
        %swap3A_293 = arith.index_cast %scan3A_225 : i32 to index
        %swap3A_294 = arith.constant 32 : index
        %swap3A_295 = tpu.vector_load %arg11[%swap3A_292, %swap3A_293, %swap3A_294] {strides = array<i32>} : memref<2x64x128xf32, #tpu.memory_space<vmem>>, vector<1x1x16xf32>,
        %swap3A_296 = vector.shape_cast %swap3A_295 : vector<1x1x16xf32> to vector<16xf32>
        %swap3A_297 = vector.shape_cast %bitcast_convert_type3A_288 : vector<16xf32> to vector<1x1x16xf32>
        tpu.vector_store %arg11[%swap3A_292, %swap3A_293, %swap3A_294], %swap3A_297 {strides = array<i32>} : memref<2x64x128xf32, #tpu.memory_space<vmem>>, vector<1x1x16xf32>,
        %swap3A_298 = arith.constant 1 : i32
        %swap3A_299 = arith.index_cast %swap3A_298 : i32 to index
        %swap3A_300 = arith.index_cast %scan3A_225 : i32 to index
        %swap3A_301 = arith.constant 96 : index
        %swap3A_302 = tpu.vector_load %arg11[%swap3A_299, %swap3A_300, %swap3A_301] {strides = array<i32>} : memref<2x64x128xf32, #tpu.memory_space<vmem>>, vector<1x1x16xf32>,
        %swap3A_303 = vector.shape_cast %swap3A_302 : vector<1x1x16xf32> to vector<16xf32>
        %swap3A_304 = vector.shape_cast %bitcast_convert_type3A_290 : vector<16xf32> to vector<1x1x16xf32>
        tpu.vector_store %arg11[%swap3A_299, %swap3A_300, %swap3A_301], %swap3A_304 {strides = array<i32>} : memref<2x64x128xf32, #tpu.memory_space<vmem>>, vector<1x1x16xf32>,
        %add3A_305 = arith.constant 64 : i32
        %add3A_306 = arith.addi %add3A_305, %scan3A_225 : i32
        %get3A_307 = arith.constant 1 : i32
        %get3A_308 = arith.index_cast %get3A_307 : i32 to index
        %get3A_309 = arith.index_cast %add3A_306 : i32 to index
        %get3A_310 = arith.constant 48 : index
        %get3A_311 = tpu.vector_load %arg10[%get3A_308, %get3A_309, %get3A_310] {strides = array<i32>} : memref<2x128x64xi32, #tpu.memory_space<vmem>>, vector<1x1x16xi32>,
        %get3A_312 = vector.shape_cast %get3A_311 : vector<1x1x16xi32> to vector<16xi32>
        %shift_left3A_313 = arith.constant 16 : i32
        %shift_left3A_314 = vector.broadcast %shift_left3A_313 : i32 to vector<16xi32>
        %shift_left3A_315 = arith.shli %get3A_312, %shift_left3A_314 : vector<16xi32>
        %bitcast_convert_type3A_316 = tpu.bitcast %shift_left3A_315 : vector<16xi32> -> vector<16xf32>
        %and3A_317 = arith.andi %get3A_312, %broadcast_in_dim3A_16 : vector<16xi32>
        %bitcast_convert_type3A_318 = tpu.bitcast %and3A_317 : vector<16xi32> -> vector<16xf32>
        %swap3A_319 = arith.constant 1 : i32
        %swap3A_320 = arith.index_cast %swap3A_319 : i32 to index
        %swap3A_321 = arith.index_cast %scan3A_225 : i32 to index
        %swap3A_322 = arith.constant 48 : index
        %swap3A_323 = tpu.vector_load %arg11[%swap3A_320, %swap3A_321, %swap3A_322] {strides = array<i32>} : memref<2x64x128xf32, #tpu.memory_space<vmem>>, vector<1x1x16xf32>,
        %swap3A_324 = vector.shape_cast %swap3A_323 : vector<1x1x16xf32> to vector<16xf32>
        %swap3A_325 = vector.shape_cast %bitcast_convert_type3A_316 : vector<16xf32> to vector<1x1x16xf32>
        tpu.vector_store %arg11[%swap3A_320, %swap3A_321, %swap3A_322], %swap3A_325 {strides = array<i32>} : memref<2x64x128xf32, #tpu.memory_space<vmem>>, vector<1x1x16xf32>,
        %swap3A_326 = arith.constant 1 : i32
        %swap3A_327 = arith.index_cast %swap3A_326 : i32 to index
        %swap3A_328 = arith.index_cast %scan3A_225 : i32 to index
        %swap3A_329 = arith.constant 112 : index
        %swap3A_330 = tpu.vector_load %arg11[%swap3A_327, %swap3A_328, %swap3A_329] {strides = array<i32>} : memref<2x64x128xf32, #tpu.memory_space<vmem>>, vector<1x1x16xf32>,
        %swap3A_331 = vector.shape_cast %swap3A_330 : vector<1x1x16xf32> to vector<16xf32>
        %swap3A_332 = vector.shape_cast %bitcast_convert_type3A_318 : vector<16xf32> to vector<1x1x16xf32>
        tpu.vector_store %arg11[%swap3A_327, %swap3A_328, %swap3A_329], %swap3A_332 {strides = array<i32>} : memref<2x64x128xf32, #tpu.memory_space<vmem>>, vector<1x1x16xf32>,
      }
      %scan3A_213 = arith.constant 64 : i32
      %dma_start3A_214 = arith.constant 1 : i32
      %dma_start3A_215 = arith.constant 0 : i32
      %dma_start3A_216 = arith.constant 0 : i32
      %dma_start3A_217 = tpu.memref_slice %arg11[%dma_start3A_214, %dma_start3A_215, %dma_start3A_216] : memref<2x64x128xf32, #tpu.memory_space<vmem>> -> memref<1x64x128xf32, #tpu.memory_space<vmem>>
      %dma_start3A_218 = tpu.memref_squeeze %dma_start3A_217 : memref<1x64x128xf32, #tpu.memory_space<vmem>> -> memref<64x128xf32, #tpu.memory_space<vmem>>
      %dma_start3A_219 = arith.constant 64 : i32
      %dma_start3A_220 = tpu.memref_slice %arg9[%add3A_163, %dma_start3A_219] : memref<48x128xi32, #tpu.memory_space<vmem>> -> memref<1x64xi32, #tpu.memory_space<vmem>>
      %dma_start3A_221 = tpu.memref_squeeze %dma_start3A_220 : memref<1x64xi32, #tpu.memory_space<vmem>> -> memref<64xi32, #tpu.memory_space<vmem>>
      %dma_start3A_222 = arith.constant 0 : i32
      %dma_start3A_223 = arith.constant 0 : i32
      %dma_start3A_224 = tpu.memref_slice %arg7[%dma_start3A_222, %dma_start3A_223] : memref<10112x128xf32, #tpu.memory_space<vmem_shared>> -> memref<10112x128xf32, #tpu.memory_space<vmem_shared>>
      tpu.enqueue_indirect_dma source(%dma_start3A_218 : memref<64x128xf32, #tpu.memory_space<vmem>>) target(%dma_start3A_224 : memref<10112x128xf32, #tpu.memory_space<vmem_shared>>) offsets(%dma_start3A_221 : memref<64xi32, #tpu.memory_space<vmem>>) semaphore(%arg13 : memref<!tpu.dma_semaphore, #tpu.memory_space<semaphore_mem>>) {add = true}
    }
    %mul3A_40 = arith.constant 1 : i32
    %mul3A_41 = arith.muli %mul3A_40, %select_n3A_8 : i32
    %add3A_42 = arith.addi %select_n3A, %mul3A_41 : i32
    "tpu.region"() ({
      %run_scoped3A = tpu.sem_alloc : memref<!tpu.dma_semaphore, #tpu.memory_space<semaphore_mem>>
      %dma_start3A_96 = arith.constant 0 : i32
      %dma_start3A_97 = tpu.memref_slice %arg3[%add3A_42, %dma_start3A_96] : memref<2576x128xi32, #tpu.memory_space<hbm>> -> memref<48x128xi32, #tpu.memory_space<hbm>>
      %dma_start3A_98 = arith.constant 0 : i32
      %dma_start3A_99 = tpu.memref_slice %arg3[%add3A_42, %dma_start3A_98] : memref<2576x128xi32, #tpu.memory_space<hbm>> -> memref<48x128xi32, #tpu.memory_space<hbm>>
      tpu.enqueue_dma source(%dma_start3A_99 : memref<48x128xi32, #tpu.memory_space<hbm>>) target(%arg8 : memref<48x128xi32, #tpu.memory_space<vmem>>) target_semaphore(%run_scoped3A : memref<!tpu.dma_semaphore, #tpu.memory_space<semaphore_mem>>)
      %dma_wait3A_100 = arith.constant 0 : i32
      %dma_wait3A_101 = tpu.memref_slice %arg3[%add3A_42, %dma_wait3A_100] : memref<2576x128xi32, #tpu.memory_space<hbm>> -> memref<48x128xi32, #tpu.memory_space<hbm>>
      %dma_wait3A_102 = arith.constant 0 : i32
      %dma_wait3A_103 = tpu.memref_slice %arg3[%add3A_42, %dma_wait3A_102] : memref<2576x128xi32, #tpu.memory_space<hbm>> -> memref<48x128xi32, #tpu.memory_space<hbm>>
      tpu.wait_dma2 semaphore(%run_scoped3A : memref<!tpu.dma_semaphore, #tpu.memory_space<semaphore_mem>>) src(%dma_wait3A_103 : memref<48x128xi32, #tpu.memory_space<hbm>>) dst(%arg8 : memref<48x128xi32, #tpu.memory_space<vmem>>)
      tpu.yield
    }) : () -> ()
    "tpu.region"() ({
      %run_scoped3A = tpu.sem_alloc : memref<!tpu.dma_semaphore, #tpu.memory_space<semaphore_mem>>
      %dma_start3A_96 = arith.constant 0 : i32
      %dma_start3A_97 = tpu.memref_slice %arg4[%add3A_42, %dma_start3A_96] : memref<2576x128xi32, #tpu.memory_space<hbm>> -> memref<48x128xi32, #tpu.memory_space<hbm>>
      %dma_start3A_98 = arith.constant 0 : i32
      %dma_start3A_99 = tpu.memref_slice %arg4[%add3A_42, %dma_start3A_98] : memref<2576x128xi32, #tpu.memory_space<hbm>> -> memref<48x128xi32, #tpu.memory_space<hbm>>
      tpu.enqueue_dma source(%dma_start3A_99 : memref<48x128xi32, #tpu.memory_space<hbm>>) target(%arg9 : memref<48x128xi32, #tpu.memory_space<vmem>>) target_semaphore(%run_scoped3A : memref<!tpu.dma_semaphore, #tpu.memory_space<semaphore_mem>>)
      %dma_wait3A_100 = arith.constant 0 : i32
      %dma_wait3A_101 = tpu.memref_slice %arg4[%add3A_42, %dma_wait3A_100] : memref<2576x128xi32, #tpu.memory_space<hbm>> -> memref<48x128xi32, #tpu.memory_space<hbm>>
      %dma_wait3A_102 = arith.constant 0 : i32
      %dma_wait3A_103 = tpu.memref_slice %arg4[%add3A_42, %dma_wait3A_102] : memref<2576x128xi32, #tpu.memory_space<hbm>> -> memref<48x128xi32, #tpu.memory_space<hbm>>
      tpu.wait_dma2 semaphore(%run_scoped3A : memref<!tpu.dma_semaphore, #tpu.memory_space<semaphore_mem>>) src(%dma_wait3A_103 : memref<48x128xi32, #tpu.memory_space<hbm>>) dst(%arg9 : memref<48x128xi32, #tpu.memory_space<vmem>>)
      tpu.yield
    }) : () -> ()
    %dma_start3A_43 = arith.constant 0 : i32
    %dma_start3A_44 = arith.constant 0 : i32
    %dma_start3A_45 = arith.constant 0 : i32
    %dma_start3A_46 = arith.constant 0 : i32
    %dma_start3A_47 = tpu.memref_slice %arg10[%dma_start3A_44, %dma_start3A_45, %dma_start3A_46] : memref<2x128x64xi32, #tpu.memory_space<vmem>> -> memref<1x128x64xi32, #tpu.memory_space<vmem>>
    %dma_start3A_48 = tpu.memref_squeeze %dma_start3A_47 : memref<1x128x64xi32, #tpu.memory_space<vmem>> -> memref<128x64xi32, #tpu.memory_space<vmem>>
    %dma_start3A_49 = arith.constant 0 : i32
    %dma_start3A_50 = tpu.memref_slice %arg8[%dma_start3A_43, %dma_start3A_49] : memref<48x128xi32, #tpu.memory_space<vmem>> -> memref<1x128xi32, #tpu.memory_space<vmem>>
    %dma_start3A_51 = tpu.memref_squeeze %dma_start3A_50 : memref<1x128xi32, #tpu.memory_space<vmem>> -> memref<128xi32, #tpu.memory_space<vmem>>
    %dma_start3A_52 = arith.constant 0 : i32
    %dma_start3A_53 = arith.constant 0 : i32
    %dma_start3A_54 = tpu.memref_slice %arg2[%dma_start3A_52, %dma_start3A_53] : memref<10000x64xi32, #tpu.memory_space<hbm>> -> memref<10000x64xi32, #tpu.memory_space<hbm>>
    tpu.enqueue_indirect_dma source(%dma_start3A_54 : memref<10000x64xi32, #tpu.memory_space<hbm>>) target(%dma_start3A_48 : memref<128x64xi32, #tpu.memory_space<vmem>>) offsets(%dma_start3A_51 : memref<128xi32, #tpu.memory_space<vmem>>) semaphore(%arg12 : memref<!tpu.dma_semaphore, #tpu.memory_space<semaphore_mem>>)
    %while3A_55 = arith.constant 0 : i32
    %while3A_56 = arith.constant 0 : i32
    %while3A_57 = arith.subi %select_n3A_13, %while3A_56 : i32
    %while3A_58 = arith.addi %while3A_56, %while3A_57 : i32
    %while3A_59 = arith.constant 1 : i32
    %while3A_60 = arith.divsi %while3A_57, %while3A_59 : i32
    %while3A_61 = arith.muli %while3A_60, %while3A_59 : i32
    %while3A_62 = arith.addi %while3A_56, %while3A_61 : i32
    %while3A_63 = arith.constant 1 : i32
    scf.for %while3A_96 = %while3A_56 to %while3A_62 step %while3A_63  : i32 {
      %mul3A_97 = arith.constant 2 : i32
      %mul3A_98 = arith.muli %mul3A_97, %while3A_96 : i32
      %add3A_99 = arith.constant 0 : i32
      %add3A_100 = arith.addi %mul3A_98, %add3A_99 : i32
      %dma_wait3A_101 = arith.constant 0 : i32
      %dma_wait3A_102 = arith.constant 0 : i32
      %dma_wait3A_103 = arith.constant 0 : i32
      %dma_wait3A_104 = tpu.memref_slice %arg10[%dma_wait3A_101, %dma_wait3A_102, %dma_wait3A_103] : memref<2x128x64xi32, #tpu.memory_space<vmem>> -> memref<1x128x64xi32, #tpu.memory_space<vmem>>
      %dma_wait3A_105 = tpu.memref_squeeze %dma_wait3A_104 : memref<1x128x64xi32, #tpu.memory_space<vmem>> -> memref<128x64xi32, #tpu.memory_space<vmem>>
      %dma_wait3A_106 = arith.constant 0 : i32
      %dma_wait3A_107 = tpu.memref_slice %arg8[%add3A_100, %dma_wait3A_106] : memref<48x128xi32, #tpu.memory_space<vmem>> -> memref<1x128xi32, #tpu.memory_space<vmem>>
      %dma_wait3A_108 = tpu.memref_squeeze %dma_wait3A_107 : memref<1x128xi32, #tpu.memory_space<vmem>> -> memref<128xi32, #tpu.memory_space<vmem>>
      %dma_wait3A_109 = arith.constant 0 : i32
      %dma_wait3A_110 = arith.constant 0 : i32
      %dma_wait3A_111 = tpu.memref_slice %arg2[%dma_wait3A_109, %dma_wait3A_110] : memref<10000x64xi32, #tpu.memory_space<hbm>> -> memref<10000x64xi32, #tpu.memory_space<hbm>>
      tpu.wait_indirect_dma semaphore(%arg12 : memref<!tpu.dma_semaphore, #tpu.memory_space<semaphore_mem>>) src(%dma_wait3A_111 : memref<10000x64xi32, #tpu.memory_space<hbm>>) dst(%dma_wait3A_105 : memref<128x64xi32, #tpu.memory_space<vmem>>)
      %add3A_112 = arith.constant 1 : i32
      %add3A_113 = arith.addi %add3A_100, %add3A_112 : i32
      %lt3A_114 = arith.cmpi slt, %add3A_113, %select_n3A_8 : i32
      %convert_element_type3A_115 = arith.extui %lt3A_114 : i1 to i32
      %cond3A_116 = arith.constant 0 : i32
      %cond3A_117 = arith.cmpi ne, %convert_element_type3A_115, %cond3A_116 : i32
      scf.if %cond3A_117 {
        %add3A_254 = arith.constant 1 : i32
        %add3A_255 = arith.addi %add3A_100, %add3A_254 : i32
        %dma_start3A_256 = arith.constant 1 : i32
        %dma_start3A_257 = arith.constant 0 : i32
        %dma_start3A_258 = arith.constant 0 : i32
        %dma_start3A_259 = tpu.memref_slice %arg10[%dma_start3A_256, %dma_start3A_257, %dma_start3A_258] : memref<2x128x64xi32, #tpu.memory_space<vmem>> -> memref<1x128x64xi32, #tpu.memory_space<vmem>>
        %dma_start3A_260 = tpu.memref_squeeze %dma_start3A_259 : memref<1x128x64xi32, #tpu.memory_space<vmem>> -> memref<128x64xi32, #tpu.memory_space<vmem>>
        %dma_start3A_261 = arith.constant 0 : i32
        %dma_start3A_262 = tpu.memref_slice %arg8[%add3A_255, %dma_start3A_261] : memref<48x128xi32, #tpu.memory_space<vmem>> -> memref<1x128xi32, #tpu.memory_space<vmem>>
        %dma_start3A_263 = tpu.memref_squeeze %dma_start3A_262 : memref<1x128xi32, #tpu.memory_space<vmem>> -> memref<128xi32, #tpu.memory_space<vmem>>
        %dma_start3A_264 = arith.constant 0 : i32
        %dma_start3A_265 = arith.constant 0 : i32
        %dma_start3A_266 = tpu.memref_slice %arg2[%dma_start3A_264, %dma_start3A_265] : memref<10000x64xi32, #tpu.memory_space<hbm>> -> memref<10000x64xi32, #tpu.memory_space<hbm>>
        tpu.enqueue_indirect_dma source(%dma_start3A_266 : memref<10000x64xi32, #tpu.memory_space<hbm>>) target(%dma_start3A_260 : memref<128x64xi32, #tpu.memory_space<vmem>>) offsets(%dma_start3A_263 : memref<128xi32, #tpu.memory_space<vmem>>) semaphore(%arg12 : memref<!tpu.dma_semaphore, #tpu.memory_space<semaphore_mem>>)
      } else {
      }
      %dma_wait3A_118 = arith.constant 0 : i32
      %dma_wait3A_119 = arith.constant 0 : i32
      %dma_wait3A_120 = arith.constant 0 : i32
      %dma_wait3A_121 = arith.constant 0 : i32
      %dma_wait3A_122 = tpu.memref_slice %arg11[%dma_wait3A_118, %dma_wait3A_120, %dma_wait3A_121] : memref<2x64x128xf32, #tpu.memory_space<vmem>> -> memref<1x64x128xf32, #tpu.memory_space<vmem>>
      %dma_wait3A_123 = tpu.memref_squeeze %dma_wait3A_122 : memref<1x64x128xf32, #tpu.memory_space<vmem>> -> memref<64x128xf32, #tpu.memory_space<vmem>>
      %dma_wait3A_124 = arith.constant 0 : i32
      %dma_wait3A_125 = tpu.memref_slice %arg9[%dma_wait3A_119, %dma_wait3A_124] : memref<48x128xi32, #tpu.memory_space<vmem>> -> memref<1x64xi32, #tpu.memory_space<vmem>>
      %dma_wait3A_126 = tpu.memref_squeeze %dma_wait3A_125 : memref<1x64xi32, #tpu.memory_space<vmem>> -> memref<64xi32, #tpu.memory_space<vmem>>
      %dma_wait3A_127 = arith.constant 0 : i32
      %dma_wait3A_128 = arith.constant 0 : i32
      %dma_wait3A_129 = tpu.memref_slice %arg7[%dma_wait3A_127, %dma_wait3A_128] : memref<10112x128xf32, #tpu.memory_space<vmem_shared>> -> memref<10112x128xf32, #tpu.memory_space<vmem_shared>>
      tpu.wait_indirect_dma semaphore(%arg13 : memref<!tpu.dma_semaphore, #tpu.memory_space<semaphore_mem>>) src(%dma_wait3A_123 : memref<64x128xf32, #tpu.memory_space<vmem>>) dst(%dma_wait3A_129 : memref<10112x128xf32, #tpu.memory_space<vmem_shared>>)
      %scan3A = arith.constant 0 : i32
      %scan3A_130 = arith.constant 0 : i32
      %scan3A_131 = arith.constant 64 : i32
      %scan3A_132 = arith.addi %scan3A_130, %scan3A_131 : i32
      %scan3A_133 = arith.constant 1 : i32
      scf.for %scan3A_254 = %scan3A_130 to %scan3A_132 step %scan3A_133  : i32 {
        %add3A_255 = arith.constant 0 : i32
        %add3A_256 = arith.addi %add3A_255, %scan3A_254 : i32
        %get3A = arith.constant 0 : i32
        %get3A_257 = arith.index_cast %get3A : i32 to index
        %get3A_258 = arith.index_cast %add3A_256 : i32 to index
        %get3A_259 = arith.constant 0 : index
        %get3A_260 = tpu.vector_load %arg10[%get3A_257, %get3A_258, %get3A_259] {strides = array<i32>} : memref<2x128x64xi32, #tpu.memory_space<vmem>>, vector<1x1x16xi32>,
        %get3A_261 = vector.shape_cast %get3A_260 : vector<1x1x16xi32> to vector<16xi32>
        %shift_left3A = arith.constant 16 : i32
        %shift_left3A_262 = vector.broadcast %shift_left3A : i32 to vector<16xi32>
        %shift_left3A_263 = arith.shli %get3A_261, %shift_left3A_262 : vector<16xi32>
        %bitcast_convert_type3A = tpu.bitcast %shift_left3A_263 : vector<16xi32> -> vector<16xf32>
        %and3A = arith.andi %get3A_261, %broadcast_in_dim3A_16 : vector<16xi32>
        %bitcast_convert_type3A_264 = tpu.bitcast %and3A : vector<16xi32> -> vector<16xf32>
        %swap3A = arith.constant 0 : i32
        %swap3A_265 = arith.index_cast %swap3A : i32 to index
        %swap3A_266 = arith.index_cast %scan3A_254 : i32 to index
        %swap3A_267 = arith.constant 0 : index
        %swap3A_268 = tpu.vector_load %arg11[%swap3A_265, %swap3A_266, %swap3A_267] {strides = array<i32>} : memref<2x64x128xf32, #tpu.memory_space<vmem>>, vector<1x1x16xf32>,
        %swap3A_269 = vector.shape_cast %swap3A_268 : vector<1x1x16xf32> to vector<16xf32>
        %swap3A_270 = vector.shape_cast %bitcast_convert_type3A : vector<16xf32> to vector<1x1x16xf32>
        tpu.vector_store %arg11[%swap3A_265, %swap3A_266, %swap3A_267], %swap3A_270 {strides = array<i32>} : memref<2x64x128xf32, #tpu.memory_space<vmem>>, vector<1x1x16xf32>,
        %swap3A_271 = arith.constant 0 : i32
        %swap3A_272 = arith.index_cast %swap3A_271 : i32 to index
        %swap3A_273 = arith.index_cast %scan3A_254 : i32 to index
        %swap3A_274 = arith.constant 64 : index
        %swap3A_275 = tpu.vector_load %arg11[%swap3A_272, %swap3A_273, %swap3A_274] {strides = array<i32>} : memref<2x64x128xf32, #tpu.memory_space<vmem>>, vector<1x1x16xf32>,
        %swap3A_276 = vector.shape_cast %swap3A_275 : vector<1x1x16xf32> to vector<16xf32>
        %swap3A_277 = vector.shape_cast %bitcast_convert_type3A_264 : vector<16xf32> to vector<1x1x16xf32>
        tpu.vector_store %arg11[%swap3A_272, %swap3A_273, %swap3A_274], %swap3A_277 {strides = array<i32>} : memref<2x64x128xf32, #tpu.memory_space<vmem>>, vector<1x1x16xf32>,
        %add3A_278 = arith.constant 0 : i32
        %add3A_279 = arith.addi %add3A_278, %scan3A_254 : i32
        %get3A_280 = arith.constant 0 : i32
        %get3A_281 = arith.index_cast %get3A_280 : i32 to index
        %get3A_282 = arith.index_cast %add3A_279 : i32 to index
        %get3A_283 = arith.constant 16 : index
        %get3A_284 = tpu.vector_load %arg10[%get3A_281, %get3A_282, %get3A_283] {strides = array<i32>} : memref<2x128x64xi32, #tpu.memory_space<vmem>>, vector<1x1x16xi32>,
        %get3A_285 = vector.shape_cast %get3A_284 : vector<1x1x16xi32> to vector<16xi32>
        %shift_left3A_286 = arith.constant 16 : i32
        %shift_left3A_287 = vector.broadcast %shift_left3A_286 : i32 to vector<16xi32>
        %shift_left3A_288 = arith.shli %get3A_285, %shift_left3A_287 : vector<16xi32>
        %bitcast_convert_type3A_289 = tpu.bitcast %shift_left3A_288 : vector<16xi32> -> vector<16xf32>
        %and3A_290 = arith.andi %get3A_285, %broadcast_in_dim3A_16 : vector<16xi32>
        %bitcast_convert_type3A_291 = tpu.bitcast %and3A_290 : vector<16xi32> -> vector<16xf32>
        %swap3A_292 = arith.constant 0 : i32
        %swap3A_293 = arith.index_cast %swap3A_292 : i32 to index
        %swap3A_294 = arith.index_cast %scan3A_254 : i32 to index
        %swap3A_295 = arith.constant 16 : index
        %swap3A_296 = tpu.vector_load %arg11[%swap3A_293, %swap3A_294, %swap3A_295] {strides = array<i32>} : memref<2x64x128xf32, #tpu.memory_space<vmem>>, vector<1x1x16xf32>,
        %swap3A_297 = vector.shape_cast %swap3A_296 : vector<1x1x16xf32> to vector<16xf32>
        %swap3A_298 = vector.shape_cast %bitcast_convert_type3A_289 : vector<16xf32> to vector<1x1x16xf32>
        tpu.vector_store %arg11[%swap3A_293, %swap3A_294, %swap3A_295], %swap3A_298 {strides = array<i32>} : memref<2x64x128xf32, #tpu.memory_space<vmem>>, vector<1x1x16xf32>,
        %swap3A_299 = arith.constant 0 : i32
        %swap3A_300 = arith.index_cast %swap3A_299 : i32 to index
        %swap3A_301 = arith.index_cast %scan3A_254 : i32 to index
        %swap3A_302 = arith.constant 80 : index
        %swap3A_303 = tpu.vector_load %arg11[%swap3A_300, %swap3A_301, %swap3A_302] {strides = array<i32>} : memref<2x64x128xf32, #tpu.memory_space<vmem>>, vector<1x1x16xf32>,
        %swap3A_304 = vector.shape_cast %swap3A_303 : vector<1x1x16xf32> to vector<16xf32>
        %swap3A_305 = vector.shape_cast %bitcast_convert_type3A_291 : vector<16xf32> to vector<1x1x16xf32>
        tpu.vector_store %arg11[%swap3A_300, %swap3A_301, %swap3A_302], %swap3A_305 {strides = array<i32>} : memref<2x64x128xf32, #tpu.memory_space<vmem>>, vector<1x1x16xf32>,
        %add3A_306 = arith.constant 0 : i32
        %add3A_307 = arith.addi %add3A_306, %scan3A_254 : i32
        %get3A_308 = arith.constant 0 : i32
        %get3A_309 = arith.index_cast %get3A_308 : i32 to index
        %get3A_310 = arith.index_cast %add3A_307 : i32 to index
        %get3A_311 = arith.constant 32 : index
        %get3A_312 = tpu.vector_load %arg10[%get3A_309, %get3A_310, %get3A_311] {strides = array<i32>} : memref<2x128x64xi32, #tpu.memory_space<vmem>>, vector<1x1x16xi32>,
        %get3A_313 = vector.shape_cast %get3A_312 : vector<1x1x16xi32> to vector<16xi32>
        %shift_left3A_314 = arith.constant 16 : i32
        %shift_left3A_315 = vector.broadcast %shift_left3A_314 : i32 to vector<16xi32>
        %shift_left3A_316 = arith.shli %get3A_313, %shift_left3A_315 : vector<16xi32>
        %bitcast_convert_type3A_317 = tpu.bitcast %shift_left3A_316 : vector<16xi32> -> vector<16xf32>
        %and3A_318 = arith.andi %get3A_313, %broadcast_in_dim3A_16 : vector<16xi32>
        %bitcast_convert_type3A_319 = tpu.bitcast %and3A_318 : vector<16xi32> -> vector<16xf32>
        %swap3A_320 = arith.constant 0 : i32
        %swap3A_321 = arith.index_cast %swap3A_320 : i32 to index
        %swap3A_322 = arith.index_cast %scan3A_254 : i32 to index
        %swap3A_323 = arith.constant 32 : index
        %swap3A_324 = tpu.vector_load %arg11[%swap3A_321, %swap3A_322, %swap3A_323] {strides = array<i32>} : memref<2x64x128xf32, #tpu.memory_space<vmem>>, vector<1x1x16xf32>,
        %swap3A_325 = vector.shape_cast %swap3A_324 : vector<1x1x16xf32> to vector<16xf32>
        %swap3A_326 = vector.shape_cast %bitcast_convert_type3A_317 : vector<16xf32> to vector<1x1x16xf32>
        tpu.vector_store %arg11[%swap3A_321, %swap3A_322, %swap3A_323], %swap3A_326 {strides = array<i32>} : memref<2x64x128xf32, #tpu.memory_space<vmem>>, vector<1x1x16xf32>,
        %swap3A_327 = arith.constant 0 : i32
        %swap3A_328 = arith.index_cast %swap3A_327 : i32 to index
        %swap3A_329 = arith.index_cast %scan3A_254 : i32 to index
        %swap3A_330 = arith.constant 96 : index
        %swap3A_331 = tpu.vector_load %arg11[%swap3A_328, %swap3A_329, %swap3A_330] {strides = array<i32>} : memref<2x64x128xf32, #tpu.memory_space<vmem>>, vector<1x1x16xf32>,
        %swap3A_332 = vector.shape_cast %swap3A_331 : vector<1x1x16xf32> to vector<16xf32>
        %swap3A_333 = vector.shape_cast %bitcast_convert_type3A_319 : vector<16xf32> to vector<1x1x16xf32>
        tpu.vector_store %arg11[%swap3A_328, %swap3A_329, %swap3A_330], %swap3A_333 {strides = array<i32>} : memref<2x64x128xf32, #tpu.memory_space<vmem>>, vector<1x1x16xf32>,
        %add3A_334 = arith.constant 0 : i32
        %add3A_335 = arith.addi %add3A_334, %scan3A_254 : i32
        %get3A_336 = arith.constant 0 : i32
        %get3A_337 = arith.index_cast %get3A_336 : i32 to index
        %get3A_338 = arith.index_cast %add3A_335 : i32 to index
        %get3A_339 = arith.constant 48 : index
        %get3A_340 = tpu.vector_load %arg10[%get3A_337, %get3A_338, %get3A_339] {strides = array<i32>} : memref<2x128x64xi32, #tpu.memory_space<vmem>>, vector<1x1x16xi32>,
        %get3A_341 = vector.shape_cast %get3A_340 : vector<1x1x16xi32> to vector<16xi32>
        %shift_left3A_342 = arith.constant 16 : i32
        %shift_left3A_343 = vector.broadcast %shift_left3A_342 : i32 to vector<16xi32>
        %shift_left3A_344 = arith.shli %get3A_341, %shift_left3A_343 : vector<16xi32>
        %bitcast_convert_type3A_345 = tpu.bitcast %shift_left3A_344 : vector<16xi32> -> vector<16xf32>
        %and3A_346 = arith.andi %get3A_341, %broadcast_in_dim3A_16 : vector<16xi32>
        %bitcast_convert_type3A_347 = tpu.bitcast %and3A_346 : vector<16xi32> -> vector<16xf32>
        %swap3A_348 = arith.constant 0 : i32
        %swap3A_349 = arith.index_cast %swap3A_348 : i32 to index
        %swap3A_350 = arith.index_cast %scan3A_254 : i32 to index
        %swap3A_351 = arith.constant 48 : index
        %swap3A_352 = tpu.vector_load %arg11[%swap3A_349, %swap3A_350, %swap3A_351] {strides = array<i32>} : memref<2x64x128xf32, #tpu.memory_space<vmem>>, vector<1x1x16xf32>,
        %swap3A_353 = vector.shape_cast %swap3A_352 : vector<1x1x16xf32> to vector<16xf32>
        %swap3A_354 = vector.shape_cast %bitcast_convert_type3A_345 : vector<16xf32> to vector<1x1x16xf32>
        tpu.vector_store %arg11[%swap3A_349, %swap3A_350, %swap3A_351], %swap3A_354 {strides = array<i32>} : memref<2x64x128xf32, #tpu.memory_space<vmem>>, vector<1x1x16xf32>,
        %swap3A_355 = arith.constant 0 : i32
        %swap3A_356 = arith.index_cast %swap3A_355 : i32 to index
        %swap3A_357 = arith.index_cast %scan3A_254 : i32 to index
        %swap3A_358 = arith.constant 112 : index
        %swap3A_359 = tpu.vector_load %arg11[%swap3A_356, %swap3A_357, %swap3A_358] {strides = array<i32>} : memref<2x64x128xf32, #tpu.memory_space<vmem>>, vector<1x1x16xf32>,
        %swap3A_360 = vector.shape_cast %swap3A_359 : vector<1x1x16xf32> to vector<16xf32>
        %swap3A_361 = vector.shape_cast %bitcast_convert_type3A_347 : vector<16xf32> to vector<1x1x16xf32>
        tpu.vector_store %arg11[%swap3A_356, %swap3A_357, %swap3A_358], %swap3A_361 {strides = array<i32>} : memref<2x64x128xf32, #tpu.memory_space<vmem>>, vector<1x1x16xf32>,
      }
      %scan3A_134 = arith.constant 64 : i32
      %dma_start3A_135 = arith.constant 0 : i32
      %dma_start3A_136 = arith.constant 0 : i32
      %dma_start3A_137 = arith.constant 0 : i32
      %dma_start3A_138 = tpu.memref_slice %arg11[%dma_start3A_135, %dma_start3A_136, %dma_start3A_137] : memref<2x64x128xf32, #tpu.memory_space<vmem>> -> memref<1x64x128xf32, #tpu.memory_space<vmem>>
      %dma_start3A_139 = tpu.memref_squeeze %dma_start3A_138 : memref<1x64x128xf32, #tpu.memory_space<vmem>> -> memref<64x128xf32, #tpu.memory_space<vmem>>
      %dma_start3A_140 = arith.constant 0 : i32
      %dma_start3A_141 = tpu.memref_slice %arg9[%add3A_100, %dma_start3A_140] : memref<48x128xi32, #tpu.memory_space<vmem>> -> memref<1x64xi32, #tpu.memory_space<vmem>>
      %dma_start3A_142 = tpu.memref_squeeze %dma_start3A_141 : memref<1x64xi32, #tpu.memory_space<vmem>> -> memref<64xi32, #tpu.memory_space<vmem>>
      %dma_start3A_143 = arith.constant 0 : i32
      %dma_start3A_144 = arith.constant 0 : i32
      %dma_start3A_145 = tpu.memref_slice %arg7[%dma_start3A_143, %dma_start3A_144] : memref<10112x128xf32, #tpu.memory_space<vmem_shared>> -> memref<10112x128xf32, #tpu.memory_space<vmem_shared>>
      tpu.enqueue_indirect_dma source(%dma_start3A_139 : memref<64x128xf32, #tpu.memory_space<vmem>>) target(%dma_start3A_145 : memref<10112x128xf32, #tpu.memory_space<vmem_shared>>) offsets(%dma_start3A_142 : memref<64xi32, #tpu.memory_space<vmem>>) semaphore(%arg13 : memref<!tpu.dma_semaphore, #tpu.memory_space<semaphore_mem>>) {add = true}
      %dma_wait3A_146 = arith.constant 1 : i32
      %dma_wait3A_147 = arith.constant 0 : i32
      %dma_wait3A_148 = arith.constant 0 : i32
      %dma_wait3A_149 = arith.constant 0 : i32
      %dma_wait3A_150 = tpu.memref_slice %arg11[%dma_wait3A_146, %dma_wait3A_148, %dma_wait3A_149] : memref<2x64x128xf32, #tpu.memory_space<vmem>> -> memref<1x64x128xf32, #tpu.memory_space<vmem>>
      %dma_wait3A_151 = tpu.memref_squeeze %dma_wait3A_150 : memref<1x64x128xf32, #tpu.memory_space<vmem>> -> memref<64x128xf32, #tpu.memory_space<vmem>>
      %dma_wait3A_152 = arith.constant 0 : i32
      %dma_wait3A_153 = tpu.memref_slice %arg9[%dma_wait3A_147, %dma_wait3A_152] : memref<48x128xi32, #tpu.memory_space<vmem>> -> memref<1x64xi32, #tpu.memory_space<vmem>>
      %dma_wait3A_154 = tpu.memref_squeeze %dma_wait3A_153 : memref<1x64xi32, #tpu.memory_space<vmem>> -> memref<64xi32, #tpu.memory_space<vmem>>
      %dma_wait3A_155 = arith.constant 0 : i32
      %dma_wait3A_156 = arith.constant 0 : i32
      %dma_wait3A_157 = tpu.memref_slice %arg7[%dma_wait3A_155, %dma_wait3A_156] : memref<10112x128xf32, #tpu.memory_space<vmem_shared>> -> memref<10112x128xf32, #tpu.memory_space<vmem_shared>>
      tpu.wait_indirect_dma semaphore(%arg13 : memref<!tpu.dma_semaphore, #tpu.memory_space<semaphore_mem>>) src(%dma_wait3A_151 : memref<64x128xf32, #tpu.memory_space<vmem>>) dst(%dma_wait3A_157 : memref<10112x128xf32, #tpu.memory_space<vmem_shared>>)
      %scan3A_158 = arith.constant 0 : i32
      %scan3A_159 = arith.constant 0 : i32
      %scan3A_160 = arith.constant 64 : i32
      %scan3A_161 = arith.addi %scan3A_159, %scan3A_160 : i32
      %scan3A_162 = arith.constant 1 : i32
      scf.for %scan3A_254 = %scan3A_159 to %scan3A_161 step %scan3A_162  : i32 {
        %add3A_255 = arith.constant 64 : i32
        %add3A_256 = arith.addi %add3A_255, %scan3A_254 : i32
        %get3A = arith.constant 0 : i32
        %get3A_257 = arith.index_cast %get3A : i32 to index
        %get3A_258 = arith.index_cast %add3A_256 : i32 to index
        %get3A_259 = arith.constant 0 : index
        %get3A_260 = tpu.vector_load %arg10[%get3A_257, %get3A_258, %get3A_259] {strides = array<i32>} : memref<2x128x64xi32, #tpu.memory_space<vmem>>, vector<1x1x16xi32>,
        %get3A_261 = vector.shape_cast %get3A_260 : vector<1x1x16xi32> to vector<16xi32>
        %shift_left3A = arith.constant 16 : i32
        %shift_left3A_262 = vector.broadcast %shift_left3A : i32 to vector<16xi32>
        %shift_left3A_263 = arith.shli %get3A_261, %shift_left3A_262 : vector<16xi32>
        %bitcast_convert_type3A = tpu.bitcast %shift_left3A_263 : vector<16xi32> -> vector<16xf32>
        %and3A = arith.andi %get3A_261, %broadcast_in_dim3A_16 : vector<16xi32>
        %bitcast_convert_type3A_264 = tpu.bitcast %and3A : vector<16xi32> -> vector<16xf32>
        %swap3A = arith.constant 1 : i32
        %swap3A_265 = arith.index_cast %swap3A : i32 to index
        %swap3A_266 = arith.index_cast %scan3A_254 : i32 to index
        %swap3A_267 = arith.constant 0 : index
        %swap3A_268 = tpu.vector_load %arg11[%swap3A_265, %swap3A_266, %swap3A_267] {strides = array<i32>} : memref<2x64x128xf32, #tpu.memory_space<vmem>>, vector<1x1x16xf32>,
        %swap3A_269 = vector.shape_cast %swap3A_268 : vector<1x1x16xf32> to vector<16xf32>
        %swap3A_270 = vector.shape_cast %bitcast_convert_type3A : vector<16xf32> to vector<1x1x16xf32>
        tpu.vector_store %arg11[%swap3A_265, %swap3A_266, %swap3A_267], %swap3A_270 {strides = array<i32>} : memref<2x64x128xf32, #tpu.memory_space<vmem>>, vector<1x1x16xf32>,
        %swap3A_271 = arith.constant 1 : i32
        %swap3A_272 = arith.index_cast %swap3A_271 : i32 to index
        %swap3A_273 = arith.index_cast %scan3A_254 : i32 to index
        %swap3A_274 = arith.constant 64 : index
        %swap3A_275 = tpu.vector_load %arg11[%swap3A_272, %swap3A_273, %swap3A_274] {strides = array<i32>} : memref<2x64x128xf32, #tpu.memory_space<vmem>>, vector<1x1x16xf32>,
        %swap3A_276 = vector.shape_cast %swap3A_275 : vector<1x1x16xf32> to vector<16xf32>
        %swap3A_277 = vector.shape_cast %bitcast_convert_type3A_264 : vector<16xf32> to vector<1x1x16xf32>
        tpu.vector_store %arg11[%swap3A_272, %swap3A_273, %swap3A_274], %swap3A_277 {strides = array<i32>} : memref<2x64x128xf32, #tpu.memory_space<vmem>>, vector<1x1x16xf32>,
        %add3A_278 = arith.constant 64 : i32
        %add3A_279 = arith.addi %add3A_278, %scan3A_254 : i32
        %get3A_280 = arith.constant 0 : i32
        %get3A_281 = arith.index_cast %get3A_280 : i32 to index
        %get3A_282 = arith.index_cast %add3A_279 : i32 to index
        %get3A_283 = arith.constant 16 : index
        %get3A_284 = tpu.vector_load %arg10[%get3A_281, %get3A_282, %get3A_283] {strides = array<i32>} : memref<2x128x64xi32, #tpu.memory_space<vmem>>, vector<1x1x16xi32>,
        %get3A_285 = vector.shape_cast %get3A_284 : vector<1x1x16xi32> to vector<16xi32>
        %shift_left3A_286 = arith.constant 16 : i32
        %shift_left3A_287 = vector.broadcast %shift_left3A_286 : i32 to vector<16xi32>
        %shift_left3A_288 = arith.shli %get3A_285, %shift_left3A_287 : vector<16xi32>
        %bitcast_convert_type3A_289 = tpu.bitcast %shift_left3A_288 : vector<16xi32> -> vector<16xf32>
        %and3A_290 = arith.andi %get3A_285, %broadcast_in_dim3A_16 : vector<16xi32>
        %bitcast_convert_type3A_291 = tpu.bitcast %and3A_290 : vector<16xi32> -> vector<16xf32>
        %swap3A_292 = arith.constant 1 : i32
        %swap3A_293 = arith.index_cast %swap3A_292 : i32 to index
        %swap3A_294 = arith.index_cast %scan3A_254 : i32 to index
        %swap3A_295 = arith.constant 16 : index
        %swap3A_296 = tpu.vector_load %arg11[%swap3A_293, %swap3A_294, %swap3A_295] {strides = array<i32>} : memref<2x64x128xf32, #tpu.memory_space<vmem>>, vector<1x1x16xf32>,
        %swap3A_297 = vector.shape_cast %swap3A_296 : vector<1x1x16xf32> to vector<16xf32>
        %swap3A_298 = vector.shape_cast %bitcast_convert_type3A_289 : vector<16xf32> to vector<1x1x16xf32>
        tpu.vector_store %arg11[%swap3A_293, %swap3A_294, %swap3A_295], %swap3A_298 {strides = array<i32>} : memref<2x64x128xf32, #tpu.memory_space<vmem>>, vector<1x1x16xf32>,
        %swap3A_299 = arith.constant 1 : i32
        %swap3A_300 = arith.index_cast %swap3A_299 : i32 to index
        %swap3A_301 = arith.index_cast %scan3A_254 : i32 to index
        %swap3A_302 = arith.constant 80 : index
        %swap3A_303 = tpu.vector_load %arg11[%swap3A_300, %swap3A_301, %swap3A_302] {strides = array<i32>} : memref<2x64x128xf32, #tpu.memory_space<vmem>>, vector<1x1x16xf32>,
        %swap3A_304 = vector.shape_cast %swap3A_303 : vector<1x1x16xf32> to vector<16xf32>
        %swap3A_305 = vector.shape_cast %bitcast_convert_type3A_291 : vector<16xf32> to vector<1x1x16xf32>
        tpu.vector_store %arg11[%swap3A_300, %swap3A_301, %swap3A_302], %swap3A_305 {strides = array<i32>} : memref<2x64x128xf32, #tpu.memory_space<vmem>>, vector<1x1x16xf32>,
        %add3A_306 = arith.constant 64 : i32
        %add3A_307 = arith.addi %add3A_306, %scan3A_254 : i32
        %get3A_308 = arith.constant 0 : i32
        %get3A_309 = arith.index_cast %get3A_308 : i32 to index
        %get3A_310 = arith.index_cast %add3A_307 : i32 to index
        %get3A_311 = arith.constant 32 : index
        %get3A_312 = tpu.vector_load %arg10[%get3A_309, %get3A_310, %get3A_311] {strides = array<i32>} : memref<2x128x64xi32, #tpu.memory_space<vmem>>, vector<1x1x16xi32>,
        %get3A_313 = vector.shape_cast %get3A_312 : vector<1x1x16xi32> to vector<16xi32>
        %shift_left3A_314 = arith.constant 16 : i32
        %shift_left3A_315 = vector.broadcast %shift_left3A_314 : i32 to vector<16xi32>
        %shift_left3A_316 = arith.shli %get3A_313, %shift_left3A_315 : vector<16xi32>
        %bitcast_convert_type3A_317 = tpu.bitcast %shift_left3A_316 : vector<16xi32> -> vector<16xf32>
        %and3A_318 = arith.andi %get3A_313, %broadcast_in_dim3A_16 : vector<16xi32>
        %bitcast_convert_type3A_319 = tpu.bitcast %and3A_318 : vector<16xi32> -> vector<16xf32>
        %swap3A_320 = arith.constant 1 : i32
        %swap3A_321 = arith.index_cast %swap3A_320 : i32 to index
        %swap3A_322 = arith.index_cast %scan3A_254 : i32 to index
        %swap3A_323 = arith.constant 32 : index
        %swap3A_324 = tpu.vector_load %arg11[%swap3A_321, %swap3A_322, %swap3A_323] {strides = array<i32>} : memref<2x64x128xf32, #tpu.memory_space<vmem>>, vector<1x1x16xf32>,
        %swap3A_325 = vector.shape_cast %swap3A_324 : vector<1x1x16xf32> to vector<16xf32>
        %swap3A_326 = vector.shape_cast %bitcast_convert_type3A_317 : vector<16xf32> to vector<1x1x16xf32>
        tpu.vector_store %arg11[%swap3A_321, %swap3A_322, %swap3A_323], %swap3A_326 {strides = array<i32>} : memref<2x64x128xf32, #tpu.memory_space<vmem>>, vector<1x1x16xf32>,
        %swap3A_327 = arith.constant 1 : i32
        %swap3A_328 = arith.index_cast %swap3A_327 : i32 to index
        %swap3A_329 = arith.index_cast %scan3A_254 : i32 to index
        %swap3A_330 = arith.constant 96 : index
        %swap3A_331 = tpu.vector_load %arg11[%swap3A_328, %swap3A_329, %swap3A_330] {strides = array<i32>} : memref<2x64x128xf32, #tpu.memory_space<vmem>>, vector<1x1x16xf32>,
        %swap3A_332 = vector.shape_cast %swap3A_331 : vector<1x1x16xf32> to vector<16xf32>
        %swap3A_333 = vector.shape_cast %bitcast_convert_type3A_319 : vector<16xf32> to vector<1x1x16xf32>
        tpu.vector_store %arg11[%swap3A_328, %swap3A_329, %swap3A_330], %swap3A_333 {strides = array<i32>} : memref<2x64x128xf32, #tpu.memory_space<vmem>>, vector<1x1x16xf32>,
        %add3A_334 = arith.constant 64 : i32
        %add3A_335 = arith.addi %add3A_334, %scan3A_254 : i32
        %get3A_336 = arith.constant 0 : i32
        %get3A_337 = arith.index_cast %get3A_336 : i32 to index
        %get3A_338 = arith.index_cast %add3A_335 : i32 to index
        %get3A_339 = arith.constant 48 : index
        %get3A_340 = tpu.vector_load %arg10[%get3A_337, %get3A_338, %get3A_339] {strides = array<i32>} : memref<2x128x64xi32, #tpu.memory_space<vmem>>, vector<1x1x16xi32>,
        %get3A_341 = vector.shape_cast %get3A_340 : vector<1x1x16xi32> to vector<16xi32>
        %shift_left3A_342 = arith.constant 16 : i32
        %shift_left3A_343 = vector.broadcast %shift_left3A_342 : i32 to vector<16xi32>
        %shift_left3A_344 = arith.shli %get3A_341, %shift_left3A_343 : vector<16xi32>
        %bitcast_convert_type3A_345 = tpu.bitcast %shift_left3A_344 : vector<16xi32> -> vector<16xf32>
        %and3A_346 = arith.andi %get3A_341, %broadcast_in_dim3A_16 : vector<16xi32>
        %bitcast_convert_type3A_347 = tpu.bitcast %and3A_346 : vector<16xi32> -> vector<16xf32>
        %swap3A_348 = arith.constant 1 : i32
        %swap3A_349 = arith.index_cast %swap3A_348 : i32 to index
        %swap3A_350 = arith.index_cast %scan3A_254 : i32 to index
        %swap3A_351 = arith.constant 48 : index
        %swap3A_352 = tpu.vector_load %arg11[%swap3A_349, %swap3A_350, %swap3A_351] {strides = array<i32>} : memref<2x64x128xf32, #tpu.memory_space<vmem>>, vector<1x1x16xf32>,
        %swap3A_353 = vector.shape_cast %swap3A_352 : vector<1x1x16xf32> to vector<16xf32>
        %swap3A_354 = vector.shape_cast %bitcast_convert_type3A_345 : vector<16xf32> to vector<1x1x16xf32>
        tpu.vector_store %arg11[%swap3A_349, %swap3A_350, %swap3A_351], %swap3A_354 {strides = array<i32>} : memref<2x64x128xf32, #tpu.memory_space<vmem>>, vector<1x1x16xf32>,
        %swap3A_355 = arith.constant 1 : i32
        %swap3A_356 = arith.index_cast %swap3A_355 : i32 to index
        %swap3A_357 = arith.index_cast %scan3A_254 : i32 to index
        %swap3A_358 = arith.constant 112 : index
        %swap3A_359 = tpu.vector_load %arg11[%swap3A_356, %swap3A_357, %swap3A_358] {strides = array<i32>} : memref<2x64x128xf32, #tpu.memory_space<vmem>>, vector<1x1x16xf32>,
        %swap3A_360 = vector.shape_cast %swap3A_359 : vector<1x1x16xf32> to vector<16xf32>
        %swap3A_361 = vector.shape_cast %bitcast_convert_type3A_347 : vector<16xf32> to vector<1x1x16xf32>
        tpu.vector_store %arg11[%swap3A_356, %swap3A_357, %swap3A_358], %swap3A_361 {strides = array<i32>} : memref<2x64x128xf32, #tpu.memory_space<vmem>>, vector<1x1x16xf32>,
      }
      %scan3A_163 = arith.constant 64 : i32
      %dma_start3A_164 = arith.constant 1 : i32
      %dma_start3A_165 = arith.constant 0 : i32
      %dma_start3A_166 = arith.constant 0 : i32
      %dma_start3A_167 = tpu.memref_slice %arg11[%dma_start3A_164, %dma_start3A_165, %dma_start3A_166] : memref<2x64x128xf32, #tpu.memory_space<vmem>> -> memref<1x64x128xf32, #tpu.memory_space<vmem>>
      %dma_start3A_168 = tpu.memref_squeeze %dma_start3A_167 : memref<1x64x128xf32, #tpu.memory_space<vmem>> -> memref<64x128xf32, #tpu.memory_space<vmem>>
      %dma_start3A_169 = arith.constant 64 : i32
      %dma_start3A_170 = tpu.memref_slice %arg9[%add3A_100, %dma_start3A_169] : memref<48x128xi32, #tpu.memory_space<vmem>> -> memref<1x64xi32, #tpu.memory_space<vmem>>
      %dma_start3A_171 = tpu.memref_squeeze %dma_start3A_170 : memref<1x64xi32, #tpu.memory_space<vmem>> -> memref<64xi32, #tpu.memory_space<vmem>>
      %dma_start3A_172 = arith.constant 0 : i32
      %dma_start3A_173 = arith.constant 0 : i32
      %dma_start3A_174 = tpu.memref_slice %arg7[%dma_start3A_172, %dma_start3A_173] : memref<10112x128xf32, #tpu.memory_space<vmem_shared>> -> memref<10112x128xf32, #tpu.memory_space<vmem_shared>>
      tpu.enqueue_indirect_dma source(%dma_start3A_168 : memref<64x128xf32, #tpu.memory_space<vmem>>) target(%dma_start3A_174 : memref<10112x128xf32, #tpu.memory_space<vmem_shared>>) offsets(%dma_start3A_171 : memref<64xi32, #tpu.memory_space<vmem>>) semaphore(%arg13 : memref<!tpu.dma_semaphore, #tpu.memory_space<semaphore_mem>>) {add = true}
      %mul3A_175 = arith.constant 2 : i32
      %mul3A_176 = arith.muli %mul3A_175, %while3A_96 : i32
      %add3A_177 = arith.constant 1 : i32
      %add3A_178 = arith.addi %mul3A_176, %add3A_177 : i32
      %dma_wait3A_179 = arith.constant 1 : i32
      %dma_wait3A_180 = arith.constant 0 : i32
      %dma_wait3A_181 = arith.constant 0 : i32
      %dma_wait3A_182 = tpu.memref_slice %arg10[%dma_wait3A_179, %dma_wait3A_180, %dma_wait3A_181] : memref<2x128x64xi32, #tpu.memory_space<vmem>> -> memref<1x128x64xi32, #tpu.memory_space<vmem>>
      %dma_wait3A_183 = tpu.memref_squeeze %dma_wait3A_182 : memref<1x128x64xi32, #tpu.memory_space<vmem>> -> memref<128x64xi32, #tpu.memory_space<vmem>>
      %dma_wait3A_184 = arith.constant 0 : i32
      %dma_wait3A_185 = tpu.memref_slice %arg8[%add3A_178, %dma_wait3A_184] : memref<48x128xi32, #tpu.memory_space<vmem>> -> memref<1x128xi32, #tpu.memory_space<vmem>>
      %dma_wait3A_186 = tpu.memref_squeeze %dma_wait3A_185 : memref<1x128xi32, #tpu.memory_space<vmem>> -> memref<128xi32, #tpu.memory_space<vmem>>
      %dma_wait3A_187 = arith.constant 0 : i32
      %dma_wait3A_188 = arith.constant 0 : i32
      %dma_wait3A_189 = tpu.memref_slice %arg2[%dma_wait3A_187, %dma_wait3A_188] : memref<10000x64xi32, #tpu.memory_space<hbm>> -> memref<10000x64xi32, #tpu.memory_space<hbm>>
      tpu.wait_indirect_dma semaphore(%arg12 : memref<!tpu.dma_semaphore, #tpu.memory_space<semaphore_mem>>) src(%dma_wait3A_189 : memref<10000x64xi32, #tpu.memory_space<hbm>>) dst(%dma_wait3A_183 : memref<128x64xi32, #tpu.memory_space<vmem>>)
      %add3A_190 = arith.constant 1 : i32
      %add3A_191 = arith.addi %add3A_178, %add3A_190 : i32
      %lt3A_192 = arith.cmpi slt, %add3A_191, %select_n3A_8 : i32
      %convert_element_type3A_193 = arith.extui %lt3A_192 : i1 to i32
      %cond3A_194 = arith.constant 0 : i32
      %cond3A_195 = arith.cmpi ne, %convert_element_type3A_193, %cond3A_194 : i32
      scf.if %cond3A_195 {
        %add3A_254 = arith.constant 1 : i32
        %add3A_255 = arith.addi %add3A_178, %add3A_254 : i32
        %dma_start3A_256 = arith.constant 0 : i32
        %dma_start3A_257 = arith.constant 0 : i32
        %dma_start3A_258 = arith.constant 0 : i32
        %dma_start3A_259 = tpu.memref_slice %arg10[%dma_start3A_256, %dma_start3A_257, %dma_start3A_258] : memref<2x128x64xi32, #tpu.memory_space<vmem>> -> memref<1x128x64xi32, #tpu.memory_space<vmem>>
        %dma_start3A_260 = tpu.memref_squeeze %dma_start3A_259 : memref<1x128x64xi32, #tpu.memory_space<vmem>> -> memref<128x64xi32, #tpu.memory_space<vmem>>
        %dma_start3A_261 = arith.constant 0 : i32
        %dma_start3A_262 = tpu.memref_slice %arg8[%add3A_255, %dma_start3A_261] : memref<48x128xi32, #tpu.memory_space<vmem>> -> memref<1x128xi32, #tpu.memory_space<vmem>>
        %dma_start3A_263 = tpu.memref_squeeze %dma_start3A_262 : memref<1x128xi32, #tpu.memory_space<vmem>> -> memref<128xi32, #tpu.memory_space<vmem>>
        %dma_start3A_264 = arith.constant 0 : i32
        %dma_start3A_265 = arith.constant 0 : i32
        %dma_start3A_266 = tpu.memref_slice %arg2[%dma_start3A_264, %dma_start3A_265] : memref<10000x64xi32, #tpu.memory_space<hbm>> -> memref<10000x64xi32, #tpu.memory_space<hbm>>
        tpu.enqueue_indirect_dma source(%dma_start3A_266 : memref<10000x64xi32, #tpu.memory_space<hbm>>) target(%dma_start3A_260 : memref<128x64xi32, #tpu.memory_space<vmem>>) offsets(%dma_start3A_263 : memref<128xi32, #tpu.memory_space<vmem>>) semaphore(%arg12 : memref<!tpu.dma_semaphore, #tpu.memory_space<semaphore_mem>>)
      } else {
      }
      %dma_wait3A_196 = arith.constant 0 : i32
      %dma_wait3A_197 = arith.constant 0 : i32
      %dma_wait3A_198 = arith.constant 0 : i32
      %dma_wait3A_199 = arith.constant 0 : i32
      %dma_wait3A_200 = tpu.memref_slice %arg11[%dma_wait3A_196, %dma_wait3A_198, %dma_wait3A_199] : memref<2x64x128xf32, #tpu.memory_space<vmem>> -> memref<1x64x128xf32, #tpu.memory_space<vmem>>
      %dma_wait3A_201 = tpu.memref_squeeze %dma_wait3A_200 : memref<1x64x128xf32, #tpu.memory_space<vmem>> -> memref<64x128xf32, #tpu.memory_space<vmem>>
      %dma_wait3A_202 = arith.constant 0 : i32
      %dma_wait3A_203 = tpu.memref_slice %arg9[%dma_wait3A_197, %dma_wait3A_202] : memref<48x128xi32, #tpu.memory_space<vmem>> -> memref<1x64xi32, #tpu.memory_space<vmem>>
      %dma_wait3A_204 = tpu.memref_squeeze %dma_wait3A_203 : memref<1x64xi32, #tpu.memory_space<vmem>> -> memref<64xi32, #tpu.memory_space<vmem>>
      %dma_wait3A_205 = arith.constant 0 : i32
      %dma_wait3A_206 = arith.constant 0 : i32
      %dma_wait3A_207 = tpu.memref_slice %arg7[%dma_wait3A_205, %dma_wait3A_206] : memref<10112x128xf32, #tpu.memory_space<vmem_shared>> -> memref<10112x128xf32, #tpu.memory_space<vmem_shared>>
      tpu.wait_indirect_dma semaphore(%arg13 : memref<!tpu.dma_semaphore, #tpu.memory_space<semaphore_mem>>) src(%dma_wait3A_201 : memref<64x128xf32, #tpu.memory_space<vmem>>) dst(%dma_wait3A_207 : memref<10112x128xf32, #tpu.memory_space<vmem_shared>>)
      %scan3A_208 = arith.constant 0 : i32
      %scan3A_209 = arith.constant 0 : i32
      %scan3A_210 = arith.constant 64 : i32
      %scan3A_211 = arith.addi %scan3A_209, %scan3A_210 : i32
      %scan3A_212 = arith.constant 1 : i32
      scf.for %scan3A_254 = %scan3A_209 to %scan3A_211 step %scan3A_212  : i32 {
        %add3A_255 = arith.constant 0 : i32
        %add3A_256 = arith.addi %add3A_255, %scan3A_254 : i32
        %get3A = arith.constant 1 : i32
        %get3A_257 = arith.index_cast %get3A : i32 to index
        %get3A_258 = arith.index_cast %add3A_256 : i32 to index
        %get3A_259 = arith.constant 0 : index
        %get3A_260 = tpu.vector_load %arg10[%get3A_257, %get3A_258, %get3A_259] {strides = array<i32>} : memref<2x128x64xi32, #tpu.memory_space<vmem>>, vector<1x1x16xi32>,
        %get3A_261 = vector.shape_cast %get3A_260 : vector<1x1x16xi32> to vector<16xi32>
        %shift_left3A = arith.constant 16 : i32
        %shift_left3A_262 = vector.broadcast %shift_left3A : i32 to vector<16xi32>
        %shift_left3A_263 = arith.shli %get3A_261, %shift_left3A_262 : vector<16xi32>
        %bitcast_convert_type3A = tpu.bitcast %shift_left3A_263 : vector<16xi32> -> vector<16xf32>
        %and3A = arith.andi %get3A_261, %broadcast_in_dim3A_16 : vector<16xi32>
        %bitcast_convert_type3A_264 = tpu.bitcast %and3A : vector<16xi32> -> vector<16xf32>
        %swap3A = arith.constant 0 : i32
        %swap3A_265 = arith.index_cast %swap3A : i32 to index
        %swap3A_266 = arith.index_cast %scan3A_254 : i32 to index
        %swap3A_267 = arith.constant 0 : index
        %swap3A_268 = tpu.vector_load %arg11[%swap3A_265, %swap3A_266, %swap3A_267] {strides = array<i32>} : memref<2x64x128xf32, #tpu.memory_space<vmem>>, vector<1x1x16xf32>,
        %swap3A_269 = vector.shape_cast %swap3A_268 : vector<1x1x16xf32> to vector<16xf32>
        %swap3A_270 = vector.shape_cast %bitcast_convert_type3A : vector<16xf32> to vector<1x1x16xf32>
        tpu.vector_store %arg11[%swap3A_265, %swap3A_266, %swap3A_267], %swap3A_270 {strides = array<i32>} : memref<2x64x128xf32, #tpu.memory_space<vmem>>, vector<1x1x16xf32>,
        %swap3A_271 = arith.constant 0 : i32
        %swap3A_272 = arith.index_cast %swap3A_271 : i32 to index
        %swap3A_273 = arith.index_cast %scan3A_254 : i32 to index
        %swap3A_274 = arith.constant 64 : index
        %swap3A_275 = tpu.vector_load %arg11[%swap3A_272, %swap3A_273, %swap3A_274] {strides = array<i32>} : memref<2x64x128xf32, #tpu.memory_space<vmem>>, vector<1x1x16xf32>,
        %swap3A_276 = vector.shape_cast %swap3A_275 : vector<1x1x16xf32> to vector<16xf32>
        %swap3A_277 = vector.shape_cast %bitcast_convert_type3A_264 : vector<16xf32> to vector<1x1x16xf32>
        tpu.vector_store %arg11[%swap3A_272, %swap3A_273, %swap3A_274], %swap3A_277 {strides = array<i32>} : memref<2x64x128xf32, #tpu.memory_space<vmem>>, vector<1x1x16xf32>,
        %add3A_278 = arith.constant 0 : i32
        %add3A_279 = arith.addi %add3A_278, %scan3A_254 : i32
        %get3A_280 = arith.constant 1 : i32
        %get3A_281 = arith.index_cast %get3A_280 : i32 to index
        %get3A_282 = arith.index_cast %add3A_279 : i32 to index
        %get3A_283 = arith.constant 16 : index
        %get3A_284 = tpu.vector_load %arg10[%get3A_281, %get3A_282, %get3A_283] {strides = array<i32>} : memref<2x128x64xi32, #tpu.memory_space<vmem>>, vector<1x1x16xi32>,
        %get3A_285 = vector.shape_cast %get3A_284 : vector<1x1x16xi32> to vector<16xi32>
        %shift_left3A_286 = arith.constant 16 : i32
        %shift_left3A_287 = vector.broadcast %shift_left3A_286 : i32 to vector<16xi32>
        %shift_left3A_288 = arith.shli %get3A_285, %shift_left3A_287 : vector<16xi32>
        %bitcast_convert_type3A_289 = tpu.bitcast %shift_left3A_288 : vector<16xi32> -> vector<16xf32>
        %and3A_290 = arith.andi %get3A_285, %broadcast_in_dim3A_16 : vector<16xi32>
        %bitcast_convert_type3A_291 = tpu.bitcast %and3A_290 : vector<16xi32> -> vector<16xf32>
        %swap3A_292 = arith.constant 0 : i32
        %swap3A_293 = arith.index_cast %swap3A_292 : i32 to index
        %swap3A_294 = arith.index_cast %scan3A_254 : i32 to index
        %swap3A_295 = arith.constant 16 : index
        %swap3A_296 = tpu.vector_load %arg11[%swap3A_293, %swap3A_294, %swap3A_295] {strides = array<i32>} : memref<2x64x128xf32, #tpu.memory_space<vmem>>, vector<1x1x16xf32>,
        %swap3A_297 = vector.shape_cast %swap3A_296 : vector<1x1x16xf32> to vector<16xf32>
        %swap3A_298 = vector.shape_cast %bitcast_convert_type3A_289 : vector<16xf32> to vector<1x1x16xf32>
        tpu.vector_store %arg11[%swap3A_293, %swap3A_294, %swap3A_295], %swap3A_298 {strides = array<i32>} : memref<2x64x128xf32, #tpu.memory_space<vmem>>, vector<1x1x16xf32>,
        %swap3A_299 = arith.constant 0 : i32
        %swap3A_300 = arith.index_cast %swap3A_299 : i32 to index
        %swap3A_301 = arith.index_cast %scan3A_254 : i32 to index
        %swap3A_302 = arith.constant 80 : index
        %swap3A_303 = tpu.vector_load %arg11[%swap3A_300, %swap3A_301, %swap3A_302] {strides = array<i32>} : memref<2x64x128xf32, #tpu.memory_space<vmem>>, vector<1x1x16xf32>,
        %swap3A_304 = vector.shape_cast %swap3A_303 : vector<1x1x16xf32> to vector<16xf32>
        %swap3A_305 = vector.shape_cast %bitcast_convert_type3A_291 : vector<16xf32> to vector<1x1x16xf32>
        tpu.vector_store %arg11[%swap3A_300, %swap3A_301, %swap3A_302], %swap3A_305 {strides = array<i32>} : memref<2x64x128xf32, #tpu.memory_space<vmem>>, vector<1x1x16xf32>,
        %add3A_306 = arith.constant 0 : i32
        %add3A_307 = arith.addi %add3A_306, %scan3A_254 : i32
        %get3A_308 = arith.constant 1 : i32
        %get3A_309 = arith.index_cast %get3A_308 : i32 to index
        %get3A_310 = arith.index_cast %add3A_307 : i32 to index
        %get3A_311 = arith.constant 32 : index
        %get3A_312 = tpu.vector_load %arg10[%get3A_309, %get3A_310, %get3A_311] {strides = array<i32>} : memref<2x128x64xi32, #tpu.memory_space<vmem>>, vector<1x1x16xi32>,
        %get3A_313 = vector.shape_cast %get3A_312 : vector<1x1x16xi32> to vector<16xi32>
        %shift_left3A_314 = arith.constant 16 : i32
        %shift_left3A_315 = vector.broadcast %shift_left3A_314 : i32 to vector<16xi32>
        %shift_left3A_316 = arith.shli %get3A_313, %shift_left3A_315 : vector<16xi32>
        %bitcast_convert_type3A_317 = tpu.bitcast %shift_left3A_316 : vector<16xi32> -> vector<16xf32>
        %and3A_318 = arith.andi %get3A_313, %broadcast_in_dim3A_16 : vector<16xi32>
        %bitcast_convert_type3A_319 = tpu.bitcast %and3A_318 : vector<16xi32> -> vector<16xf32>
        %swap3A_320 = arith.constant 0 : i32
        %swap3A_321 = arith.index_cast %swap3A_320 : i32 to index
        %swap3A_322 = arith.index_cast %scan3A_254 : i32 to index
        %swap3A_323 = arith.constant 32 : index
        %swap3A_324 = tpu.vector_load %arg11[%swap3A_321, %swap3A_322, %swap3A_323] {strides = array<i32>} : memref<2x64x128xf32, #tpu.memory_space<vmem>>, vector<1x1x16xf32>,
        %swap3A_325 = vector.shape_cast %swap3A_324 : vector<1x1x16xf32> to vector<16xf32>
        %swap3A_326 = vector.shape_cast %bitcast_convert_type3A_317 : vector<16xf32> to vector<1x1x16xf32>
        tpu.vector_store %arg11[%swap3A_321, %swap3A_322, %swap3A_323], %swap3A_326 {strides = array<i32>} : memref<2x64x128xf32, #tpu.memory_space<vmem>>, vector<1x1x16xf32>,
        %swap3A_327 = arith.constant 0 : i32
        %swap3A_328 = arith.index_cast %swap3A_327 : i32 to index
        %swap3A_329 = arith.index_cast %scan3A_254 : i32 to index
        %swap3A_330 = arith.constant 96 : index
        %swap3A_331 = tpu.vector_load %arg11[%swap3A_328, %swap3A_329, %swap3A_330] {strides = array<i32>} : memref<2x64x128xf32, #tpu.memory_space<vmem>>, vector<1x1x16xf32>,
        %swap3A_332 = vector.shape_cast %swap3A_331 : vector<1x1x16xf32> to vector<16xf32>
        %swap3A_333 = vector.shape_cast %bitcast_convert_type3A_319 : vector<16xf32> to vector<1x1x16xf32>
        tpu.vector_store %arg11[%swap3A_328, %swap3A_329, %swap3A_330], %swap3A_333 {strides = array<i32>} : memref<2x64x128xf32, #tpu.memory_space<vmem>>, vector<1x1x16xf32>,
        %add3A_334 = arith.constant 0 : i32
        %add3A_335 = arith.addi %add3A_334, %scan3A_254 : i32
        %get3A_336 = arith.constant 1 : i32
        %get3A_337 = arith.index_cast %get3A_336 : i32 to index
        %get3A_338 = arith.index_cast %add3A_335 : i32 to index
        %get3A_339 = arith.constant 48 : index
        %get3A_340 = tpu.vector_load %arg10[%get3A_337, %get3A_338, %get3A_339] {strides = array<i32>} : memref<2x128x64xi32, #tpu.memory_space<vmem>>, vector<1x1x16xi32>,
        %get3A_341 = vector.shape_cast %get3A_340 : vector<1x1x16xi32> to vector<16xi32>
        %shift_left3A_342 = arith.constant 16 : i32
        %shift_left3A_343 = vector.broadcast %shift_left3A_342 : i32 to vector<16xi32>
        %shift_left3A_344 = arith.shli %get3A_341, %shift_left3A_343 : vector<16xi32>
        %bitcast_convert_type3A_345 = tpu.bitcast %shift_left3A_344 : vector<16xi32> -> vector<16xf32>
        %and3A_346 = arith.andi %get3A_341, %broadcast_in_dim3A_16 : vector<16xi32>
        %bitcast_convert_type3A_347 = tpu.bitcast %and3A_346 : vector<16xi32> -> vector<16xf32>
        %swap3A_348 = arith.constant 0 : i32
        %swap3A_349 = arith.index_cast %swap3A_348 : i32 to index
        %swap3A_350 = arith.index_cast %scan3A_254 : i32 to index
        %swap3A_351 = arith.constant 48 : index
        %swap3A_352 = tpu.vector_load %arg11[%swap3A_349, %swap3A_350, %swap3A_351] {strides = array<i32>} : memref<2x64x128xf32, #tpu.memory_space<vmem>>, vector<1x1x16xf32>,
        %swap3A_353 = vector.shape_cast %swap3A_352 : vector<1x1x16xf32> to vector<16xf32>
        %swap3A_354 = vector.shape_cast %bitcast_convert_type3A_345 : vector<16xf32> to vector<1x1x16xf32>
        tpu.vector_store %arg11[%swap3A_349, %swap3A_350, %swap3A_351], %swap3A_354 {strides = array<i32>} : memref<2x64x128xf32, #tpu.memory_space<vmem>>, vector<1x1x16xf32>,
        %swap3A_355 = arith.constant 0 : i32
        %swap3A_356 = arith.index_cast %swap3A_355 : i32 to index
        %swap3A_357 = arith.index_cast %scan3A_254 : i32 to index
        %swap3A_358 = arith.constant 112 : index
        %swap3A_359 = tpu.vector_load %arg11[%swap3A_356, %swap3A_357, %swap3A_358] {strides = array<i32>} : memref<2x64x128xf32, #tpu.memory_space<vmem>>, vector<1x1x16xf32>,
        %swap3A_360 = vector.shape_cast %swap3A_359 : vector<1x1x16xf32> to vector<16xf32>
        %swap3A_361 = vector.shape_cast %bitcast_convert_type3A_347 : vector<16xf32> to vector<1x1x16xf32>
        tpu.vector_store %arg11[%swap3A_356, %swap3A_357, %swap3A_358], %swap3A_361 {strides = array<i32>} : memref<2x64x128xf32, #tpu.memory_space<vmem>>, vector<1x1x16xf32>,
      }
      %scan3A_213 = arith.constant 64 : i32
      %dma_start3A_214 = arith.constant 0 : i32
      %dma_start3A_215 = arith.constant 0 : i32
      %dma_start3A_216 = arith.constant 0 : i32
      %dma_start3A_217 = tpu.memref_slice %arg11[%dma_start3A_214, %dma_start3A_215, %dma_start3A_216] : memref<2x64x128xf32, #tpu.memory_space<vmem>> -> memref<1x64x128xf32, #tpu.memory_space<vmem>>
      %dma_start3A_218 = tpu.memref_squeeze %dma_start3A_217 : memref<1x64x128xf32, #tpu.memory_space<vmem>> -> memref<64x128xf32, #tpu.memory_space<vmem>>
      %dma_start3A_219 = arith.constant 0 : i32
      %dma_start3A_220 = tpu.memref_slice %arg9[%add3A_178, %dma_start3A_219] : memref<48x128xi32, #tpu.memory_space<vmem>> -> memref<1x64xi32, #tpu.memory_space<vmem>>
      %dma_start3A_221 = tpu.memref_squeeze %dma_start3A_220 : memref<1x64xi32, #tpu.memory_space<vmem>> -> memref<64xi32, #tpu.memory_space<vmem>>
      %dma_start3A_222 = arith.constant 0 : i32
      %dma_start3A_223 = arith.constant 0 : i32
      %dma_start3A_224 = tpu.memref_slice %arg7[%dma_start3A_222, %dma_start3A_223] : memref<10112x128xf32, #tpu.memory_space<vmem_shared>> -> memref<10112x128xf32, #tpu.memory_space<vmem_shared>>
      tpu.enqueue_indirect_dma source(%dma_start3A_218 : memref<64x128xf32, #tpu.memory_space<vmem>>) target(%dma_start3A_224 : memref<10112x128xf32, #tpu.memory_space<vmem_shared>>) offsets(%dma_start3A_221 : memref<64xi32, #tpu.memory_space<vmem>>) semaphore(%arg13 : memref<!tpu.dma_semaphore, #tpu.memory_space<semaphore_mem>>) {add = true}
      %dma_wait3A_225 = arith.constant 1 : i32
      %dma_wait3A_226 = arith.constant 0 : i32
      %dma_wait3A_227 = arith.constant 0 : i32
      %dma_wait3A_228 = arith.constant 0 : i32
      %dma_wait3A_229 = tpu.memref_slice %arg11[%dma_wait3A_225, %dma_wait3A_227, %dma_wait3A_228] : memref<2x64x128xf32, #tpu.memory_space<vmem>> -> memref<1x64x128xf32, #tpu.memory_space<vmem>>
      %dma_wait3A_230 = tpu.memref_squeeze %dma_wait3A_229 : memref<1x64x128xf32, #tpu.memory_space<vmem>> -> memref<64x128xf32, #tpu.memory_space<vmem>>
      %dma_wait3A_231 = arith.constant 0 : i32
      %dma_wait3A_232 = tpu.memref_slice %arg9[%dma_wait3A_226, %dma_wait3A_231] : memref<48x128xi32, #tpu.memory_space<vmem>> -> memref<1x64xi32, #tpu.memory_space<vmem>>
      %dma_wait3A_233 = tpu.memref_squeeze %dma_wait3A_232 : memref<1x64xi32, #tpu.memory_space<vmem>> -> memref<64xi32, #tpu.memory_space<vmem>>
      %dma_wait3A_234 = arith.constant 0 : i32
      %dma_wait3A_235 = arith.constant 0 : i32
      %dma_wait3A_236 = tpu.memref_slice %arg7[%dma_wait3A_234, %dma_wait3A_235] : memref<10112x128xf32, #tpu.memory_space<vmem_shared>> -> memref<10112x128xf32, #tpu.memory_space<vmem_shared>>
      tpu.wait_indirect_dma semaphore(%arg13 : memref<!tpu.dma_semaphore, #tpu.memory_space<semaphore_mem>>) src(%dma_wait3A_230 : memref<64x128xf32, #tpu.memory_space<vmem>>) dst(%dma_wait3A_236 : memref<10112x128xf32, #tpu.memory_space<vmem_shared>>)
      %scan3A_237 = arith.constant 0 : i32
      %scan3A_238 = arith.constant 0 : i32
      %scan3A_239 = arith.constant 64 : i32
      %scan3A_240 = arith.addi %scan3A_238, %scan3A_239 : i32
      %scan3A_241 = arith.constant 1 : i32
      scf.for %scan3A_254 = %scan3A_238 to %scan3A_240 step %scan3A_241  : i32 {
        %add3A_255 = arith.constant 64 : i32
        %add3A_256 = arith.addi %add3A_255, %scan3A_254 : i32
        %get3A = arith.constant 1 : i32
        %get3A_257 = arith.index_cast %get3A : i32 to index
        %get3A_258 = arith.index_cast %add3A_256 : i32 to index
        %get3A_259 = arith.constant 0 : index
        %get3A_260 = tpu.vector_load %arg10[%get3A_257, %get3A_258, %get3A_259] {strides = array<i32>} : memref<2x128x64xi32, #tpu.memory_space<vmem>>, vector<1x1x16xi32>,
        %get3A_261 = vector.shape_cast %get3A_260 : vector<1x1x16xi32> to vector<16xi32>
        %shift_left3A = arith.constant 16 : i32
        %shift_left3A_262 = vector.broadcast %shift_left3A : i32 to vector<16xi32>
        %shift_left3A_263 = arith.shli %get3A_261, %shift_left3A_262 : vector<16xi32>
        %bitcast_convert_type3A = tpu.bitcast %shift_left3A_263 : vector<16xi32> -> vector<16xf32>
        %and3A = arith.andi %get3A_261, %broadcast_in_dim3A_16 : vector<16xi32>
        %bitcast_convert_type3A_264 = tpu.bitcast %and3A : vector<16xi32> -> vector<16xf32>
        %swap3A = arith.constant 1 : i32
        %swap3A_265 = arith.index_cast %swap3A : i32 to index
        %swap3A_266 = arith.index_cast %scan3A_254 : i32 to index
        %swap3A_267 = arith.constant 0 : index
        %swap3A_268 = tpu.vector_load %arg11[%swap3A_265, %swap3A_266, %swap3A_267] {strides = array<i32>} : memref<2x64x128xf32, #tpu.memory_space<vmem>>, vector<1x1x16xf32>,
        %swap3A_269 = vector.shape_cast %swap3A_268 : vector<1x1x16xf32> to vector<16xf32>
        %swap3A_270 = vector.shape_cast %bitcast_convert_type3A : vector<16xf32> to vector<1x1x16xf32>
        tpu.vector_store %arg11[%swap3A_265, %swap3A_266, %swap3A_267], %swap3A_270 {strides = array<i32>} : memref<2x64x128xf32, #tpu.memory_space<vmem>>, vector<1x1x16xf32>,
        %swap3A_271 = arith.constant 1 : i32
        %swap3A_272 = arith.index_cast %swap3A_271 : i32 to index
        %swap3A_273 = arith.index_cast %scan3A_254 : i32 to index
        %swap3A_274 = arith.constant 64 : index
        %swap3A_275 = tpu.vector_load %arg11[%swap3A_272, %swap3A_273, %swap3A_274] {strides = array<i32>} : memref<2x64x128xf32, #tpu.memory_space<vmem>>, vector<1x1x16xf32>,
        %swap3A_276 = vector.shape_cast %swap3A_275 : vector<1x1x16xf32> to vector<16xf32>
        %swap3A_277 = vector.shape_cast %bitcast_convert_type3A_264 : vector<16xf32> to vector<1x1x16xf32>
        tpu.vector_store %arg11[%swap3A_272, %swap3A_273, %swap3A_274], %swap3A_277 {strides = array<i32>} : memref<2x64x128xf32, #tpu.memory_space<vmem>>, vector<1x1x16xf32>,
        %add3A_278 = arith.constant 64 : i32
        %add3A_279 = arith.addi %add3A_278, %scan3A_254 : i32
        %get3A_280 = arith.constant 1 : i32
        %get3A_281 = arith.index_cast %get3A_280 : i32 to index
        %get3A_282 = arith.index_cast %add3A_279 : i32 to index
        %get3A_283 = arith.constant 16 : index
        %get3A_284 = tpu.vector_load %arg10[%get3A_281, %get3A_282, %get3A_283] {strides = array<i32>} : memref<2x128x64xi32, #tpu.memory_space<vmem>>, vector<1x1x16xi32>,
        %get3A_285 = vector.shape_cast %get3A_284 : vector<1x1x16xi32> to vector<16xi32>
        %shift_left3A_286 = arith.constant 16 : i32
        %shift_left3A_287 = vector.broadcast %shift_left3A_286 : i32 to vector<16xi32>
        %shift_left3A_288 = arith.shli %get3A_285, %shift_left3A_287 : vector<16xi32>
        %bitcast_convert_type3A_289 = tpu.bitcast %shift_left3A_288 : vector<16xi32> -> vector<16xf32>
        %and3A_290 = arith.andi %get3A_285, %broadcast_in_dim3A_16 : vector<16xi32>
        %bitcast_convert_type3A_291 = tpu.bitcast %and3A_290 : vector<16xi32> -> vector<16xf32>
        %swap3A_292 = arith.constant 1 : i32
        %swap3A_293 = arith.index_cast %swap3A_292 : i32 to index
        %swap3A_294 = arith.index_cast %scan3A_254 : i32 to index
        %swap3A_295 = arith.constant 16 : index
        %swap3A_296 = tpu.vector_load %arg11[%swap3A_293, %swap3A_294, %swap3A_295] {strides = array<i32>} : memref<2x64x128xf32, #tpu.memory_space<vmem>>, vector<1x1x16xf32>,
        %swap3A_297 = vector.shape_cast %swap3A_296 : vector<1x1x16xf32> to vector<16xf32>
        %swap3A_298 = vector.shape_cast %bitcast_convert_type3A_289 : vector<16xf32> to vector<1x1x16xf32>
        tpu.vector_store %arg11[%swap3A_293, %swap3A_294, %swap3A_295], %swap3A_298 {strides = array<i32>} : memref<2x64x128xf32, #tpu.memory_space<vmem>>, vector<1x1x16xf32>,
        %swap3A_299 = arith.constant 1 : i32
        %swap3A_300 = arith.index_cast %swap3A_299 : i32 to index
        %swap3A_301 = arith.index_cast %scan3A_254 : i32 to index
        %swap3A_302 = arith.constant 80 : index
        %swap3A_303 = tpu.vector_load %arg11[%swap3A_300, %swap3A_301, %swap3A_302] {strides = array<i32>} : memref<2x64x128xf32, #tpu.memory_space<vmem>>, vector<1x1x16xf32>,
        %swap3A_304 = vector.shape_cast %swap3A_303 : vector<1x1x16xf32> to vector<16xf32>
        %swap3A_305 = vector.shape_cast %bitcast_convert_type3A_291 : vector<16xf32> to vector<1x1x16xf32>
        tpu.vector_store %arg11[%swap3A_300, %swap3A_301, %swap3A_302], %swap3A_305 {strides = array<i32>} : memref<2x64x128xf32, #tpu.memory_space<vmem>>, vector<1x1x16xf32>,
        %add3A_306 = arith.constant 64 : i32
        %add3A_307 = arith.addi %add3A_306, %scan3A_254 : i32
        %get3A_308 = arith.constant 1 : i32
        %get3A_309 = arith.index_cast %get3A_308 : i32 to index
        %get3A_310 = arith.index_cast %add3A_307 : i32 to index
        %get3A_311 = arith.constant 32 : index
        %get3A_312 = tpu.vector_load %arg10[%get3A_309, %get3A_310, %get3A_311] {strides = array<i32>} : memref<2x128x64xi32, #tpu.memory_space<vmem>>, vector<1x1x16xi32>,
        %get3A_313 = vector.shape_cast %get3A_312 : vector<1x1x16xi32> to vector<16xi32>
        %shift_left3A_314 = arith.constant 16 : i32
        %shift_left3A_315 = vector.broadcast %shift_left3A_314 : i32 to vector<16xi32>
        %shift_left3A_316 = arith.shli %get3A_313, %shift_left3A_315 : vector<16xi32>
        %bitcast_convert_type3A_317 = tpu.bitcast %shift_left3A_316 : vector<16xi32> -> vector<16xf32>
        %and3A_318 = arith.andi %get3A_313, %broadcast_in_dim3A_16 : vector<16xi32>
        %bitcast_convert_type3A_319 = tpu.bitcast %and3A_318 : vector<16xi32> -> vector<16xf32>
        %swap3A_320 = arith.constant 1 : i32
        %swap3A_321 = arith.index_cast %swap3A_320 : i32 to index
        %swap3A_322 = arith.index_cast %scan3A_254 : i32 to index
        %swap3A_323 = arith.constant 32 : index
        %swap3A_324 = tpu.vector_load %arg11[%swap3A_321, %swap3A_322, %swap3A_323] {strides = array<i32>} : memref<2x64x128xf32, #tpu.memory_space<vmem>>, vector<1x1x16xf32>,
        %swap3A_325 = vector.shape_cast %swap3A_324 : vector<1x1x16xf32> to vector<16xf32>
        %swap3A_326 = vector.shape_cast %bitcast_convert_type3A_317 : vector<16xf32> to vector<1x1x16xf32>
        tpu.vector_store %arg11[%swap3A_321, %swap3A_322, %swap3A_323], %swap3A_326 {strides = array<i32>} : memref<2x64x128xf32, #tpu.memory_space<vmem>>, vector<1x1x16xf32>,
        %swap3A_327 = arith.constant 1 : i32
        %swap3A_328 = arith.index_cast %swap3A_327 : i32 to index
        %swap3A_329 = arith.index_cast %scan3A_254 : i32 to index
        %swap3A_330 = arith.constant 96 : index
        %swap3A_331 = tpu.vector_load %arg11[%swap3A_328, %swap3A_329, %swap3A_330] {strides = array<i32>} : memref<2x64x128xf32, #tpu.memory_space<vmem>>, vector<1x1x16xf32>,
        %swap3A_332 = vector.shape_cast %swap3A_331 : vector<1x1x16xf32> to vector<16xf32>
        %swap3A_333 = vector.shape_cast %bitcast_convert_type3A_319 : vector<16xf32> to vector<1x1x16xf32>
        tpu.vector_store %arg11[%swap3A_328, %swap3A_329, %swap3A_330], %swap3A_333 {strides = array<i32>} : memref<2x64x128xf32, #tpu.memory_space<vmem>>, vector<1x1x16xf32>,
        %add3A_334 = arith.constant 64 : i32
        %add3A_335 = arith.addi %add3A_334, %scan3A_254 : i32
        %get3A_336 = arith.constant 1 : i32
        %get3A_337 = arith.index_cast %get3A_336 : i32 to index
        %get3A_338 = arith.index_cast %add3A_335 : i32 to index
        %get3A_339 = arith.constant 48 : index
        %get3A_340 = tpu.vector_load %arg10[%get3A_337, %get3A_338, %get3A_339] {strides = array<i32>} : memref<2x128x64xi32, #tpu.memory_space<vmem>>, vector<1x1x16xi32>,
        %get3A_341 = vector.shape_cast %get3A_340 : vector<1x1x16xi32> to vector<16xi32>
        %shift_left3A_342 = arith.constant 16 : i32
        %shift_left3A_343 = vector.broadcast %shift_left3A_342 : i32 to vector<16xi32>
        %shift_left3A_344 = arith.shli %get3A_341, %shift_left3A_343 : vector<16xi32>
        %bitcast_convert_type3A_345 = tpu.bitcast %shift_left3A_344 : vector<16xi32> -> vector<16xf32>
        %and3A_346 = arith.andi %get3A_341, %broadcast_in_dim3A_16 : vector<16xi32>
        %bitcast_convert_type3A_347 = tpu.bitcast %and3A_346 : vector<16xi32> -> vector<16xf32>
        %swap3A_348 = arith.constant 1 : i32
        %swap3A_349 = arith.index_cast %swap3A_348 : i32 to index
        %swap3A_350 = arith.index_cast %scan3A_254 : i32 to index
        %swap3A_351 = arith.constant 48 : index
        %swap3A_352 = tpu.vector_load %arg11[%swap3A_349, %swap3A_350, %swap3A_351] {strides = array<i32>} : memref<2x64x128xf32, #tpu.memory_space<vmem>>, vector<1x1x16xf32>,
        %swap3A_353 = vector.shape_cast %swap3A_352 : vector<1x1x16xf32> to vector<16xf32>
        %swap3A_354 = vector.shape_cast %bitcast_convert_type3A_345 : vector<16xf32> to vector<1x1x16xf32>
        tpu.vector_store %arg11[%swap3A_349, %swap3A_350, %swap3A_351], %swap3A_354 {strides = array<i32>} : memref<2x64x128xf32, #tpu.memory_space<vmem>>, vector<1x1x16xf32>,
        %swap3A_355 = arith.constant 1 : i32
        %swap3A_356 = arith.index_cast %swap3A_355 : i32 to index
        %swap3A_357 = arith.index_cast %scan3A_254 : i32 to index
        %swap3A_358 = arith.constant 112 : index
        %swap3A_359 = tpu.vector_load %arg11[%swap3A_356, %swap3A_357, %swap3A_358] {strides = array<i32>} : memref<2x64x128xf32, #tpu.memory_space<vmem>>, vector<1x1x16xf32>,
        %swap3A_360 = vector.shape_cast %swap3A_359 : vector<1x1x16xf32> to vector<16xf32>
        %swap3A_361 = vector.shape_cast %bitcast_convert_type3A_347 : vector<16xf32> to vector<1x1x16xf32>
        tpu.vector_store %arg11[%swap3A_356, %swap3A_357, %swap3A_358], %swap3A_361 {strides = array<i32>} : memref<2x64x128xf32, #tpu.memory_space<vmem>>, vector<1x1x16xf32>,
      }
      %scan3A_242 = arith.constant 64 : i32
      %dma_start3A_243 = arith.constant 1 : i32
      %dma_start3A_244 = arith.constant 0 : i32
      %dma_start3A_245 = arith.constant 0 : i32
      %dma_start3A_246 = tpu.memref_slice %arg11[%dma_start3A_243, %dma_start3A_244, %dma_start3A_245] : memref<2x64x128xf32, #tpu.memory_space<vmem>> -> memref<1x64x128xf32, #tpu.memory_space<vmem>>
      %dma_start3A_247 = tpu.memref_squeeze %dma_start3A_246 : memref<1x64x128xf32, #tpu.memory_space<vmem>> -> memref<64x128xf32, #tpu.memory_space<vmem>>
      %dma_start3A_248 = arith.constant 64 : i32
      %dma_start3A_249 = tpu.memref_slice %arg9[%add3A_178, %dma_start3A_248] : memref<48x128xi32, #tpu.memory_space<vmem>> -> memref<1x64xi32, #tpu.memory_space<vmem>>
      %dma_start3A_250 = tpu.memref_squeeze %dma_start3A_249 : memref<1x64xi32, #tpu.memory_space<vmem>> -> memref<64xi32, #tpu.memory_space<vmem>>
      %dma_start3A_251 = arith.constant 0 : i32
      %dma_start3A_252 = arith.constant 0 : i32
      %dma_start3A_253 = tpu.memref_slice %arg7[%dma_start3A_251, %dma_start3A_252] : memref<10112x128xf32, #tpu.memory_space<vmem_shared>> -> memref<10112x128xf32, #tpu.memory_space<vmem_shared>>
      tpu.enqueue_indirect_dma source(%dma_start3A_247 : memref<64x128xf32, #tpu.memory_space<vmem>>) target(%dma_start3A_253 : memref<10112x128xf32, #tpu.memory_space<vmem_shared>>) offsets(%dma_start3A_250 : memref<64xi32, #tpu.memory_space<vmem>>) semaphore(%arg13 : memref<!tpu.dma_semaphore, #tpu.memory_space<semaphore_mem>>) {add = true}
    }
    %while3A_64 = arith.constant 1 : i32
    scf.for %while3A_96 = %while3A_62 to %while3A_58 step %while3A_64  : i32 {
      %mul3A_97 = arith.constant 2 : i32
      %mul3A_98 = arith.muli %mul3A_97, %while3A_96 : i32
      %add3A_99 = arith.constant 0 : i32
      %add3A_100 = arith.addi %mul3A_98, %add3A_99 : i32
      %dma_wait3A_101 = arith.constant 0 : i32
      %dma_wait3A_102 = arith.constant 0 : i32
      %dma_wait3A_103 = arith.constant 0 : i32
      %dma_wait3A_104 = tpu.memref_slice %arg10[%dma_wait3A_101, %dma_wait3A_102, %dma_wait3A_103] : memref<2x128x64xi32, #tpu.memory_space<vmem>> -> memref<1x128x64xi32, #tpu.memory_space<vmem>>
      %dma_wait3A_105 = tpu.memref_squeeze %dma_wait3A_104 : memref<1x128x64xi32, #tpu.memory_space<vmem>> -> memref<128x64xi32, #tpu.memory_space<vmem>>
      %dma_wait3A_106 = arith.constant 0 : i32
      %dma_wait3A_107 = tpu.memref_slice %arg8[%add3A_100, %dma_wait3A_106] : memref<48x128xi32, #tpu.memory_space<vmem>> -> memref<1x128xi32, #tpu.memory_space<vmem>>
      %dma_wait3A_108 = tpu.memref_squeeze %dma_wait3A_107 : memref<1x128xi32, #tpu.memory_space<vmem>> -> memref<128xi32, #tpu.memory_space<vmem>>
      %dma_wait3A_109 = arith.constant 0 : i32
      %dma_wait3A_110 = arith.constant 0 : i32
      %dma_wait3A_111 = tpu.memref_slice %arg2[%dma_wait3A_109, %dma_wait3A_110] : memref<10000x64xi32, #tpu.memory_space<hbm>> -> memref<10000x64xi32, #tpu.memory_space<hbm>>
      tpu.wait_indirect_dma semaphore(%arg12 : memref<!tpu.dma_semaphore, #tpu.memory_space<semaphore_mem>>) src(%dma_wait3A_111 : memref<10000x64xi32, #tpu.memory_space<hbm>>) dst(%dma_wait3A_105 : memref<128x64xi32, #tpu.memory_space<vmem>>)
      %add3A_112 = arith.constant 1 : i32
      %add3A_113 = arith.addi %add3A_100, %add3A_112 : i32
      %lt3A_114 = arith.cmpi slt, %add3A_113, %select_n3A_8 : i32
      %convert_element_type3A_115 = arith.extui %lt3A_114 : i1 to i32
      %cond3A_116 = arith.constant 0 : i32
      %cond3A_117 = arith.cmpi ne, %convert_element_type3A_115, %cond3A_116 : i32
      scf.if %cond3A_117 {
        %add3A_254 = arith.constant 1 : i32
        %add3A_255 = arith.addi %add3A_100, %add3A_254 : i32
        %dma_start3A_256 = arith.constant 1 : i32
        %dma_start3A_257 = arith.constant 0 : i32
        %dma_start3A_258 = arith.constant 0 : i32
        %dma_start3A_259 = tpu.memref_slice %arg10[%dma_start3A_256, %dma_start3A_257, %dma_start3A_258] : memref<2x128x64xi32, #tpu.memory_space<vmem>> -> memref<1x128x64xi32, #tpu.memory_space<vmem>>
        %dma_start3A_260 = tpu.memref_squeeze %dma_start3A_259 : memref<1x128x64xi32, #tpu.memory_space<vmem>> -> memref<128x64xi32, #tpu.memory_space<vmem>>
        %dma_start3A_261 = arith.constant 0 : i32
        %dma_start3A_262 = tpu.memref_slice %arg8[%add3A_255, %dma_start3A_261] : memref<48x128xi32, #tpu.memory_space<vmem>> -> memref<1x128xi32, #tpu.memory_space<vmem>>
        %dma_start3A_263 = tpu.memref_squeeze %dma_start3A_262 : memref<1x128xi32, #tpu.memory_space<vmem>> -> memref<128xi32, #tpu.memory_space<vmem>>
        %dma_start3A_264 = arith.constant 0 : i32
        %dma_start3A_265 = arith.constant 0 : i32
        %dma_start3A_266 = tpu.memref_slice %arg2[%dma_start3A_264, %dma_start3A_265] : memref<10000x64xi32, #tpu.memory_space<hbm>> -> memref<10000x64xi32, #tpu.memory_space<hbm>>
        tpu.enqueue_indirect_dma source(%dma_start3A_266 : memref<10000x64xi32, #tpu.memory_space<hbm>>) target(%dma_start3A_260 : memref<128x64xi32, #tpu.memory_space<vmem>>) offsets(%dma_start3A_263 : memref<128xi32, #tpu.memory_space<vmem>>) semaphore(%arg12 : memref<!tpu.dma_semaphore, #tpu.memory_space<semaphore_mem>>)
      } else {
      }
      %dma_wait3A_118 = arith.constant 0 : i32
      %dma_wait3A_119 = arith.constant 0 : i32
      %dma_wait3A_120 = arith.constant 0 : i32
      %dma_wait3A_121 = arith.constant 0 : i32
      %dma_wait3A_122 = tpu.memref_slice %arg11[%dma_wait3A_118, %dma_wait3A_120, %dma_wait3A_121] : memref<2x64x128xf32, #tpu.memory_space<vmem>> -> memref<1x64x128xf32, #tpu.memory_space<vmem>>
      %dma_wait3A_123 = tpu.memref_squeeze %dma_wait3A_122 : memref<1x64x128xf32, #tpu.memory_space<vmem>> -> memref<64x128xf32, #tpu.memory_space<vmem>>
      %dma_wait3A_124 = arith.constant 0 : i32
      %dma_wait3A_125 = tpu.memref_slice %arg9[%dma_wait3A_119, %dma_wait3A_124] : memref<48x128xi32, #tpu.memory_space<vmem>> -> memref<1x64xi32, #tpu.memory_space<vmem>>
      %dma_wait3A_126 = tpu.memref_squeeze %dma_wait3A_125 : memref<1x64xi32, #tpu.memory_space<vmem>> -> memref<64xi32, #tpu.memory_space<vmem>>
      %dma_wait3A_127 = arith.constant 0 : i32
      %dma_wait3A_128 = arith.constant 0 : i32
      %dma_wait3A_129 = tpu.memref_slice %arg7[%dma_wait3A_127, %dma_wait3A_128] : memref<10112x128xf32, #tpu.memory_space<vmem_shared>> -> memref<10112x128xf32, #tpu.memory_space<vmem_shared>>
      tpu.wait_indirect_dma semaphore(%arg13 : memref<!tpu.dma_semaphore, #tpu.memory_space<semaphore_mem>>) src(%dma_wait3A_123 : memref<64x128xf32, #tpu.memory_space<vmem>>) dst(%dma_wait3A_129 : memref<10112x128xf32, #tpu.memory_space<vmem_shared>>)
      %scan3A = arith.constant 0 : i32
      %scan3A_130 = arith.constant 0 : i32
      %scan3A_131 = arith.constant 64 : i32
      %scan3A_132 = arith.addi %scan3A_130, %scan3A_131 : i32
      %scan3A_133 = arith.constant 1 : i32
      scf.for %scan3A_254 = %scan3A_130 to %scan3A_132 step %scan3A_133  : i32 {
        %add3A_255 = arith.constant 0 : i32
        %add3A_256 = arith.addi %add3A_255, %scan3A_254 : i32
        %get3A = arith.constant 0 : i32
        %get3A_257 = arith.index_cast %get3A : i32 to index
        %get3A_258 = arith.index_cast %add3A_256 : i32 to index
        %get3A_259 = arith.constant 0 : index
        %get3A_260 = tpu.vector_load %arg10[%get3A_257, %get3A_258, %get3A_259] {strides = array<i32>} : memref<2x128x64xi32, #tpu.memory_space<vmem>>, vector<1x1x16xi32>,
        %get3A_261 = vector.shape_cast %get3A_260 : vector<1x1x16xi32> to vector<16xi32>
        %shift_left3A = arith.constant 16 : i32
        %shift_left3A_262 = vector.broadcast %shift_left3A : i32 to vector<16xi32>
        %shift_left3A_263 = arith.shli %get3A_261, %shift_left3A_262 : vector<16xi32>
        %bitcast_convert_type3A = tpu.bitcast %shift_left3A_263 : vector<16xi32> -> vector<16xf32>
        %and3A = arith.andi %get3A_261, %broadcast_in_dim3A_16 : vector<16xi32>
        %bitcast_convert_type3A_264 = tpu.bitcast %and3A : vector<16xi32> -> vector<16xf32>
        %swap3A = arith.constant 0 : i32
        %swap3A_265 = arith.index_cast %swap3A : i32 to index
        %swap3A_266 = arith.index_cast %scan3A_254 : i32 to index
        %swap3A_267 = arith.constant 0 : index
        %swap3A_268 = tpu.vector_load %arg11[%swap3A_265, %swap3A_266, %swap3A_267] {strides = array<i32>} : memref<2x64x128xf32, #tpu.memory_space<vmem>>, vector<1x1x16xf32>,
        %swap3A_269 = vector.shape_cast %swap3A_268 : vector<1x1x16xf32> to vector<16xf32>
        %swap3A_270 = vector.shape_cast %bitcast_convert_type3A : vector<16xf32> to vector<1x1x16xf32>
        tpu.vector_store %arg11[%swap3A_265, %swap3A_266, %swap3A_267], %swap3A_270 {strides = array<i32>} : memref<2x64x128xf32, #tpu.memory_space<vmem>>, vector<1x1x16xf32>,
        %swap3A_271 = arith.constant 0 : i32
        %swap3A_272 = arith.index_cast %swap3A_271 : i32 to index
        %swap3A_273 = arith.index_cast %scan3A_254 : i32 to index
        %swap3A_274 = arith.constant 64 : index
        %swap3A_275 = tpu.vector_load %arg11[%swap3A_272, %swap3A_273, %swap3A_274] {strides = array<i32>} : memref<2x64x128xf32, #tpu.memory_space<vmem>>, vector<1x1x16xf32>,
        %swap3A_276 = vector.shape_cast %swap3A_275 : vector<1x1x16xf32> to vector<16xf32>
        %swap3A_277 = vector.shape_cast %bitcast_convert_type3A_264 : vector<16xf32> to vector<1x1x16xf32>
        tpu.vector_store %arg11[%swap3A_272, %swap3A_273, %swap3A_274], %swap3A_277 {strides = array<i32>} : memref<2x64x128xf32, #tpu.memory_space<vmem>>, vector<1x1x16xf32>,
        %add3A_278 = arith.constant 0 : i32
        %add3A_279 = arith.addi %add3A_278, %scan3A_254 : i32
        %get3A_280 = arith.constant 0 : i32
        %get3A_281 = arith.index_cast %get3A_280 : i32 to index
        %get3A_282 = arith.index_cast %add3A_279 : i32 to index
        %get3A_283 = arith.constant 16 : index
        %get3A_284 = tpu.vector_load %arg10[%get3A_281, %get3A_282, %get3A_283] {strides = array<i32>} : memref<2x128x64xi32, #tpu.memory_space<vmem>>, vector<1x1x16xi32>,
        %get3A_285 = vector.shape_cast %get3A_284 : vector<1x1x16xi32> to vector<16xi32>
        %shift_left3A_286 = arith.constant 16 : i32
        %shift_left3A_287 = vector.broadcast %shift_left3A_286 : i32 to vector<16xi32>
        %shift_left3A_288 = arith.shli %get3A_285, %shift_left3A_287 : vector<16xi32>
        %bitcast_convert_type3A_289 = tpu.bitcast %shift_left3A_288 : vector<16xi32> -> vector<16xf32>
        %and3A_290 = arith.andi %get3A_285, %broadcast_in_dim3A_16 : vector<16xi32>
        %bitcast_convert_type3A_291 = tpu.bitcast %and3A_290 : vector<16xi32> -> vector<16xf32>
        %swap3A_292 = arith.constant 0 : i32
        %swap3A_293 = arith.index_cast %swap3A_292 : i32 to index
        %swap3A_294 = arith.index_cast %scan3A_254 : i32 to index
        %swap3A_295 = arith.constant 16 : index
        %swap3A_296 = tpu.vector_load %arg11[%swap3A_293, %swap3A_294, %swap3A_295] {strides = array<i32>} : memref<2x64x128xf32, #tpu.memory_space<vmem>>, vector<1x1x16xf32>,
        %swap3A_297 = vector.shape_cast %swap3A_296 : vector<1x1x16xf32> to vector<16xf32>
        %swap3A_298 = vector.shape_cast %bitcast_convert_type3A_289 : vector<16xf32> to vector<1x1x16xf32>
        tpu.vector_store %arg11[%swap3A_293, %swap3A_294, %swap3A_295], %swap3A_298 {strides = array<i32>} : memref<2x64x128xf32, #tpu.memory_space<vmem>>, vector<1x1x16xf32>,
        %swap3A_299 = arith.constant 0 : i32
        %swap3A_300 = arith.index_cast %swap3A_299 : i32 to index
        %swap3A_301 = arith.index_cast %scan3A_254 : i32 to index
        %swap3A_302 = arith.constant 80 : index
        %swap3A_303 = tpu.vector_load %arg11[%swap3A_300, %swap3A_301, %swap3A_302] {strides = array<i32>} : memref<2x64x128xf32, #tpu.memory_space<vmem>>, vector<1x1x16xf32>,
        %swap3A_304 = vector.shape_cast %swap3A_303 : vector<1x1x16xf32> to vector<16xf32>
        %swap3A_305 = vector.shape_cast %bitcast_convert_type3A_291 : vector<16xf32> to vector<1x1x16xf32>
        tpu.vector_store %arg11[%swap3A_300, %swap3A_301, %swap3A_302], %swap3A_305 {strides = array<i32>} : memref<2x64x128xf32, #tpu.memory_space<vmem>>, vector<1x1x16xf32>,
        %add3A_306 = arith.constant 0 : i32
        %add3A_307 = arith.addi %add3A_306, %scan3A_254 : i32
        %get3A_308 = arith.constant 0 : i32
        %get3A_309 = arith.index_cast %get3A_308 : i32 to index
        %get3A_310 = arith.index_cast %add3A_307 : i32 to index
        %get3A_311 = arith.constant 32 : index
        %get3A_312 = tpu.vector_load %arg10[%get3A_309, %get3A_310, %get3A_311] {strides = array<i32>} : memref<2x128x64xi32, #tpu.memory_space<vmem>>, vector<1x1x16xi32>,
        %get3A_313 = vector.shape_cast %get3A_312 : vector<1x1x16xi32> to vector<16xi32>
        %shift_left3A_314 = arith.constant 16 : i32
        %shift_left3A_315 = vector.broadcast %shift_left3A_314 : i32 to vector<16xi32>
        %shift_left3A_316 = arith.shli %get3A_313, %shift_left3A_315 : vector<16xi32>
        %bitcast_convert_type3A_317 = tpu.bitcast %shift_left3A_316 : vector<16xi32> -> vector<16xf32>
        %and3A_318 = arith.andi %get3A_313, %broadcast_in_dim3A_16 : vector<16xi32>
        %bitcast_convert_type3A_319 = tpu.bitcast %and3A_318 : vector<16xi32> -> vector<16xf32>
        %swap3A_320 = arith.constant 0 : i32
        %swap3A_321 = arith.index_cast %swap3A_320 : i32 to index
        %swap3A_322 = arith.index_cast %scan3A_254 : i32 to index
        %swap3A_323 = arith.constant 32 : index
        %swap3A_324 = tpu.vector_load %arg11[%swap3A_321, %swap3A_322, %swap3A_323] {strides = array<i32>} : memref<2x64x128xf32, #tpu.memory_space<vmem>>, vector<1x1x16xf32>,
        %swap3A_325 = vector.shape_cast %swap3A_324 : vector<1x1x16xf32> to vector<16xf32>
        %swap3A_326 = vector.shape_cast %bitcast_convert_type3A_317 : vector<16xf32> to vector<1x1x16xf32>
        tpu.vector_store %arg11[%swap3A_321, %swap3A_322, %swap3A_323], %swap3A_326 {strides = array<i32>} : memref<2x64x128xf32, #tpu.memory_space<vmem>>, vector<1x1x16xf32>,
        %swap3A_327 = arith.constant 0 : i32
        %swap3A_328 = arith.index_cast %swap3A_327 : i32 to index
        %swap3A_329 = arith.index_cast %scan3A_254 : i32 to index
        %swap3A_330 = arith.constant 96 : index
        %swap3A_331 = tpu.vector_load %arg11[%swap3A_328, %swap3A_329, %swap3A_330] {strides = array<i32>} : memref<2x64x128xf32, #tpu.memory_space<vmem>>, vector<1x1x16xf32>,
        %swap3A_332 = vector.shape_cast %swap3A_331 : vector<1x1x16xf32> to vector<16xf32>
        %swap3A_333 = vector.shape_cast %bitcast_convert_type3A_319 : vector<16xf32> to vector<1x1x16xf32>
        tpu.vector_store %arg11[%swap3A_328, %swap3A_329, %swap3A_330], %swap3A_333 {strides = array<i32>} : memref<2x64x128xf32, #tpu.memory_space<vmem>>, vector<1x1x16xf32>,
        %add3A_334 = arith.constant 0 : i32
        %add3A_335 = arith.addi %add3A_334, %scan3A_254 : i32
        %get3A_336 = arith.constant 0 : i32
        %get3A_337 = arith.index_cast %get3A_336 : i32 to index
        %get3A_338 = arith.index_cast %add3A_335 : i32 to index
        %get3A_339 = arith.constant 48 : index
        %get3A_340 = tpu.vector_load %arg10[%get3A_337, %get3A_338, %get3A_339] {strides = array<i32>} : memref<2x128x64xi32, #tpu.memory_space<vmem>>, vector<1x1x16xi32>,
        %get3A_341 = vector.shape_cast %get3A_340 : vector<1x1x16xi32> to vector<16xi32>
        %shift_left3A_342 = arith.constant 16 : i32
        %shift_left3A_343 = vector.broadcast %shift_left3A_342 : i32 to vector<16xi32>
        %shift_left3A_344 = arith.shli %get3A_341, %shift_left3A_343 : vector<16xi32>
        %bitcast_convert_type3A_345 = tpu.bitcast %shift_left3A_344 : vector<16xi32> -> vector<16xf32>
        %and3A_346 = arith.andi %get3A_341, %broadcast_in_dim3A_16 : vector<16xi32>
        %bitcast_convert_type3A_347 = tpu.bitcast %and3A_346 : vector<16xi32> -> vector<16xf32>
        %swap3A_348 = arith.constant 0 : i32
        %swap3A_349 = arith.index_cast %swap3A_348 : i32 to index
        %swap3A_350 = arith.index_cast %scan3A_254 : i32 to index
        %swap3A_351 = arith.constant 48 : index
        %swap3A_352 = tpu.vector_load %arg11[%swap3A_349, %swap3A_350, %swap3A_351] {strides = array<i32>} : memref<2x64x128xf32, #tpu.memory_space<vmem>>, vector<1x1x16xf32>,
        %swap3A_353 = vector.shape_cast %swap3A_352 : vector<1x1x16xf32> to vector<16xf32>
        %swap3A_354 = vector.shape_cast %bitcast_convert_type3A_345 : vector<16xf32> to vector<1x1x16xf32>
        tpu.vector_store %arg11[%swap3A_349, %swap3A_350, %swap3A_351], %swap3A_354 {strides = array<i32>} : memref<2x64x128xf32, #tpu.memory_space<vmem>>, vector<1x1x16xf32>,
        %swap3A_355 = arith.constant 0 : i32
        %swap3A_356 = arith.index_cast %swap3A_355 : i32 to index
        %swap3A_357 = arith.index_cast %scan3A_254 : i32 to index
        %swap3A_358 = arith.constant 112 : index
        %swap3A_359 = tpu.vector_load %arg11[%swap3A_356, %swap3A_357, %swap3A_358] {strides = array<i32>} : memref<2x64x128xf32, #tpu.memory_space<vmem>>, vector<1x1x16xf32>,
        %swap3A_360 = vector.shape_cast %swap3A_359 : vector<1x1x16xf32> to vector<16xf32>
        %swap3A_361 = vector.shape_cast %bitcast_convert_type3A_347 : vector<16xf32> to vector<1x1x16xf32>
        tpu.vector_store %arg11[%swap3A_356, %swap3A_357, %swap3A_358], %swap3A_361 {strides = array<i32>} : memref<2x64x128xf32, #tpu.memory_space<vmem>>, vector<1x1x16xf32>,
      }
      %scan3A_134 = arith.constant 64 : i32
      %dma_start3A_135 = arith.constant 0 : i32
      %dma_start3A_136 = arith.constant 0 : i32
      %dma_start3A_137 = arith.constant 0 : i32
      %dma_start3A_138 = tpu.memref_slice %arg11[%dma_start3A_135, %dma_start3A_136, %dma_start3A_137] : memref<2x64x128xf32, #tpu.memory_space<vmem>> -> memref<1x64x128xf32, #tpu.memory_space<vmem>>
      %dma_start3A_139 = tpu.memref_squeeze %dma_start3A_138 : memref<1x64x128xf32, #tpu.memory_space<vmem>> -> memref<64x128xf32, #tpu.memory_space<vmem>>
      %dma_start3A_140 = arith.constant 0 : i32
      %dma_start3A_141 = tpu.memref_slice %arg9[%add3A_100, %dma_start3A_140] : memref<48x128xi32, #tpu.memory_space<vmem>> -> memref<1x64xi32, #tpu.memory_space<vmem>>
      %dma_start3A_142 = tpu.memref_squeeze %dma_start3A_141 : memref<1x64xi32, #tpu.memory_space<vmem>> -> memref<64xi32, #tpu.memory_space<vmem>>
      %dma_start3A_143 = arith.constant 0 : i32
      %dma_start3A_144 = arith.constant 0 : i32
      %dma_start3A_145 = tpu.memref_slice %arg7[%dma_start3A_143, %dma_start3A_144] : memref<10112x128xf32, #tpu.memory_space<vmem_shared>> -> memref<10112x128xf32, #tpu.memory_space<vmem_shared>>
      tpu.enqueue_indirect_dma source(%dma_start3A_139 : memref<64x128xf32, #tpu.memory_space<vmem>>) target(%dma_start3A_145 : memref<10112x128xf32, #tpu.memory_space<vmem_shared>>) offsets(%dma_start3A_142 : memref<64xi32, #tpu.memory_space<vmem>>) semaphore(%arg13 : memref<!tpu.dma_semaphore, #tpu.memory_space<semaphore_mem>>) {add = true}
      %dma_wait3A_146 = arith.constant 1 : i32
      %dma_wait3A_147 = arith.constant 0 : i32
      %dma_wait3A_148 = arith.constant 0 : i32
      %dma_wait3A_149 = arith.constant 0 : i32
      %dma_wait3A_150 = tpu.memref_slice %arg11[%dma_wait3A_146, %dma_wait3A_148, %dma_wait3A_149] : memref<2x64x128xf32, #tpu.memory_space<vmem>> -> memref<1x64x128xf32, #tpu.memory_space<vmem>>
      %dma_wait3A_151 = tpu.memref_squeeze %dma_wait3A_150 : memref<1x64x128xf32, #tpu.memory_space<vmem>> -> memref<64x128xf32, #tpu.memory_space<vmem>>
      %dma_wait3A_152 = arith.constant 0 : i32
      %dma_wait3A_153 = tpu.memref_slice %arg9[%dma_wait3A_147, %dma_wait3A_152] : memref<48x128xi32, #tpu.memory_space<vmem>> -> memref<1x64xi32, #tpu.memory_space<vmem>>
      %dma_wait3A_154 = tpu.memref_squeeze %dma_wait3A_153 : memref<1x64xi32, #tpu.memory_space<vmem>> -> memref<64xi32, #tpu.memory_space<vmem>>
      %dma_wait3A_155 = arith.constant 0 : i32
      %dma_wait3A_156 = arith.constant 0 : i32
      %dma_wait3A_157 = tpu.memref_slice %arg7[%dma_wait3A_155, %dma_wait3A_156] : memref<10112x128xf32, #tpu.memory_space<vmem_shared>> -> memref<10112x128xf32, #tpu.memory_space<vmem_shared>>
      tpu.wait_indirect_dma semaphore(%arg13 : memref<!tpu.dma_semaphore, #tpu.memory_space<semaphore_mem>>) src(%dma_wait3A_151 : memref<64x128xf32, #tpu.memory_space<vmem>>) dst(%dma_wait3A_157 : memref<10112x128xf32, #tpu.memory_space<vmem_shared>>)
      %scan3A_158 = arith.constant 0 : i32
      %scan3A_159 = arith.constant 0 : i32
      %scan3A_160 = arith.constant 64 : i32
      %scan3A_161 = arith.addi %scan3A_159, %scan3A_160 : i32
      %scan3A_162 = arith.constant 1 : i32
      scf.for %scan3A_254 = %scan3A_159 to %scan3A_161 step %scan3A_162  : i32 {
        %add3A_255 = arith.constant 64 : i32
        %add3A_256 = arith.addi %add3A_255, %scan3A_254 : i32
        %get3A = arith.constant 0 : i32
        %get3A_257 = arith.index_cast %get3A : i32 to index
        %get3A_258 = arith.index_cast %add3A_256 : i32 to index
        %get3A_259 = arith.constant 0 : index
        %get3A_260 = tpu.vector_load %arg10[%get3A_257, %get3A_258, %get3A_259] {strides = array<i32>} : memref<2x128x64xi32, #tpu.memory_space<vmem>>, vector<1x1x16xi32>,
        %get3A_261 = vector.shape_cast %get3A_260 : vector<1x1x16xi32> to vector<16xi32>
        %shift_left3A = arith.constant 16 : i32
        %shift_left3A_262 = vector.broadcast %shift_left3A : i32 to vector<16xi32>
        %shift_left3A_263 = arith.shli %get3A_261, %shift_left3A_262 : vector<16xi32>
        %bitcast_convert_type3A = tpu.bitcast %shift_left3A_263 : vector<16xi32> -> vector<16xf32>
        %and3A = arith.andi %get3A_261, %broadcast_in_dim3A_16 : vector<16xi32>
        %bitcast_convert_type3A_264 = tpu.bitcast %and3A : vector<16xi32> -> vector<16xf32>
        %swap3A = arith.constant 1 : i32
        %swap3A_265 = arith.index_cast %swap3A : i32 to index
        %swap3A_266 = arith.index_cast %scan3A_254 : i32 to index
        %swap3A_267 = arith.constant 0 : index
        %swap3A_268 = tpu.vector_load %arg11[%swap3A_265, %swap3A_266, %swap3A_267] {strides = array<i32>} : memref<2x64x128xf32, #tpu.memory_space<vmem>>, vector<1x1x16xf32>,
        %swap3A_269 = vector.shape_cast %swap3A_268 : vector<1x1x16xf32> to vector<16xf32>
        %swap3A_270 = vector.shape_cast %bitcast_convert_type3A : vector<16xf32> to vector<1x1x16xf32>
        tpu.vector_store %arg11[%swap3A_265, %swap3A_266, %swap3A_267], %swap3A_270 {strides = array<i32>} : memref<2x64x128xf32, #tpu.memory_space<vmem>>, vector<1x1x16xf32>,
        %swap3A_271 = arith.constant 1 : i32
        %swap3A_272 = arith.index_cast %swap3A_271 : i32 to index
        %swap3A_273 = arith.index_cast %scan3A_254 : i32 to index
        %swap3A_274 = arith.constant 64 : index
        %swap3A_275 = tpu.vector_load %arg11[%swap3A_272, %swap3A_273, %swap3A_274] {strides = array<i32>} : memref<2x64x128xf32, #tpu.memory_space<vmem>>, vector<1x1x16xf32>,
        %swap3A_276 = vector.shape_cast %swap3A_275 : vector<1x1x16xf32> to vector<16xf32>
        %swap3A_277 = vector.shape_cast %bitcast_convert_type3A_264 : vector<16xf32> to vector<1x1x16xf32>
        tpu.vector_store %arg11[%swap3A_272, %swap3A_273, %swap3A_274], %swap3A_277 {strides = array<i32>} : memref<2x64x128xf32, #tpu.memory_space<vmem>>, vector<1x1x16xf32>,
        %add3A_278 = arith.constant 64 : i32
        %add3A_279 = arith.addi %add3A_278, %scan3A_254 : i32
        %get3A_280 = arith.constant 0 : i32
        %get3A_281 = arith.index_cast %get3A_280 : i32 to index
        %get3A_282 = arith.index_cast %add3A_279 : i32 to index
        %get3A_283 = arith.constant 16 : index
        %get3A_284 = tpu.vector_load %arg10[%get3A_281, %get3A_282, %get3A_283] {strides = array<i32>} : memref<2x128x64xi32, #tpu.memory_space<vmem>>, vector<1x1x16xi32>,
        %get3A_285 = vector.shape_cast %get3A_284 : vector<1x1x16xi32> to vector<16xi32>
        %shift_left3A_286 = arith.constant 16 : i32
        %shift_left3A_287 = vector.broadcast %shift_left3A_286 : i32 to vector<16xi32>
        %shift_left3A_288 = arith.shli %get3A_285, %shift_left3A_287 : vector<16xi32>
        %bitcast_convert_type3A_289 = tpu.bitcast %shift_left3A_288 : vector<16xi32> -> vector<16xf32>
        %and3A_290 = arith.andi %get3A_285, %broadcast_in_dim3A_16 : vector<16xi32>
        %bitcast_convert_type3A_291 = tpu.bitcast %and3A_290 : vector<16xi32> -> vector<16xf32>
        %swap3A_292 = arith.constant 1 : i32
        %swap3A_293 = arith.index_cast %swap3A_292 : i32 to index
        %swap3A_294 = arith.index_cast %scan3A_254 : i32 to index
        %swap3A_295 = arith.constant 16 : index
        %swap3A_296 = tpu.vector_load %arg11[%swap3A_293, %swap3A_294, %swap3A_295] {strides = array<i32>} : memref<2x64x128xf32, #tpu.memory_space<vmem>>, vector<1x1x16xf32>,
        %swap3A_297 = vector.shape_cast %swap3A_296 : vector<1x1x16xf32> to vector<16xf32>
        %swap3A_298 = vector.shape_cast %bitcast_convert_type3A_289 : vector<16xf32> to vector<1x1x16xf32>
        tpu.vector_store %arg11[%swap3A_293, %swap3A_294, %swap3A_295], %swap3A_298 {strides = array<i32>} : memref<2x64x128xf32, #tpu.memory_space<vmem>>, vector<1x1x16xf32>,
        %swap3A_299 = arith.constant 1 : i32
        %swap3A_300 = arith.index_cast %swap3A_299 : i32 to index
        %swap3A_301 = arith.index_cast %scan3A_254 : i32 to index
        %swap3A_302 = arith.constant 80 : index
        %swap3A_303 = tpu.vector_load %arg11[%swap3A_300, %swap3A_301, %swap3A_302] {strides = array<i32>} : memref<2x64x128xf32, #tpu.memory_space<vmem>>, vector<1x1x16xf32>,
        %swap3A_304 = vector.shape_cast %swap3A_303 : vector<1x1x16xf32> to vector<16xf32>
        %swap3A_305 = vector.shape_cast %bitcast_convert_type3A_291 : vector<16xf32> to vector<1x1x16xf32>
        tpu.vector_store %arg11[%swap3A_300, %swap3A_301, %swap3A_302], %swap3A_305 {strides = array<i32>} : memref<2x64x128xf32, #tpu.memory_space<vmem>>, vector<1x1x16xf32>,
        %add3A_306 = arith.constant 64 : i32
        %add3A_307 = arith.addi %add3A_306, %scan3A_254 : i32
        %get3A_308 = arith.constant 0 : i32
        %get3A_309 = arith.index_cast %get3A_308 : i32 to index
        %get3A_310 = arith.index_cast %add3A_307 : i32 to index
        %get3A_311 = arith.constant 32 : index
        %get3A_312 = tpu.vector_load %arg10[%get3A_309, %get3A_310, %get3A_311] {strides = array<i32>} : memref<2x128x64xi32, #tpu.memory_space<vmem>>, vector<1x1x16xi32>,
        %get3A_313 = vector.shape_cast %get3A_312 : vector<1x1x16xi32> to vector<16xi32>
        %shift_left3A_314 = arith.constant 16 : i32
        %shift_left3A_315 = vector.broadcast %shift_left3A_314 : i32 to vector<16xi32>
        %shift_left3A_316 = arith.shli %get3A_313, %shift_left3A_315 : vector<16xi32>
        %bitcast_convert_type3A_317 = tpu.bitcast %shift_left3A_316 : vector<16xi32> -> vector<16xf32>
        %and3A_318 = arith.andi %get3A_313, %broadcast_in_dim3A_16 : vector<16xi32>
        %bitcast_convert_type3A_319 = tpu.bitcast %and3A_318 : vector<16xi32> -> vector<16xf32>
        %swap3A_320 = arith.constant 1 : i32
        %swap3A_321 = arith.index_cast %swap3A_320 : i32 to index
        %swap3A_322 = arith.index_cast %scan3A_254 : i32 to index
        %swap3A_323 = arith.constant 32 : index
        %swap3A_324 = tpu.vector_load %arg11[%swap3A_321, %swap3A_322, %swap3A_323] {strides = array<i32>} : memref<2x64x128xf32, #tpu.memory_space<vmem>>, vector<1x1x16xf32>,
        %swap3A_325 = vector.shape_cast %swap3A_324 : vector<1x1x16xf32> to vector<16xf32>
        %swap3A_326 = vector.shape_cast %bitcast_convert_type3A_317 : vector<16xf32> to vector<1x1x16xf32>
        tpu.vector_store %arg11[%swap3A_321, %swap3A_322, %swap3A_323], %swap3A_326 {strides = array<i32>} : memref<2x64x128xf32, #tpu.memory_space<vmem>>, vector<1x1x16xf32>,
        %swap3A_327 = arith.constant 1 : i32
        %swap3A_328 = arith.index_cast %swap3A_327 : i32 to index
        %swap3A_329 = arith.index_cast %scan3A_254 : i32 to index
        %swap3A_330 = arith.constant 96 : index
        %swap3A_331 = tpu.vector_load %arg11[%swap3A_328, %swap3A_329, %swap3A_330] {strides = array<i32>} : memref<2x64x128xf32, #tpu.memory_space<vmem>>, vector<1x1x16xf32>,
        %swap3A_332 = vector.shape_cast %swap3A_331 : vector<1x1x16xf32> to vector<16xf32>
        %swap3A_333 = vector.shape_cast %bitcast_convert_type3A_319 : vector<16xf32> to vector<1x1x16xf32>
        tpu.vector_store %arg11[%swap3A_328, %swap3A_329, %swap3A_330], %swap3A_333 {strides = array<i32>} : memref<2x64x128xf32, #tpu.memory_space<vmem>>, vector<1x1x16xf32>,
        %add3A_334 = arith.constant 64 : i32
        %add3A_335 = arith.addi %add3A_334, %scan3A_254 : i32
        %get3A_336 = arith.constant 0 : i32
        %get3A_337 = arith.index_cast %get3A_336 : i32 to index
        %get3A_338 = arith.index_cast %add3A_335 : i32 to index
        %get3A_339 = arith.constant 48 : index
        %get3A_340 = tpu.vector_load %arg10[%get3A_337, %get3A_338, %get3A_339] {strides = array<i32>} : memref<2x128x64xi32, #tpu.memory_space<vmem>>, vector<1x1x16xi32>,
        %get3A_341 = vector.shape_cast %get3A_340 : vector<1x1x16xi32> to vector<16xi32>
        %shift_left3A_342 = arith.constant 16 : i32
        %shift_left3A_343 = vector.broadcast %shift_left3A_342 : i32 to vector<16xi32>
        %shift_left3A_344 = arith.shli %get3A_341, %shift_left3A_343 : vector<16xi32>
        %bitcast_convert_type3A_345 = tpu.bitcast %shift_left3A_344 : vector<16xi32> -> vector<16xf32>
        %and3A_346 = arith.andi %get3A_341, %broadcast_in_dim3A_16 : vector<16xi32>
        %bitcast_convert_type3A_347 = tpu.bitcast %and3A_346 : vector<16xi32> -> vector<16xf32>
        %swap3A_348 = arith.constant 1 : i32
        %swap3A_349 = arith.index_cast %swap3A_348 : i32 to index
        %swap3A_350 = arith.index_cast %scan3A_254 : i32 to index
        %swap3A_351 = arith.constant 48 : index
        %swap3A_352 = tpu.vector_load %arg11[%swap3A_349, %swap3A_350, %swap3A_351] {strides = array<i32>} : memref<2x64x128xf32, #tpu.memory_space<vmem>>, vector<1x1x16xf32>,
        %swap3A_353 = vector.shape_cast %swap3A_352 : vector<1x1x16xf32> to vector<16xf32>
        %swap3A_354 = vector.shape_cast %bitcast_convert_type3A_345 : vector<16xf32> to vector<1x1x16xf32>
        tpu.vector_store %arg11[%swap3A_349, %swap3A_350, %swap3A_351], %swap3A_354 {strides = array<i32>} : memref<2x64x128xf32, #tpu.memory_space<vmem>>, vector<1x1x16xf32>,
        %swap3A_355 = arith.constant 1 : i32
        %swap3A_356 = arith.index_cast %swap3A_355 : i32 to index
        %swap3A_357 = arith.index_cast %scan3A_254 : i32 to index
        %swap3A_358 = arith.constant 112 : index
        %swap3A_359 = tpu.vector_load %arg11[%swap3A_356, %swap3A_357, %swap3A_358] {strides = array<i32>} : memref<2x64x128xf32, #tpu.memory_space<vmem>>, vector<1x1x16xf32>,
        %swap3A_360 = vector.shape_cast %swap3A_359 : vector<1x1x16xf32> to vector<16xf32>
        %swap3A_361 = vector.shape_cast %bitcast_convert_type3A_347 : vector<16xf32> to vector<1x1x16xf32>
        tpu.vector_store %arg11[%swap3A_356, %swap3A_357, %swap3A_358], %swap3A_361 {strides = array<i32>} : memref<2x64x128xf32, #tpu.memory_space<vmem>>, vector<1x1x16xf32>,
      }
      %scan3A_163 = arith.constant 64 : i32
      %dma_start3A_164 = arith.constant 1 : i32
      %dma_start3A_165 = arith.constant 0 : i32
      %dma_start3A_166 = arith.constant 0 : i32
      %dma_start3A_167 = tpu.memref_slice %arg11[%dma_start3A_164, %dma_start3A_165, %dma_start3A_166] : memref<2x64x128xf32, #tpu.memory_space<vmem>> -> memref<1x64x128xf32, #tpu.memory_space<vmem>>
      %dma_start3A_168 = tpu.memref_squeeze %dma_start3A_167 : memref<1x64x128xf32, #tpu.memory_space<vmem>> -> memref<64x128xf32, #tpu.memory_space<vmem>>
      %dma_start3A_169 = arith.constant 64 : i32
      %dma_start3A_170 = tpu.memref_slice %arg9[%add3A_100, %dma_start3A_169] : memref<48x128xi32, #tpu.memory_space<vmem>> -> memref<1x64xi32, #tpu.memory_space<vmem>>
      %dma_start3A_171 = tpu.memref_squeeze %dma_start3A_170 : memref<1x64xi32, #tpu.memory_space<vmem>> -> memref<64xi32, #tpu.memory_space<vmem>>
      %dma_start3A_172 = arith.constant 0 : i32
      %dma_start3A_173 = arith.constant 0 : i32
      %dma_start3A_174 = tpu.memref_slice %arg7[%dma_start3A_172, %dma_start3A_173] : memref<10112x128xf32, #tpu.memory_space<vmem_shared>> -> memref<10112x128xf32, #tpu.memory_space<vmem_shared>>
      tpu.enqueue_indirect_dma source(%dma_start3A_168 : memref<64x128xf32, #tpu.memory_space<vmem>>) target(%dma_start3A_174 : memref<10112x128xf32, #tpu.memory_space<vmem_shared>>) offsets(%dma_start3A_171 : memref<64xi32, #tpu.memory_space<vmem>>) semaphore(%arg13 : memref<!tpu.dma_semaphore, #tpu.memory_space<semaphore_mem>>) {add = true}
      %mul3A_175 = arith.constant 2 : i32
      %mul3A_176 = arith.muli %mul3A_175, %while3A_96 : i32
      %add3A_177 = arith.constant 1 : i32
      %add3A_178 = arith.addi %mul3A_176, %add3A_177 : i32
      %dma_wait3A_179 = arith.constant 1 : i32
      %dma_wait3A_180 = arith.constant 0 : i32
      %dma_wait3A_181 = arith.constant 0 : i32
      %dma_wait3A_182 = tpu.memref_slice %arg10[%dma_wait3A_179, %dma_wait3A_180, %dma_wait3A_181] : memref<2x128x64xi32, #tpu.memory_space<vmem>> -> memref<1x128x64xi32, #tpu.memory_space<vmem>>
      %dma_wait3A_183 = tpu.memref_squeeze %dma_wait3A_182 : memref<1x128x64xi32, #tpu.memory_space<vmem>> -> memref<128x64xi32, #tpu.memory_space<vmem>>
      %dma_wait3A_184 = arith.constant 0 : i32
      %dma_wait3A_185 = tpu.memref_slice %arg8[%add3A_178, %dma_wait3A_184] : memref<48x128xi32, #tpu.memory_space<vmem>> -> memref<1x128xi32, #tpu.memory_space<vmem>>
      %dma_wait3A_186 = tpu.memref_squeeze %dma_wait3A_185 : memref<1x128xi32, #tpu.memory_space<vmem>> -> memref<128xi32, #tpu.memory_space<vmem>>
      %dma_wait3A_187 = arith.constant 0 : i32
      %dma_wait3A_188 = arith.constant 0 : i32
      %dma_wait3A_189 = tpu.memref_slice %arg2[%dma_wait3A_187, %dma_wait3A_188] : memref<10000x64xi32, #tpu.memory_space<hbm>> -> memref<10000x64xi32, #tpu.memory_space<hbm>>
      tpu.wait_indirect_dma semaphore(%arg12 : memref<!tpu.dma_semaphore, #tpu.memory_space<semaphore_mem>>) src(%dma_wait3A_189 : memref<10000x64xi32, #tpu.memory_space<hbm>>) dst(%dma_wait3A_183 : memref<128x64xi32, #tpu.memory_space<vmem>>)
      %add3A_190 = arith.constant 1 : i32
      %add3A_191 = arith.addi %add3A_178, %add3A_190 : i32
      %lt3A_192 = arith.cmpi slt, %add3A_191, %select_n3A_8 : i32
      %convert_element_type3A_193 = arith.extui %lt3A_192 : i1 to i32
      %cond3A_194 = arith.constant 0 : i32
      %cond3A_195 = arith.cmpi ne, %convert_element_type3A_193, %cond3A_194 : i32
      scf.if %cond3A_195 {
        %add3A_254 = arith.constant 1 : i32
        %add3A_255 = arith.addi %add3A_178, %add3A_254 : i32
        %dma_start3A_256 = arith.constant 0 : i32
        %dma_start3A_257 = arith.constant 0 : i32
        %dma_start3A_258 = arith.constant 0 : i32
        %dma_start3A_259 = tpu.memref_slice %arg10[%dma_start3A_256, %dma_start3A_257, %dma_start3A_258] : memref<2x128x64xi32, #tpu.memory_space<vmem>> -> memref<1x128x64xi32, #tpu.memory_space<vmem>>
        %dma_start3A_260 = tpu.memref_squeeze %dma_start3A_259 : memref<1x128x64xi32, #tpu.memory_space<vmem>> -> memref<128x64xi32, #tpu.memory_space<vmem>>
        %dma_start3A_261 = arith.constant 0 : i32
        %dma_start3A_262 = tpu.memref_slice %arg8[%add3A_255, %dma_start3A_261] : memref<48x128xi32, #tpu.memory_space<vmem>> -> memref<1x128xi32, #tpu.memory_space<vmem>>
        %dma_start3A_263 = tpu.memref_squeeze %dma_start3A_262 : memref<1x128xi32, #tpu.memory_space<vmem>> -> memref<128xi32, #tpu.memory_space<vmem>>
        %dma_start3A_264 = arith.constant 0 : i32
        %dma_start3A_265 = arith.constant 0 : i32
        %dma_start3A_266 = tpu.memref_slice %arg2[%dma_start3A_264, %dma_start3A_265] : memref<10000x64xi32, #tpu.memory_space<hbm>> -> memref<10000x64xi32, #tpu.memory_space<hbm>>
        tpu.enqueue_indirect_dma source(%dma_start3A_266 : memref<10000x64xi32, #tpu.memory_space<hbm>>) target(%dma_start3A_260 : memref<128x64xi32, #tpu.memory_space<vmem>>) offsets(%dma_start3A_263 : memref<128xi32, #tpu.memory_space<vmem>>) semaphore(%arg12 : memref<!tpu.dma_semaphore, #tpu.memory_space<semaphore_mem>>)
      } else {
      }
      %dma_wait3A_196 = arith.constant 0 : i32
      %dma_wait3A_197 = arith.constant 0 : i32
      %dma_wait3A_198 = arith.constant 0 : i32
      %dma_wait3A_199 = arith.constant 0 : i32
      %dma_wait3A_200 = tpu.memref_slice %arg11[%dma_wait3A_196, %dma_wait3A_198, %dma_wait3A_199] : memref<2x64x128xf32, #tpu.memory_space<vmem>> -> memref<1x64x128xf32, #tpu.memory_space<vmem>>
      %dma_wait3A_201 = tpu.memref_squeeze %dma_wait3A_200 : memref<1x64x128xf32, #tpu.memory_space<vmem>> -> memref<64x128xf32, #tpu.memory_space<vmem>>
      %dma_wait3A_202 = arith.constant 0 : i32
      %dma_wait3A_203 = tpu.memref_slice %arg9[%dma_wait3A_197, %dma_wait3A_202] : memref<48x128xi32, #tpu.memory_space<vmem>> -> memref<1x64xi32, #tpu.memory_space<vmem>>
      %dma_wait3A_204 = tpu.memref_squeeze %dma_wait3A_203 : memref<1x64xi32, #tpu.memory_space<vmem>> -> memref<64xi32, #tpu.memory_space<vmem>>
      %dma_wait3A_205 = arith.constant 0 : i32
      %dma_wait3A_206 = arith.constant 0 : i32
      %dma_wait3A_207 = tpu.memref_slice %arg7[%dma_wait3A_205, %dma_wait3A_206] : memref<10112x128xf32, #tpu.memory_space<vmem_shared>> -> memref<10112x128xf32, #tpu.memory_space<vmem_shared>>
      tpu.wait_indirect_dma semaphore(%arg13 : memref<!tpu.dma_semaphore, #tpu.memory_space<semaphore_mem>>) src(%dma_wait3A_201 : memref<64x128xf32, #tpu.memory_space<vmem>>) dst(%dma_wait3A_207 : memref<10112x128xf32, #tpu.memory_space<vmem_shared>>)
      %scan3A_208 = arith.constant 0 : i32
      %scan3A_209 = arith.constant 0 : i32
      %scan3A_210 = arith.constant 64 : i32
      %scan3A_211 = arith.addi %scan3A_209, %scan3A_210 : i32
      %scan3A_212 = arith.constant 1 : i32
      scf.for %scan3A_254 = %scan3A_209 to %scan3A_211 step %scan3A_212  : i32 {
        %add3A_255 = arith.constant 0 : i32
        %add3A_256 = arith.addi %add3A_255, %scan3A_254 : i32
        %get3A = arith.constant 1 : i32
        %get3A_257 = arith.index_cast %get3A : i32 to index
        %get3A_258 = arith.index_cast %add3A_256 : i32 to index
        %get3A_259 = arith.constant 0 : index
        %get3A_260 = tpu.vector_load %arg10[%get3A_257, %get3A_258, %get3A_259] {strides = array<i32>} : memref<2x128x64xi32, #tpu.memory_space<vmem>>, vector<1x1x16xi32>,
        %get3A_261 = vector.shape_cast %get3A_260 : vector<1x1x16xi32> to vector<16xi32>
        %shift_left3A = arith.constant 16 : i32
        %shift_left3A_262 = vector.broadcast %shift_left3A : i32 to vector<16xi32>
        %shift_left3A_263 = arith.shli %get3A_261, %shift_left3A_262 : vector<16xi32>
        %bitcast_convert_type3A = tpu.bitcast %shift_left3A_263 : vector<16xi32> -> vector<16xf32>
        %and3A = arith.andi %get3A_261, %broadcast_in_dim3A_16 : vector<16xi32>
        %bitcast_convert_type3A_264 = tpu.bitcast %and3A : vector<16xi32> -> vector<16xf32>
        %swap3A = arith.constant 0 : i32
        %swap3A_265 = arith.index_cast %swap3A : i32 to index
        %swap3A_266 = arith.index_cast %scan3A_254 : i32 to index
        %swap3A_267 = arith.constant 0 : index
        %swap3A_268 = tpu.vector_load %arg11[%swap3A_265, %swap3A_266, %swap3A_267] {strides = array<i32>} : memref<2x64x128xf32, #tpu.memory_space<vmem>>, vector<1x1x16xf32>,
        %swap3A_269 = vector.shape_cast %swap3A_268 : vector<1x1x16xf32> to vector<16xf32>
        %swap3A_270 = vector.shape_cast %bitcast_convert_type3A : vector<16xf32> to vector<1x1x16xf32>
        tpu.vector_store %arg11[%swap3A_265, %swap3A_266, %swap3A_267], %swap3A_270 {strides = array<i32>} : memref<2x64x128xf32, #tpu.memory_space<vmem>>, vector<1x1x16xf32>,
        %swap3A_271 = arith.constant 0 : i32
        %swap3A_272 = arith.index_cast %swap3A_271 : i32 to index
        %swap3A_273 = arith.index_cast %scan3A_254 : i32 to index
        %swap3A_274 = arith.constant 64 : index
        %swap3A_275 = tpu.vector_load %arg11[%swap3A_272, %swap3A_273, %swap3A_274] {strides = array<i32>} : memref<2x64x128xf32, #tpu.memory_space<vmem>>, vector<1x1x16xf32>,
        %swap3A_276 = vector.shape_cast %swap3A_275 : vector<1x1x16xf32> to vector<16xf32>
        %swap3A_277 = vector.shape_cast %bitcast_convert_type3A_264 : vector<16xf32> to vector<1x1x16xf32>
        tpu.vector_store %arg11[%swap3A_272, %swap3A_273, %swap3A_274], %swap3A_277 {strides = array<i32>} : memref<2x64x128xf32, #tpu.memory_space<vmem>>, vector<1x1x16xf32>,
        %add3A_278 = arith.constant 0 : i32
        %add3A_279 = arith.addi %add3A_278, %scan3A_254 : i32
        %get3A_280 = arith.constant 1 : i32
        %get3A_281 = arith.index_cast %get3A_280 : i32 to index
        %get3A_282 = arith.index_cast %add3A_279 : i32 to index
        %get3A_283 = arith.constant 16 : index
        %get3A_284 = tpu.vector_load %arg10[%get3A_281, %get3A_282, %get3A_283] {strides = array<i32>} : memref<2x128x64xi32, #tpu.memory_space<vmem>>, vector<1x1x16xi32>,
        %get3A_285 = vector.shape_cast %get3A_284 : vector<1x1x16xi32> to vector<16xi32>
        %shift_left3A_286 = arith.constant 16 : i32
        %shift_left3A_287 = vector.broadcast %shift_left3A_286 : i32 to vector<16xi32>
        %shift_left3A_288 = arith.shli %get3A_285, %shift_left3A_287 : vector<16xi32>
        %bitcast_convert_type3A_289 = tpu.bitcast %shift_left3A_288 : vector<16xi32> -> vector<16xf32>
        %and3A_290 = arith.andi %get3A_285, %broadcast_in_dim3A_16 : vector<16xi32>
        %bitcast_convert_type3A_291 = tpu.bitcast %and3A_290 : vector<16xi32> -> vector<16xf32>
        %swap3A_292 = arith.constant 0 : i32
        %swap3A_293 = arith.index_cast %swap3A_292 : i32 to index
        %swap3A_294 = arith.index_cast %scan3A_254 : i32 to index
        %swap3A_295 = arith.constant 16 : index
        %swap3A_296 = tpu.vector_load %arg11[%swap3A_293, %swap3A_294, %swap3A_295] {strides = array<i32>} : memref<2x64x128xf32, #tpu.memory_space<vmem>>, vector<1x1x16xf32>,
        %swap3A_297 = vector.shape_cast %swap3A_296 : vector<1x1x16xf32> to vector<16xf32>
        %swap3A_298 = vector.shape_cast %bitcast_convert_type3A_289 : vector<16xf32> to vector<1x1x16xf32>
        tpu.vector_store %arg11[%swap3A_293, %swap3A_294, %swap3A_295], %swap3A_298 {strides = array<i32>} : memref<2x64x128xf32, #tpu.memory_space<vmem>>, vector<1x1x16xf32>,
        %swap3A_299 = arith.constant 0 : i32
        %swap3A_300 = arith.index_cast %swap3A_299 : i32 to index
        %swap3A_301 = arith.index_cast %scan3A_254 : i32 to index
        %swap3A_302 = arith.constant 80 : index
        %swap3A_303 = tpu.vector_load %arg11[%swap3A_300, %swap3A_301, %swap3A_302] {strides = array<i32>} : memref<2x64x128xf32, #tpu.memory_space<vmem>>, vector<1x1x16xf32>,
        %swap3A_304 = vector.shape_cast %swap3A_303 : vector<1x1x16xf32> to vector<16xf32>
        %swap3A_305 = vector.shape_cast %bitcast_convert_type3A_291 : vector<16xf32> to vector<1x1x16xf32>
        tpu.vector_store %arg11[%swap3A_300, %swap3A_301, %swap3A_302], %swap3A_305 {strides = array<i32>} : memref<2x64x128xf32, #tpu.memory_space<vmem>>, vector<1x1x16xf32>,
        %add3A_306 = arith.constant 0 : i32
        %add3A_307 = arith.addi %add3A_306, %scan3A_254 : i32
        %get3A_308 = arith.constant 1 : i32
        %get3A_309 = arith.index_cast %get3A_308 : i32 to index
        %get3A_310 = arith.index_cast %add3A_307 : i32 to index
        %get3A_311 = arith.constant 32 : index
        %get3A_312 = tpu.vector_load %arg10[%get3A_309, %get3A_310, %get3A_311] {strides = array<i32>} : memref<2x128x64xi32, #tpu.memory_space<vmem>>, vector<1x1x16xi32>,
        %get3A_313 = vector.shape_cast %get3A_312 : vector<1x1x16xi32> to vector<16xi32>
        %shift_left3A_314 = arith.constant 16 : i32
        %shift_left3A_315 = vector.broadcast %shift_left3A_314 : i32 to vector<16xi32>
        %shift_left3A_316 = arith.shli %get3A_313, %shift_left3A_315 : vector<16xi32>
        %bitcast_convert_type3A_317 = tpu.bitcast %shift_left3A_316 : vector<16xi32> -> vector<16xf32>
        %and3A_318 = arith.andi %get3A_313, %broadcast_in_dim3A_16 : vector<16xi32>
        %bitcast_convert_type3A_319 = tpu.bitcast %and3A_318 : vector<16xi32> -> vector<16xf32>
        %swap3A_320 = arith.constant 0 : i32
        %swap3A_321 = arith.index_cast %swap3A_320 : i32 to index
        %swap3A_322 = arith.index_cast %scan3A_254 : i32 to index
        %swap3A_323 = arith.constant 32 : index
        %swap3A_324 = tpu.vector_load %arg11[%swap3A_321, %swap3A_322, %swap3A_323] {strides = array<i32>} : memref<2x64x128xf32, #tpu.memory_space<vmem>>, vector<1x1x16xf32>,
        %swap3A_325 = vector.shape_cast %swap3A_324 : vector<1x1x16xf32> to vector<16xf32>
        %swap3A_326 = vector.shape_cast %bitcast_convert_type3A_317 : vector<16xf32> to vector<1x1x16xf32>
        tpu.vector_store %arg11[%swap3A_321, %swap3A_322, %swap3A_323], %swap3A_326 {strides = array<i32>} : memref<2x64x128xf32, #tpu.memory_space<vmem>>, vector<1x1x16xf32>,
        %swap3A_327 = arith.constant 0 : i32
        %swap3A_328 = arith.index_cast %swap3A_327 : i32 to index
        %swap3A_329 = arith.index_cast %scan3A_254 : i32 to index
        %swap3A_330 = arith.constant 96 : index
        %swap3A_331 = tpu.vector_load %arg11[%swap3A_328, %swap3A_329, %swap3A_330] {strides = array<i32>} : memref<2x64x128xf32, #tpu.memory_space<vmem>>, vector<1x1x16xf32>,
        %swap3A_332 = vector.shape_cast %swap3A_331 : vector<1x1x16xf32> to vector<16xf32>
        %swap3A_333 = vector.shape_cast %bitcast_convert_type3A_319 : vector<16xf32> to vector<1x1x16xf32>
        tpu.vector_store %arg11[%swap3A_328, %swap3A_329, %swap3A_330], %swap3A_333 {strides = array<i32>} : memref<2x64x128xf32, #tpu.memory_space<vmem>>, vector<1x1x16xf32>,
        %add3A_334 = arith.constant 0 : i32
        %add3A_335 = arith.addi %add3A_334, %scan3A_254 : i32
        %get3A_336 = arith.constant 1 : i32
        %get3A_337 = arith.index_cast %get3A_336 : i32 to index
        %get3A_338 = arith.index_cast %add3A_335 : i32 to index
        %get3A_339 = arith.constant 48 : index
        %get3A_340 = tpu.vector_load %arg10[%get3A_337, %get3A_338, %get3A_339] {strides = array<i32>} : memref<2x128x64xi32, #tpu.memory_space<vmem>>, vector<1x1x16xi32>,
        %get3A_341 = vector.shape_cast %get3A_340 : vector<1x1x16xi32> to vector<16xi32>
        %shift_left3A_342 = arith.constant 16 : i32
        %shift_left3A_343 = vector.broadcast %shift_left3A_342 : i32 to vector<16xi32>
        %shift_left3A_344 = arith.shli %get3A_341, %shift_left3A_343 : vector<16xi32>
        %bitcast_convert_type3A_345 = tpu.bitcast %shift_left3A_344 : vector<16xi32> -> vector<16xf32>
        %and3A_346 = arith.andi %get3A_341, %broadcast_in_dim3A_16 : vector<16xi32>
        %bitcast_convert_type3A_347 = tpu.bitcast %and3A_346 : vector<16xi32> -> vector<16xf32>
        %swap3A_348 = arith.constant 0 : i32
        %swap3A_349 = arith.index_cast %swap3A_348 : i32 to index
        %swap3A_350 = arith.index_cast %scan3A_254 : i32 to index
        %swap3A_351 = arith.constant 48 : index
        %swap3A_352 = tpu.vector_load %arg11[%swap3A_349, %swap3A_350, %swap3A_351] {strides = array<i32>} : memref<2x64x128xf32, #tpu.memory_space<vmem>>, vector<1x1x16xf32>,
        %swap3A_353 = vector.shape_cast %swap3A_352 : vector<1x1x16xf32> to vector<16xf32>
        %swap3A_354 = vector.shape_cast %bitcast_convert_type3A_345 : vector<16xf32> to vector<1x1x16xf32>
        tpu.vector_store %arg11[%swap3A_349, %swap3A_350, %swap3A_351], %swap3A_354 {strides = array<i32>} : memref<2x64x128xf32, #tpu.memory_space<vmem>>, vector<1x1x16xf32>,
        %swap3A_355 = arith.constant 0 : i32
        %swap3A_356 = arith.index_cast %swap3A_355 : i32 to index
        %swap3A_357 = arith.index_cast %scan3A_254 : i32 to index
        %swap3A_358 = arith.constant 112 : index
        %swap3A_359 = tpu.vector_load %arg11[%swap3A_356, %swap3A_357, %swap3A_358] {strides = array<i32>} : memref<2x64x128xf32, #tpu.memory_space<vmem>>, vector<1x1x16xf32>,
        %swap3A_360 = vector.shape_cast %swap3A_359 : vector<1x1x16xf32> to vector<16xf32>
        %swap3A_361 = vector.shape_cast %bitcast_convert_type3A_347 : vector<16xf32> to vector<1x1x16xf32>
        tpu.vector_store %arg11[%swap3A_356, %swap3A_357, %swap3A_358], %swap3A_361 {strides = array<i32>} : memref<2x64x128xf32, #tpu.memory_space<vmem>>, vector<1x1x16xf32>,
      }
      %scan3A_213 = arith.constant 64 : i32
      %dma_start3A_214 = arith.constant 0 : i32
      %dma_start3A_215 = arith.constant 0 : i32
      %dma_start3A_216 = arith.constant 0 : i32
      %dma_start3A_217 = tpu.memref_slice %arg11[%dma_start3A_214, %dma_start3A_215, %dma_start3A_216] : memref<2x64x128xf32, #tpu.memory_space<vmem>> -> memref<1x64x128xf32, #tpu.memory_space<vmem>>
      %dma_start3A_218 = tpu.memref_squeeze %dma_start3A_217 : memref<1x64x128xf32, #tpu.memory_space<vmem>> -> memref<64x128xf32, #tpu.memory_space<vmem>>
      %dma_start3A_219 = arith.constant 0 : i32
      %dma_start3A_220 = tpu.memref_slice %arg9[%add3A_178, %dma_start3A_219] : memref<48x128xi32, #tpu.memory_space<vmem>> -> memref<1x64xi32, #tpu.memory_space<vmem>>
      %dma_start3A_221 = tpu.memref_squeeze %dma_start3A_220 : memref<1x64xi32, #tpu.memory_space<vmem>> -> memref<64xi32, #tpu.memory_space<vmem>>
      %dma_start3A_222 = arith.constant 0 : i32
      %dma_start3A_223 = arith.constant 0 : i32
      %dma_start3A_224 = tpu.memref_slice %arg7[%dma_start3A_222, %dma_start3A_223] : memref<10112x128xf32, #tpu.memory_space<vmem_shared>> -> memref<10112x128xf32, #tpu.memory_space<vmem_shared>>
      tpu.enqueue_indirect_dma source(%dma_start3A_218 : memref<64x128xf32, #tpu.memory_space<vmem>>) target(%dma_start3A_224 : memref<10112x128xf32, #tpu.memory_space<vmem_shared>>) offsets(%dma_start3A_221 : memref<64xi32, #tpu.memory_space<vmem>>) semaphore(%arg13 : memref<!tpu.dma_semaphore, #tpu.memory_space<semaphore_mem>>) {add = true}
      %dma_wait3A_225 = arith.constant 1 : i32
      %dma_wait3A_226 = arith.constant 0 : i32
      %dma_wait3A_227 = arith.constant 0 : i32
      %dma_wait3A_228 = arith.constant 0 : i32
      %dma_wait3A_229 = tpu.memref_slice %arg11[%dma_wait3A_225, %dma_wait3A_227, %dma_wait3A_228] : memref<2x64x128xf32, #tpu.memory_space<vmem>> -> memref<1x64x128xf32, #tpu.memory_space<vmem>>
      %dma_wait3A_230 = tpu.memref_squeeze %dma_wait3A_229 : memref<1x64x128xf32, #tpu.memory_space<vmem>> -> memref<64x128xf32, #tpu.memory_space<vmem>>
      %dma_wait3A_231 = arith.constant 0 : i32
      %dma_wait3A_232 = tpu.memref_slice %arg9[%dma_wait3A_226, %dma_wait3A_231] : memref<48x128xi32, #tpu.memory_space<vmem>> -> memref<1x64xi32, #tpu.memory_space<vmem>>
      %dma_wait3A_233 = tpu.memref_squeeze %dma_wait3A_232 : memref<1x64xi32, #tpu.memory_space<vmem>> -> memref<64xi32, #tpu.memory_space<vmem>>
      %dma_wait3A_234 = arith.constant 0 : i32
      %dma_wait3A_235 = arith.constant 0 : i32
      %dma_wait3A_236 = tpu.memref_slice %arg7[%dma_wait3A_234, %dma_wait3A_235] : memref<10112x128xf32, #tpu.memory_space<vmem_shared>> -> memref<10112x128xf32, #tpu.memory_space<vmem_shared>>
      tpu.wait_indirect_dma semaphore(%arg13 : memref<!tpu.dma_semaphore, #tpu.memory_space<semaphore_mem>>) src(%dma_wait3A_230 : memref<64x128xf32, #tpu.memory_space<vmem>>) dst(%dma_wait3A_236 : memref<10112x128xf32, #tpu.memory_space<vmem_shared>>)
      %scan3A_237 = arith.constant 0 : i32
      %scan3A_238 = arith.constant 0 : i32
      %scan3A_239 = arith.constant 64 : i32
      %scan3A_240 = arith.addi %scan3A_238, %scan3A_239 : i32
      %scan3A_241 = arith.constant 1 : i32
      scf.for %scan3A_254 = %scan3A_238 to %scan3A_240 step %scan3A_241  : i32 {
        %add3A_255 = arith.constant 64 : i32
        %add3A_256 = arith.addi %add3A_255, %scan3A_254 : i32
        %get3A = arith.constant 1 : i32
        %get3A_257 = arith.index_cast %get3A : i32 to index
        %get3A_258 = arith.index_cast %add3A_256 : i32 to index
        %get3A_259 = arith.constant 0 : index
        %get3A_260 = tpu.vector_load %arg10[%get3A_257, %get3A_258, %get3A_259] {strides = array<i32>} : memref<2x128x64xi32, #tpu.memory_space<vmem>>, vector<1x1x16xi32>,
        %get3A_261 = vector.shape_cast %get3A_260 : vector<1x1x16xi32> to vector<16xi32>
        %shift_left3A = arith.constant 16 : i32
        %shift_left3A_262 = vector.broadcast %shift_left3A : i32 to vector<16xi32>
        %shift_left3A_263 = arith.shli %get3A_261, %shift_left3A_262 : vector<16xi32>
        %bitcast_convert_type3A = tpu.bitcast %shift_left3A_263 : vector<16xi32> -> vector<16xf32>
        %and3A = arith.andi %get3A_261, %broadcast_in_dim3A_16 : vector<16xi32>
        %bitcast_convert_type3A_264 = tpu.bitcast %and3A : vector<16xi32> -> vector<16xf32>
        %swap3A = arith.constant 1 : i32
        %swap3A_265 = arith.index_cast %swap3A : i32 to index
        %swap3A_266 = arith.index_cast %scan3A_254 : i32 to index
        %swap3A_267 = arith.constant 0 : index
        %swap3A_268 = tpu.vector_load %arg11[%swap3A_265, %swap3A_266, %swap3A_267] {strides = array<i32>} : memref<2x64x128xf32, #tpu.memory_space<vmem>>, vector<1x1x16xf32>,
        %swap3A_269 = vector.shape_cast %swap3A_268 : vector<1x1x16xf32> to vector<16xf32>
        %swap3A_270 = vector.shape_cast %bitcast_convert_type3A : vector<16xf32> to vector<1x1x16xf32>
        tpu.vector_store %arg11[%swap3A_265, %swap3A_266, %swap3A_267], %swap3A_270 {strides = array<i32>} : memref<2x64x128xf32, #tpu.memory_space<vmem>>, vector<1x1x16xf32>,
        %swap3A_271 = arith.constant 1 : i32
        %swap3A_272 = arith.index_cast %swap3A_271 : i32 to index
        %swap3A_273 = arith.index_cast %scan3A_254 : i32 to index
        %swap3A_274 = arith.constant 64 : index
        %swap3A_275 = tpu.vector_load %arg11[%swap3A_272, %swap3A_273, %swap3A_274] {strides = array<i32>} : memref<2x64x128xf32, #tpu.memory_space<vmem>>, vector<1x1x16xf32>,
        %swap3A_276 = vector.shape_cast %swap3A_275 : vector<1x1x16xf32> to vector<16xf32>
        %swap3A_277 = vector.shape_cast %bitcast_convert_type3A_264 : vector<16xf32> to vector<1x1x16xf32>
        tpu.vector_store %arg11[%swap3A_272, %swap3A_273, %swap3A_274], %swap3A_277 {strides = array<i32>} : memref<2x64x128xf32, #tpu.memory_space<vmem>>, vector<1x1x16xf32>,
        %add3A_278 = arith.constant 64 : i32
        %add3A_279 = arith.addi %add3A_278, %scan3A_254 : i32
        %get3A_280 = arith.constant 1 : i32
        %get3A_281 = arith.index_cast %get3A_280 : i32 to index
        %get3A_282 = arith.index_cast %add3A_279 : i32 to index
        %get3A_283 = arith.constant 16 : index
        %get3A_284 = tpu.vector_load %arg10[%get3A_281, %get3A_282, %get3A_283] {strides = array<i32>} : memref<2x128x64xi32, #tpu.memory_space<vmem>>, vector<1x1x16xi32>,
        %get3A_285 = vector.shape_cast %get3A_284 : vector<1x1x16xi32> to vector<16xi32>
        %shift_left3A_286 = arith.constant 16 : i32
        %shift_left3A_287 = vector.broadcast %shift_left3A_286 : i32 to vector<16xi32>
        %shift_left3A_288 = arith.shli %get3A_285, %shift_left3A_287 : vector<16xi32>
        %bitcast_convert_type3A_289 = tpu.bitcast %shift_left3A_288 : vector<16xi32> -> vector<16xf32>
        %and3A_290 = arith.andi %get3A_285, %broadcast_in_dim3A_16 : vector<16xi32>
        %bitcast_convert_type3A_291 = tpu.bitcast %and3A_290 : vector<16xi32> -> vector<16xf32>
        %swap3A_292 = arith.constant 1 : i32
        %swap3A_293 = arith.index_cast %swap3A_292 : i32 to index
        %swap3A_294 = arith.index_cast %scan3A_254 : i32 to index
        %swap3A_295 = arith.constant 16 : index
        %swap3A_296 = tpu.vector_load %arg11[%swap3A_293, %swap3A_294, %swap3A_295] {strides = array<i32>} : memref<2x64x128xf32, #tpu.memory_space<vmem>>, vector<1x1x16xf32>,
        %swap3A_297 = vector.shape_cast %swap3A_296 : vector<1x1x16xf32> to vector<16xf32>
        %swap3A_298 = vector.shape_cast %bitcast_convert_type3A_289 : vector<16xf32> to vector<1x1x16xf32>
        tpu.vector_store %arg11[%swap3A_293, %swap3A_294, %swap3A_295], %swap3A_298 {strides = array<i32>} : memref<2x64x128xf32, #tpu.memory_space<vmem>>, vector<1x1x16xf32>,
        %swap3A_299 = arith.constant 1 : i32
        %swap3A_300 = arith.index_cast %swap3A_299 : i32 to index
        %swap3A_301 = arith.index_cast %scan3A_254 : i32 to index
        %swap3A_302 = arith.constant 80 : index
        %swap3A_303 = tpu.vector_load %arg11[%swap3A_300, %swap3A_301, %swap3A_302] {strides = array<i32>} : memref<2x64x128xf32, #tpu.memory_space<vmem>>, vector<1x1x16xf32>,
        %swap3A_304 = vector.shape_cast %swap3A_303 : vector<1x1x16xf32> to vector<16xf32>
        %swap3A_305 = vector.shape_cast %bitcast_convert_type3A_291 : vector<16xf32> to vector<1x1x16xf32>
        tpu.vector_store %arg11[%swap3A_300, %swap3A_301, %swap3A_302], %swap3A_305 {strides = array<i32>} : memref<2x64x128xf32, #tpu.memory_space<vmem>>, vector<1x1x16xf32>,
        %add3A_306 = arith.constant 64 : i32
        %add3A_307 = arith.addi %add3A_306, %scan3A_254 : i32
        %get3A_308 = arith.constant 1 : i32
        %get3A_309 = arith.index_cast %get3A_308 : i32 to index
        %get3A_310 = arith.index_cast %add3A_307 : i32 to index
        %get3A_311 = arith.constant 32 : index
        %get3A_312 = tpu.vector_load %arg10[%get3A_309, %get3A_310, %get3A_311] {strides = array<i32>} : memref<2x128x64xi32, #tpu.memory_space<vmem>>, vector<1x1x16xi32>,
        %get3A_313 = vector.shape_cast %get3A_312 : vector<1x1x16xi32> to vector<16xi32>
        %shift_left3A_314 = arith.constant 16 : i32
        %shift_left3A_315 = vector.broadcast %shift_left3A_314 : i32 to vector<16xi32>
        %shift_left3A_316 = arith.shli %get3A_313, %shift_left3A_315 : vector<16xi32>
        %bitcast_convert_type3A_317 = tpu.bitcast %shift_left3A_316 : vector<16xi32> -> vector<16xf32>
        %and3A_318 = arith.andi %get3A_313, %broadcast_in_dim3A_16 : vector<16xi32>
        %bitcast_convert_type3A_319 = tpu.bitcast %and3A_318 : vector<16xi32> -> vector<16xf32>
        %swap3A_320 = arith.constant 1 : i32
        %swap3A_321 = arith.index_cast %swap3A_320 : i32 to index
        %swap3A_322 = arith.index_cast %scan3A_254 : i32 to index
        %swap3A_323 = arith.constant 32 : index
        %swap3A_324 = tpu.vector_load %arg11[%swap3A_321, %swap3A_322, %swap3A_323] {strides = array<i32>} : memref<2x64x128xf32, #tpu.memory_space<vmem>>, vector<1x1x16xf32>,
        %swap3A_325 = vector.shape_cast %swap3A_324 : vector<1x1x16xf32> to vector<16xf32>
        %swap3A_326 = vector.shape_cast %bitcast_convert_type3A_317 : vector<16xf32> to vector<1x1x16xf32>
        tpu.vector_store %arg11[%swap3A_321, %swap3A_322, %swap3A_323], %swap3A_326 {strides = array<i32>} : memref<2x64x128xf32, #tpu.memory_space<vmem>>, vector<1x1x16xf32>,
        %swap3A_327 = arith.constant 1 : i32
        %swap3A_328 = arith.index_cast %swap3A_327 : i32 to index
        %swap3A_329 = arith.index_cast %scan3A_254 : i32 to index
        %swap3A_330 = arith.constant 96 : index
        %swap3A_331 = tpu.vector_load %arg11[%swap3A_328, %swap3A_329, %swap3A_330] {strides = array<i32>} : memref<2x64x128xf32, #tpu.memory_space<vmem>>, vector<1x1x16xf32>,
        %swap3A_332 = vector.shape_cast %swap3A_331 : vector<1x1x16xf32> to vector<16xf32>
        %swap3A_333 = vector.shape_cast %bitcast_convert_type3A_319 : vector<16xf32> to vector<1x1x16xf32>
        tpu.vector_store %arg11[%swap3A_328, %swap3A_329, %swap3A_330], %swap3A_333 {strides = array<i32>} : memref<2x64x128xf32, #tpu.memory_space<vmem>>, vector<1x1x16xf32>,
        %add3A_334 = arith.constant 64 : i32
        %add3A_335 = arith.addi %add3A_334, %scan3A_254 : i32
        %get3A_336 = arith.constant 1 : i32
        %get3A_337 = arith.index_cast %get3A_336 : i32 to index
        %get3A_338 = arith.index_cast %add3A_335 : i32 to index
        %get3A_339 = arith.constant 48 : index
        %get3A_340 = tpu.vector_load %arg10[%get3A_337, %get3A_338, %get3A_339] {strides = array<i32>} : memref<2x128x64xi32, #tpu.memory_space<vmem>>, vector<1x1x16xi32>,
        %get3A_341 = vector.shape_cast %get3A_340 : vector<1x1x16xi32> to vector<16xi32>
        %shift_left3A_342 = arith.constant 16 : i32
        %shift_left3A_343 = vector.broadcast %shift_left3A_342 : i32 to vector<16xi32>
        %shift_left3A_344 = arith.shli %get3A_341, %shift_left3A_343 : vector<16xi32>
        %bitcast_convert_type3A_345 = tpu.bitcast %shift_left3A_344 : vector<16xi32> -> vector<16xf32>
        %and3A_346 = arith.andi %get3A_341, %broadcast_in_dim3A_16 : vector<16xi32>
        %bitcast_convert_type3A_347 = tpu.bitcast %and3A_346 : vector<16xi32> -> vector<16xf32>
        %swap3A_348 = arith.constant 1 : i32
        %swap3A_349 = arith.index_cast %swap3A_348 : i32 to index
        %swap3A_350 = arith.index_cast %scan3A_254 : i32 to index
        %swap3A_351 = arith.constant 48 : index
        %swap3A_352 = tpu.vector_load %arg11[%swap3A_349, %swap3A_350, %swap3A_351] {strides = array<i32>} : memref<2x64x128xf32, #tpu.memory_space<vmem>>, vector<1x1x16xf32>,
        %swap3A_353 = vector.shape_cast %swap3A_352 : vector<1x1x16xf32> to vector<16xf32>
        %swap3A_354 = vector.shape_cast %bitcast_convert_type3A_345 : vector<16xf32> to vector<1x1x16xf32>
        tpu.vector_store %arg11[%swap3A_349, %swap3A_350, %swap3A_351], %swap3A_354 {strides = array<i32>} : memref<2x64x128xf32, #tpu.memory_space<vmem>>, vector<1x1x16xf32>,
        %swap3A_355 = arith.constant 1 : i32
        %swap3A_356 = arith.index_cast %swap3A_355 : i32 to index
        %swap3A_357 = arith.index_cast %scan3A_254 : i32 to index
        %swap3A_358 = arith.constant 112 : index
        %swap3A_359 = tpu.vector_load %arg11[%swap3A_356, %swap3A_357, %swap3A_358] {strides = array<i32>} : memref<2x64x128xf32, #tpu.memory_space<vmem>>, vector<1x1x16xf32>,
        %swap3A_360 = vector.shape_cast %swap3A_359 : vector<1x1x16xf32> to vector<16xf32>
        %swap3A_361 = vector.shape_cast %bitcast_convert_type3A_347 : vector<16xf32> to vector<1x1x16xf32>
        tpu.vector_store %arg11[%swap3A_356, %swap3A_357, %swap3A_358], %swap3A_361 {strides = array<i32>} : memref<2x64x128xf32, #tpu.memory_space<vmem>>, vector<1x1x16xf32>,
      }
      %scan3A_242 = arith.constant 64 : i32
      %dma_start3A_243 = arith.constant 1 : i32
      %dma_start3A_244 = arith.constant 0 : i32
      %dma_start3A_245 = arith.constant 0 : i32
      %dma_start3A_246 = tpu.memref_slice %arg11[%dma_start3A_243, %dma_start3A_244, %dma_start3A_245] : memref<2x64x128xf32, #tpu.memory_space<vmem>> -> memref<1x64x128xf32, #tpu.memory_space<vmem>>
      %dma_start3A_247 = tpu.memref_squeeze %dma_start3A_246 : memref<1x64x128xf32, #tpu.memory_space<vmem>> -> memref<64x128xf32, #tpu.memory_space<vmem>>
      %dma_start3A_248 = arith.constant 64 : i32
      %dma_start3A_249 = tpu.memref_slice %arg9[%add3A_178, %dma_start3A_248] : memref<48x128xi32, #tpu.memory_space<vmem>> -> memref<1x64xi32, #tpu.memory_space<vmem>>
      %dma_start3A_250 = tpu.memref_squeeze %dma_start3A_249 : memref<1x64xi32, #tpu.memory_space<vmem>> -> memref<64xi32, #tpu.memory_space<vmem>>
      %dma_start3A_251 = arith.constant 0 : i32
      %dma_start3A_252 = arith.constant 0 : i32
      %dma_start3A_253 = tpu.memref_slice %arg7[%dma_start3A_251, %dma_start3A_252] : memref<10112x128xf32, #tpu.memory_space<vmem_shared>> -> memref<10112x128xf32, #tpu.memory_space<vmem_shared>>
      tpu.enqueue_indirect_dma source(%dma_start3A_247 : memref<64x128xf32, #tpu.memory_space<vmem>>) target(%dma_start3A_253 : memref<10112x128xf32, #tpu.memory_space<vmem_shared>>) offsets(%dma_start3A_250 : memref<64xi32, #tpu.memory_space<vmem>>) semaphore(%arg13 : memref<!tpu.dma_semaphore, #tpu.memory_space<semaphore_mem>>) {add = true}
    }
    %dma_wait3A = arith.constant 0 : i32
    %dma_wait3A_65 = arith.constant 0 : i32
    %dma_wait3A_66 = arith.constant 0 : i32
    %dma_wait3A_67 = arith.constant 0 : i32
    %dma_wait3A_68 = tpu.memref_slice %arg11[%dma_wait3A, %dma_wait3A_66, %dma_wait3A_67] : memref<2x64x128xf32, #tpu.memory_space<vmem>> -> memref<1x64x128xf32, #tpu.memory_space<vmem>>
    %dma_wait3A_69 = tpu.memref_squeeze %dma_wait3A_68 : memref<1x64x128xf32, #tpu.memory_space<vmem>> -> memref<64x128xf32, #tpu.memory_space<vmem>>
    %dma_wait3A_70 = arith.constant 0 : i32
    %dma_wait3A_71 = tpu.memref_slice %arg9[%dma_wait3A_65, %dma_wait3A_70] : memref<48x128xi32, #tpu.memory_space<vmem>> -> memref<1x64xi32, #tpu.memory_space<vmem>>
    %dma_wait3A_72 = tpu.memref_squeeze %dma_wait3A_71 : memref<1x64xi32, #tpu.memory_space<vmem>> -> memref<64xi32, #tpu.memory_space<vmem>>
    %dma_wait3A_73 = arith.constant 0 : i32
    %dma_wait3A_74 = arith.constant 0 : i32
    %dma_wait3A_75 = tpu.memref_slice %arg7[%dma_wait3A_73, %dma_wait3A_74] : memref<10112x128xf32, #tpu.memory_space<vmem_shared>> -> memref<10112x128xf32, #tpu.memory_space<vmem_shared>>
    tpu.wait_indirect_dma semaphore(%arg13 : memref<!tpu.dma_semaphore, #tpu.memory_space<semaphore_mem>>) src(%dma_wait3A_69 : memref<64x128xf32, #tpu.memory_space<vmem>>) dst(%dma_wait3A_75 : memref<10112x128xf32, #tpu.memory_space<vmem_shared>>)
    %dma_wait3A_76 = arith.constant 1 : i32
    %dma_wait3A_77 = arith.constant 0 : i32
    %dma_wait3A_78 = arith.constant 0 : i32
    %dma_wait3A_79 = arith.constant 0 : i32
    %dma_wait3A_80 = tpu.memref_slice %arg11[%dma_wait3A_76, %dma_wait3A_78, %dma_wait3A_79] : memref<2x64x128xf32, #tpu.memory_space<vmem>> -> memref<1x64x128xf32, #tpu.memory_space<vmem>>
    %dma_wait3A_81 = tpu.memref_squeeze %dma_wait3A_80 : memref<1x64x128xf32, #tpu.memory_space<vmem>> -> memref<64x128xf32, #tpu.memory_space<vmem>>
    %dma_wait3A_82 = arith.constant 0 : i32
    %dma_wait3A_83 = tpu.memref_slice %arg9[%dma_wait3A_77, %dma_wait3A_82] : memref<48x128xi32, #tpu.memory_space<vmem>> -> memref<1x64xi32, #tpu.memory_space<vmem>>
    %dma_wait3A_84 = tpu.memref_squeeze %dma_wait3A_83 : memref<1x64xi32, #tpu.memory_space<vmem>> -> memref<64xi32, #tpu.memory_space<vmem>>
    %dma_wait3A_85 = arith.constant 0 : i32
    %dma_wait3A_86 = arith.constant 0 : i32
    %dma_wait3A_87 = tpu.memref_slice %arg7[%dma_wait3A_85, %dma_wait3A_86] : memref<10112x128xf32, #tpu.memory_space<vmem_shared>> -> memref<10112x128xf32, #tpu.memory_space<vmem_shared>>
    tpu.wait_indirect_dma semaphore(%arg13 : memref<!tpu.dma_semaphore, #tpu.memory_space<semaphore_mem>>) src(%dma_wait3A_81 : memref<64x128xf32, #tpu.memory_space<vmem>>) dst(%dma_wait3A_87 : memref<10112x128xf32, #tpu.memory_space<vmem_shared>>)
    %barrier3A_88 = arith.constant 0 : index
    tpu.barrier barrier_id(%barrier3A_88)
    %lt3A = arith.constant 15 : i32
    %lt3A_89 = arith.cmpi slt, %arg1, %lt3A : i32
    %convert_element_type3A = arith.extui %lt3A_89 : i1 to i32
    %cond3A = arith.constant 0 : i32
    %cond3A_90 = arith.cmpi ne, %convert_element_type3A, %cond3A : i32
    scf.if %cond3A_90 {
      %mul3A_96 = arith.constant 632 : i32
      %mul3A_97 = arith.muli %arg1, %mul3A_96 : i32
      %mul3A_98 = arith.constant 632 : i32
      %mul3A_99 = arith.muli %arg1, %mul3A_98 : i32
      "tpu.region"() ({
        %run_scoped3A = tpu.sem_alloc : memref<!tpu.dma_semaphore, #tpu.memory_space<semaphore_mem>>
        %dma_start3A_100 = arith.constant 0 : i32
        %dma_start3A_101 = tpu.memref_slice %arg6[%arg0, %mul3A_99, %dma_start3A_100] : memref<2x10000x128xf32, #tpu.memory_space<hbm>> -> memref<1x632x128xf32, #tpu.memory_space<hbm>>
        %dma_start3A_102 = tpu.memref_squeeze %dma_start3A_101 : memref<1x632x128xf32, #tpu.memory_space<hbm>> -> memref<632x128xf32, #tpu.memory_space<hbm>>
        %dma_start3A_103 = arith.constant 0 : i32
        %dma_start3A_104 = tpu.memref_slice %arg7[%mul3A_97, %dma_start3A_103] : memref<10112x128xf32, #tpu.memory_space<vmem_shared>> -> memref<632x128xf32, #tpu.memory_space<vmem_shared>>
        tpu.enqueue_dma source(%dma_start3A_104 : memref<632x128xf32, #tpu.memory_space<vmem_shared>>) target(%dma_start3A_102 : memref<632x128xf32, #tpu.memory_space<hbm>>) target_semaphore(%run_scoped3A : memref<!tpu.dma_semaphore, #tpu.memory_space<semaphore_mem>>)
        %dma_wait3A_105 = arith.constant 0 : i32
        %dma_wait3A_106 = tpu.memref_slice %arg6[%arg0, %mul3A_99, %dma_wait3A_105] : memref<2x10000x128xf32, #tpu.memory_space<hbm>> -> memref<1x632x128xf32, #tpu.memory_space<hbm>>
        %dma_wait3A_107 = tpu.memref_squeeze %dma_wait3A_106 : memref<1x632x128xf32, #tpu.memory_space<hbm>> -> memref<632x128xf32, #tpu.memory_space<hbm>>
        %dma_wait3A_108 = arith.constant 0 : i32
        %dma_wait3A_109 = tpu.memref_slice %arg7[%mul3A_97, %dma_wait3A_108] : memref<10112x128xf32, #tpu.memory_space<vmem_shared>> -> memref<632x128xf32, #tpu.memory_space<vmem_shared>>
        tpu.wait_dma2 semaphore(%run_scoped3A : memref<!tpu.dma_semaphore, #tpu.memory_space<semaphore_mem>>) src(%dma_wait3A_109 : memref<632x128xf32, #tpu.memory_space<vmem_shared>>) dst(%dma_wait3A_107 : memref<632x128xf32, #tpu.memory_space<hbm>>)
        tpu.yield
      }) : () -> ()
    } else {
    }
    %eq3A_91 = arith.constant 15 : i32
    %eq3A_92 = arith.cmpi eq, %arg1, %eq3A_91 : i32
    %convert_element_type3A_93 = arith.extui %eq3A_92 : i1 to i32
    %cond3A_94 = arith.constant 0 : i32
    %cond3A_95 = arith.cmpi ne, %convert_element_type3A_93, %cond3A_94 : i32
    scf.if %cond3A_95 {
      "tpu.region"() ({
        %run_scoped3A = tpu.sem_alloc : memref<!tpu.dma_semaphore, #tpu.memory_space<semaphore_mem>>
        %dma_start3A_96 = arith.constant 9480 : i32
        %dma_start3A_97 = arith.constant 0 : i32
        %dma_start3A_98 = tpu.memref_slice %arg6[%arg0, %dma_start3A_96, %dma_start3A_97] : memref<2x10000x128xf32, #tpu.memory_space<hbm>> -> memref<1x520x128xf32, #tpu.memory_space<hbm>>
        %dma_start3A_99 = tpu.memref_squeeze %dma_start3A_98 : memref<1x520x128xf32, #tpu.memory_space<hbm>> -> memref<520x128xf32, #tpu.memory_space<hbm>>
        %dma_start3A_100 = arith.constant 9480 : i32
        %dma_start3A_101 = arith.constant 0 : i32
        %dma_start3A_102 = tpu.memref_slice %arg7[%dma_start3A_100, %dma_start3A_101] : memref<10112x128xf32, #tpu.memory_space<vmem_shared>> -> memref<520x128xf32, #tpu.memory_space<vmem_shared>>
        tpu.enqueue_dma source(%dma_start3A_102 : memref<520x128xf32, #tpu.memory_space<vmem_shared>>) target(%dma_start3A_99 : memref<520x128xf32, #tpu.memory_space<hbm>>) target_semaphore(%run_scoped3A : memref<!tpu.dma_semaphore, #tpu.memory_space<semaphore_mem>>)
        %dma_wait3A_103 = arith.constant 9480 : i32
        %dma_wait3A_104 = arith.constant 0 : i32
        %dma_wait3A_105 = tpu.memref_slice %arg6[%arg0, %dma_wait3A_103, %dma_wait3A_104] : memref<2x10000x128xf32, #tpu.memory_space<hbm>> -> memref<1x520x128xf32, #tpu.memory_space<hbm>>
        %dma_wait3A_106 = tpu.memref_squeeze %dma_wait3A_105 : memref<1x520x128xf32, #tpu.memory_space<hbm>> -> memref<520x128xf32, #tpu.memory_space<hbm>>
        %dma_wait3A_107 = arith.constant 9480 : i32
        %dma_wait3A_108 = arith.constant 0 : i32
        %dma_wait3A_109 = tpu.memref_slice %arg7[%dma_wait3A_107, %dma_wait3A_108] : memref<10112x128xf32, #tpu.memory_space<vmem_shared>> -> memref<520x128xf32, #tpu.memory_space<vmem_shared>>
        tpu.wait_dma2 semaphore(%run_scoped3A : memref<!tpu.dma_semaphore, #tpu.memory_space<semaphore_mem>>) src(%dma_wait3A_109 : memref<520x128xf32, #tpu.memory_space<vmem_shared>>) dst(%dma_wait3A_106 : memref<520x128xf32, #tpu.memory_space<hbm>>)
        tpu.yield
      }) : () -> ()
    } else {
    }
    return
  }
}

module attributes {stable_mosaic.version = 14 : i64} {
  func.func @_tc_linear_body(%arg0: i32, %arg1: memref<2x1000x128xf32, #tpu.memory_space<vmem>>, %arg2: memref<128x128xf32, #tpu.memory_space<vmem>>, %arg3: memref<8x128xf32, #tpu.memory_space<vmem>>, %arg4: memref<1000x128xf32, #tpu.memory_space<vmem>>) attributes {dimension_semantics = [#tpu.dimension_semantics<arbitrary>], iteration_bounds = array<i64: 10>, scalar_prefetch = 0 : i64, scratch_operands = 0 : i64, tpu.core_type = #tpu.core_type<tc>, window_params = [{transform_indices = @transform_0, window_bounds = array<i64: 2, 1000, 128>}, {pipeline_mode = #tpu.pipeline_mode<synchronous>, transform_indices = @transform_1, window_bounds = array<i64: 128, 128>}, {pipeline_mode = #tpu.pipeline_mode<synchronous>, transform_indices = @transform_2, window_bounds = array<i64: 8, 128>}, {transform_indices = @transform_3, window_bounds = array<i64: 1000, 128>}]} {
    %get3A = arith.constant 0 : index
    %get3A_0 = arith.constant 0 : index
    %get3A_1 = arith.constant 0 : index
    %get3A_2 = vector.load %arg1[%get3A, %get3A_0, %get3A_1] : memref<2x1000x128xf32, #tpu.memory_space<vmem>>, vector<1x1000x128xf32>
    %get3A_3 = vector.shape_cast %get3A_2 : vector<1x1000x128xf32> to vector<1000x128xf32>
    %get3A_4 = arith.constant 1 : index
    %get3A_5 = arith.constant 0 : index
    %get3A_6 = arith.constant 0 : index
    %get3A_7 = vector.load %arg1[%get3A_4, %get3A_5, %get3A_6] : memref<2x1000x128xf32, #tpu.memory_space<vmem>>, vector<1x1000x128xf32>
    %get3A_8 = vector.shape_cast %get3A_7 : vector<1x1000x128xf32> to vector<1000x128xf32>
    %add3A = arith.addf %get3A_3, %get3A_8 : vector<1000x128xf32>
    %get3A_9 = arith.constant 0 : index
    %get3A_10 = arith.constant 0 : index
    %get3A_11 = vector.load %arg2[%get3A_9, %get3A_10] : memref<128x128xf32, #tpu.memory_space<vmem>>, vector<128x128xf32>
    %dot_general3A = arith.constant dense<0.000000e+00> : vector<1000x128xf32>
    %dot_general3A_12 = tpu.matmul %add3A, %get3A_11, %dot_general3A {dimension_numbers = #tpu.dot_dimension_numbers<[1], [1], [0], [0], [0, 0, 1, 0], [], []>, transpose_lhs_hint = false} : vector<1000x128xf32>, vector<128x128xf32>, vector<1000x128xf32> -> vector<1000x128xf32>
    %get3A_13 = arith.constant 0 : index
    %get3A_14 = arith.constant 0 : index
    %get3A_15 = vector.load %arg3[%get3A_13, %get3A_14] : memref<8x128xf32, #tpu.memory_space<vmem>>, vector<1x128xf32>
    %add3A_16 = vector.broadcast %get3A_15 : vector<1x128xf32> to vector<1000x128xf32>
    %add3A_17 = arith.addf %dot_general3A_12, %add3A_16 : vector<1000x128xf32>
    %swap3A = arith.constant 0 : index
    %swap3A_18 = arith.constant 0 : index
    %swap3A_19 = vector.load %arg4[%swap3A, %swap3A_18] : memref<1000x128xf32, #tpu.memory_space<vmem>>, vector<1000x128xf32>
    tpu.vector_store %arg4[%swap3A, %swap3A_18], %add3A_17 {strides = array<i32>} : memref<1000x128xf32, #tpu.memory_space<vmem>>, vector<1000x128xf32>,
    return
  }
  func.func @transform_0(%arg0: i32) -> (i32, i32, i32) {
    %c0_i32 = arith.constant 0 : i32
    %c0_i32_0 = arith.constant 0 : i32
    %c0_i32_1 = arith.constant 0 : i32
    return %c0_i32, %arg0, %c0_i32_0 : i32, i32, i32
  }
  func.func @transform_1(%arg0: i32) -> (i32, i32) {
    %c0_i32 = arith.constant 0 : i32
    %c0_i32_0 = arith.constant 0 : i32
    %c0_i32_1 = arith.constant 0 : i32
    return %c0_i32, %c0_i32_0 : i32, i32
  }
  func.func @transform_2(%arg0: i32) -> (i32, i32) {
    %c0_i32 = arith.constant 0 : i32
    %c0_i32_0 = arith.constant 0 : i32
    %c0_i32_1 = arith.constant 0 : i32
    return %c0_i32, %c0_i32_0 : i32, i32
  }
  func.func @transform_3(%arg0: i32) -> (i32, i32) {
    %c0_i32 = arith.constant 0 : i32
    %c0_i32_0 = arith.constant 0 : i32
    return %arg0, %c0_i32 : i32, i32
  }
}

</mosaic_0001>

<sc_bundles>
// kernel: kernel.4.cloned.1.call-start
scs
__scs_entry_jumppad:
0x0: {  	(pc) =	sbr.rel $0x88, $3  }
0x1: {  	(tag) =	ssettag $0x0;
	lr =	simm.s32 $0x1  }
0x2: {  	[smem:$0x3F9D] =	sst lr;
	_ =	strace $0xD0000000  }
0x3: {  	_ = 	snop  }
0x4: {  	_ = 	snop  }
0x5: {  	_ = 	snop  }
0x6: {  	_ = 	snop  }
0x7: {  	_ = 	snop  }
__scs_overlays_trampoline_lowered:
0x8: {  	[smem:$0x3FAC] =	sst s0  }
0x9: {  	[smem:$0x3FAD] =	sst s1  }
0xa: {  	[smem:$0x3FAE] =	sst s2  }
0xb: {  	[smem:$0x3FAF] =	sst s3  }
0xc: {  	[smem:$0x3FB0] =	sst s4  }
0xd: {  	[smem:$0x3FB1] =	sst s5  }
0xe: {  	[smem:$0x3FB2] =	sst s6  }
0xf: {  	[smem:$0x3FB3] =	sst s7  }
0x10: {  	[smem:$0x3FB4] =	sst s8  }
0x11: {  	[smem:$0x3FB5] =	sst s9;
	s0 =	simm.s32 @!p0 $0x0  }
0x12: {  	s1 =	sld [smem:$0x3F9B];
	s0 =	simm.s32 @p0 $0x1  }
0x13: {  	[smem:$0x3FB6] =	sst s0;
	s0 =	simm.s32 @!p1 $0x0  }
0x14: {  	s2 =	sld [smem:$0x3F9A];
	s0 =	simm.s32 @p1 $0x1  }
0x15: {  	[smem:$0x3FB7] =	sst s0;
	s0 =	simm.s32 @!p2 $0x0  }
0x16: {  	s3 =	sld [smem:$0x3FDB];
	s0 =	simm.s32 @p2 $0x1  }
0x17: {  	s4 =	simm.s32 $0x1BF5;
	[smem:$0x3FB9] =	sst s0  }
0x18: {  	s0 =	sld [smem:$0x3F9C];
	_ =	swait.ge [sflag:s4], $0x0  }
0x19: {  	s7 =	sld [smem:$0x3F9D]  }
0x1a: {  	s8 =	sadd.s32 $0xFFFFE003, lr  }
0x1b: {  	s9 =	sadd.s32 $0xFFFFFEF7, lr;
	s5 =	simm.s32 $0xFFFFFFFF;
	p2 =	slt.u32 s8, $0xFFFFF086  }
0x1c: {  	p1 =	slt.u32 s9, $0xF7A;
	s5 =	simm.s32 @!p2 $0x0  }
0x1d: {  	s5 =	simm.s32 @p1 $0x1;
	p0 =	seq.s32 s7, s2  }
0x1e: {  	s7 =	smul.u32 @!p0 $0xF7A, s2;
	p2 =	seq.s32 @!p0 s5, $0x0  }
0x1f: {  	s9 =	smul.u32 $0xF7A, s1;
	s8 =	simm.s32 @!p0 $0x1BF5;
	p2 =	por !p2, p0  }
0x20: {  	[sflag:s8] =	ssyncset.s32 @!p0 $0xFFFFF086;
	s6 =	sadd.s32 @!p0 s3, s7;
	s7 =	simm.s32 @!p0 $0x108  }
0x21: {  	s3 =	sadd.s32 s3, s9;
	s6 =	sadd.s32 @!p0 $0x88, s6;
	s7 =	simm.s32 @p2 $0x1082  }
0x22: {  	[simem:s7], [sflag:s8] =	dma.local @!p0 [hbm:s6], $0xF7A  }
0x23: {  	s9 =	sor.u32 $0xD0000000, s2;
	s6 =	simm.s32 $0x108;
	_ =	swait.ge @!p0 [sflag:s8], $0x0  }
0x24: {  	s3 =	sadd.s32 $0x88, s3;
	s6 =	simm.s32 @!p1 $0x1082;
	[sflag:s4] =	ssyncset.s32 $0xFFFFF086  }
0x25: {  	[simem:s6], [sflag:s4] =	dma.local [hbm:s3], $0xF7A  }
0x26: {  	[smem:$0x3F9D] =	sst s1;
	(tag) =	ssettag s2;
	_ =	strace s9  }
0x27: {  	s1 =	sld [smem:$0x3FAD]  }
0x28: {  	s2 =	sld [smem:$0x3FAE]  }
0x29: {  	s4 =	sld [smem:$0x3FB0]  }
0x2a: {  	p0 =	seq.s32 s5, $0x0;
	s5 =	sld [smem:$0x3FB1]  }
0x2b: {  	s6 =	sld [smem:$0x3FB2]  }
0x2c: {  	s7 =	sld [smem:$0x3FB3]  }
0x2d: {  	s3 =	simm.s32 $0x108;
	s8 =	sld [smem:$0x3FB4]  }
0x2e: {  	s3 =	simm.s32 @!p0 $0x1082;
	s9 =	sld [smem:$0x3FB5]  }
0x2f: {  	lr =	sadd.s32 s0, s3;
	s0 =	sld [smem:$0x3FAC]  }
0x30: {  	s3 =	sld [smem:$0x3FAF]  }
0x31: {  	[smem:$0x3FB8] =	sst s10  }
0x32: {  	s10 =	sld [smem:$0x3FB6];
	_ =	sdelay $0x3  }
0x33: {  	p0 =	seq.s32 s10, $0x1;
	s10 =	sld [smem:$0x3FB8];
	_ =	sdelay $0x3  }
0x34: {  	[smem:$0x3FB8] =	sst s10  }
0x35: {  	s10 =	sld [smem:$0x3FB7];
	_ =	sdelay $0x3  }
0x36: {  	p1 =	seq.s32 s10, $0x1;
	s10 =	sld [smem:$0x3FB8];
	_ =	sdelay $0x3  }
0x37: {  	[smem:$0x3FB8] =	sst s10  }
0x38: {  	s10 =	sld [smem:$0x3FB9]  }
0x39: {  	_ = 	snop;
	(pc) =	sbr.ind lr, $3  }
0x3a: {  	_ = 	snop  }
0x3b: {  	_ = 	snop  }
0x3c: {  	p2 =	seq.s32 s10, $0x1;
	s10 =	sld [smem:$0x3FB8]  }
0x3d: {  	_ =	shalt  }
0x3e: {  	_ =	shalt  }
0x3f: {  	_ =	shalt  }
0x40: {  	_ =	shalt  }
0x41: {  	_ =	shalt  }
0x42: {  	_ =	shalt  }
0x43: {  	_ =	shalt  }
0x44: {  	_ =	shalt  }
0x45: {  	_ =	shalt  }
0x46: {  	_ =	shalt  }
0x47: {  	_ =	shalt  }
0x48: {  	_ =	shalt  }
0x49: {  	_ =	shalt  }
0x4a: {  	_ =	shalt  }
0x4b: {  	_ =	shalt  }
0x4c: {  	_ =	shalt  }
0x4d: {  	_ =	shalt  }
0x4e: {  	_ =	shalt  }
0x4f: {  	_ =	shalt  }
0x50: {  	_ =	shalt  }
0x51: {  	_ =	shalt  }
0x52: {  	_ =	shalt  }
0x53: {  	_ =	shalt  }
0x54: {  	_ =	shalt  }
0x55: {  	_ =	shalt  }
0x56: {  	_ =	shalt  }
0x57: {  	_ =	shalt  }
0x58: {  	_ =	shalt  }
0x59: {  	_ =	shalt  }
0x5a: {  	_ =	shalt  }
0x5b: {  	_ =	shalt  }
0x5c: {  	_ =	shalt  }
0x5d: {  	_ =	shalt  }
0x5e: {  	_ =	shalt  }
0x5f: {  	_ =	shalt  }
0x60: {  	_ =	shalt  }
0x61: {  	_ =	shalt  }
0x62: {  	_ =	shalt  }
0x63: {  	_ =	shalt  }
0x64: {  	_ =	shalt  }
0x65: {  	_ =	shalt  }
0x66: {  	_ =	shalt  }
0x67: {  	_ =	shalt  }
0x68: {  	_ =	shalt  }
0x69: {  	_ =	shalt  }
0x6a: {  	_ =	shalt  }
0x6b: {  	_ =	shalt  }
0x6c: {  	_ =	shalt  }
0x6d: {  	_ =	shalt  }
0x6e: {  	_ =	shalt  }
0x6f: {  	_ =	shalt  }
0x70: {  	_ =	shalt  }
0x71: {  	_ =	shalt  }
0x72: {  	_ =	shalt  }
0x73: {  	_ =	shalt  }
0x74: {  	_ =	shalt  }
0x75: {  	_ =	shalt  }
0x76: {  	_ =	shalt  }
0x77: {  	_ =	shalt  }
0x78: {  	_ =	shalt  }
0x79: {  	_ =	shalt  }
0x7a: {  	_ =	shalt  }
0x7b: {  	_ =	shalt  }
0x7c: {  	_ =	shalt  }
0x7d: {  	_ =	shalt  }
0x7e: {  	_ =	shalt  }
0x7f: {  	_ =	shalt  }
0x80: {  	_ =	shalt  }
0x81: {  	_ =	shalt  }
0x82: {  	_ =	shalt  }
0x83: {  	_ =	shalt  }
0x84: {  	_ =	shalt  }
0x85: {  	_ =	shalt  }
0x86: {  	_ =	shalt  }
0x87: {  	_ =	shalt  }
.Lfunc_end0:
.L_simem_size_0:
called_computation_lowered:
.L_overlay_start_0:
0x88: {  	s2 =	sld [smem:$0x3FD9]  }
0x89: {  	s3 =	sld [smem:$0x3FFE];
	_ =	sdelay $0x1  }
0x8a: {  	s1 =	srdreg.scid  }
0x8b: {  	s0 =	sand.u32 $0x1, s1  }
0x8c: {  	s17 =	sshll.u32 s0, $0xA;
	s2 =	sadd.s32 s3, s2  }
0x8d: {  	s2 =	sadd.s32 s2, s17  }
0x8e: {  	[smem:$0x3FC4] =	sst s2  }
0x8f: {  	_ = 	snop  }
0x90: {  	s2 =	sld [smem:$0x3FD0];
	(tm) =	ssettm $0x1  }
0x91: {  	s18 =	sld [smem:$0x3FFB];
	_ =	sdelay $0x3  }
0x92: {  	_ =	strace s18  }
0x93: {  	s3 =	sld [smem:$0x3FFC];
	_ =	sdelay $0x3  }
0x94: {  	_ =	strace s3  }
0x95: {  	s3 =	sld [smem:$0x3FFD];
	_ =	sdelay $0x3  }
0x96: {  	_ =	strace s3  }
0x97: {  	_ =	strace $0x8FFFFFFF  }
0x98: {  	s19 =	sld [smem:$0x3FDB];
	_ =	sdelay $0x1  }
0x99: {  	s4 =	simm.s32 $_scs_section_size  }
0x9a: {  	s5 =	simm.s32 $_size__tile_overlayer_lowered;
	s6 =	simm.s32 $_tile_overlayer_lowered  }
0x9b: {  	s22 =	simm.s32 $0x1BFF;
	s21 =	sshll.u32 s6, $0x1;
	s3 =	sadd.s32 s4, s19  }
0x9c: {  	s7 =	simm.s32 $0x0;
	s20 =	sshll.u32 s5, $0x1;
	s5 =	sadd.s32 s21, s3  }
0x9d: {  	[timem:s7], [sflag:s22] =	dma.local [hbm:s5], s20  }
0x9e: {  	_ =	swait.ge [sflag:s22], s20  }
0x9f: {  	s4 =	ssub.s32 $0x0, s20;
	[sflag:s22] =	ssyncset.done $0x0  }
0xa0: {  	[sflag:s22] =	ssyncadd.s32 s4;
	_ =	sdelay $0x1  }
0xa1: {  	s23 =	simm.s32 $0x1B8B  }
0xa2: {  	_ =	swait.ge [sflag:s23], $0x1  }
0xa3: {  	[sflag:s23] =	ssyncset.done $0x0  }
0xa4: {  	s25 =	simm.s32 $0x1B8E;
	s24 =	sld [smem:$0x3FFE];
	[sflag:s23] =	ssyncadd.s32 $0xFFFFFFFF  }
0xa5: {  	s26 =	simm.s32 $execute0_lowered;
	[smem:$0x3FD2] =	sst s25  }
0xa6: {  	s5 =	sshll.u32 s26, $0x1;
	_ =	strace $0x80000046;
	[dreg:$0x1] =	wrdreg $0xFFFFFFFF  }
0xa7: {  	s28 =	simm.s32 $_size_execute0_lowered;
	s3 =	sadd.s32 s3, s5;
	[dreg:$0x0] =	wrdreg $0x0  }
0xa8: {  	s5 =	sshll.u32 s28, $0x1;
	[dreg:$0x2] =	wrdreg s3  }
0xa9: {  	[dreg:$0x3] =	wrdreg s5  }
0xaa: {  	[dreg:$0x4] =	wrdreg $0xC0  }
0xab: {  	_ =	task [dreg:s7], $0x5FFFF  }
0xac: {  	[dreg:$0x1] =	wrdreg $0xFFFFFFFF  }
0xad: {  	[dreg:$0x0] =	wrdreg $0x60  }
0xae: {  	[dreg:$0x2] =	wrdreg s2  }
0xaf: {  	[dreg:$0x3] =	wrdreg s24  }
0xb0: {  	[dreg:$0x4] =	wrdreg $0x0  }
0xb1: {  	[dreg:$0x5] =	wrdreg $0x9  }
0xb2: {  	_ =	task.clear_ibuf [dreg:s7], $0x6FFFF;
	_ =	strace $0x90000046  }
0xb3: {  	s29 =	simm.s32 $0x9;
	_ =	strace $0x80000048  }
0xb4: {  	_ =	swait.ge [sflag:s29], $0x1  }
0xb5: {  	[sflag:s29] =	ssyncadd.s32 $0xFFFFFFFF  }
0xb6: {  	_ =	strace $0x90000048  }
0xb7: {  	_ =	sfence  }
0xb8: {  	s30 =	sld [smem:$0x0];
	_ =	sdelay $0x2  }
0xb9: {  	s31 =	sshll.u32 s1, $0xD;
	s1 =	sshrl.u32 s1, $0x2  }
0xba: {  	s3 =	sand.u32 $0x4000, s31;
	s1 =	sadd.s32 s1, s30  }
0xbb: {  	s0 =	sor.u32 s3, s0;
	s1 =	sshll.u32 s1, $0x11  }
0xbc: {  	s0 =	sor.u32 s1, s0  }
0xbd: {  	s0 =	sadd.s32 $0x8F2B, s0  }
0xbe: {  	[sflag:s0] =	ssyncadd.remote.s32 $0x1  }
0xbf: {  	_ =	sfence.sel $0xFFFF  }
0xc0: {  	[dreg:$0x0] =	wrdreg $0xFFFFFFFF;
	(pc) =	sbr.abs _section_cstart, $3  }
0xc1: {  	[dreg:$0x1] =	wrdreg $0xFFFFFFFF  }
0xc2: {  	_ =	task.clear_ibuf [dreg:s7], $0x2FFFF;
	_ =	strace $0x9FFFFFFF  }
0xc3: {  	(tm) =	ssettm $0x7FFFFFFF  }
tec
execute0_lowered:
.L_overlay_start_1:
0x0: {  	(tag) =	ssettag $0x1  }
0x1: {  	s1 =	rddreg [dreg:$0x0]  }
0x2: {  	s0 =	rddreg [dreg:$0x1]  }
0x3: {  	s2 =	rddreg [dreg:$0x2];
	s3 =	simm.s32 $0x0  }
0x4: {  	s23 =	srdreg.scid;
	s20 =	stileid.u32;
	s18 =	simm.s32 $0x3  }
0x5: {  	s19 =	simm.s32 $0x13C00;
	s21 =	simm.s32 $0x80;
	s22 =	simm.s32 $0x16C00  }
0x6: {  	s28 =	simm.s32 $0x1CC00;
	s29 =	simm.s32 $0x2;
	s30 =	simm.s32 $0x0  }
0x7: {  	[smem:$0x7FF] =	sst s3;
	s4 =	sadd.s32 $0xA600, s0;
	s3 =	sand.u32 $0x1, s23  }
0x8: {  	s5 =	sadd.s32 $0x400, s0;
	s6 =	sadd.s32 $0x14800, s0;
	s11 =	smul.u32 $0x60, s20  }
0x9: {  	s0 =	sadd.s32 $0x17000, s0;
	s13 =	smul.u32 $0x13C00, s20;
	s12 =	sshll.u32 s20, $0x6  }
0xa: {  	s23 =	simm.s32 $0x1;
	_ =	strace $0x80000047;
	[dreg:$0x4] =	wrdreg s6  }
0xb: {  	s24 =	ssub.s32 $0x2, s3;
	p0 =	seq.s32 s3, $0x0;
	s6 =	simm.s32 $0x30  }
0xc: {  	s9 =	sor.u32 $0x1C03, s12;
	s14 =	sadd.s32 $0x600, s12;
	s12 =	sadd.s32 $0x620, s12  }
0xd: {  	s3 =	smul.u32 $0x138800, s3;
	s7 =	sshrl.u32 s24, $0x1;
	s6 =	simm.s32 @!p0 $0x20  }
0xe: {  	s8 =	sadd.s32 s13, s2;
	s14 =	smov.u32 @p0 s11;
	s11 =	sadd.s32 $0x30, s11  }
0xf: {  	s10 =	ssub.s32 s24, s7;
	s7 =	simm.s32 $0x18;
	s14 =	sshll.u32 s14, $0x4  }
0x10: {  	s12 =	smov.u32 @p0 s11;
	s31 =	sadd.s32 s13, s3;
	s3 =	sshrl.u32 s3, $0x3  }
0x11: {  	s17 =	sshrl.u32 s8, $0x3;
	s24 =	simm.s32 $0x40;
	s7 =	simm.s32 @!p0 $0x10  }
0x12: {  	s25 =	sadd.s32 s4, s14;
	s11 =	sadd.s32 s5, s14;
	s26 =	sshll.u32 s12, $0x4  }
0x13: {  	s3 =	sadd.s32 s0, s3;
	s16 =	smax.u32 s10, $0x1;
	p0 =	seq.s32 s20, $0xF  }
0x14: {  	[dreg:$0x5] =	wrdreg s25;
	s12 =	sadd.s32 s4, s26;
	s4 =	sshrl.u32 s31, $0x3  }
0x15: {  	s13 =	sadd.s32 s5, s26;
	s14 =	sadd.s32 s0, s4;
	s0 =	sadd.s32 $0x128400, s2  }
0x16: {  	s15 =	sadd.s32 $0x25080, s3;
	s26 =	simm.s32 $0x1AC00;
	s25 =	sshrl.u32 @p0 s0, $0x3  }
.LBB2_1:
0x17: {  	s0 =	rddreg [dreg:$0x4]  }
0x18: {  	[spmem:s17], [sflag:s9] =	dma.local [hbm:s0], $0x2780  }
0x19: {  	_ =	swait.ge [sflag:s18], $0x2780  }
0x1a: {  	[sflag:s18] =	ssyncset.done $0x0  }
0x1b: {  	[sflag:s18] =	ssyncadd.s32 $0xFFFFD880  }
0x1c: {  	[bflag:$0x0] =	sbarrier.arrive $0xFFFF  }
0x1d: {  	s10 =	simm.s32 $0x0;
	s3 =	rddreg [dreg:$0x5]  }
0x1e: {  	[tilespmem:s19], [sflag:$0x3] =	stream.linear.gather [hbm4b:s3+s10], $0x1800, $0x38;
	[tilespmem:$0x1EC00] =	vst v63  }
0x1f: {  	_ =	swait.ge [sflag:s18], $0x1800  }
0x20: {  	[sflag:s18] =	ssyncset.done $0x0  }
0x21: {  	s20 =	simm.s32 $0x15400;
	[sflag:s18] =	ssyncadd.s32 $0xFFFFE800  }
0x22: {  	[tilespmem:s20], [sflag:$0x3] =	stream.linear.gather [hbm4b:s11+s10], $0x1800, $0x38;
	[tilespmem:$0x1EC00] =	vst v63  }
0x23: {  	_ =	swait.ge [sflag:s18], $0x1800  }
0x24: {  	[sflag:s18] =	ssyncset.done $0x0  }
0x25: {  	s31 =	simm.s32 $0x0;
	[sflag:s18] =	ssyncadd.s32 $0xFFFFE800  }
0x26: {  	[tilespmem:s22], [sflag:$0x1] =	stream.indirect.gather [hbm4b:s1+s21], $0x40, s19, s21, $0xb8;
	[tilespmem:$0x1EC00] =	vst v63  }
.LBB2_2:
0x27: {  	s0 =	sshllo.u32 s31, $0x1  }
0x28: {  	_ =	swait.ge [sflag:s23], $0x2000;
	p1 =	sge.u32 s0, s6  }
0x29: {  	[sflag:s23] =	ssyncset.done $0x0;
	s3 =	sshll.u32 @!p1 s0, $0x7  }
0x2a: {  	[sflag:s23] =	ssyncadd.s32 $0xFFFFE000;
	s3 =	sand.u32 @!p1 $0x3FFFFF80, s3  }
0x2b: {  	s4 =	simm.s32 @!p1 $0x80;
	s5 =	simm.s32 @!p1 $0x18C00;
	s3 =	sadd.s32 @!p1 $0x13C00, s3  }
0x2c: {  	[tilespmem:s5], [sflag:$0x1] =	stream.indirect.gather @!p1 [hbm4b:s1+s4], $0x40, s3, s4, $0xb8;
	[tilespmem:$0x1EC00] =	vst v63  }
0x2d: {  	p1 =	seq.s32 s31, $0x0  }
0x2e: {  	s3 =	simm.s32 @!p1 $0x2  }
0x2f: {  	_ =	swait.ge @!p1 [sflag:s3], $0x2000  }
0x30: {  	[sflag:s3] =	ssyncset.done @!p1 $0x0  }
0x31: {  	s20 =	simm.s32 $0x0;
	[sflag:s3] =	ssyncadd.s32 @!p1 $0xFFFFE000  }
0x32: {  	v0 =	vld [tilespmem:s20+$0x16C00];
	_ =	sdelay $0x4  }
0x33: {  	s3 =	simm.s32 $0x1AC40;
	v1 =	vshll.u32 v0, $0x10  }
0x34: {  	v0 =	vand.u32 $0xFFFF0000, v0;
	[tilespmem:s3+$0xFFFFFFC0] =	vst v1  }
0x35: {  	[tilespmem:s3+$0x0] =	vst v0  }
0x36: {  	v0 =	vld [tilespmem:s20+$0x16C10];
	_ =	sdelay $0x4  }
0x37: {  	v1 =	vshll.u32 v0, $0x10  }
0x38: {  	v0 =	vand.u32 $0xFFFF0000, v0;
	[tilespmem:s3+$0xFFFFFFD0] =	vst v1  }
0x39: {  	[tilespmem:s3+$0x10] =	vst v0  }
0x3a: {  	v0 =	vld [tilespmem:s20+$0x16C20];
	_ =	sdelay $0x4  }
0x3b: {  	v1 =	vand.u32 $0xFFFF0000, v0  }
0x3c: {  	v0 =	vshll.u32 v0, $0x10;
	[tilespmem:s3+$0x20] =	vst v1  }
0x3d: {  	[tilespmem:s3+$0xFFFFFFE0] =	vst v0  }
0x3e: {  	v0 =	vld [tilespmem:s20+$0x16C30];
	_ =	sdelay $0x4  }
0x3f: {  	v1 =	vshll.u32 v0, $0x10  }
0x40: {  	v0 =	vand.u32 $0xFFFF0000, v0;
	[tilespmem:s3+$0xFFFFFFF0] =	vst v1  }
0x41: {  	s5 =	simm.s32 $0x40;
	[tilespmem:s3+$0x30] =	vst v0  }
0x42: {  	v0 =	vld [tilespmem:s5+$0x16C00]  }
0x43: {  	s10 =	simm.s32 $0x200;
	s4 =	sshll.u32 s31, $0x1  }
.LBB2_3:
0x44: {  	p2 =	sne.s32 s10, $0x3F00;
	_ =	sdelay $0x2  }
0x45: {  	s3 =	sadd.s32 $0x80, s3;
	v1 =	vshll.u32 v0, $0x10  }
0x46: {  	v0 =	vand.u32 $0xFFFF0000, v0;
	[tilespmem:s3+$0xFFFFFFC0] =	vst v1  }
0x47: {  	[tilespmem:s3+$0x0] =	vst v0  }
0x48: {  	v0 =	vld [tilespmem:s5+$0x16C10];
	_ =	sdelay $0x4  }
0x49: {  	v1 =	vshll.u32 v0, $0x10  }
0x4a: {  	v0 =	vand.u32 $0xFFFF0000, v0;
	[tilespmem:s3+$0xFFFFFFD0] =	vst v1  }
0x4b: {  	[tilespmem:s3+$0x10] =	vst v0  }
0x4c: {  	v0 =	vld [tilespmem:s5+$0x16C20];
	_ =	sdelay $0x4  }
0x4d: {  	v1 =	vshll.u32 v0, $0x10;
	v0 =	vand.u32 $0xFFFF0000, v0  }
0x4e: {  	[tilespmem:s3+$0x20] =	vst v0  }
0x4f: {  	[tilespmem:s3+$0xFFFFFFE0] =	vst v1  }
0x50: {  	v0 =	vld [tilespmem:s5+$0x16C30];
	_ =	sdelay $0x4  }
.Ltmp0:
0x51: {  	v1 =	vshll.u32 v0, $0x10;
	v0 =	vand.u32 $0xFFFF0000, v0;
	(pc) =	sbr.rel @p2 .LBB2_3-.Ltmp0, $4  }
0x52: {  	[tilespmem:s3+$0xFFFFFFF0] =	vst v1  }
0x53: {  	s5 =	sshra.s32 s10, $0x2;
	[tilespmem:s3+$0x30] =	vst v0  }
0x54: {  	v0 =	vld [tilespmem:s5+$0x16C00]  }
0x55: {  	s10 =	sadd.s32 $0x100, s10  }
0x56: {  	_ =	sdelay $0x2  }
0x57: {  	s10 =	sadd.s32 $0x80, s3;
	v1 =	vshll.u32 v0, $0x10  }
0x58: {  	v0 =	vand.u32 $0xFFFF0000, v0;
	[tilespmem:s10+$0xFFFFFFC0] =	vst v1  }
0x59: {  	[tilespmem:s10+$0x0] =	vst v0  }
0x5a: {  	v0 =	vld [tilespmem:s5+$0x16C10];
	_ =	sdelay $0x4  }
0x5b: {  	v1 =	vshll.u32 v0, $0x10  }
0x5c: {  	v0 =	vand.u32 $0xFFFF0000, v0;
	[tilespmem:s10+$0xFFFFFFD0] =	vst v1  }
0x5d: {  	[tilespmem:s10+$0x10] =	vst v0  }
0x5e: {  	v0 =	vld [tilespmem:s5+$0x16C20];
	_ =	sdelay $0x4  }
0x5f: {  	v1 =	vand.u32 $0xFFFF0000, v0  }
0x60: {  	v0 =	vshll.u32 v0, $0x10;
	[tilespmem:s10+$0x20] =	vst v1  }
0x61: {  	[tilespmem:s10+$0xFFFFFFE0] =	vst v0  }
0x62: {  	v0 =	vld [tilespmem:s5+$0x16C30];
	_ =	sdelay $0x4  }
0x63: {  	s5 =	sshll.u32 s31, $0xA;
	v1 =	vshll.u32 v0, $0x10  }
0x64: {  	s3 =	sshra.s32 s5, $0x2;
	v0 =	vand.u32 $0xFFFF0000, v0;
	[tilespmem:s10+$0xFFFFFFF0] =	vst v1  }
0x65: {  	s5 =	simm.s32 @!p1 $0x2;
	[tilespmem:s10+$0x30] =	vst v0;
	s10 =	sadd.s32 $0x15400, s3  }
0x66: {  	[spmem:s2] =	stream.indirect.scatter.add.f32 [tilespmem:s26], [sflag:$0x2], $0x80, s10, s24, $0xb8;
	[tilespmem:$0x1EC00] =	vst v63  }
0x67: {  	_ =	swait.ge @!p1 [sflag:s5], $0x2000  }
0x68: {  	[sflag:s5] =	ssyncset.done @!p1 $0x0  }
0x69: {  	s20 =	simm.s32 $0x0;
	[sflag:s5] =	ssyncadd.s32 @!p1 $0xFFFFE000  }
0x6a: {  	v0 =	vld [tilespmem:s20+$0x17C00];
	_ =	sdelay $0x4  }
0x6b: {  	s5 =	simm.s32 $0x1CC70;
	v1 =	vshll.u32 v0, $0x10  }
0x6c: {  	v0 =	vand.u32 $0xFFFF0000, v0;
	[tilespmem:s5+$0xFFFFFF90] =	vst v1  }
0x6d: {  	[tilespmem:s5+$0xFFFFFFD0] =	vst v0  }
0x6e: {  	v0 =	vld [tilespmem:s20+$0x17C10];
	_ =	sdelay $0x4  }
0x6f: {  	v1 =	vshll.u32 v0, $0x10  }
0x70: {  	v0 =	vand.u32 $0xFFFF0000, v0;
	[tilespmem:s5+$0xFFFFFFA0] =	vst v1  }
0x71: {  	[tilespmem:s5+$0xFFFFFFE0] =	vst v0  }
0x72: {  	v0 =	vld [tilespmem:s20+$0x17C20];
	_ =	sdelay $0x4  }
0x73: {  	v1 =	vand.u32 $0xFFFF0000, v0  }
0x74: {  	v0 =	vshll.u32 v0, $0x10;
	[tilespmem:s5+$0xFFFFFFF0] =	vst v1  }
0x75: {  	[tilespmem:s5+$0xFFFFFFB0] =	vst v0  }
0x76: {  	v0 =	vld [tilespmem:s20+$0x17C30];
	_ =	sdelay $0x4  }
0x77: {  	v1 =	vshll.u32 v0, $0x10  }
0x78: {  	v0 =	vand.u32 $0xFFFF0000, v0;
	[tilespmem:s5+$0xFFFFFFC0] =	vst v1  }
0x79: {  	s10 =	simm.s32 $0x40;
	[tilespmem:s5+$0x0] =	vst v0  }
0x7a: {  	v0 =	vld [tilespmem:s10+$0x17C00]  }
0x7b: {  	s20 =	simm.s32 $0x200  }
.LBB2_5:
0x7c: {  	p1 =	sne.s32 s20, $0x3F00;
	_ =	sdelay $0x2  }
0x7d: {  	s5 =	sadd.s32 $0x80, s5;
	v1 =	vshll.u32 v0, $0x10  }
0x7e: {  	v0 =	vand.u32 $0xFFFF0000, v0;
	[tilespmem:s5+$0xFFFFFF90] =	vst v1  }
0x7f: {  	[tilespmem:s5+$0xFFFFFFD0] =	vst v0  }
0x80: {  	v0 =	vld [tilespmem:s10+$0x17C10];
	_ =	sdelay $0x4  }
0x81: {  	v1 =	vshll.u32 v0, $0x10  }
0x82: {  	v0 =	vand.u32 $0xFFFF0000, v0;
	[tilespmem:s5+$0xFFFFFFA0] =	vst v1  }
0x83: {  	[tilespmem:s5+$0xFFFFFFE0] =	vst v0  }
0x84: {  	v0 =	vld [tilespmem:s10+$0x17C20];
	_ =	sdelay $0x4  }
0x85: {  	v1 =	vshll.u32 v0, $0x10;
	v0 =	vand.u32 $0xFFFF0000, v0  }
0x86: {  	[tilespmem:s5+$0xFFFFFFF0] =	vst v0  }
0x87: {  	[tilespmem:s5+$0xFFFFFFB0] =	vst v1  }
0x88: {  	v0 =	vld [tilespmem:s10+$0x17C30];
	_ =	sdelay $0x4  }
.Ltmp1:
0x89: {  	v1 =	vshll.u32 v0, $0x10;
	v0 =	vand.u32 $0xFFFF0000, v0;
	(pc) =	sbr.rel @p1 .LBB2_5-.Ltmp1, $4  }
0x8a: {  	[tilespmem:s5+$0xFFFFFFC0] =	vst v1  }
0x8b: {  	s10 =	sshra.s32 s20, $0x2;
	[tilespmem:s5+$0x0] =	vst v0  }
0x8c: {  	v0 =	vld [tilespmem:s10+$0x17C00]  }
0x8d: {  	s20 =	sadd.s32 $0x100, s20  }
0x8e: {  	_ =	sdelay $0x2  }
0x8f: {  	s5 =	sadd.s32 $0x80, s5;
	v1 =	vshll.u32 v0, $0x10  }
0x90: {  	v0 =	vand.u32 $0xFFFF0000, v0;
	[tilespmem:s5+$0xFFFFFF90] =	vst v1  }
0x91: {  	[tilespmem:s5+$0xFFFFFFD0] =	vst v0  }
0x92: {  	v0 =	vld [tilespmem:s10+$0x17C10];
	_ =	sdelay $0x4  }
0x93: {  	v1 =	vshll.u32 v0, $0x10  }
0x94: {  	v0 =	vand.u32 $0xFFFF0000, v0;
	[tilespmem:s5+$0xFFFFFFA0] =	vst v1  }
0x95: {  	[tilespmem:s5+$0xFFFFFFE0] =	vst v0  }
0x96: {  	v0 =	vld [tilespmem:s10+$0x17C20];
	_ =	sdelay $0x4  }
0x97: {  	v1 =	vand.u32 $0xFFFF0000, v0  }
0x98: {  	v0 =	vshll.u32 v0, $0x10;
	[tilespmem:s5+$0xFFFFFFF0] =	vst v1  }
0x99: {  	[tilespmem:s5+$0xFFFFFFB0] =	vst v0  }
0x9a: {  	v0 =	vld [tilespmem:s10+$0x17C30];
	_ =	sdelay $0x4  }
0x9b: {  	v1 =	vshll.u32 v0, $0x10  }
0x9c: {  	v0 =	vand.u32 $0xFFFF0000, v0;
	[tilespmem:s5+$0xFFFFFFC0] =	vst v1  }
0x9d: {  	s3 =	sadd.s32 $0x15440, s3;
	[tilespmem:s5+$0x0] =	vst v0  }
0x9e: {  	[spmem:s2] =	stream.indirect.scatter.add.f32 [tilespmem:s28], [sflag:$0x2], $0x80, s3, s24, $0xb8;
	[tilespmem:$0x1EC00] =	vst v63  }
0x9f: {  	s3 =	sadd.s32 $0x2, s4  }
0xa0: {  	p1 =	sge.u32 s3, s6  }
0xa1: {  	_ =	swait.ge [sflag:s23], $0x2000;
	s3 =	sshll.u32 @!p1 s3, $0x7  }
0xa2: {  	[sflag:s23] =	ssyncset.done $0x0;
	s4 =	simm.s32 @!p1 $0x80;
	s3 =	sand.u32 @!p1 $0x3FFFFF80, s3  }
0xa3: {  	s5 =	simm.s32 @!p1 $0x16C00;
	[sflag:s23] =	ssyncadd.s32 $0xFFFFE000;
	s3 =	sadd.s32 @!p1 $0x13C00, s3  }
0xa4: {  	[tilespmem:s5], [sflag:$0x1] =	stream.indirect.gather @!p1 [hbm4b:s1+s4], $0x40, s3, s4, $0xb8;
	[tilespmem:$0x1EC00] =	vst v63  }
0xa5: {  	_ =	swait.ge [sflag:s29], $0x2000  }
0xa6: {  	[sflag:s29] =	ssyncset.done $0x0  }
0xa7: {  	s20 =	simm.s32 $0x0;
	[sflag:s29] =	ssyncadd.s32 $0xFFFFE000  }
0xa8: {  	v0 =	vld [tilespmem:s20+$0x18C00];
	_ =	sdelay $0x4  }
0xa9: {  	s3 =	simm.s32 $0x1AC40;
	v1 =	vshll.u32 v0, $0x10  }
0xaa: {  	v0 =	vand.u32 $0xFFFF0000, v0;
	[tilespmem:s3+$0xFFFFFFC0] =	vst v1  }
0xab: {  	[tilespmem:s3+$0x0] =	vst v0  }
0xac: {  	v0 =	vld [tilespmem:s20+$0x18C10];
	_ =	sdelay $0x4  }
0xad: {  	v1 =	vshll.u32 v0, $0x10  }
0xae: {  	v0 =	vand.u32 $0xFFFF0000, v0;
	[tilespmem:s3+$0xFFFFFFD0] =	vst v1  }
0xaf: {  	[tilespmem:s3+$0x10] =	vst v0  }
0xb0: {  	v0 =	vld [tilespmem:s20+$0x18C20];
	_ =	sdelay $0x4  }
0xb1: {  	v1 =	vand.u32 $0xFFFF0000, v0  }
0xb2: {  	v0 =	vshll.u32 v0, $0x10;
	[tilespmem:s3+$0x20] =	vst v1  }
0xb3: {  	[tilespmem:s3+$0xFFFFFFE0] =	vst v0  }
0xb4: {  	v0 =	vld [tilespmem:s20+$0x18C30];
	_ =	sdelay $0x4  }
0xb5: {  	v1 =	vshll.u32 v0, $0x10  }
0xb6: {  	v0 =	vand.u32 $0xFFFF0000, v0;
	[tilespmem:s3+$0xFFFFFFF0] =	vst v1  }
0xb7: {  	s4 =	simm.s32 $0x40;
	[tilespmem:s3+$0x30] =	vst v0  }
0xb8: {  	v0 =	vld [tilespmem:s4+$0x18C00]  }
0xb9: {  	s5 =	simm.s32 $0x200  }
.LBB2_7:
0xba: {  	p1 =	sne.s32 s5, $0x3F00;
	_ =	sdelay $0x2  }
0xbb: {  	s3 =	sadd.s32 $0x80, s3;
	v1 =	vshll.u32 v0, $0x10  }
0xbc: {  	v0 =	vand.u32 $0xFFFF0000, v0;
	[tilespmem:s3+$0xFFFFFFC0] =	vst v1  }
0xbd: {  	[tilespmem:s3+$0x0] =	vst v0  }
0xbe: {  	v0 =	vld [tilespmem:s4+$0x18C10];
	_ =	sdelay $0x4  }
0xbf: {  	v1 =	vshll.u32 v0, $0x10  }
0xc0: {  	v0 =	vand.u32 $0xFFFF0000, v0;
	[tilespmem:s3+$0xFFFFFFD0] =	vst v1  }
0xc1: {  	[tilespmem:s3+$0x10] =	vst v0  }
0xc2: {  	v0 =	vld [tilespmem:s4+$0x18C20];
	_ =	sdelay $0x4  }
0xc3: {  	v1 =	vshll.u32 v0, $0x10;
	v0 =	vand.u32 $0xFFFF0000, v0  }
0xc4: {  	[tilespmem:s3+$0x20] =	vst v0  }
0xc5: {  	[tilespmem:s3+$0xFFFFFFE0] =	vst v1  }
0xc6: {  	v0 =	vld [tilespmem:s4+$0x18C30];
	_ =	sdelay $0x4  }
.Ltmp2:
0xc7: {  	v1 =	vshll.u32 v0, $0x10;
	v0 =	vand.u32 $0xFFFF0000, v0;
	(pc) =	sbr.rel @p1 .LBB2_7-.Ltmp2, $4  }
0xc8: {  	[tilespmem:s3+$0xFFFFFFF0] =	vst v1  }
0xc9: {  	s4 =	sshra.s32 s5, $0x2;
	[tilespmem:s3+$0x30] =	vst v0  }
0xca: {  	v0 =	vld [tilespmem:s4+$0x18C00]  }
0xcb: {  	s5 =	sadd.s32 $0x100, s5  }
0xcc: {  	_ =	sdelay $0x2  }
0xcd: {  	s3 =	sadd.s32 $0x80, s3;
	v1 =	vshll.u32 v0, $0x10  }
0xce: {  	v0 =	vand.u32 $0xFFFF0000, v0;
	[tilespmem:s3+$0xFFFFFFC0] =	vst v1  }
0xcf: {  	[tilespmem:s3+$0x0] =	vst v0  }
0xd0: {  	v0 =	vld [tilespmem:s4+$0x18C10];
	_ =	sdelay $0x4  }
0xd1: {  	v1 =	vshll.u32 v0, $0x10  }
0xd2: {  	v0 =	vand.u32 $0xFFFF0000, v0;
	[tilespmem:s3+$0xFFFFFFD0] =	vst v1  }
0xd3: {  	[tilespmem:s3+$0x10] =	vst v0  }
0xd4: {  	v0 =	vld [tilespmem:s4+$0x18C20];
	_ =	sdelay $0x4  }
0xd5: {  	v1 =	vand.u32 $0xFFFF0000, v0  }
0xd6: {  	v0 =	vshll.u32 v0, $0x10;
	[tilespmem:s3+$0x20] =	vst v1  }
0xd7: {  	[tilespmem:s3+$0xFFFFFFE0] =	vst v0  }
0xd8: {  	v0 =	vld [tilespmem:s4+$0x18C30];
	_ =	sdelay $0x4  }
0xd9: {  	s0 =	sshll.u32 s0, $0x9;
	v1 =	vshll.u32 v0, $0x10  }
0xda: {  	s0 =	sshra.s32 s0, $0x2;
	v0 =	vand.u32 $0xFFFF0000, v0;
	[tilespmem:s3+$0xFFFFFFF0] =	vst v1  }
0xdb: {  	s10 =	sadd.s32 $0x15400, s0;
	[tilespmem:s3+$0x30] =	vst v0  }
0xdc: {  	[spmem:s2] =	stream.indirect.scatter.add.f32 [tilespmem:s26], [sflag:$0x2], $0x80, s10, s24, $0xb8;
	[tilespmem:$0x1EC00] =	vst v63  }
0xdd: {  	_ =	swait.ge [sflag:s29], $0x2000  }
0xde: {  	[sflag:s29] =	ssyncset.done $0x0  }
0xdf: {  	s20 =	simm.s32 $0x0;
	[sflag:s29] =	ssyncadd.s32 $0xFFFFE000  }
0xe0: {  	v0 =	vld [tilespmem:s20+$0x19C00];
	_ =	sdelay $0x4  }
0xe1: {  	s3 =	simm.s32 $0x1CC70;
	v1 =	vshll.u32 v0, $0x10  }
0xe2: {  	v0 =	vand.u32 $0xFFFF0000, v0;
	[tilespmem:s3+$0xFFFFFF90] =	vst v1  }
0xe3: {  	[tilespmem:s3+$0xFFFFFFD0] =	vst v0  }
0xe4: {  	v0 =	vld [tilespmem:s20+$0x19C10];
	_ =	sdelay $0x4  }
0xe5: {  	v1 =	vshll.u32 v0, $0x10  }
0xe6: {  	v0 =	vand.u32 $0xFFFF0000, v0;
	[tilespmem:s3+$0xFFFFFFA0] =	vst v1  }
0xe7: {  	[tilespmem:s3+$0xFFFFFFE0] =	vst v0  }
0xe8: {  	v0 =	vld [tilespmem:s20+$0x19C20];
	_ =	sdelay $0x4  }
0xe9: {  	v1 =	vand.u32 $0xFFFF0000, v0  }
0xea: {  	v0 =	vshll.u32 v0, $0x10;
	[tilespmem:s3+$0xFFFFFFF0] =	vst v1  }
0xeb: {  	[tilespmem:s3+$0xFFFFFFB0] =	vst v0  }
0xec: {  	v0 =	vld [tilespmem:s20+$0x19C30];
	_ =	sdelay $0x4  }
0xed: {  	v1 =	vshll.u32 v0, $0x10  }
0xee: {  	v0 =	vand.u32 $0xFFFF0000, v0;
	[tilespmem:s3+$0xFFFFFFC0] =	vst v1  }
0xef: {  	s4 =	simm.s32 $0x40;
	[tilespmem:s3+$0x0] =	vst v0  }
0xf0: {  	v0 =	vld [tilespmem:s4+$0x19C00]  }
0xf1: {  	s5 =	simm.s32 $0x200  }
.LBB2_9:
0xf2: {  	p1 =	sne.s32 s5, $0x3F00;
	_ =	sdelay $0x2  }
0xf3: {  	s3 =	sadd.s32 $0x80, s3;
	v1 =	vshll.u32 v0, $0x10  }
0xf4: {  	v0 =	vand.u32 $0xFFFF0000, v0;
	[tilespmem:s3+$0xFFFFFF90] =	vst v1  }
0xf5: {  	[tilespmem:s3+$0xFFFFFFD0] =	vst v0  }
0xf6: {  	v0 =	vld [tilespmem:s4+$0x19C10];
	_ =	sdelay $0x4  }
0xf7: {  	v1 =	vshll.u32 v0, $0x10  }
0xf8: {  	v0 =	vand.u32 $0xFFFF0000, v0;
	[tilespmem:s3+$0xFFFFFFA0] =	vst v1  }
0xf9: {  	[tilespmem:s3+$0xFFFFFFE0] =	vst v0  }
0xfa: {  	v0 =	vld [tilespmem:s4+$0x19C20];
	_ =	sdelay $0x4  }
0xfb: {  	v1 =	vshll.u32 v0, $0x10;
	v0 =	vand.u32 $0xFFFF0000, v0  }
0xfc: {  	[tilespmem:s3+$0xFFFFFFF0] =	vst v0  }
0xfd: {  	[tilespmem:s3+$0xFFFFFFB0] =	vst v1  }
0xfe: {  	v0 =	vld [tilespmem:s4+$0x19C30];
	_ =	sdelay $0x4  }
.Ltmp3:
0xff: {  	v1 =	vshll.u32 v0, $0x10;
	v0 =	vand.u32 $0xFFFF0000, v0;
	(pc) =	sbr.rel @p1 .LBB2_9-.Ltmp3, $4  }
0x100: {  	[tilespmem:s3+$0xFFFFFFC0] =	vst v1  }
0x101: {  	s4 =	sshra.s32 s5, $0x2;
	[tilespmem:s3+$0x0] =	vst v0  }
0x102: {  	v0 =	vld [tilespmem:s4+$0x19C00]  }
0x103: {  	s5 =	sadd.s32 $0x100, s5  }
0x104: {  	_ =	sdelay $0x2  }
0x105: {  	s3 =	sadd.s32 $0x80, s3;
	v1 =	vshll.u32 v0, $0x10  }
0x106: {  	v60 =	vand.u32 $0xFFFF0000, v0;
	[tilespmem:s3+$0xFFFFFF90] =	vst v1  }
0x107: {  	[tilespmem:s3+$0xFFFFFFD0] =	vst v60  }
0x108: {  	v0 =	vld [tilespmem:s4+$0x19C10];
	_ =	sdelay $0x4  }
0x109: {  	v61 =	vshll.u32 v0, $0x10  }
0x10a: {  	v0 =	vand.u32 $0xFFFF0000, v0;
	[tilespmem:s3+$0xFFFFFFA0] =	vst v61  }
0x10b: {  	[tilespmem:s3+$0xFFFFFFE0] =	vst v0  }
0x10c: {  	v0 =	vld [tilespmem:s4+$0x19C20];
	_ =	sdelay $0x4  }
0x10d: {  	v62 =	vand.u32 $0xFFFF0000, v0  }
0x10e: {  	v0 =	vshll.u32 v0, $0x10;
	[tilespmem:s3+$0xFFFFFFF0] =	vst v62  }
0x10f: {  	[tilespmem:s3+$0xFFFFFFB0] =	vst v0  }
0x110: {  	v0 =	vld [tilespmem:s4+$0x19C30];
	_ =	sdelay $0x1  }
0x111: {  	s31 =	sadd.s32 $0x1, s31  }
0x112: {  	p1 =	sne.s32 s31, s7  }
.Ltmp4:
0x113: {  	_ = 	snop;
	(pc) =	sbr.rel @p1 .LBB2_2-.Ltmp4, $4  }
0x114: {  	v63 =	vshll.u32 v0, $0x10  }
0x115: {  	v0 =	vand.u32 $0xFFFF0000, v0;
	[tilespmem:s3+$0xFFFFFFC0] =	vst v63  }
0x116: {  	s0 =	sadd.s32 $0x15440, s0;
	[tilespmem:s3+$0x0] =	vst v0  }
0x117: {  	[spmem:s2] =	stream.indirect.scatter.add.f32 [tilespmem:s28], [sflag:$0x2], $0x80, s0, s24, $0xb8;
	[tilespmem:$0x1EC00] =	vst v63  }
0x118: {  	s31 =	simm.s32 $0x0  }
0x119: {  	[tilespmem:s19], [sflag:$0x3] =	stream.linear.gather [hbm4b:s12+s31], $0x1800, $0x38;
	[tilespmem:$0x1EC00] =	vst v63  }
0x11a: {  	_ =	swait.ge [sflag:s18], $0x1800  }
0x11b: {  	[sflag:s18] =	ssyncset.done $0x0  }
0x11c: {  	s0 =	simm.s32 $0x15400;
	[sflag:s18] =	ssyncadd.s32 $0xFFFFE800  }
0x11d: {  	[tilespmem:s0], [sflag:$0x3] =	stream.linear.gather [hbm4b:s13+s31], $0x1800, $0x38;
	[tilespmem:$0x1EC00] =	vst v63  }
0x11e: {  	_ =	swait.ge [sflag:s18], $0x1800  }
0x11f: {  	[sflag:s18] =	ssyncset.done $0x0  }
0x120: {  	[sflag:s18] =	ssyncadd.s32 $0xFFFFE800  }
0x121: {  	[tilespmem:s22], [sflag:$0x1] =	stream.indirect.gather [hbm4b:s1+s21], $0x40, s19, s21, $0xb8;
	[tilespmem:$0x1EC00] =	vst v63  }
.LBB2_12:
0x122: {  	s0 =	sshllo.u32 s31, $0x1  }
0x123: {  	_ =	swait.ge [sflag:s23], $0x2000;
	p1 =	sge.u32 s0, s6  }
0x124: {  	[sflag:s23] =	ssyncset.done $0x0;
	s3 =	sshll.u32 @!p1 s0, $0x7  }
0x125: {  	[sflag:s23] =	ssyncadd.s32 $0xFFFFE000;
	s3 =	sand.u32 @!p1 $0x3FFFFF80, s3  }
0x126: {  	s4 =	simm.s32 @!p1 $0x80;
	s5 =	simm.s32 @!p1 $0x18C00;
	s3 =	sadd.s32 @!p1 $0x13C00, s3  }
0x127: {  	[tilespmem:s5], [sflag:$0x1] =	stream.indirect.gather @!p1 [hbm4b:s1+s4], $0x40, s3, s4, $0xb8;
	[tilespmem:$0x1EC00] =	vst v63  }
0x128: {  	_ =	swait.ge [sflag:s29], $0x2000  }
0x129: {  	[sflag:s29] =	ssyncset.done $0x0  }
0x12a: {  	s20 =	simm.s32 $0x0;
	[sflag:s29] =	ssyncadd.s32 $0xFFFFE000  }
0x12b: {  	v0 =	vld [tilespmem:s20+$0x16C00];
	_ =	sdelay $0x4  }
0x12c: {  	s3 =	simm.s32 $0x1AC40;
	v1 =	vshll.u32 v0, $0x10  }
0x12d: {  	v0 =	vand.u32 $0xFFFF0000, v0;
	[tilespmem:s3+$0xFFFFFFC0] =	vst v1  }
0x12e: {  	[tilespmem:s3+$0x0] =	vst v0  }
0x12f: {  	v0 =	vld [tilespmem:s20+$0x16C10];
	_ =	sdelay $0x4  }
0x130: {  	v1 =	vshll.u32 v0, $0x10  }
0x131: {  	v0 =	vand.u32 $0xFFFF0000, v0;
	[tilespmem:s3+$0xFFFFFFD0] =	vst v1  }
0x132: {  	[tilespmem:s3+$0x10] =	vst v0  }
0x133: {  	v0 =	vld [tilespmem:s20+$0x16C20];
	_ =	sdelay $0x4  }
0x134: {  	v1 =	vand.u32 $0xFFFF0000, v0  }
0x135: {  	v0 =	vshll.u32 v0, $0x10;
	[tilespmem:s3+$0x20] =	vst v1  }
0x136: {  	[tilespmem:s3+$0xFFFFFFE0] =	vst v0  }
0x137: {  	v0 =	vld [tilespmem:s20+$0x16C30];
	_ =	sdelay $0x4  }
0x138: {  	v1 =	vshll.u32 v0, $0x10  }
0x139: {  	v0 =	vand.u32 $0xFFFF0000, v0;
	[tilespmem:s3+$0xFFFFFFF0] =	vst v1  }
0x13a: {  	s5 =	simm.s32 $0x40;
	[tilespmem:s3+$0x30] =	vst v0  }
0x13b: {  	v0 =	vld [tilespmem:s5+$0x16C00]  }
0x13c: {  	s10 =	simm.s32 $0x200;
	s4 =	sshll.u32 s31, $0x1  }
.LBB2_13:
0x13d: {  	p1 =	sne.s32 s10, $0x3F00;
	_ =	sdelay $0x2  }
0x13e: {  	s3 =	sadd.s32 $0x80, s3;
	v1 =	vshll.u32 v0, $0x10  }
0x13f: {  	v0 =	vand.u32 $0xFFFF0000, v0;
	[tilespmem:s3+$0xFFFFFFC0] =	vst v1  }
0x140: {  	[tilespmem:s3+$0x0] =	vst v0  }
0x141: {  	v0 =	vld [tilespmem:s5+$0x16C10];
	_ =	sdelay $0x4  }
0x142: {  	v1 =	vshll.u32 v0, $0x10  }
0x143: {  	v0 =	vand.u32 $0xFFFF0000, v0;
	[tilespmem:s3+$0xFFFFFFD0] =	vst v1  }
0x144: {  	[tilespmem:s3+$0x10] =	vst v0  }
0x145: {  	v0 =	vld [tilespmem:s5+$0x16C20];
	_ =	sdelay $0x4  }
0x146: {  	v1 =	vshll.u32 v0, $0x10;
	v0 =	vand.u32 $0xFFFF0000, v0  }
0x147: {  	[tilespmem:s3+$0x20] =	vst v0  }
0x148: {  	[tilespmem:s3+$0xFFFFFFE0] =	vst v1  }
0x149: {  	v0 =	vld [tilespmem:s5+$0x16C30];
	_ =	sdelay $0x4  }
.Ltmp5:
0x14a: {  	v1 =	vshll.u32 v0, $0x10;
	v0 =	vand.u32 $0xFFFF0000, v0;
	(pc) =	sbr.rel @p1 .LBB2_13-.Ltmp5, $4  }
0x14b: {  	[tilespmem:s3+$0xFFFFFFF0] =	vst v1  }
0x14c: {  	s5 =	sshra.s32 s10, $0x2;
	[tilespmem:s3+$0x30] =	vst v0  }
0x14d: {  	v0 =	vld [tilespmem:s5+$0x16C00]  }
0x14e: {  	s10 =	sadd.s32 $0x100, s10  }
0x14f: {  	_ =	sdelay $0x2  }
0x150: {  	s10 =	sadd.s32 $0x80, s3;
	v1 =	vshll.u32 v0, $0x10  }
0x151: {  	v0 =	vand.u32 $0xFFFF0000, v0;
	[tilespmem:s10+$0xFFFFFFC0] =	vst v1  }
0x152: {  	[tilespmem:s10+$0x0] =	vst v0  }
0x153: {  	v0 =	vld [tilespmem:s5+$0x16C10];
	_ =	sdelay $0x4  }
0x154: {  	v1 =	vshll.u32 v0, $0x10  }
0x155: {  	v0 =	vand.u32 $0xFFFF0000, v0;
	[tilespmem:s10+$0xFFFFFFD0] =	vst v1  }
0x156: {  	[tilespmem:s10+$0x10] =	vst v0  }
0x157: {  	v0 =	vld [tilespmem:s5+$0x16C20];
	_ =	sdelay $0x4  }
0x158: {  	v1 =	vand.u32 $0xFFFF0000, v0  }
0x159: {  	v0 =	vshll.u32 v0, $0x10;
	[tilespmem:s10+$0x20] =	vst v1  }
0x15a: {  	[tilespmem:s10+$0xFFFFFFE0] =	vst v0  }
0x15b: {  	v0 =	vld [tilespmem:s5+$0x16C30];
	_ =	sdelay $0x4  }
0x15c: {  	s5 =	sshll.u32 s31, $0xA;
	v1 =	vshll.u32 v0, $0x10  }
0x15d: {  	s3 =	sshra.s32 s5, $0x2;
	v0 =	vand.u32 $0xFFFF0000, v0;
	[tilespmem:s10+$0xFFFFFFF0] =	vst v1  }
0x15e: {  	[tilespmem:s10+$0x30] =	vst v0;
	s10 =	sadd.s32 $0x15400, s3  }
0x15f: {  	[spmem:s2] =	stream.indirect.scatter.add.f32 [tilespmem:s26], [sflag:$0x2], $0x80, s10, s24, $0xb8;
	[tilespmem:$0x1EC00] =	vst v63  }
0x160: {  	_ =	swait.ge [sflag:s29], $0x2000  }
0x161: {  	[sflag:s29] =	ssyncset.done $0x0  }
0x162: {  	s20 =	simm.s32 $0x0;
	[sflag:s29] =	ssyncadd.s32 $0xFFFFE000  }
0x163: {  	v0 =	vld [tilespmem:s20+$0x17C00];
	_ =	sdelay $0x4  }
0x164: {  	s5 =	simm.s32 $0x1CC70;
	v1 =	vshll.u32 v0, $0x10  }
0x165: {  	v0 =	vand.u32 $0xFFFF0000, v0;
	[tilespmem:s5+$0xFFFFFF90] =	vst v1  }
0x166: {  	[tilespmem:s5+$0xFFFFFFD0] =	vst v0  }
0x167: {  	v0 =	vld [tilespmem:s20+$0x17C10];
	_ =	sdelay $0x4  }
0x168: {  	v1 =	vshll.u32 v0, $0x10  }
0x169: {  	v0 =	vand.u32 $0xFFFF0000, v0;
	[tilespmem:s5+$0xFFFFFFA0] =	vst v1  }
0x16a: {  	[tilespmem:s5+$0xFFFFFFE0] =	vst v0  }
0x16b: {  	v0 =	vld [tilespmem:s20+$0x17C20];
	_ =	sdelay $0x4  }
0x16c: {  	v1 =	vand.u32 $0xFFFF0000, v0  }
0x16d: {  	v0 =	vshll.u32 v0, $0x10;
	[tilespmem:s5+$0xFFFFFFF0] =	vst v1  }
0x16e: {  	[tilespmem:s5+$0xFFFFFFB0] =	vst v0  }
0x16f: {  	v0 =	vld [tilespmem:s20+$0x17C30];
	_ =	sdelay $0x4  }
0x170: {  	v1 =	vshll.u32 v0, $0x10  }
0x171: {  	v0 =	vand.u32 $0xFFFF0000, v0;
	[tilespmem:s5+$0xFFFFFFC0] =	vst v1  }
0x172: {  	s10 =	simm.s32 $0x40;
	[tilespmem:s5+$0x0] =	vst v0  }
0x173: {  	v0 =	vld [tilespmem:s10+$0x17C00]  }
0x174: {  	s20 =	simm.s32 $0x200  }
.LBB2_15:
0x175: {  	p1 =	sne.s32 s20, $0x3F00;
	_ =	sdelay $0x2  }
0x176: {  	s5 =	sadd.s32 $0x80, s5;
	v1 =	vshll.u32 v0, $0x10  }
0x177: {  	v0 =	vand.u32 $0xFFFF0000, v0;
	[tilespmem:s5+$0xFFFFFF90] =	vst v1  }
0x178: {  	[tilespmem:s5+$0xFFFFFFD0] =	vst v0  }
0x179: {  	v0 =	vld [tilespmem:s10+$0x17C10];
	_ =	sdelay $0x4  }
0x17a: {  	v1 =	vshll.u32 v0, $0x10  }
0x17b: {  	v0 =	vand.u32 $0xFFFF0000, v0;
	[tilespmem:s5+$0xFFFFFFA0] =	vst v1  }
0x17c: {  	[tilespmem:s5+$0xFFFFFFE0] =	vst v0  }
0x17d: {  	v0 =	vld [tilespmem:s10+$0x17C20];
	_ =	sdelay $0x4  }
0x17e: {  	v1 =	vshll.u32 v0, $0x10;
	v0 =	vand.u32 $0xFFFF0000, v0  }
0x17f: {  	[tilespmem:s5+$0xFFFFFFF0] =	vst v0  }
0x180: {  	[tilespmem:s5+$0xFFFFFFB0] =	vst v1  }
0x181: {  	v0 =	vld [tilespmem:s10+$0x17C30];
	_ =	sdelay $0x4  }
.Ltmp6:
0x182: {  	v1 =	vshll.u32 v0, $0x10;
	v0 =	vand.u32 $0xFFFF0000, v0;
	(pc) =	sbr.rel @p1 .LBB2_15-.Ltmp6, $4  }
0x183: {  	[tilespmem:s5+$0xFFFFFFC0] =	vst v1  }
0x184: {  	s10 =	sshra.s32 s20, $0x2;
	[tilespmem:s5+$0x0] =	vst v0  }
0x185: {  	v0 =	vld [tilespmem:s10+$0x17C00]  }
0x186: {  	s20 =	sadd.s32 $0x100, s20  }
0x187: {  	_ =	sdelay $0x2  }
0x188: {  	s5 =	sadd.s32 $0x80, s5;
	v1 =	vshll.u32 v0, $0x10  }
0x189: {  	v0 =	vand.u32 $0xFFFF0000, v0;
	[tilespmem:s5+$0xFFFFFF90] =	vst v1  }
0x18a: {  	[tilespmem:s5+$0xFFFFFFD0] =	vst v0  }
0x18b: {  	v0 =	vld [tilespmem:s10+$0x17C10];
	_ =	sdelay $0x4  }
0x18c: {  	v1 =	vshll.u32 v0, $0x10  }
0x18d: {  	v0 =	vand.u32 $0xFFFF0000, v0;
	[tilespmem:s5+$0xFFFFFFA0] =	vst v1  }
0x18e: {  	[tilespmem:s5+$0xFFFFFFE0] =	vst v0  }
0x18f: {  	v0 =	vld [tilespmem:s10+$0x17C20];
	_ =	sdelay $0x4  }
0x190: {  	v1 =	vand.u32 $0xFFFF0000, v0  }
0x191: {  	v0 =	vshll.u32 v0, $0x10;
	[tilespmem:s5+$0xFFFFFFF0] =	vst v1  }
0x192: {  	[tilespmem:s5+$0xFFFFFFB0] =	vst v0  }
0x193: {  	v0 =	vld [tilespmem:s10+$0x17C30];
	_ =	sdelay $0x4  }
0x194: {  	v1 =	vshll.u32 v0, $0x10  }
0x195: {  	v0 =	vand.u32 $0xFFFF0000, v0;
	[tilespmem:s5+$0xFFFFFFC0] =	vst v1  }
0x196: {  	s3 =	sadd.s32 $0x15440, s3;
	[tilespmem:s5+$0x0] =	vst v0  }
0x197: {  	[spmem:s2] =	stream.indirect.scatter.add.f32 [tilespmem:s28], [sflag:$0x2], $0x80, s3, s24, $0xb8;
	[tilespmem:$0x1EC00] =	vst v63  }
0x198: {  	s3 =	sadd.s32 $0x2, s4  }
0x199: {  	p1 =	sge.u32 s3, s6  }
0x19a: {  	_ =	swait.ge [sflag:s23], $0x2000;
	s3 =	sshll.u32 @!p1 s3, $0x7  }
0x19b: {  	[sflag:s23] =	ssyncset.done $0x0;
	s4 =	simm.s32 @!p1 $0x80;
	s3 =	sand.u32 @!p1 $0x3FFFFF80, s3  }
0x19c: {  	s5 =	simm.s32 @!p1 $0x16C00;
	[sflag:s23] =	ssyncadd.s32 $0xFFFFE000;
	s3 =	sadd.s32 @!p1 $0x13C00, s3  }
0x19d: {  	[tilespmem:s5], [sflag:$0x1] =	stream.indirect.gather @!p1 [hbm4b:s1+s4], $0x40, s3, s4, $0xb8;
	[tilespmem:$0x1EC00] =	vst v63  }
0x19e: {  	_ =	swait.ge [sflag:s29], $0x2000  }
0x19f: {  	[sflag:s29] =	ssyncset.done $0x0  }
0x1a0: {  	s20 =	simm.s32 $0x0;
	[sflag:s29] =	ssyncadd.s32 $0xFFFFE000  }
0x1a1: {  	v0 =	vld [tilespmem:s20+$0x18C00];
	_ =	sdelay $0x4  }
0x1a2: {  	s3 =	simm.s32 $0x1AC40;
	v1 =	vshll.u32 v0, $0x10  }
0x1a3: {  	v0 =	vand.u32 $0xFFFF0000, v0;
	[tilespmem:s3+$0xFFFFFFC0] =	vst v1  }
0x1a4: {  	[tilespmem:s3+$0x0] =	vst v0  }
0x1a5: {  	v0 =	vld [tilespmem:s20+$0x18C10];
	_ =	sdelay $0x4  }
0x1a6: {  	v1 =	vshll.u32 v0, $0x10  }
0x1a7: {  	v0 =	vand.u32 $0xFFFF0000, v0;
	[tilespmem:s3+$0xFFFFFFD0] =	vst v1  }
0x1a8: {  	[tilespmem:s3+$0x10] =	vst v0  }
0x1a9: {  	v0 =	vld [tilespmem:s20+$0x18C20];
	_ =	sdelay $0x4  }
0x1aa: {  	v1 =	vand.u32 $0xFFFF0000, v0  }
0x1ab: {  	v0 =	vshll.u32 v0, $0x10;
	[tilespmem:s3+$0x20] =	vst v1  }
0x1ac: {  	[tilespmem:s3+$0xFFFFFFE0] =	vst v0  }
0x1ad: {  	v0 =	vld [tilespmem:s20+$0x18C30];
	_ =	sdelay $0x4  }
0x1ae: {  	v1 =	vshll.u32 v0, $0x10  }
0x1af: {  	v0 =	vand.u32 $0xFFFF0000, v0;
	[tilespmem:s3+$0xFFFFFFF0] =	vst v1  }
0x1b0: {  	s4 =	simm.s32 $0x40;
	[tilespmem:s3+$0x30] =	vst v0  }
0x1b1: {  	v0 =	vld [tilespmem:s4+$0x18C00]  }
0x1b2: {  	s5 =	simm.s32 $0x200  }
.LBB2_17:
0x1b3: {  	p1 =	sne.s32 s5, $0x3F00;
	_ =	sdelay $0x2  }
0x1b4: {  	s3 =	sadd.s32 $0x80, s3;
	v1 =	vshll.u32 v0, $0x10  }
0x1b5: {  	v0 =	vand.u32 $0xFFFF0000, v0;
	[tilespmem:s3+$0xFFFFFFC0] =	vst v1  }
0x1b6: {  	[tilespmem:s3+$0x0] =	vst v0  }
0x1b7: {  	v0 =	vld [tilespmem:s4+$0x18C10];
	_ =	sdelay $0x4  }
0x1b8: {  	v1 =	vshll.u32 v0, $0x10  }
0x1b9: {  	v0 =	vand.u32 $0xFFFF0000, v0;
	[tilespmem:s3+$0xFFFFFFD0] =	vst v1  }
0x1ba: {  	[tilespmem:s3+$0x10] =	vst v0  }
0x1bb: {  	v0 =	vld [tilespmem:s4+$0x18C20];
	_ =	sdelay $0x4  }
0x1bc: {  	v1 =	vshll.u32 v0, $0x10;
	v0 =	vand.u32 $0xFFFF0000, v0  }
0x1bd: {  	[tilespmem:s3+$0x20] =	vst v0  }
0x1be: {  	[tilespmem:s3+$0xFFFFFFE0] =	vst v1  }
0x1bf: {  	v0 =	vld [tilespmem:s4+$0x18C30];
	_ =	sdelay $0x4  }
.Ltmp7:
0x1c0: {  	v1 =	vshll.u32 v0, $0x10;
	v0 =	vand.u32 $0xFFFF0000, v0;
	(pc) =	sbr.rel @p1 .LBB2_17-.Ltmp7, $4  }
0x1c1: {  	[tilespmem:s3+$0xFFFFFFF0] =	vst v1  }
0x1c2: {  	s4 =	sshra.s32 s5, $0x2;
	[tilespmem:s3+$0x30] =	vst v0  }
0x1c3: {  	v0 =	vld [tilespmem:s4+$0x18C00]  }
0x1c4: {  	s5 =	sadd.s32 $0x100, s5  }
0x1c5: {  	_ =	sdelay $0x2  }
0x1c6: {  	s3 =	sadd.s32 $0x80, s3;
	v1 =	vshll.u32 v0, $0x10  }
0x1c7: {  	v0 =	vand.u32 $0xFFFF0000, v0;
	[tilespmem:s3+$0xFFFFFFC0] =	vst v1  }
0x1c8: {  	[tilespmem:s3+$0x0] =	vst v0  }
0x1c9: {  	v0 =	vld [tilespmem:s4+$0x18C10];
	_ =	sdelay $0x4  }
0x1ca: {  	v1 =	vshll.u32 v0, $0x10  }
0x1cb: {  	v0 =	vand.u32 $0xFFFF0000, v0;
	[tilespmem:s3+$0xFFFFFFD0] =	vst v1  }
0x1cc: {  	[tilespmem:s3+$0x10] =	vst v0  }
0x1cd: {  	v0 =	vld [tilespmem:s4+$0x18C20];
	_ =	sdelay $0x4  }
0x1ce: {  	v1 =	vand.u32 $0xFFFF0000, v0  }
0x1cf: {  	v0 =	vshll.u32 v0, $0x10;
	[tilespmem:s3+$0x20] =	vst v1  }
0x1d0: {  	[tilespmem:s3+$0xFFFFFFE0] =	vst v0  }
0x1d1: {  	v0 =	vld [tilespmem:s4+$0x18C30];
	_ =	sdelay $0x4  }
0x1d2: {  	s0 =	sshll.u32 s0, $0x9;
	v1 =	vshll.u32 v0, $0x10  }
0x1d3: {  	s0 =	sshra.s32 s0, $0x2;
	v0 =	vand.u32 $0xFFFF0000, v0;
	[tilespmem:s3+$0xFFFFFFF0] =	vst v1  }
0x1d4: {  	s10 =	sadd.s32 $0x15400, s0;
	[tilespmem:s3+$0x30] =	vst v0  }
0x1d5: {  	[spmem:s2] =	stream.indirect.scatter.add.f32 [tilespmem:s26], [sflag:$0x2], $0x80, s10, s24, $0xb8;
	[tilespmem:$0x1EC00] =	vst v63  }
0x1d6: {  	_ =	swait.ge [sflag:s29], $0x2000  }
0x1d7: {  	[sflag:s29] =	ssyncset.done $0x0  }
0x1d8: {  	s20 =	simm.s32 $0x0;
	[sflag:s29] =	ssyncadd.s32 $0xFFFFE000  }
0x1d9: {  	v0 =	vld [tilespmem:s20+$0x19C00];
	_ =	sdelay $0x4  }
0x1da: {  	s3 =	simm.s32 $0x1CC70;
	v1 =	vshll.u32 v0, $0x10  }
0x1db: {  	v0 =	vand.u32 $0xFFFF0000, v0;
	[tilespmem:s3+$0xFFFFFF90] =	vst v1  }
0x1dc: {  	[tilespmem:s3+$0xFFFFFFD0] =	vst v0  }
0x1dd: {  	v0 =	vld [tilespmem:s20+$0x19C10];
	_ =	sdelay $0x4  }
0x1de: {  	v1 =	vshll.u32 v0, $0x10  }
0x1df: {  	v0 =	vand.u32 $0xFFFF0000, v0;
	[tilespmem:s3+$0xFFFFFFA0] =	vst v1  }
0x1e0: {  	[tilespmem:s3+$0xFFFFFFE0] =	vst v0  }
0x1e1: {  	v0 =	vld [tilespmem:s20+$0x19C20];
	_ =	sdelay $0x4  }
0x1e2: {  	v1 =	vand.u32 $0xFFFF0000, v0  }
0x1e3: {  	v0 =	vshll.u32 v0, $0x10;
	[tilespmem:s3+$0xFFFFFFF0] =	vst v1  }
0x1e4: {  	[tilespmem:s3+$0xFFFFFFB0] =	vst v0  }
0x1e5: {  	v0 =	vld [tilespmem:s20+$0x19C30];
	_ =	sdelay $0x4  }
0x1e6: {  	v1 =	vshll.u32 v0, $0x10  }
0x1e7: {  	v0 =	vand.u32 $0xFFFF0000, v0;
	[tilespmem:s3+$0xFFFFFFC0] =	vst v1  }
0x1e8: {  	s4 =	simm.s32 $0x40;
	[tilespmem:s3+$0x0] =	vst v0  }
0x1e9: {  	v0 =	vld [tilespmem:s4+$0x19C00]  }
0x1ea: {  	s5 =	simm.s32 $0x200  }
.LBB2_19:
0x1eb: {  	p1 =	sne.s32 s5, $0x3F00;
	_ =	sdelay $0x2  }
0x1ec: {  	s3 =	sadd.s32 $0x80, s3;
	v1 =	vshll.u32 v0, $0x10  }
0x1ed: {  	v0 =	vand.u32 $0xFFFF0000, v0;
	[tilespmem:s3+$0xFFFFFF90] =	vst v1  }
0x1ee: {  	[tilespmem:s3+$0xFFFFFFD0] =	vst v0  }
0x1ef: {  	v0 =	vld [tilespmem:s4+$0x19C10];
	_ =	sdelay $0x4  }
0x1f0: {  	v1 =	vshll.u32 v0, $0x10  }
0x1f1: {  	v0 =	vand.u32 $0xFFFF0000, v0;
	[tilespmem:s3+$0xFFFFFFA0] =	vst v1  }
0x1f2: {  	[tilespmem:s3+$0xFFFFFFE0] =	vst v0  }
0x1f3: {  	v0 =	vld [tilespmem:s4+$0x19C20];
	_ =	sdelay $0x4  }
0x1f4: {  	v1 =	vshll.u32 v0, $0x10;
	v0 =	vand.u32 $0xFFFF0000, v0  }
0x1f5: {  	[tilespmem:s3+$0xFFFFFFF0] =	vst v0  }
0x1f6: {  	[tilespmem:s3+$0xFFFFFFB0] =	vst v1  }
0x1f7: {  	v0 =	vld [tilespmem:s4+$0x19C30];
	_ =	sdelay $0x4  }
.Ltmp8:
0x1f8: {  	v1 =	vshll.u32 v0, $0x10;
	v0 =	vand.u32 $0xFFFF0000, v0;
	(pc) =	sbr.rel @p1 .LBB2_19-.Ltmp8, $4  }
0x1f9: {  	[tilespmem:s3+$0xFFFFFFC0] =	vst v1  }
0x1fa: {  	s4 =	sshra.s32 s5, $0x2;
	[tilespmem:s3+$0x0] =	vst v0  }
0x1fb: {  	v0 =	vld [tilespmem:s4+$0x19C00]  }
0x1fc: {  	s5 =	sadd.s32 $0x100, s5  }
0x1fd: {  	_ =	sdelay $0x2  }
0x1fe: {  	s3 =	sadd.s32 $0x80, s3;
	v1 =	vshll.u32 v0, $0x10  }
0x1ff: {  	v60 =	vand.u32 $0xFFFF0000, v0;
	[tilespmem:s3+$0xFFFFFF90] =	vst v1  }
0x200: {  	[tilespmem:s3+$0xFFFFFFD0] =	vst v60  }
0x201: {  	v0 =	vld [tilespmem:s4+$0x19C10];
	_ =	sdelay $0x4  }
0x202: {  	v61 =	vshll.u32 v0, $0x10  }
0x203: {  	v0 =	vand.u32 $0xFFFF0000, v0;
	[tilespmem:s3+$0xFFFFFFA0] =	vst v61  }
0x204: {  	[tilespmem:s3+$0xFFFFFFE0] =	vst v0  }
0x205: {  	v0 =	vld [tilespmem:s4+$0x19C20];
	_ =	sdelay $0x4  }
0x206: {  	v62 =	vand.u32 $0xFFFF0000, v0  }
0x207: {  	v0 =	vshll.u32 v0, $0x10;
	[tilespmem:s3+$0xFFFFFFF0] =	vst v62  }
0x208: {  	[tilespmem:s3+$0xFFFFFFB0] =	vst v0  }
0x209: {  	v0 =	vld [tilespmem:s4+$0x19C30];
	_ =	sdelay $0x1  }
0x20a: {  	s31 =	sadd.s32 $0x1, s31  }
0x20b: {  	p1 =	sne.s32 s31, s7  }
.Ltmp9:
0x20c: {  	_ = 	snop;
	(pc) =	sbr.rel @p1 .LBB2_12-.Ltmp9, $4  }
0x20d: {  	v63 =	vshll.u32 v0, $0x10  }
0x20e: {  	v0 =	vand.u32 $0xFFFF0000, v0;
	[tilespmem:s3+$0xFFFFFFC0] =	vst v63  }
0x20f: {  	s0 =	sadd.s32 $0x15440, s0;
	[tilespmem:s3+$0x0] =	vst v0  }
0x210: {  	[spmem:s2] =	stream.indirect.scatter.add.f32 [tilespmem:s28], [sflag:$0x2], $0x80, s0, s24, $0xb8;
	[tilespmem:$0x1EC00] =	vst v63  }
0x211: {  	_ =	swait.ge [sflag:s29], $0x2000  }
0x212: {  	[sflag:s29] =	ssyncset.done $0x0  }
0x213: {  	[sflag:s29] =	ssyncadd.s32 $0xFFFFE000  }
0x214: {  	_ =	swait.ge [sflag:s29], $0x2000  }
0x215: {  	[sflag:s29] =	ssyncset.done $0x0  }
0x216: {  	[sflag:s29] =	ssyncadd.s32 $0xFFFFE000  }
0x217: {  	s0 =	simm.s32 @p0 $0x3;
	[bflag:$0x0] =	sbarrier.arrive $0xFFFF  }
0x218: {  	[hbm:s15], [sflag:s9] =	dma.local @p0 [spmem:s25], $0x2080  }
0x219: {  	_ =	swait.ge @p0 [sflag:s0], $0x2080  }
0x21a: {  	s30 =	sadd.s32 $0x1, s30;
	[sflag:s0] =	ssyncset.done @p0 $0x0  }
0x21b: {  	p1 =	sne.s32 s30, s16;
	[sflag:s0] =	ssyncadd.s32 @p0 $0xFFFFDF80;
	s0 =	sshrl.u32 @!p0 s8, $0x3  }
0x21c: {  	[hbm:s14], [sflag:s9] =	dma.local @!p0 [spmem:s0], $0x2780  }
.Ltmp10:
0x21d: {  	_ = 	snop;
	(pc) =	sbr.rel @p1 .LBB2_1-.Ltmp10, $4  }
0x21e: {  	s0 =	simm.s32 @!p0 $0x3  }
0x21f: {  	_ =	swait.ge @!p0 [sflag:s0], $0x2780  }
0x220: {  	[sflag:s0] =	ssyncset.done @!p0 $0x0  }
0x221: {  	[sflag:s0] =	ssyncadd.s32 @!p0 $0xFFFFD880  }
0x222: {  	_ =	sfence.sel $0x180000  }
0x223: {  	[bflag:$0x0] =	sbarrier.arrive $0xFFFF  }
0x224: {  	_ =	strace $0x90000047  }
0x225: {  	s0 =	stileid.u32;
	[bflag:$0x2] =	sbarrier.arrive $0xFFFF  }
0x226: {  	p0 =	sne.s32 s0, $0x0;
	s0 =	rddreg [dreg:$0x3]  }
0x227: {  	s0 =	sadd.s32 @!p0 $0x100000, s0  }
0x228: {  	[sflag:s0] =	ssyncadd.tile.s32 @!p0 $0x1;
	_ =	shalt  }
.Lfunc_end2:
_tile_overlayer_lowered:
.L_overlay_start_2:
0x229: {  	(tag) =	ssettag $0x2  }
0x22a: {  	s0 =	rddreg [dreg:$0x0];
	s2 =	stileid.u32  }
0x22b: {  	s1 =	rddreg [dreg:$0x1];
	p0 =	sne.s32 s2, $0x0  }
0x22c: {  	s3 =	rddreg [dreg:$0x2];
	[bflag:$0x3] =	sbarrier.arrive $0xFFFF;
	s2 =	simm.s32 @!p0 $0x1C03  }
0x22d: {  	[timem:s3], [sflag:s2] =	dma.local @!p0 [hbm:s0], s1  }
0x22e: {  	s0 =	simm.s32 @!p0 $0x3  }
0x22f: {  	_ =	swait.ge @!p0 [sflag:s0], s1  }
0x230: {  	s1 =	ssub.s32 @!p0 $0x0, s1;
	[sflag:s0] =	ssyncset.done @!p0 $0x0  }
0x231: {  	[sflag:s0] =	ssyncadd.s32 @!p0 s1  }
0x232: {  	[bflag:$0x3] =	sbarrier.arrive $0xFFFF  }
0x233: {  	_ =	shalt  }

</sc_bundles>
